<compile_context>
chip_gen: v7x
topology: tpu7x:2x2x1
jax: 0.10.2.dev20260603
libtpu: 0.0.44.dev20260713+nightly
codegen_flags: <defaults>
</compile_context>

<pallas_src>
import functools

import jax
import jax.numpy as jnp
from jax import lax
from jax.experimental import pallas as pl
from jax.experimental.pallas import tpu as pltpu
from jax.experimental.pallas import tpu_sc as plsc

N = 10000
E = 10000
NNZ = 320000
D = 128
HALF = 64
NP = 10240
NC = 2
NS = 16
CH = 128
NCH = 160
NNZ_PAD = NS * NCH * CH
NPAD_BINS = 240
SLICE = NP // NS
SUB = 64
NBUF = 2
assert NCH % NBUF == 0
MM_BLK = 1280


def _matmul_body(x_ref, w_ref, o_ref):
    xw = jnp.dot(x_ref[...], w_ref[...], preferred_element_type=jnp.float32)
    o_ref[0] = xw[:, :HALF]
    o_ref[1] = xw[:, HALF:]


def _matmul(x_pad, W):
    return pl.pallas_call(
        _matmul_body,
        grid=(NP // MM_BLK,),
        in_specs=[
            pl.BlockSpec((MM_BLK, D), lambda i: (i, 0)),
            pl.BlockSpec((D, D), lambda i: (0, 0)),
        ],
        out_specs=pl.BlockSpec((NC, MM_BLK, HALF), lambda i: (0, i, 0)),
        out_shape=jax.ShapeDtypeStruct((NC, NP, HALF), jnp.float32),
    )(x_pad, W)


def _bn_body(a_ref, dd_ref, g_ref, be_ref, o_ref):
    dv = dd_ref[:N, :]
    dinv = jnp.where(dv > 0.0, 1.0 / dv, 0.0)
    for p in range(NC):
        h = a_ref[p, :N, :] * dinv
        mu = jnp.mean(h, axis=0, keepdims=True)
        var = jnp.mean(jnp.square(h - mu), axis=0, keepdims=True)
        g = g_ref[:, p * HALF:(p + 1) * HALF]
        be = be_ref[:, p * HALF:(p + 1) * HALF]
        o_ref[:, p * HALF:(p + 1) * HALF] = (
            g * (h - mu) * lax.rsqrt(var + 1e-5) + be)


def _batchnorm(out_r, dd, gamma, beta):
    return pl.pallas_call(
        _bn_body,
        out_shape=jax.ShapeDtypeStruct((N, D), jnp.float32),
    )(out_r, dd, gamma.reshape(1, D), beta.reshape(1, D))


def _sc_body(xwcat_hbm, pidx_hbm, out_hbm, ddeg_hbm,
             pidx_v, rows_v, big_v, deg_v, ones_v, idxg_v, idxs_v, idxn_v,
             agg, nagg, bdeg, ddeg, gsem, ssem, h1sem, h2sem):
    c = lax.axis_index("c")
    s = lax.axis_index("s")
    coff = c * NP
    zero16 = jnp.zeros((16,), jnp.float32)

    pltpu.sync_copy(pidx_hbm.at[s], pidx_v)

    def _zero_big(r, carry):
        for q in range(HALF // 16):
            big_v[r, pl.ds(q * 16, 16)] = zero16
        return carry

    def _zero_acc(accref):
        def _z(u, carry):
            pltpu.sync_copy(big_v, accref.at[pl.ds(s * SLICE + u * SUB, SUB)])
            return carry
        lax.fori_loop(0, SLICE // SUB, _z, 0)

    lax.fori_loop(0, SUB, _zero_big, 0)
    for q in range(SLICE // 16):
        deg_v[pl.ds(q * 16, 16)] = zero16
    for q in range(CH // 16):
        ones_v[pl.ds(q * 16, 16)] = jnp.ones((16,), jnp.float32)
    _zero_acc(agg)
    _zero_acc(nagg)
    pltpu.sync_copy(deg_v, bdeg.at[pl.ds(s * SLICE, SLICE)])
    pltpu.sync_copy(deg_v, ddeg.at[pl.ds(s * SLICE, SLICE)])
    plsc.subcore_barrier()

    def _stream_pass(src, dst, gather_low):
        def _p(t, carry):
            gds, sds, hds = [], [], []
            for b in range(NBUF):
                j = t * NBUF + b
                for q in range(CH // 16):
                    v = pidx_v[j, pl.ds(q * 16, 16)]
                    lo = v & 0xFFFF
                    hi = lax.shift_right_logical(v, 16)
                    g = (lo + coff) if gather_low else hi
                    sc = hi if gather_low else lo
                    idxg_v[b, pl.ds(q * 16, 16)] = g
                    idxs_v[b, pl.ds(q * 16, 16)] = sc
                    if gather_low:
                        idxn_v[b, pl.ds(q * 16, 16)] = lo
                gds.append(pltpu.async_copy(
                    src.at[idxg_v.at[b]], rows_v.at[b], gsem.at[b]))
                if gather_low:
                    hds.append((
                        pltpu.async_copy(ones_v, bdeg.at[idxs_v.at[b]],
                                         h1sem.at[b], add=True),
                        pltpu.async_copy(ones_v, ddeg.at[idxn_v.at[b]],
                                         h2sem.at[b], add=True)))
            for b in range(NBUF):
                gds[b].wait()
                sds.append(pltpu.async_copy(
                    rows_v.at[b], dst.at[idxs_v.at[b]], ssem.at[b],
                    add=True))
            for b in range(NBUF):
                sds[b].wait()
                if gather_low:
                    hds[b][0].wait()
                    hds[b][1].wait()
            return carry
        lax.fori_loop(0, NCH // NBUF, _p, 0)

    def _scale_in_place(degref, accref):
        pltpu.sync_copy(degref.at[pl.ds(s * SLICE, SLICE)], deg_v)

        def _inv(k, carry):
            v = deg_v[pl.ds(k * 16, 16)]
            deg_v[pl.ds(k * 16, 16)] = jnp.where(v > 0.0, 1.0 / v, 0.0)
            return carry
        lax.fori_loop(0, SLICE // 16, _inv, 0)

        def _u(u, ucarry):
            base = s * SLICE + u * SUB
            pltpu.sync_copy(accref.at[pl.ds(base, SUB)], big_v)

            def _row16(k, carry):
                vinv = deg_v[pl.ds(u * SUB + k * 16, 16)]
                for i in range(16):
                    r = k * 16 + i
                    inv = vinv[i]
                    for q in range(HALF // 16):
                        big_v[r, pl.ds(q * 16, 16)] = (
                            big_v[r, pl.ds(q * 16, 16)] * inv)
                return carry
            lax.fori_loop(0, SUB // 16, _row16, 0)
            pltpu.sync_copy(big_v, accref.at[pl.ds(base, SUB)])
            return ucarry
        lax.fori_loop(0, SLICE // SUB, _u, 0)

    _stream_pass(xwcat_hbm, agg, gather_low=True)
    plsc.subcore_barrier()

    _scale_in_place(bdeg, agg)
    plsc.subcore_barrier()

    _stream_pass(agg, nagg, gather_low=False)
    plsc.subcore_barrier()

    pltpu.sync_copy(nagg.at[pl.ds(s * SLICE, SLICE)],
                    out_hbm.at[pl.ds(coff + s * SLICE, SLICE)])
    pltpu.sync_copy(ddeg.at[pl.ds(s * SLICE, SLICE)],
                    ddeg_hbm.at[pl.ds(coff + s * SLICE, SLICE)])


def _build_sc_kernel(agg_rows):
    return functools.partial(
        pl.kernel,
        out_type=(
            jax.ShapeDtypeStruct((NC * NP, HALF), jnp.float32),
            jax.ShapeDtypeStruct((NC * NP,), jnp.float32),
        ),
        mesh=plsc.VectorSubcoreMesh(
            core_axis_name="c", subcore_axis_name="s",
            num_cores=NC, num_subcores=NS),
        compiler_params=pltpu.CompilerParams(use_tc_tiling_on_sc=False),
        scratch_types=[
            pltpu.VMEM((NCH, CH), jnp.int32),
            pltpu.VMEM((NBUF, CH, HALF), jnp.float32),
            pltpu.VMEM((SUB, HALF), jnp.float32),
            pltpu.VMEM((SLICE,), jnp.float32),
            pltpu.VMEM((CH,), jnp.float32),
            pltpu.VMEM((NBUF, CH), jnp.int32),
            pltpu.VMEM((NBUF, CH), jnp.int32),
            pltpu.VMEM((NBUF, CH), jnp.int32),
            pltpu.VMEM_SHARED((agg_rows, HALF), jnp.float32),
            pltpu.VMEM_SHARED((agg_rows, HALF), jnp.float32),
            pltpu.VMEM_SHARED((NP,), jnp.float32),
            pltpu.VMEM_SHARED((NP,), jnp.float32),
            pltpu.SemaphoreType.DMA((NBUF,)),
            pltpu.SemaphoreType.DMA((NBUF,)),
            pltpu.SemaphoreType.DMA((NBUF,)),
            pltpu.SemaphoreType.DMA((NBUF,)),
        ],
    )(_sc_body)


_sc_kernel = _build_sc_kernel(NP)


def kernel(x, hyperedge_index, hyperedge_attr, W, b, gamma, beta):
    del hyperedge_attr
    del b
    node_idx = hyperedge_index[0]
    edge_idx = hyperedge_index[1]

    x_pad = jnp.pad(x, ((0, NP - N), (0, 0)))
    pad_bins = (N + (jnp.arange(NNZ_PAD - NNZ, dtype=jnp.int32)
                     % NPAD_BINS)).astype(jnp.int32)
    nidx_p = jnp.concatenate([node_idx, pad_bins])
    eidx_p = jnp.concatenate([edge_idx, pad_bins])
    pidx = (nidx_p | (eidx_p << 16)).reshape(NS, NCH, CH)

    xw_cat = _matmul(x_pad, W).reshape(NC * NP, HALF)
    out_r, dd = _sc_kernel(xw_cat, pidx)
    return _batchnorm(out_r.reshape(NC, NP, HALF),
                      dd[:NP].reshape(NP, 1), gamma, beta)

# --- scband reference (transcript-rebuilt; emitter-appended) ---
"""Pipeline reference for scband-hgnnlayer-5540507812485 (READ-ONLY COPY).

The authoritative reference and input builder live on the scoring server;
editing this copy changes nothing except your own understanding.
"""

import jax, jax.numpy as jnp
import numpy as np

N_NODES = 10000
N_HEDGES = 10000
NNZ = 320000
D_FEAT = 128


def setup_inputs(seed: int = 0) -> dict:
    key = jax.random.key(seed)
    k1, k2, k3, k4 = jax.random.split(key, 4)
    x = jax.random.normal(k1, (N_NODES, D_FEAT), dtype=jnp.float32)
    hyperedge_index = jax.random.randint(k2, (2, NNZ), 0, N_HEDGES, dtype=jnp.int32)
    hyperedge_attr = jax.random.normal(k3, (N_HEDGES, D_FEAT), dtype=jnp.float32)
    # learned params: HypergraphConv linear weight + bias, BatchNorm1d gamma/beta
    W = jax.random.normal(k4, (D_FEAT, D_FEAT), dtype=jnp.float32) * (1.0 / np.sqrt(D_FEAT))
    b = jnp.zeros((D_FEAT,), dtype=jnp.float32)
    gamma = jnp.ones((D_FEAT,), dtype=jnp.float32)
    beta = jnp.zeros((D_FEAT,), dtype=jnp.float32)
    return {"x": x, "hyperedge_index": hyperedge_index, "hyperedge_attr": hyperedge_attr,
            "W": W, "b": b, "gamma": gamma, "beta": beta}


def reference(x, hyperedge_index, hyperedge_attr, W, b, gamma, beta):
    # HGNNLayer.forward with skip_connection=None:
    #   out = dropout(bn(HypergraphConv(x, hyperedge_index, hyperedge_attr)))
    # HypergraphConv (use_attention=False): out = D^-1 H B^-1 H^T (x W) + b
    node_idx = hyperedge_index[0]
    edge_idx = hyperedge_index[1]
    num_nodes = x.shape[0]
    num_hedges = hyperedge_attr.shape[0]

    xw = x @ W  # lin(x)

    ones = jnp.ones((node_idx.shape[0],), dtype=x.dtype)  # hyperedge_weight = 1
    Ddeg = jax.ops.segment_sum(ones, node_idx, num_segments=num_nodes)
    Bdeg = jax.ops.segment_sum(ones, edge_idx, num_segments=num_hedges)
    Dinv = jnp.where(Ddeg > 0, 1.0 / Ddeg, 0.0)
    Binv = jnp.where(Bdeg > 0, 1.0 / Bdeg, 0.0)

    # node -> hyperedge aggregation (norm = B^-1)
    edge_feat = jax.ops.segment_sum(xw[node_idx] * Binv[edge_idx][:, None], edge_idx,
                                    num_segments=num_hedges)
    # hyperedge -> node aggregation (norm = D^-1)
    out = jax.ops.segment_sum(edge_feat[edge_idx] * Dinv[node_idx][:, None], node_idx,
                              num_segments=num_nodes)
    out = out + b

    # BatchNorm1d (training-mode batch statistics, eps=1e-5)
    mean = jnp.mean(out, axis=0)
    var = jnp.var(out, axis=0)
    out = gamma * (out - mean) / jnp.sqrt(var + 1e-5) + beta

    # Dropout in eval mode: identity (deterministic reference)
    return out

if __name__ == "__main__":
    import jax
    _d = setup_inputs()
    print(jax.jit(kernel)(*tuple(_d.values())))

</pallas_src>

<mosaic_0001>
#map = affine_map<(d0, d1) -> (0, 0)>
#map1 = affine_map<(d0, d1) -> (0, 0, 0)>
#map2 = affine_map<(d0, d1) -> (0)>
module attributes {stable_mosaic.version = 14 : i64} {
  func.func @_sc_body(%arg0: i32, %arg1: i32, %arg2: memref<20480x64xf32, #tpu.memory_space<hbm>>, %arg3: memref<16x160x128xi32, #tpu.memory_space<hbm>>, %arg4: memref<20480x64xf32, #tpu.memory_space<hbm>>, %arg5: memref<20480xf32, #tpu.memory_space<hbm>>, %arg6: memref<160x128xi32, #tpu.memory_space<vmem>>, %arg7: memref<2x128x64xf32, #tpu.memory_space<vmem>>, %arg8: memref<64x64xf32, #tpu.memory_space<vmem>>, %arg9: memref<640xf32, #tpu.memory_space<vmem>>, %arg10: memref<128xf32, #tpu.memory_space<vmem>>, %arg11: memref<2x128xi32, #tpu.memory_space<vmem>>, %arg12: memref<2x128xi32, #tpu.memory_space<vmem>>, %arg13: memref<2x128xi32, #tpu.memory_space<vmem>>, %arg14: memref<10240x64xf32, #tpu.memory_space<vmem_shared>>, %arg15: memref<10240x64xf32, #tpu.memory_space<vmem_shared>>, %arg16: memref<10240xf32, #tpu.memory_space<vmem_shared>>, %arg17: memref<10240xf32, #tpu.memory_space<vmem_shared>>, %arg18: memref<2x!tpu.dma_semaphore, #tpu.memory_space<semaphore_mem>>, %arg19: memref<2x!tpu.dma_semaphore, #tpu.memory_space<semaphore_mem>>, %arg20: memref<2x!tpu.dma_semaphore, #tpu.memory_space<semaphore_mem>>, %arg21: memref<2x!tpu.dma_semaphore, #tpu.memory_space<semaphore_mem>>) attributes {dimension_semantics = [#tpu.dimension_semantics<core_parallel>, #tpu.dimension_semantics<subcore_parallel>], iteration_bounds = array<i64: 2, 16>, scalar_prefetch = 0 : i64, scratch_operands = 16 : i64, tpu.core_type = #tpu.core_type<sc_vector_subcore>, window_params = [{transform_indices = #map}, {transform_indices = #map1}, {transform_indices = #map}, {transform_indices = #map2}]} {
    %mul3A = arith.constant 10240 : i32
    %mul3A_0 = arith.muli %arg0, %mul3A : i32
    %broadcast_in_dim3A = arith.constant 0.000000e+00 : f32
    %broadcast_in_dim3A_1 = vector.broadcast %broadcast_in_dim3A : f32 to vector<16xf32>
    "tpu.region"() ({
      %run_scoped3A = tpu.sem_alloc : memref<!tpu.dma_semaphore, #tpu.memory_space<semaphore_mem>>
      %dma_start3A = arith.constant 0 : i32
      %dma_start3A_268 = arith.constant 0 : i32
      %dma_start3A_269 = tpu.memref_slice %arg3[%arg1, %dma_start3A, %dma_start3A_268] : memref<16x160x128xi32, #tpu.memory_space<hbm>> -> memref<1x160x128xi32, #tpu.memory_space<hbm>>
      %dma_start3A_270 = tpu.memref_squeeze %dma_start3A_269 : memref<1x160x128xi32, #tpu.memory_space<hbm>> -> memref<160x128xi32, #tpu.memory_space<hbm>>
      %dma_start3A_271 = arith.constant 0 : i32
      %dma_start3A_272 = arith.constant 0 : i32
      %dma_start3A_273 = tpu.memref_slice %arg3[%arg1, %dma_start3A_271, %dma_start3A_272] : memref<16x160x128xi32, #tpu.memory_space<hbm>> -> memref<1x160x128xi32, #tpu.memory_space<hbm>>
      %dma_start3A_274 = tpu.memref_squeeze %dma_start3A_273 : memref<1x160x128xi32, #tpu.memory_space<hbm>> -> memref<160x128xi32, #tpu.memory_space<hbm>>
      tpu.enqueue_dma source(%dma_start3A_274 : memref<160x128xi32, #tpu.memory_space<hbm>>) target(%arg6 : memref<160x128xi32, #tpu.memory_space<vmem>>) target_semaphore(%run_scoped3A : memref<!tpu.dma_semaphore, #tpu.memory_space<semaphore_mem>>)
      %dma_wait3A = arith.constant 0 : i32
      %dma_wait3A_275 = arith.constant 0 : i32
      %dma_wait3A_276 = tpu.memref_slice %arg3[%arg1, %dma_wait3A, %dma_wait3A_275] : memref<16x160x128xi32, #tpu.memory_space<hbm>> -> memref<1x160x128xi32, #tpu.memory_space<hbm>>
      %dma_wait3A_277 = tpu.memref_squeeze %dma_wait3A_276 : memref<1x160x128xi32, #tpu.memory_space<hbm>> -> memref<160x128xi32, #tpu.memory_space<hbm>>
      %dma_wait3A_278 = arith.constant 0 : i32
      %dma_wait3A_279 = arith.constant 0 : i32
      %dma_wait3A_280 = tpu.memref_slice %arg3[%arg1, %dma_wait3A_278, %dma_wait3A_279] : memref<16x160x128xi32, #tpu.memory_space<hbm>> -> memref<1x160x128xi32, #tpu.memory_space<hbm>>
      %dma_wait3A_281 = tpu.memref_squeeze %dma_wait3A_280 : memref<1x160x128xi32, #tpu.memory_space<hbm>> -> memref<160x128xi32, #tpu.memory_space<hbm>>
      tpu.wait_dma2 semaphore(%run_scoped3A : memref<!tpu.dma_semaphore, #tpu.memory_space<semaphore_mem>>) src(%dma_wait3A_281 : memref<160x128xi32, #tpu.memory_space<hbm>>) dst(%arg6 : memref<160x128xi32, #tpu.memory_space<vmem>>)
      tpu.yield
    }) : () -> ()
    %scan3A = arith.constant 0 : i32
    %scan3A_2 = arith.constant 0 : i32
    %scan3A_3 = arith.constant 64 : i32
    %scan3A_4 = arith.addi %scan3A_2, %scan3A_3 : i32
    %scan3A_5 = arith.constant 1 : i32
    scf.for %scan3A_268 = %scan3A_2 to %scan3A_4 step %scan3A_5  : i32 {
      %swap3A_269 = arith.index_cast %scan3A_268 : i32 to index
      %swap3A_270 = arith.constant 0 : index
      %swap3A_271 = tpu.vector_load %arg8[%swap3A_269, %swap3A_270] {strides = array<i32>} : memref<64x64xf32, #tpu.memory_space<vmem>>, vector<1x16xf32>,
      %swap3A_272 = vector.shape_cast %swap3A_271 : vector<1x16xf32> to vector<16xf32>
      %swap3A_273 = vector.shape_cast %broadcast_in_dim3A_1 : vector<16xf32> to vector<1x16xf32>
      tpu.vector_store %arg8[%swap3A_269, %swap3A_270], %swap3A_273 {strides = array<i32>} : memref<64x64xf32, #tpu.memory_space<vmem>>, vector<1x16xf32>,
      %swap3A_274 = arith.index_cast %scan3A_268 : i32 to index
      %swap3A_275 = arith.constant 16 : index
      %swap3A_276 = tpu.vector_load %arg8[%swap3A_274, %swap3A_275] {strides = array<i32>} : memref<64x64xf32, #tpu.memory_space<vmem>>, vector<1x16xf32>,
      %swap3A_277 = vector.shape_cast %swap3A_276 : vector<1x16xf32> to vector<16xf32>
      %swap3A_278 = vector.shape_cast %broadcast_in_dim3A_1 : vector<16xf32> to vector<1x16xf32>
      tpu.vector_store %arg8[%swap3A_274, %swap3A_275], %swap3A_278 {strides = array<i32>} : memref<64x64xf32, #tpu.memory_space<vmem>>, vector<1x16xf32>,
      %swap3A_279 = arith.index_cast %scan3A_268 : i32 to index
      %swap3A_280 = arith.constant 32 : index
      %swap3A_281 = tpu.vector_load %arg8[%swap3A_279, %swap3A_280] {strides = array<i32>} : memref<64x64xf32, #tpu.memory_space<vmem>>, vector<1x16xf32>,
      %swap3A_282 = vector.shape_cast %swap3A_281 : vector<1x16xf32> to vector<16xf32>
      %swap3A_283 = vector.shape_cast %broadcast_in_dim3A_1 : vector<16xf32> to vector<1x16xf32>
      tpu.vector_store %arg8[%swap3A_279, %swap3A_280], %swap3A_283 {strides = array<i32>} : memref<64x64xf32, #tpu.memory_space<vmem>>, vector<1x16xf32>,
      %swap3A_284 = arith.index_cast %scan3A_268 : i32 to index
      %swap3A_285 = arith.constant 48 : index
      %swap3A_286 = tpu.vector_load %arg8[%swap3A_284, %swap3A_285] {strides = array<i32>} : memref<64x64xf32, #tpu.memory_space<vmem>>, vector<1x16xf32>,
      %swap3A_287 = vector.shape_cast %swap3A_286 : vector<1x16xf32> to vector<16xf32>
      %swap3A_288 = vector.shape_cast %broadcast_in_dim3A_1 : vector<16xf32> to vector<1x16xf32>
      tpu.vector_store %arg8[%swap3A_284, %swap3A_285], %swap3A_288 {strides = array<i32>} : memref<64x64xf32, #tpu.memory_space<vmem>>, vector<1x16xf32>,
    }
    %scan3A_6 = arith.constant 64 : i32
    %swap3A = arith.constant 0 : index
    %swap3A_7 = tpu.vector_load %arg9[%swap3A] {strides = array<i32>} : memref<640xf32, #tpu.memory_space<vmem>>, vector<16xf32>,
    %swap3A_8 = vector.shape_cast %swap3A_7 : vector<16xf32> to vector<16xf32>
    %swap3A_9 = vector.shape_cast %broadcast_in_dim3A_1 : vector<16xf32> to vector<16xf32>
    tpu.vector_store %arg9[%swap3A], %swap3A_9 {strides = array<i32>} : memref<640xf32, #tpu.memory_space<vmem>>, vector<16xf32>,
    %swap3A_10 = arith.constant 16 : index
    %swap3A_11 = tpu.vector_load %arg9[%swap3A_10] {strides = array<i32>} : memref<640xf32, #tpu.memory_space<vmem>>, vector<16xf32>,
    %swap3A_12 = vector.shape_cast %swap3A_11 : vector<16xf32> to vector<16xf32>
    %swap3A_13 = vector.shape_cast %broadcast_in_dim3A_1 : vector<16xf32> to vector<16xf32>
    tpu.vector_store %arg9[%swap3A_10], %swap3A_13 {strides = array<i32>} : memref<640xf32, #tpu.memory_space<vmem>>, vector<16xf32>,
    %swap3A_14 = arith.constant 32 : index
    %swap3A_15 = tpu.vector_load %arg9[%swap3A_14] {strides = array<i32>} : memref<640xf32, #tpu.memory_space<vmem>>, vector<16xf32>,
    %swap3A_16 = vector.shape_cast %swap3A_15 : vector<16xf32> to vector<16xf32>
    %swap3A_17 = vector.shape_cast %broadcast_in_dim3A_1 : vector<16xf32> to vector<16xf32>
    tpu.vector_store %arg9[%swap3A_14], %swap3A_17 {strides = array<i32>} : memref<640xf32, #tpu.memory_space<vmem>>, vector<16xf32>,
    %swap3A_18 = arith.constant 48 : index
    %swap3A_19 = tpu.vector_load %arg9[%swap3A_18] {strides = array<i32>} : memref<640xf32, #tpu.memory_space<vmem>>, vector<16xf32>,
    %swap3A_20 = vector.shape_cast %swap3A_19 : vector<16xf32> to vector<16xf32>
    %swap3A_21 = vector.shape_cast %broadcast_in_dim3A_1 : vector<16xf32> to vector<16xf32>
    tpu.vector_store %arg9[%swap3A_18], %swap3A_21 {strides = array<i32>} : memref<640xf32, #tpu.memory_space<vmem>>, vector<16xf32>,
    %swap3A_22 = arith.constant 64 : index
    %swap3A_23 = tpu.vector_load %arg9[%swap3A_22] {strides = array<i32>} : memref<640xf32, #tpu.memory_space<vmem>>, vector<16xf32>,
    %swap3A_24 = vector.shape_cast %swap3A_23 : vector<16xf32> to vector<16xf32>
    %swap3A_25 = vector.shape_cast %broadcast_in_dim3A_1 : vector<16xf32> to vector<16xf32>
    tpu.vector_store %arg9[%swap3A_22], %swap3A_25 {strides = array<i32>} : memref<640xf32, #tpu.memory_space<vmem>>, vector<16xf32>,
    %swap3A_26 = arith.constant 80 : index
    %swap3A_27 = tpu.vector_load %arg9[%swap3A_26] {strides = array<i32>} : memref<640xf32, #tpu.memory_space<vmem>>, vector<16xf32>,
    %swap3A_28 = vector.shape_cast %swap3A_27 : vector<16xf32> to vector<16xf32>
    %swap3A_29 = vector.shape_cast %broadcast_in_dim3A_1 : vector<16xf32> to vector<16xf32>
    tpu.vector_store %arg9[%swap3A_26], %swap3A_29 {strides = array<i32>} : memref<640xf32, #tpu.memory_space<vmem>>, vector<16xf32>,
    %swap3A_30 = arith.constant 96 : index
    %swap3A_31 = tpu.vector_load %arg9[%swap3A_30] {strides = array<i32>} : memref<640xf32, #tpu.memory_space<vmem>>, vector<16xf32>,
    %swap3A_32 = vector.shape_cast %swap3A_31 : vector<16xf32> to vector<16xf32>
    %swap3A_33 = vector.shape_cast %broadcast_in_dim3A_1 : vector<16xf32> to vector<16xf32>
    tpu.vector_store %arg9[%swap3A_30], %swap3A_33 {strides = array<i32>} : memref<640xf32, #tpu.memory_space<vmem>>, vector<16xf32>,
    %swap3A_34 = arith.constant 112 : index
    %swap3A_35 = tpu.vector_load %arg9[%swap3A_34] {strides = array<i32>} : memref<640xf32, #tpu.memory_space<vmem>>, vector<16xf32>,
    %swap3A_36 = vector.shape_cast %swap3A_35 : vector<16xf32> to vector<16xf32>
    %swap3A_37 = vector.shape_cast %broadcast_in_dim3A_1 : vector<16xf32> to vector<16xf32>
    tpu.vector_store %arg9[%swap3A_34], %swap3A_37 {strides = array<i32>} : memref<640xf32, #tpu.memory_space<vmem>>, vector<16xf32>,
    %swap3A_38 = arith.constant 128 : index
    %swap3A_39 = tpu.vector_load %arg9[%swap3A_38] {strides = array<i32>} : memref<640xf32, #tpu.memory_space<vmem>>, vector<16xf32>,
    %swap3A_40 = vector.shape_cast %swap3A_39 : vector<16xf32> to vector<16xf32>
    %swap3A_41 = vector.shape_cast %broadcast_in_dim3A_1 : vector<16xf32> to vector<16xf32>
    tpu.vector_store %arg9[%swap3A_38], %swap3A_41 {strides = array<i32>} : memref<640xf32, #tpu.memory_space<vmem>>, vector<16xf32>,
    %swap3A_42 = arith.constant 144 : index
    %swap3A_43 = tpu.vector_load %arg9[%swap3A_42] {strides = array<i32>} : memref<640xf32, #tpu.memory_space<vmem>>, vector<16xf32>,
    %swap3A_44 = vector.shape_cast %swap3A_43 : vector<16xf32> to vector<16xf32>
    %swap3A_45 = vector.shape_cast %broadcast_in_dim3A_1 : vector<16xf32> to vector<16xf32>
    tpu.vector_store %arg9[%swap3A_42], %swap3A_45 {strides = array<i32>} : memref<640xf32, #tpu.memory_space<vmem>>, vector<16xf32>,
    %swap3A_46 = arith.constant 160 : index
    %swap3A_47 = tpu.vector_load %arg9[%swap3A_46] {strides = array<i32>} : memref<640xf32, #tpu.memory_space<vmem>>, vector<16xf32>,
    %swap3A_48 = vector.shape_cast %swap3A_47 : vector<16xf32> to vector<16xf32>
    %swap3A_49 = vector.shape_cast %broadcast_in_dim3A_1 : vector<16xf32> to vector<16xf32>
    tpu.vector_store %arg9[%swap3A_46], %swap3A_49 {strides = array<i32>} : memref<640xf32, #tpu.memory_space<vmem>>, vector<16xf32>,
    %swap3A_50 = arith.constant 176 : index
    %swap3A_51 = tpu.vector_load %arg9[%swap3A_50] {strides = array<i32>} : memref<640xf32, #tpu.memory_space<vmem>>, vector<16xf32>,
    %swap3A_52 = vector.shape_cast %swap3A_51 : vector<16xf32> to vector<16xf32>
    %swap3A_53 = vector.shape_cast %broadcast_in_dim3A_1 : vector<16xf32> to vector<16xf32>
    tpu.vector_store %arg9[%swap3A_50], %swap3A_53 {strides = array<i32>} : memref<640xf32, #tpu.memory_space<vmem>>, vector<16xf32>,
    %swap3A_54 = arith.constant 192 : index
    %swap3A_55 = tpu.vector_load %arg9[%swap3A_54] {strides = array<i32>} : memref<640xf32, #tpu.memory_space<vmem>>, vector<16xf32>,
    %swap3A_56 = vector.shape_cast %swap3A_55 : vector<16xf32> to vector<16xf32>
    %swap3A_57 = vector.shape_cast %broadcast_in_dim3A_1 : vector<16xf32> to vector<16xf32>
    tpu.vector_store %arg9[%swap3A_54], %swap3A_57 {strides = array<i32>} : memref<640xf32, #tpu.memory_space<vmem>>, vector<16xf32>,
    %swap3A_58 = arith.constant 208 : index
    %swap3A_59 = tpu.vector_load %arg9[%swap3A_58] {strides = array<i32>} : memref<640xf32, #tpu.memory_space<vmem>>, vector<16xf32>,
    %swap3A_60 = vector.shape_cast %swap3A_59 : vector<16xf32> to vector<16xf32>
    %swap3A_61 = vector.shape_cast %broadcast_in_dim3A_1 : vector<16xf32> to vector<16xf32>
    tpu.vector_store %arg9[%swap3A_58], %swap3A_61 {strides = array<i32>} : memref<640xf32, #tpu.memory_space<vmem>>, vector<16xf32>,
    %swap3A_62 = arith.constant 224 : index
    %swap3A_63 = tpu.vector_load %arg9[%swap3A_62] {strides = array<i32>} : memref<640xf32, #tpu.memory_space<vmem>>, vector<16xf32>,
    %swap3A_64 = vector.shape_cast %swap3A_63 : vector<16xf32> to vector<16xf32>
    %swap3A_65 = vector.shape_cast %broadcast_in_dim3A_1 : vector<16xf32> to vector<16xf32>
    tpu.vector_store %arg9[%swap3A_62], %swap3A_65 {strides = array<i32>} : memref<640xf32, #tpu.memory_space<vmem>>, vector<16xf32>,
    %swap3A_66 = arith.constant 240 : index
    %swap3A_67 = tpu.vector_load %arg9[%swap3A_66] {strides = array<i32>} : memref<640xf32, #tpu.memory_space<vmem>>, vector<16xf32>,
    %swap3A_68 = vector.shape_cast %swap3A_67 : vector<16xf32> to vector<16xf32>
    %swap3A_69 = vector.shape_cast %broadcast_in_dim3A_1 : vector<16xf32> to vector<16xf32>
    tpu.vector_store %arg9[%swap3A_66], %swap3A_69 {strides = array<i32>} : memref<640xf32, #tpu.memory_space<vmem>>, vector<16xf32>,
    %swap3A_70 = arith.constant 256 : index
    %swap3A_71 = tpu.vector_load %arg9[%swap3A_70] {strides = array<i32>} : memref<640xf32, #tpu.memory_space<vmem>>, vector<16xf32>,
    %swap3A_72 = vector.shape_cast %swap3A_71 : vector<16xf32> to vector<16xf32>
    %swap3A_73 = vector.shape_cast %broadcast_in_dim3A_1 : vector<16xf32> to vector<16xf32>
    tpu.vector_store %arg9[%swap3A_70], %swap3A_73 {strides = array<i32>} : memref<640xf32, #tpu.memory_space<vmem>>, vector<16xf32>,
    %swap3A_74 = arith.constant 272 : index
    %swap3A_75 = tpu.vector_load %arg9[%swap3A_74] {strides = array<i32>} : memref<640xf32, #tpu.memory_space<vmem>>, vector<16xf32>,
    %swap3A_76 = vector.shape_cast %swap3A_75 : vector<16xf32> to vector<16xf32>
    %swap3A_77 = vector.shape_cast %broadcast_in_dim3A_1 : vector<16xf32> to vector<16xf32>
    tpu.vector_store %arg9[%swap3A_74], %swap3A_77 {strides = array<i32>} : memref<640xf32, #tpu.memory_space<vmem>>, vector<16xf32>,
    %swap3A_78 = arith.constant 288 : index
    %swap3A_79 = tpu.vector_load %arg9[%swap3A_78] {strides = array<i32>} : memref<640xf32, #tpu.memory_space<vmem>>, vector<16xf32>,
    %swap3A_80 = vector.shape_cast %swap3A_79 : vector<16xf32> to vector<16xf32>
    %swap3A_81 = vector.shape_cast %broadcast_in_dim3A_1 : vector<16xf32> to vector<16xf32>
    tpu.vector_store %arg9[%swap3A_78], %swap3A_81 {strides = array<i32>} : memref<640xf32, #tpu.memory_space<vmem>>, vector<16xf32>,
    %swap3A_82 = arith.constant 304 : index
    %swap3A_83 = tpu.vector_load %arg9[%swap3A_82] {strides = array<i32>} : memref<640xf32, #tpu.memory_space<vmem>>, vector<16xf32>,
    %swap3A_84 = vector.shape_cast %swap3A_83 : vector<16xf32> to vector<16xf32>
    %swap3A_85 = vector.shape_cast %broadcast_in_dim3A_1 : vector<16xf32> to vector<16xf32>
    tpu.vector_store %arg9[%swap3A_82], %swap3A_85 {strides = array<i32>} : memref<640xf32, #tpu.memory_space<vmem>>, vector<16xf32>,
    %swap3A_86 = arith.constant 320 : index
    %swap3A_87 = tpu.vector_load %arg9[%swap3A_86] {strides = array<i32>} : memref<640xf32, #tpu.memory_space<vmem>>, vector<16xf32>,
    %swap3A_88 = vector.shape_cast %swap3A_87 : vector<16xf32> to vector<16xf32>
    %swap3A_89 = vector.shape_cast %broadcast_in_dim3A_1 : vector<16xf32> to vector<16xf32>
    tpu.vector_store %arg9[%swap3A_86], %swap3A_89 {strides = array<i32>} : memref<640xf32, #tpu.memory_space<vmem>>, vector<16xf32>,
    %swap3A_90 = arith.constant 336 : index
    %swap3A_91 = tpu.vector_load %arg9[%swap3A_90] {strides = array<i32>} : memref<640xf32, #tpu.memory_space<vmem>>, vector<16xf32>,
    %swap3A_92 = vector.shape_cast %swap3A_91 : vector<16xf32> to vector<16xf32>
    %swap3A_93 = vector.shape_cast %broadcast_in_dim3A_1 : vector<16xf32> to vector<16xf32>
    tpu.vector_store %arg9[%swap3A_90], %swap3A_93 {strides = array<i32>} : memref<640xf32, #tpu.memory_space<vmem>>, vector<16xf32>,
    %swap3A_94 = arith.constant 352 : index
    %swap3A_95 = tpu.vector_load %arg9[%swap3A_94] {strides = array<i32>} : memref<640xf32, #tpu.memory_space<vmem>>, vector<16xf32>,
    %swap3A_96 = vector.shape_cast %swap3A_95 : vector<16xf32> to vector<16xf32>
    %swap3A_97 = vector.shape_cast %broadcast_in_dim3A_1 : vector<16xf32> to vector<16xf32>
    tpu.vector_store %arg9[%swap3A_94], %swap3A_97 {strides = array<i32>} : memref<640xf32, #tpu.memory_space<vmem>>, vector<16xf32>,
    %swap3A_98 = arith.constant 368 : index
    %swap3A_99 = tpu.vector_load %arg9[%swap3A_98] {strides = array<i32>} : memref<640xf32, #tpu.memory_space<vmem>>, vector<16xf32>,
    %swap3A_100 = vector.shape_cast %swap3A_99 : vector<16xf32> to vector<16xf32>
    %swap3A_101 = vector.shape_cast %broadcast_in_dim3A_1 : vector<16xf32> to vector<16xf32>
    tpu.vector_store %arg9[%swap3A_98], %swap3A_101 {strides = array<i32>} : memref<640xf32, #tpu.memory_space<vmem>>, vector<16xf32>,
    %swap3A_102 = arith.constant 384 : index
    %swap3A_103 = tpu.vector_load %arg9[%swap3A_102] {strides = array<i32>} : memref<640xf32, #tpu.memory_space<vmem>>, vector<16xf32>,
    %swap3A_104 = vector.shape_cast %swap3A_103 : vector<16xf32> to vector<16xf32>
    %swap3A_105 = vector.shape_cast %broadcast_in_dim3A_1 : vector<16xf32> to vector<16xf32>
    tpu.vector_store %arg9[%swap3A_102], %swap3A_105 {strides = array<i32>} : memref<640xf32, #tpu.memory_space<vmem>>, vector<16xf32>,
    %swap3A_106 = arith.constant 400 : index
    %swap3A_107 = tpu.vector_load %arg9[%swap3A_106] {strides = array<i32>} : memref<640xf32, #tpu.memory_space<vmem>>, vector<16xf32>,
    %swap3A_108 = vector.shape_cast %swap3A_107 : vector<16xf32> to vector<16xf32>
    %swap3A_109 = vector.shape_cast %broadcast_in_dim3A_1 : vector<16xf32> to vector<16xf32>
    tpu.vector_store %arg9[%swap3A_106], %swap3A_109 {strides = array<i32>} : memref<640xf32, #tpu.memory_space<vmem>>, vector<16xf32>,
    %swap3A_110 = arith.constant 416 : index
    %swap3A_111 = tpu.vector_load %arg9[%swap3A_110] {strides = array<i32>} : memref<640xf32, #tpu.memory_space<vmem>>, vector<16xf32>,
    %swap3A_112 = vector.shape_cast %swap3A_111 : vector<16xf32> to vector<16xf32>
    %swap3A_113 = vector.shape_cast %broadcast_in_dim3A_1 : vector<16xf32> to vector<16xf32>
    tpu.vector_store %arg9[%swap3A_110], %swap3A_113 {strides = array<i32>} : memref<640xf32, #tpu.memory_space<vmem>>, vector<16xf32>,
    %swap3A_114 = arith.constant 432 : index
    %swap3A_115 = tpu.vector_load %arg9[%swap3A_114] {strides = array<i32>} : memref<640xf32, #tpu.memory_space<vmem>>, vector<16xf32>,
    %swap3A_116 = vector.shape_cast %swap3A_115 : vector<16xf32> to vector<16xf32>
    %swap3A_117 = vector.shape_cast %broadcast_in_dim3A_1 : vector<16xf32> to vector<16xf32>
    tpu.vector_store %arg9[%swap3A_114], %swap3A_117 {strides = array<i32>} : memref<640xf32, #tpu.memory_space<vmem>>, vector<16xf32>,
    %swap3A_118 = arith.constant 448 : index
    %swap3A_119 = tpu.vector_load %arg9[%swap3A_118] {strides = array<i32>} : memref<640xf32, #tpu.memory_space<vmem>>, vector<16xf32>,
    %swap3A_120 = vector.shape_cast %swap3A_119 : vector<16xf32> to vector<16xf32>
    %swap3A_121 = vector.shape_cast %broadcast_in_dim3A_1 : vector<16xf32> to vector<16xf32>
    tpu.vector_store %arg9[%swap3A_118], %swap3A_121 {strides = array<i32>} : memref<640xf32, #tpu.memory_space<vmem>>, vector<16xf32>,
    %swap3A_122 = arith.constant 464 : index
    %swap3A_123 = tpu.vector_load %arg9[%swap3A_122] {strides = array<i32>} : memref<640xf32, #tpu.memory_space<vmem>>, vector<16xf32>,
    %swap3A_124 = vector.shape_cast %swap3A_123 : vector<16xf32> to vector<16xf32>
    %swap3A_125 = vector.shape_cast %broadcast_in_dim3A_1 : vector<16xf32> to vector<16xf32>
    tpu.vector_store %arg9[%swap3A_122], %swap3A_125 {strides = array<i32>} : memref<640xf32, #tpu.memory_space<vmem>>, vector<16xf32>,
    %swap3A_126 = arith.constant 480 : index
    %swap3A_127 = tpu.vector_load %arg9[%swap3A_126] {strides = array<i32>} : memref<640xf32, #tpu.memory_space<vmem>>, vector<16xf32>,
    %swap3A_128 = vector.shape_cast %swap3A_127 : vector<16xf32> to vector<16xf32>
    %swap3A_129 = vector.shape_cast %broadcast_in_dim3A_1 : vector<16xf32> to vector<16xf32>
    tpu.vector_store %arg9[%swap3A_126], %swap3A_129 {strides = array<i32>} : memref<640xf32, #tpu.memory_space<vmem>>, vector<16xf32>,
    %swap3A_130 = arith.constant 496 : index
    %swap3A_131 = tpu.vector_load %arg9[%swap3A_130] {strides = array<i32>} : memref<640xf32, #tpu.memory_space<vmem>>, vector<16xf32>,
    %swap3A_132 = vector.shape_cast %swap3A_131 : vector<16xf32> to vector<16xf32>
    %swap3A_133 = vector.shape_cast %broadcast_in_dim3A_1 : vector<16xf32> to vector<16xf32>
    tpu.vector_store %arg9[%swap3A_130], %swap3A_133 {strides = array<i32>} : memref<640xf32, #tpu.memory_space<vmem>>, vector<16xf32>,
    %swap3A_134 = arith.constant 512 : index
    %swap3A_135 = tpu.vector_load %arg9[%swap3A_134] {strides = array<i32>} : memref<640xf32, #tpu.memory_space<vmem>>, vector<16xf32>,
    %swap3A_136 = vector.shape_cast %swap3A_135 : vector<16xf32> to vector<16xf32>
    %swap3A_137 = vector.shape_cast %broadcast_in_dim3A_1 : vector<16xf32> to vector<16xf32>
    tpu.vector_store %arg9[%swap3A_134], %swap3A_137 {strides = array<i32>} : memref<640xf32, #tpu.memory_space<vmem>>, vector<16xf32>,
    %swap3A_138 = arith.constant 528 : index
    %swap3A_139 = tpu.vector_load %arg9[%swap3A_138] {strides = array<i32>} : memref<640xf32, #tpu.memory_space<vmem>>, vector<16xf32>,
    %swap3A_140 = vector.shape_cast %swap3A_139 : vector<16xf32> to vector<16xf32>
    %swap3A_141 = vector.shape_cast %broadcast_in_dim3A_1 : vector<16xf32> to vector<16xf32>
    tpu.vector_store %arg9[%swap3A_138], %swap3A_141 {strides = array<i32>} : memref<640xf32, #tpu.memory_space<vmem>>, vector<16xf32>,
    %swap3A_142 = arith.constant 544 : index
    %swap3A_143 = tpu.vector_load %arg9[%swap3A_142] {strides = array<i32>} : memref<640xf32, #tpu.memory_space<vmem>>, vector<16xf32>,
    %swap3A_144 = vector.shape_cast %swap3A_143 : vector<16xf32> to vector<16xf32>
    %swap3A_145 = vector.shape_cast %broadcast_in_dim3A_1 : vector<16xf32> to vector<16xf32>
    tpu.vector_store %arg9[%swap3A_142], %swap3A_145 {strides = array<i32>} : memref<640xf32, #tpu.memory_space<vmem>>, vector<16xf32>,
    %swap3A_146 = arith.constant 560 : index
    %swap3A_147 = tpu.vector_load %arg9[%swap3A_146] {strides = array<i32>} : memref<640xf32, #tpu.memory_space<vmem>>, vector<16xf32>,
    %swap3A_148 = vector.shape_cast %swap3A_147 : vector<16xf32> to vector<16xf32>
    %swap3A_149 = vector.shape_cast %broadcast_in_dim3A_1 : vector<16xf32> to vector<16xf32>
    tpu.vector_store %arg9[%swap3A_146], %swap3A_149 {strides = array<i32>} : memref<640xf32, #tpu.memory_space<vmem>>, vector<16xf32>,
    %swap3A_150 = arith.constant 576 : index
    %swap3A_151 = tpu.vector_load %arg9[%swap3A_150] {strides = array<i32>} : memref<640xf32, #tpu.memory_space<vmem>>, vector<16xf32>,
    %swap3A_152 = vector.shape_cast %swap3A_151 : vector<16xf32> to vector<16xf32>
    %swap3A_153 = vector.shape_cast %broadcast_in_dim3A_1 : vector<16xf32> to vector<16xf32>
    tpu.vector_store %arg9[%swap3A_150], %swap3A_153 {strides = array<i32>} : memref<640xf32, #tpu.memory_space<vmem>>, vector<16xf32>,
    %swap3A_154 = arith.constant 592 : index
    %swap3A_155 = tpu.vector_load %arg9[%swap3A_154] {strides = array<i32>} : memref<640xf32, #tpu.memory_space<vmem>>, vector<16xf32>,
    %swap3A_156 = vector.shape_cast %swap3A_155 : vector<16xf32> to vector<16xf32>
    %swap3A_157 = vector.shape_cast %broadcast_in_dim3A_1 : vector<16xf32> to vector<16xf32>
    tpu.vector_store %arg9[%swap3A_154], %swap3A_157 {strides = array<i32>} : memref<640xf32, #tpu.memory_space<vmem>>, vector<16xf32>,
    %swap3A_158 = arith.constant 608 : index
    %swap3A_159 = tpu.vector_load %arg9[%swap3A_158] {strides = array<i32>} : memref<640xf32, #tpu.memory_space<vmem>>, vector<16xf32>,
    %swap3A_160 = vector.shape_cast %swap3A_159 : vector<16xf32> to vector<16xf32>
    %swap3A_161 = vector.shape_cast %broadcast_in_dim3A_1 : vector<16xf32> to vector<16xf32>
    tpu.vector_store %arg9[%swap3A_158], %swap3A_161 {strides = array<i32>} : memref<640xf32, #tpu.memory_space<vmem>>, vector<16xf32>,
    %swap3A_162 = arith.constant 624 : index
    %swap3A_163 = tpu.vector_load %arg9[%swap3A_162] {strides = array<i32>} : memref<640xf32, #tpu.memory_space<vmem>>, vector<16xf32>,
    %swap3A_164 = vector.shape_cast %swap3A_163 : vector<16xf32> to vector<16xf32>
    %swap3A_165 = vector.shape_cast %broadcast_in_dim3A_1 : vector<16xf32> to vector<16xf32>
    tpu.vector_store %arg9[%swap3A_162], %swap3A_165 {strides = array<i32>} : memref<640xf32, #tpu.memory_space<vmem>>, vector<16xf32>,
    %broadcast_in_dim3A_166 = arith.constant 1.000000e+00 : f32
    %broadcast_in_dim3A_167 = vector.broadcast %broadcast_in_dim3A_166 : f32 to vector<16xf32>
    %swap3A_168 = arith.constant 0 : index
    %swap3A_169 = tpu.vector_load %arg10[%swap3A_168] {strides = array<i32>} : memref<128xf32, #tpu.memory_space<vmem>>, vector<16xf32>,
    %swap3A_170 = vector.shape_cast %swap3A_169 : vector<16xf32> to vector<16xf32>
    %swap3A_171 = vector.shape_cast %broadcast_in_dim3A_167 : vector<16xf32> to vector<16xf32>
    tpu.vector_store %arg10[%swap3A_168], %swap3A_171 {strides = array<i32>} : memref<128xf32, #tpu.memory_space<vmem>>, vector<16xf32>,
    %broadcast_in_dim3A_172 = arith.constant 1.000000e+00 : f32
    %broadcast_in_dim3A_173 = vector.broadcast %broadcast_in_dim3A_172 : f32 to vector<16xf32>
    %swap3A_174 = arith.constant 16 : index
    %swap3A_175 = tpu.vector_load %arg10[%swap3A_174] {strides = array<i32>} : memref<128xf32, #tpu.memory_space<vmem>>, vector<16xf32>,
    %swap3A_176 = vector.shape_cast %swap3A_175 : vector<16xf32> to vector<16xf32>
    %swap3A_177 = vector.shape_cast %broadcast_in_dim3A_173 : vector<16xf32> to vector<16xf32>
    tpu.vector_store %arg10[%swap3A_174], %swap3A_177 {strides = array<i32>} : memref<128xf32, #tpu.memory_space<vmem>>, vector<16xf32>,
    %broadcast_in_dim3A_178 = arith.constant 1.000000e+00 : f32
    %broadcast_in_dim3A_179 = vector.broadcast %broadcast_in_dim3A_178 : f32 to vector<16xf32>
    %swap3A_180 = arith.constant 32 : index
    %swap3A_181 = tpu.vector_load %arg10[%swap3A_180] {strides = array<i32>} : memref<128xf32, #tpu.memory_space<vmem>>, vector<16xf32>,
    %swap3A_182 = vector.shape_cast %swap3A_181 : vector<16xf32> to vector<16xf32>
    %swap3A_183 = vector.shape_cast %broadcast_in_dim3A_179 : vector<16xf32> to vector<16xf32>
    tpu.vector_store %arg10[%swap3A_180], %swap3A_183 {strides = array<i32>} : memref<128xf32, #tpu.memory_space<vmem>>, vector<16xf32>,
    %broadcast_in_dim3A_184 = arith.constant 1.000000e+00 : f32
    %broadcast_in_dim3A_185 = vector.broadcast %broadcast_in_dim3A_184 : f32 to vector<16xf32>
    %swap3A_186 = arith.constant 48 : index
    %swap3A_187 = tpu.vector_load %arg10[%swap3A_186] {strides = array<i32>} : memref<128xf32, #tpu.memory_space<vmem>>, vector<16xf32>,
    %swap3A_188 = vector.shape_cast %swap3A_187 : vector<16xf32> to vector<16xf32>
    %swap3A_189 = vector.shape_cast %broadcast_in_dim3A_185 : vector<16xf32> to vector<16xf32>
    tpu.vector_store %arg10[%swap3A_186], %swap3A_189 {strides = array<i32>} : memref<128xf32, #tpu.memory_space<vmem>>, vector<16xf32>,
    %broadcast_in_dim3A_190 = arith.constant 1.000000e+00 : f32
    %broadcast_in_dim3A_191 = vector.broadcast %broadcast_in_dim3A_190 : f32 to vector<16xf32>
    %swap3A_192 = arith.constant 64 : index
    %swap3A_193 = tpu.vector_load %arg10[%swap3A_192] {strides = array<i32>} : memref<128xf32, #tpu.memory_space<vmem>>, vector<16xf32>,
    %swap3A_194 = vector.shape_cast %swap3A_193 : vector<16xf32> to vector<16xf32>
    %swap3A_195 = vector.shape_cast %broadcast_in_dim3A_191 : vector<16xf32> to vector<16xf32>
    tpu.vector_store %arg10[%swap3A_192], %swap3A_195 {strides = array<i32>} : memref<128xf32, #tpu.memory_space<vmem>>, vector<16xf32>,
    %broadcast_in_dim3A_196 = arith.constant 1.000000e+00 : f32
    %broadcast_in_dim3A_197 = vector.broadcast %broadcast_in_dim3A_196 : f32 to vector<16xf32>
    %swap3A_198 = arith.constant 80 : index
    %swap3A_199 = tpu.vector_load %arg10[%swap3A_198] {strides = array<i32>} : memref<128xf32, #tpu.memory_space<vmem>>, vector<16xf32>,
    %swap3A_200 = vector.shape_cast %swap3A_199 : vector<16xf32> to vector<16xf32>
    %swap3A_201 = vector.shape_cast %broadcast_in_dim3A_197 : vector<16xf32> to vector<16xf32>
    tpu.vector_store %arg10[%swap3A_198], %swap3A_201 {strides = array<i32>} : memref<128xf32, #tpu.memory_space<vmem>>, vector<16xf32>,
    %broadcast_in_dim3A_202 = arith.constant 1.000000e+00 : f32
    %broadcast_in_dim3A_203 = vector.broadcast %broadcast_in_dim3A_202 : f32 to vector<16xf32>
    %swap3A_204 = arith.constant 96 : index
    %swap3A_205 = tpu.vector_load %arg10[%swap3A_204] {strides = array<i32>} : memref<128xf32, #tpu.memory_space<vmem>>, vector<16xf32>,
    %swap3A_206 = vector.shape_cast %swap3A_205 : vector<16xf32> to vector<16xf32>
    %swap3A_207 = vector.shape_cast %broadcast_in_dim3A_203 : vector<16xf32> to vector<16xf32>
    tpu.vector_store %arg10[%swap3A_204], %swap3A_207 {strides = array<i32>} : memref<128xf32, #tpu.memory_space<vmem>>, vector<16xf32>,
    %broadcast_in_dim3A_208 = arith.constant 1.000000e+00 : f32
    %broadcast_in_dim3A_209 = vector.broadcast %broadcast_in_dim3A_208 : f32 to vector<16xf32>
    %swap3A_210 = arith.constant 112 : index
    %swap3A_211 = tpu.vector_load %arg10[%swap3A_210] {strides = array<i32>} : memref<128xf32, #tpu.memory_space<vmem>>, vector<16xf32>,
    %swap3A_212 = vector.shape_cast %swap3A_211 : vector<16xf32> to vector<16xf32>
    %swap3A_213 = vector.shape_cast %broadcast_in_dim3A_209 : vector<16xf32> to vector<16xf32>
    tpu.vector_store %arg10[%swap3A_210], %swap3A_213 {strides = array<i32>} : memref<128xf32, #tpu.memory_space<vmem>>, vector<16xf32>,
    %scan3A_214 = arith.constant 0 : i32
    %scan3A_215 = arith.constant 0 : i32
    %scan3A_216 = arith.constant 10 : i32
    %scan3A_217 = arith.addi %scan3A_215, %scan3A_216 : i32
    %scan3A_218 = arith.constant 1 : i32
    scf.for %scan3A_268 = %scan3A_215 to %scan3A_217 step %scan3A_218  : i32 {
      %mul3A_269 = arith.constant 640 : i32
      %mul3A_270 = arith.muli %arg1, %mul3A_269 : i32
      %mul3A_271 = arith.constant 64 : i32
      %mul3A_272 = arith.muli %scan3A_268, %mul3A_271 : i32
      %add3A_273 = arith.addi %mul3A_270, %mul3A_272 : i32
      "tpu.region"() ({
        %run_scoped3A = tpu.sem_alloc : memref<!tpu.dma_semaphore, #tpu.memory_space<semaphore_mem>>
        %dma_start3A = arith.constant 0 : i32
        %dma_start3A_274 = tpu.memref_slice %arg14[%add3A_273, %dma_start3A] : memref<10240x64xf32, #tpu.memory_space<vmem_shared>> -> memref<64x64xf32, #tpu.memory_space<vmem_shared>>
        %dma_start3A_275 = arith.constant 0 : i32
        %dma_start3A_276 = tpu.memref_slice %arg14[%add3A_273, %dma_start3A_275] : memref<10240x64xf32, #tpu.memory_space<vmem_shared>> -> memref<64x64xf32, #tpu.memory_space<vmem_shared>>
        tpu.enqueue_dma source(%arg8 : memref<64x64xf32, #tpu.memory_space<vmem>>) target(%dma_start3A_276 : memref<64x64xf32, #tpu.memory_space<vmem_shared>>) target_semaphore(%run_scoped3A : memref<!tpu.dma_semaphore, #tpu.memory_space<semaphore_mem>>)
        %dma_wait3A = arith.constant 0 : i32
        %dma_wait3A_277 = tpu.memref_slice %arg14[%add3A_273, %dma_wait3A] : memref<10240x64xf32, #tpu.memory_space<vmem_shared>> -> memref<64x64xf32, #tpu.memory_space<vmem_shared>>
        %dma_wait3A_278 = arith.constant 0 : i32
        %dma_wait3A_279 = tpu.memref_slice %arg14[%add3A_273, %dma_wait3A_278] : memref<10240x64xf32, #tpu.memory_space<vmem_shared>> -> memref<64x64xf32, #tpu.memory_space<vmem_shared>>
        tpu.wait_dma2 semaphore(%run_scoped3A : memref<!tpu.dma_semaphore, #tpu.memory_space<semaphore_mem>>) src(%arg8 : memref<64x64xf32, #tpu.memory_space<vmem>>) dst(%dma_wait3A_279 : memref<64x64xf32, #tpu.memory_space<vmem_shared>>)
        tpu.yield
      }) : () -> ()
    }
    %scan3A_219 = arith.constant 10 : i32
    %scan3A_220 = arith.constant 0 : i32
    %scan3A_221 = arith.constant 0 : i32
    %scan3A_222 = arith.constant 10 : i32
    %scan3A_223 = arith.addi %scan3A_221, %scan3A_222 : i32
    %scan3A_224 = arith.constant 1 : i32
    scf.for %scan3A_268 = %scan3A_221 to %scan3A_223 step %scan3A_224  : i32 {
      %mul3A_269 = arith.constant 640 : i32
      %mul3A_270 = arith.muli %arg1, %mul3A_269 : i32
      %mul3A_271 = arith.constant 64 : i32
      %mul3A_272 = arith.muli %scan3A_268, %mul3A_271 : i32
      %add3A_273 = arith.addi %mul3A_270, %mul3A_272 : i32
      "tpu.region"() ({
        %run_scoped3A = tpu.sem_alloc : memref<!tpu.dma_semaphore, #tpu.memory_space<semaphore_mem>>
        %dma_start3A = arith.constant 0 : i32
        %dma_start3A_274 = tpu.memref_slice %arg15[%add3A_273, %dma_start3A] : memref<10240x64xf32, #tpu.memory_space<vmem_shared>> -> memref<64x64xf32, #tpu.memory_space<vmem_shared>>
        %dma_start3A_275 = arith.constant 0 : i32
        %dma_start3A_276 = tpu.memref_slice %arg15[%add3A_273, %dma_start3A_275] : memref<10240x64xf32, #tpu.memory_space<vmem_shared>> -> memref<64x64xf32, #tpu.memory_space<vmem_shared>>
        tpu.enqueue_dma source(%arg8 : memref<64x64xf32, #tpu.memory_space<vmem>>) target(%dma_start3A_276 : memref<64x64xf32, #tpu.memory_space<vmem_shared>>) target_semaphore(%run_scoped3A : memref<!tpu.dma_semaphore, #tpu.memory_space<semaphore_mem>>)
        %dma_wait3A = arith.constant 0 : i32
        %dma_wait3A_277 = tpu.memref_slice %arg15[%add3A_273, %dma_wait3A] : memref<10240x64xf32, #tpu.memory_space<vmem_shared>> -> memref<64x64xf32, #tpu.memory_space<vmem_shared>>
        %dma_wait3A_278 = arith.constant 0 : i32
        %dma_wait3A_279 = tpu.memref_slice %arg15[%add3A_273, %dma_wait3A_278] : memref<10240x64xf32, #tpu.memory_space<vmem_shared>> -> memref<64x64xf32, #tpu.memory_space<vmem_shared>>
        tpu.wait_dma2 semaphore(%run_scoped3A : memref<!tpu.dma_semaphore, #tpu.memory_space<semaphore_mem>>) src(%arg8 : memref<64x64xf32, #tpu.memory_space<vmem>>) dst(%dma_wait3A_279 : memref<64x64xf32, #tpu.memory_space<vmem_shared>>)
        tpu.yield
      }) : () -> ()
    }
    %scan3A_225 = arith.constant 10 : i32
    %mul3A_226 = arith.constant 640 : i32
    %mul3A_227 = arith.muli %arg1, %mul3A_226 : i32
    "tpu.region"() ({
      %run_scoped3A = tpu.sem_alloc : memref<!tpu.dma_semaphore, #tpu.memory_space<semaphore_mem>>
      %dma_start3A = tpu.memref_slice %arg16[%mul3A_227] : memref<10240xf32, #tpu.memory_space<vmem_shared>> -> memref<640xf32, #tpu.memory_space<vmem_shared>>
      %dma_start3A_268 = tpu.memref_slice %arg16[%mul3A_227] : memref<10240xf32, #tpu.memory_space<vmem_shared>> -> memref<640xf32, #tpu.memory_space<vmem_shared>>
      tpu.enqueue_dma source(%arg9 : memref<640xf32, #tpu.memory_space<vmem>>) target(%dma_start3A_268 : memref<640xf32, #tpu.memory_space<vmem_shared>>) target_semaphore(%run_scoped3A : memref<!tpu.dma_semaphore, #tpu.memory_space<semaphore_mem>>)
      %dma_wait3A = tpu.memref_slice %arg16[%mul3A_227] : memref<10240xf32, #tpu.memory_space<vmem_shared>> -> memref<640xf32, #tpu.memory_space<vmem_shared>>
      %dma_wait3A_269 = tpu.memref_slice %arg16[%mul3A_227] : memref<10240xf32, #tpu.memory_space<vmem_shared>> -> memref<640xf32, #tpu.memory_space<vmem_shared>>
      tpu.wait_dma2 semaphore(%run_scoped3A : memref<!tpu.dma_semaphore, #tpu.memory_space<semaphore_mem>>) src(%arg9 : memref<640xf32, #tpu.memory_space<vmem>>) dst(%dma_wait3A_269 : memref<640xf32, #tpu.memory_space<vmem_shared>>)
      tpu.yield
    }) : () -> ()
    %mul3A_228 = arith.constant 640 : i32
    %mul3A_229 = arith.muli %arg1, %mul3A_228 : i32
    "tpu.region"() ({
      %run_scoped3A = tpu.sem_alloc : memref<!tpu.dma_semaphore, #tpu.memory_space<semaphore_mem>>
      %dma_start3A = tpu.memref_slice %arg17[%mul3A_229] : memref<10240xf32, #tpu.memory_space<vmem_shared>> -> memref<640xf32, #tpu.memory_space<vmem_shared>>
      %dma_start3A_268 = tpu.memref_slice %arg17[%mul3A_229] : memref<10240xf32, #tpu.memory_space<vmem_shared>> -> memref<640xf32, #tpu.memory_space<vmem_shared>>
      tpu.enqueue_dma source(%arg9 : memref<640xf32, #tpu.memory_space<vmem>>) target(%dma_start3A_268 : memref<640xf32, #tpu.memory_space<vmem_shared>>) target_semaphore(%run_scoped3A : memref<!tpu.dma_semaphore, #tpu.memory_space<semaphore_mem>>)
      %dma_wait3A = tpu.memref_slice %arg17[%mul3A_229] : memref<10240xf32, #tpu.memory_space<vmem_shared>> -> memref<640xf32, #tpu.memory_space<vmem_shared>>
      %dma_wait3A_269 = tpu.memref_slice %arg17[%mul3A_229] : memref<10240xf32, #tpu.memory_space<vmem_shared>> -> memref<640xf32, #tpu.memory_space<vmem_shared>>
      tpu.wait_dma2 semaphore(%run_scoped3A : memref<!tpu.dma_semaphore, #tpu.memory_space<semaphore_mem>>) src(%arg9 : memref<640xf32, #tpu.memory_space<vmem>>) dst(%dma_wait3A_269 : memref<640xf32, #tpu.memory_space<vmem_shared>>)
      tpu.yield
    }) : () -> ()
    %barrier3A = arith.constant 0 : index
    tpu.barrier barrier_id(%barrier3A)
    %scan3A_230 = arith.constant 0 : i32
    %scan3A_231 = arith.constant 0 : i32
    %scan3A_232 = arith.constant 80 : i32
    %scan3A_233 = arith.addi %scan3A_231, %scan3A_232 : i32
    %scan3A_234 = arith.constant 1 : i32
    scf.for %scan3A_268 = %scan3A_231 to %scan3A_233 step %scan3A_234  : i32 {
      %mul3A_269 = arith.constant 2 : i32
      %mul3A_270 = arith.muli %scan3A_268, %mul3A_269 : i32
      %add3A_271 = arith.constant 0 : i32
      %add3A_272 = arith.addi %mul3A_270, %add3A_271 : i32
      %get3A = arith.index_cast %add3A_272 : i32 to index
      %get3A_273 = arith.constant 0 : index
      %get3A_274 = tpu.vector_load %arg6[%get3A, %get3A_273] {strides = array<i32>} : memref<160x128xi32, #tpu.memory_space<vmem>>, vector<1x16xi32>,
      %get3A_275 = vector.shape_cast %get3A_274 : vector<1x16xi32> to vector<16xi32>
      %and3A = arith.constant 65535 : i32
      %and3A_276 = vector.broadcast %and3A : i32 to vector<16xi32>
      %and3A_277 = arith.andi %get3A_275, %and3A_276 : vector<16xi32>
      %shift_right_logical3A = arith.constant 16 : i32
      %shift_right_logical3A_278 = vector.broadcast %shift_right_logical3A : i32 to vector<16xi32>
      %shift_right_logical3A_279 = arith.shrui %get3A_275, %shift_right_logical3A_278 : vector<16xi32>
      %add3A_280 = vector.broadcast %mul3A_0 : i32 to vector<16xi32>
      %add3A_281 = arith.addi %and3A_277, %add3A_280 : vector<16xi32>
      %swap3A_282 = arith.constant 0 : i32
      %swap3A_283 = arith.index_cast %swap3A_282 : i32 to index
      %swap3A_284 = arith.constant 0 : index
      %swap3A_285 = tpu.vector_load %arg11[%swap3A_283, %swap3A_284] {strides = array<i32>} : memref<2x128xi32, #tpu.memory_space<vmem>>, vector<1x16xi32>,
      %swap3A_286 = vector.shape_cast %swap3A_285 : vector<1x16xi32> to vector<16xi32>
      %swap3A_287 = vector.shape_cast %add3A_281 : vector<16xi32> to vector<1x16xi32>
      tpu.vector_store %arg11[%swap3A_283, %swap3A_284], %swap3A_287 {strides = array<i32>} : memref<2x128xi32, #tpu.memory_space<vmem>>, vector<1x16xi32>,
      %swap3A_288 = arith.constant 0 : i32
      %swap3A_289 = arith.index_cast %swap3A_288 : i32 to index
      %swap3A_290 = arith.constant 0 : index
      %swap3A_291 = tpu.vector_load %arg12[%swap3A_289, %swap3A_290] {strides = array<i32>} : memref<2x128xi32, #tpu.memory_space<vmem>>, vector<1x16xi32>,
      %swap3A_292 = vector.shape_cast %swap3A_291 : vector<1x16xi32> to vector<16xi32>
      %swap3A_293 = vector.shape_cast %shift_right_logical3A_279 : vector<16xi32> to vector<1x16xi32>
      tpu.vector_store %arg12[%swap3A_289, %swap3A_290], %swap3A_293 {strides = array<i32>} : memref<2x128xi32, #tpu.memory_space<vmem>>, vector<1x16xi32>,
      %swap3A_294 = arith.constant 0 : i32
      %swap3A_295 = arith.index_cast %swap3A_294 : i32 to index
      %swap3A_296 = arith.constant 0 : index
      %swap3A_297 = tpu.vector_load %arg13[%swap3A_295, %swap3A_296] {strides = array<i32>} : memref<2x128xi32, #tpu.memory_space<vmem>>, vector<1x16xi32>,
      %swap3A_298 = vector.shape_cast %swap3A_297 : vector<1x16xi32> to vector<16xi32>
      %swap3A_299 = vector.shape_cast %and3A_277 : vector<16xi32> to vector<1x16xi32>
      tpu.vector_store %arg13[%swap3A_295, %swap3A_296], %swap3A_299 {strides = array<i32>} : memref<2x128xi32, #tpu.memory_space<vmem>>, vector<1x16xi32>,
      %get3A_300 = arith.index_cast %add3A_272 : i32 to index
      %get3A_301 = arith.constant 16 : index
      %get3A_302 = tpu.vector_load %arg6[%get3A_300, %get3A_301] {strides = array<i32>} : memref<160x128xi32, #tpu.memory_space<vmem>>, vector<1x16xi32>,
      %get3A_303 = vector.shape_cast %get3A_302 : vector<1x16xi32> to vector<16xi32>
      %and3A_304 = arith.constant 65535 : i32
      %and3A_305 = vector.broadcast %and3A_304 : i32 to vector<16xi32>
      %and3A_306 = arith.andi %get3A_303, %and3A_305 : vector<16xi32>
      %shift_right_logical3A_307 = arith.constant 16 : i32
      %shift_right_logical3A_308 = vector.broadcast %shift_right_logical3A_307 : i32 to vector<16xi32>
      %shift_right_logical3A_309 = arith.shrui %get3A_303, %shift_right_logical3A_308 : vector<16xi32>
      %add3A_310 = vector.broadcast %mul3A_0 : i32 to vector<16xi32>
      %add3A_311 = arith.addi %and3A_306, %add3A_310 : vector<16xi32>
      %swap3A_312 = arith.constant 0 : i32
      %swap3A_313 = arith.index_cast %swap3A_312 : i32 to index
      %swap3A_314 = arith.constant 16 : index
      %swap3A_315 = tpu.vector_load %arg11[%swap3A_313, %swap3A_314] {strides = array<i32>} : memref<2x128xi32, #tpu.memory_space<vmem>>, vector<1x16xi32>,
      %swap3A_316 = vector.shape_cast %swap3A_315 : vector<1x16xi32> to vector<16xi32>
      %swap3A_317 = vector.shape_cast %add3A_311 : vector<16xi32> to vector<1x16xi32>
      tpu.vector_store %arg11[%swap3A_313, %swap3A_314], %swap3A_317 {strides = array<i32>} : memref<2x128xi32, #tpu.memory_space<vmem>>, vector<1x16xi32>,
      %swap3A_318 = arith.constant 0 : i32
      %swap3A_319 = arith.index_cast %swap3A_318 : i32 to index
      %swap3A_320 = arith.constant 16 : index
      %swap3A_321 = tpu.vector_load %arg12[%swap3A_319, %swap3A_320] {strides = array<i32>} : memref<2x128xi32, #tpu.memory_space<vmem>>, vector<1x16xi32>,
      %swap3A_322 = vector.shape_cast %swap3A_321 : vector<1x16xi32> to vector<16xi32>
      %swap3A_323 = vector.shape_cast %shift_right_logical3A_309 : vector<16xi32> to vector<1x16xi32>
      tpu.vector_store %arg12[%swap3A_319, %swap3A_320], %swap3A_323 {strides = array<i32>} : memref<2x128xi32, #tpu.memory_space<vmem>>, vector<1x16xi32>,
      %swap3A_324 = arith.constant 0 : i32
      %swap3A_325 = arith.index_cast %swap3A_324 : i32 to index
      %swap3A_326 = arith.constant 16 : index
      %swap3A_327 = tpu.vector_load %arg13[%swap3A_325, %swap3A_326] {strides = array<i32>} : memref<2x128xi32, #tpu.memory_space<vmem>>, vector<1x16xi32>,
      %swap3A_328 = vector.shape_cast %swap3A_327 : vector<1x16xi32> to vector<16xi32>
      %swap3A_329 = vector.shape_cast %and3A_306 : vector<16xi32> to vector<1x16xi32>
      tpu.vector_store %arg13[%swap3A_325, %swap3A_326], %swap3A_329 {strides = array<i32>} : memref<2x128xi32, #tpu.memory_space<vmem>>, vector<1x16xi32>,
      %get3A_330 = arith.index_cast %add3A_272 : i32 to index
      %get3A_331 = arith.constant 32 : index
      %get3A_332 = tpu.vector_load %arg6[%get3A_330, %get3A_331] {strides = array<i32>} : memref<160x128xi32, #tpu.memory_space<vmem>>, vector<1x16xi32>,
      %get3A_333 = vector.shape_cast %get3A_332 : vector<1x16xi32> to vector<16xi32>
      %and3A_334 = arith.constant 65535 : i32
      %and3A_335 = vector.broadcast %and3A_334 : i32 to vector<16xi32>
      %and3A_336 = arith.andi %get3A_333, %and3A_335 : vector<16xi32>
      %shift_right_logical3A_337 = arith.constant 16 : i32
      %shift_right_logical3A_338 = vector.broadcast %shift_right_logical3A_337 : i32 to vector<16xi32>
      %shift_right_logical3A_339 = arith.shrui %get3A_333, %shift_right_logical3A_338 : vector<16xi32>
      %add3A_340 = vector.broadcast %mul3A_0 : i32 to vector<16xi32>
      %add3A_341 = arith.addi %and3A_336, %add3A_340 : vector<16xi32>
      %swap3A_342 = arith.constant 0 : i32
      %swap3A_343 = arith.index_cast %swap3A_342 : i32 to index
      %swap3A_344 = arith.constant 32 : index
      %swap3A_345 = tpu.vector_load %arg11[%swap3A_343, %swap3A_344] {strides = array<i32>} : memref<2x128xi32, #tpu.memory_space<vmem>>, vector<1x16xi32>,
      %swap3A_346 = vector.shape_cast %swap3A_345 : vector<1x16xi32> to vector<16xi32>
      %swap3A_347 = vector.shape_cast %add3A_341 : vector<16xi32> to vector<1x16xi32>
      tpu.vector_store %arg11[%swap3A_343, %swap3A_344], %swap3A_347 {strides = array<i32>} : memref<2x128xi32, #tpu.memory_space<vmem>>, vector<1x16xi32>,
      %swap3A_348 = arith.constant 0 : i32
      %swap3A_349 = arith.index_cast %swap3A_348 : i32 to index
      %swap3A_350 = arith.constant 32 : index
      %swap3A_351 = tpu.vector_load %arg12[%swap3A_349, %swap3A_350] {strides = array<i32>} : memref<2x128xi32, #tpu.memory_space<vmem>>, vector<1x16xi32>,
      %swap3A_352 = vector.shape_cast %swap3A_351 : vector<1x16xi32> to vector<16xi32>
      %swap3A_353 = vector.shape_cast %shift_right_logical3A_339 : vector<16xi32> to vector<1x16xi32>
      tpu.vector_store %arg12[%swap3A_349, %swap3A_350], %swap3A_353 {strides = array<i32>} : memref<2x128xi32, #tpu.memory_space<vmem>>, vector<1x16xi32>,
      %swap3A_354 = arith.constant 0 : i32
      %swap3A_355 = arith.index_cast %swap3A_354 : i32 to index
      %swap3A_356 = arith.constant 32 : index
      %swap3A_357 = tpu.vector_load %arg13[%swap3A_355, %swap3A_356] {strides = array<i32>} : memref<2x128xi32, #tpu.memory_space<vmem>>, vector<1x16xi32>,
      %swap3A_358 = vector.shape_cast %swap3A_357 : vector<1x16xi32> to vector<16xi32>
      %swap3A_359 = vector.shape_cast %and3A_336 : vector<16xi32> to vector<1x16xi32>
      tpu.vector_store %arg13[%swap3A_355, %swap3A_356], %swap3A_359 {strides = array<i32>} : memref<2x128xi32, #tpu.memory_space<vmem>>, vector<1x16xi32>,
      %get3A_360 = arith.index_cast %add3A_272 : i32 to index
      %get3A_361 = arith.constant 48 : index
      %get3A_362 = tpu.vector_load %arg6[%get3A_360, %get3A_361] {strides = array<i32>} : memref<160x128xi32, #tpu.memory_space<vmem>>, vector<1x16xi32>,
      %get3A_363 = vector.shape_cast %get3A_362 : vector<1x16xi32> to vector<16xi32>
      %and3A_364 = arith.constant 65535 : i32
      %and3A_365 = vector.broadcast %and3A_364 : i32 to vector<16xi32>
      %and3A_366 = arith.andi %get3A_363, %and3A_365 : vector<16xi32>
      %shift_right_logical3A_367 = arith.constant 16 : i32
      %shift_right_logical3A_368 = vector.broadcast %shift_right_logical3A_367 : i32 to vector<16xi32>
      %shift_right_logical3A_369 = arith.shrui %get3A_363, %shift_right_logical3A_368 : vector<16xi32>
      %add3A_370 = vector.broadcast %mul3A_0 : i32 to vector<16xi32>
      %add3A_371 = arith.addi %and3A_366, %add3A_370 : vector<16xi32>
      %swap3A_372 = arith.constant 0 : i32
      %swap3A_373 = arith.index_cast %swap3A_372 : i32 to index
      %swap3A_374 = arith.constant 48 : index
      %swap3A_375 = tpu.vector_load %arg11[%swap3A_373, %swap3A_374] {strides = array<i32>} : memref<2x128xi32, #tpu.memory_space<vmem>>, vector<1x16xi32>,
      %swap3A_376 = vector.shape_cast %swap3A_375 : vector<1x16xi32> to vector<16xi32>
      %swap3A_377 = vector.shape_cast %add3A_371 : vector<16xi32> to vector<1x16xi32>
      tpu.vector_store %arg11[%swap3A_373, %swap3A_374], %swap3A_377 {strides = array<i32>} : memref<2x128xi32, #tpu.memory_space<vmem>>, vector<1x16xi32>,
      %swap3A_378 = arith.constant 0 : i32
      %swap3A_379 = arith.index_cast %swap3A_378 : i32 to index
      %swap3A_380 = arith.constant 48 : index
      %swap3A_381 = tpu.vector_load %arg12[%swap3A_379, %swap3A_380] {strides = array<i32>} : memref<2x128xi32, #tpu.memory_space<vmem>>, vector<1x16xi32>,
      %swap3A_382 = vector.shape_cast %swap3A_381 : vector<1x16xi32> to vector<16xi32>
      %swap3A_383 = vector.shape_cast %shift_right_logical3A_369 : vector<16xi32> to vector<1x16xi32>
      tpu.vector_store %arg12[%swap3A_379, %swap3A_380], %swap3A_383 {strides = array<i32>} : memref<2x128xi32, #tpu.memory_space<vmem>>, vector<1x16xi32>,
      %swap3A_384 = arith.constant 0 : i32
      %swap3A_385 = arith.index_cast %swap3A_384 : i32 to index
      %swap3A_386 = arith.constant 48 : index
      %swap3A_387 = tpu.vector_load %arg13[%swap3A_385, %swap3A_386] {strides = array<i32>} : memref<2x128xi32, #tpu.memory_space<vmem>>, vector<1x16xi32>,
      %swap3A_388 = vector.shape_cast %swap3A_387 : vector<1x16xi32> to vector<16xi32>
      %swap3A_389 = vector.shape_cast %and3A_366 : vector<16xi32> to vector<1x16xi32>
      tpu.vector_store %arg13[%swap3A_385, %swap3A_386], %swap3A_389 {strides = array<i32>} : memref<2x128xi32, #tpu.memory_space<vmem>>, vector<1x16xi32>,
      %get3A_390 = arith.index_cast %add3A_272 : i32 to index
      %get3A_391 = arith.constant 64 : index
      %get3A_392 = tpu.vector_load %arg6[%get3A_390, %get3A_391] {strides = array<i32>} : memref<160x128xi32, #tpu.memory_space<vmem>>, vector<1x16xi32>,
      %get3A_393 = vector.shape_cast %get3A_392 : vector<1x16xi32> to vector<16xi32>
      %and3A_394 = arith.constant 65535 : i32
      %and3A_395 = vector.broadcast %and3A_394 : i32 to vector<16xi32>
      %and3A_396 = arith.andi %get3A_393, %and3A_395 : vector<16xi32>
      %shift_right_logical3A_397 = arith.constant 16 : i32
      %shift_right_logical3A_398 = vector.broadcast %shift_right_logical3A_397 : i32 to vector<16xi32>
      %shift_right_logical3A_399 = arith.shrui %get3A_393, %shift_right_logical3A_398 : vector<16xi32>
      %add3A_400 = vector.broadcast %mul3A_0 : i32 to vector<16xi32>
      %add3A_401 = arith.addi %and3A_396, %add3A_400 : vector<16xi32>
      %swap3A_402 = arith.constant 0 : i32
      %swap3A_403 = arith.index_cast %swap3A_402 : i32 to index
      %swap3A_404 = arith.constant 64 : index
      %swap3A_405 = tpu.vector_load %arg11[%swap3A_403, %swap3A_404] {strides = array<i32>} : memref<2x128xi32, #tpu.memory_space<vmem>>, vector<1x16xi32>,
      %swap3A_406 = vector.shape_cast %swap3A_405 : vector<1x16xi32> to vector<16xi32>
      %swap3A_407 = vector.shape_cast %add3A_401 : vector<16xi32> to vector<1x16xi32>
      tpu.vector_store %arg11[%swap3A_403, %swap3A_404], %swap3A_407 {strides = array<i32>} : memref<2x128xi32, #tpu.memory_space<vmem>>, vector<1x16xi32>,
      %swap3A_408 = arith.constant 0 : i32
      %swap3A_409 = arith.index_cast %swap3A_408 : i32 to index
      %swap3A_410 = arith.constant 64 : index
      %swap3A_411 = tpu.vector_load %arg12[%swap3A_409, %swap3A_410] {strides = array<i32>} : memref<2x128xi32, #tpu.memory_space<vmem>>, vector<1x16xi32>,
      %swap3A_412 = vector.shape_cast %swap3A_411 : vector<1x16xi32> to vector<16xi32>
      %swap3A_413 = vector.shape_cast %shift_right_logical3A_399 : vector<16xi32> to vector<1x16xi32>
      tpu.vector_store %arg12[%swap3A_409, %swap3A_410], %swap3A_413 {strides = array<i32>} : memref<2x128xi32, #tpu.memory_space<vmem>>, vector<1x16xi32>,
      %swap3A_414 = arith.constant 0 : i32
      %swap3A_415 = arith.index_cast %swap3A_414 : i32 to index
      %swap3A_416 = arith.constant 64 : index
      %swap3A_417 = tpu.vector_load %arg13[%swap3A_415, %swap3A_416] {strides = array<i32>} : memref<2x128xi32, #tpu.memory_space<vmem>>, vector<1x16xi32>,
      %swap3A_418 = vector.shape_cast %swap3A_417 : vector<1x16xi32> to vector<16xi32>
      %swap3A_419 = vector.shape_cast %and3A_396 : vector<16xi32> to vector<1x16xi32>
      tpu.vector_store %arg13[%swap3A_415, %swap3A_416], %swap3A_419 {strides = array<i32>} : memref<2x128xi32, #tpu.memory_space<vmem>>, vector<1x16xi32>,
      %get3A_420 = arith.index_cast %add3A_272 : i32 to index
      %get3A_421 = arith.constant 80 : index
      %get3A_422 = tpu.vector_load %arg6[%get3A_420, %get3A_421] {strides = array<i32>} : memref<160x128xi32, #tpu.memory_space<vmem>>, vector<1x16xi32>,
      %get3A_423 = vector.shape_cast %get3A_422 : vector<1x16xi32> to vector<16xi32>
      %and3A_424 = arith.constant 65535 : i32
      %and3A_425 = vector.broadcast %and3A_424 : i32 to vector<16xi32>
      %and3A_426 = arith.andi %get3A_423, %and3A_425 : vector<16xi32>
      %shift_right_logical3A_427 = arith.constant 16 : i32
      %shift_right_logical3A_428 = vector.broadcast %shift_right_logical3A_427 : i32 to vector<16xi32>
      %shift_right_logical3A_429 = arith.shrui %get3A_423, %shift_right_logical3A_428 : vector<16xi32>
      %add3A_430 = vector.broadcast %mul3A_0 : i32 to vector<16xi32>
      %add3A_431 = arith.addi %and3A_426, %add3A_430 : vector<16xi32>
      %swap3A_432 = arith.constant 0 : i32
      %swap3A_433 = arith.index_cast %swap3A_432 : i32 to index
      %swap3A_434 = arith.constant 80 : index
      %swap3A_435 = tpu.vector_load %arg11[%swap3A_433, %swap3A_434] {strides = array<i32>} : memref<2x128xi32, #tpu.memory_space<vmem>>, vector<1x16xi32>,
      %swap3A_436 = vector.shape_cast %swap3A_435 : vector<1x16xi32> to vector<16xi32>
      %swap3A_437 = vector.shape_cast %add3A_431 : vector<16xi32> to vector<1x16xi32>
      tpu.vector_store %arg11[%swap3A_433, %swap3A_434], %swap3A_437 {strides = array<i32>} : memref<2x128xi32, #tpu.memory_space<vmem>>, vector<1x16xi32>,
      %swap3A_438 = arith.constant 0 : i32
      %swap3A_439 = arith.index_cast %swap3A_438 : i32 to index
      %swap3A_440 = arith.constant 80 : index
      %swap3A_441 = tpu.vector_load %arg12[%swap3A_439, %swap3A_440] {strides = array<i32>} : memref<2x128xi32, #tpu.memory_space<vmem>>, vector<1x16xi32>,
      %swap3A_442 = vector.shape_cast %swap3A_441 : vector<1x16xi32> to vector<16xi32>
      %swap3A_443 = vector.shape_cast %shift_right_logical3A_429 : vector<16xi32> to vector<1x16xi32>
      tpu.vector_store %arg12[%swap3A_439, %swap3A_440], %swap3A_443 {strides = array<i32>} : memref<2x128xi32, #tpu.memory_space<vmem>>, vector<1x16xi32>,
      %swap3A_444 = arith.constant 0 : i32
      %swap3A_445 = arith.index_cast %swap3A_444 : i32 to index
      %swap3A_446 = arith.constant 80 : index
      %swap3A_447 = tpu.vector_load %arg13[%swap3A_445, %swap3A_446] {strides = array<i32>} : memref<2x128xi32, #tpu.memory_space<vmem>>, vector<1x16xi32>,
      %swap3A_448 = vector.shape_cast %swap3A_447 : vector<1x16xi32> to vector<16xi32>
      %swap3A_449 = vector.shape_cast %and3A_426 : vector<16xi32> to vector<1x16xi32>
      tpu.vector_store %arg13[%swap3A_445, %swap3A_446], %swap3A_449 {strides = array<i32>} : memref<2x128xi32, #tpu.memory_space<vmem>>, vector<1x16xi32>,
      %get3A_450 = arith.index_cast %add3A_272 : i32 to index
      %get3A_451 = arith.constant 96 : index
      %get3A_452 = tpu.vector_load %arg6[%get3A_450, %get3A_451] {strides = array<i32>} : memref<160x128xi32, #tpu.memory_space<vmem>>, vector<1x16xi32>,
      %get3A_453 = vector.shape_cast %get3A_452 : vector<1x16xi32> to vector<16xi32>
      %and3A_454 = arith.constant 65535 : i32
      %and3A_455 = vector.broadcast %and3A_454 : i32 to vector<16xi32>
      %and3A_456 = arith.andi %get3A_453, %and3A_455 : vector<16xi32>
      %shift_right_logical3A_457 = arith.constant 16 : i32
      %shift_right_logical3A_458 = vector.broadcast %shift_right_logical3A_457 : i32 to vector<16xi32>
      %shift_right_logical3A_459 = arith.shrui %get3A_453, %shift_right_logical3A_458 : vector<16xi32>
      %add3A_460 = vector.broadcast %mul3A_0 : i32 to vector<16xi32>
      %add3A_461 = arith.addi %and3A_456, %add3A_460 : vector<16xi32>
      %swap3A_462 = arith.constant 0 : i32
      %swap3A_463 = arith.index_cast %swap3A_462 : i32 to index
      %swap3A_464 = arith.constant 96 : index
      %swap3A_465 = tpu.vector_load %arg11[%swap3A_463, %swap3A_464] {strides = array<i32>} : memref<2x128xi32, #tpu.memory_space<vmem>>, vector<1x16xi32>,
      %swap3A_466 = vector.shape_cast %swap3A_465 : vector<1x16xi32> to vector<16xi32>
      %swap3A_467 = vector.shape_cast %add3A_461 : vector<16xi32> to vector<1x16xi32>
      tpu.vector_store %arg11[%swap3A_463, %swap3A_464], %swap3A_467 {strides = array<i32>} : memref<2x128xi32, #tpu.memory_space<vmem>>, vector<1x16xi32>,
      %swap3A_468 = arith.constant 0 : i32
      %swap3A_469 = arith.index_cast %swap3A_468 : i32 to index
      %swap3A_470 = arith.constant 96 : index
      %swap3A_471 = tpu.vector_load %arg12[%swap3A_469, %swap3A_470] {strides = array<i32>} : memref<2x128xi32, #tpu.memory_space<vmem>>, vector<1x16xi32>,
      %swap3A_472 = vector.shape_cast %swap3A_471 : vector<1x16xi32> to vector<16xi32>
      %swap3A_473 = vector.shape_cast %shift_right_logical3A_459 : vector<16xi32> to vector<1x16xi32>
      tpu.vector_store %arg12[%swap3A_469, %swap3A_470], %swap3A_473 {strides = array<i32>} : memref<2x128xi32, #tpu.memory_space<vmem>>, vector<1x16xi32>,
      %swap3A_474 = arith.constant 0 : i32
      %swap3A_475 = arith.index_cast %swap3A_474 : i32 to index
      %swap3A_476 = arith.constant 96 : index
      %swap3A_477 = tpu.vector_load %arg13[%swap3A_475, %swap3A_476] {strides = array<i32>} : memref<2x128xi32, #tpu.memory_space<vmem>>, vector<1x16xi32>,
      %swap3A_478 = vector.shape_cast %swap3A_477 : vector<1x16xi32> to vector<16xi32>
      %swap3A_479 = vector.shape_cast %and3A_456 : vector<16xi32> to vector<1x16xi32>
      tpu.vector_store %arg13[%swap3A_475, %swap3A_476], %swap3A_479 {strides = array<i32>} : memref<2x128xi32, #tpu.memory_space<vmem>>, vector<1x16xi32>,
      %get3A_480 = arith.index_cast %add3A_272 : i32 to index
      %get3A_481 = arith.constant 112 : index
      %get3A_482 = tpu.vector_load %arg6[%get3A_480, %get3A_481] {strides = array<i32>} : memref<160x128xi32, #tpu.memory_space<vmem>>, vector<1x16xi32>,
      %get3A_483 = vector.shape_cast %get3A_482 : vector<1x16xi32> to vector<16xi32>
      %and3A_484 = arith.constant 65535 : i32
      %and3A_485 = vector.broadcast %and3A_484 : i32 to vector<16xi32>
      %and3A_486 = arith.andi %get3A_483, %and3A_485 : vector<16xi32>
      %shift_right_logical3A_487 = arith.constant 16 : i32
      %shift_right_logical3A_488 = vector.broadcast %shift_right_logical3A_487 : i32 to vector<16xi32>
      %shift_right_logical3A_489 = arith.shrui %get3A_483, %shift_right_logical3A_488 : vector<16xi32>
      %add3A_490 = vector.broadcast %mul3A_0 : i32 to vector<16xi32>
      %add3A_491 = arith.addi %and3A_486, %add3A_490 : vector<16xi32>
      %swap3A_492 = arith.constant 0 : i32
      %swap3A_493 = arith.index_cast %swap3A_492 : i32 to index
      %swap3A_494 = arith.constant 112 : index
      %swap3A_495 = tpu.vector_load %arg11[%swap3A_493, %swap3A_494] {strides = array<i32>} : memref<2x128xi32, #tpu.memory_space<vmem>>, vector<1x16xi32>,
      %swap3A_496 = vector.shape_cast %swap3A_495 : vector<1x16xi32> to vector<16xi32>
      %swap3A_497 = vector.shape_cast %add3A_491 : vector<16xi32> to vector<1x16xi32>
      tpu.vector_store %arg11[%swap3A_493, %swap3A_494], %swap3A_497 {strides = array<i32>} : memref<2x128xi32, #tpu.memory_space<vmem>>, vector<1x16xi32>,
      %swap3A_498 = arith.constant 0 : i32
      %swap3A_499 = arith.index_cast %swap3A_498 : i32 to index
      %swap3A_500 = arith.constant 112 : index
      %swap3A_501 = tpu.vector_load %arg12[%swap3A_499, %swap3A_500] {strides = array<i32>} : memref<2x128xi32, #tpu.memory_space<vmem>>, vector<1x16xi32>,
      %swap3A_502 = vector.shape_cast %swap3A_501 : vector<1x16xi32> to vector<16xi32>
      %swap3A_503 = vector.shape_cast %shift_right_logical3A_489 : vector<16xi32> to vector<1x16xi32>
      tpu.vector_store %arg12[%swap3A_499, %swap3A_500], %swap3A_503 {strides = array<i32>} : memref<2x128xi32, #tpu.memory_space<vmem>>, vector<1x16xi32>,
      %swap3A_504 = arith.constant 0 : i32
      %swap3A_505 = arith.index_cast %swap3A_504 : i32 to index
      %swap3A_506 = arith.constant 112 : index
      %swap3A_507 = tpu.vector_load %arg13[%swap3A_505, %swap3A_506] {strides = array<i32>} : memref<2x128xi32, #tpu.memory_space<vmem>>, vector<1x16xi32>,
      %swap3A_508 = vector.shape_cast %swap3A_507 : vector<1x16xi32> to vector<16xi32>
      %swap3A_509 = vector.shape_cast %and3A_486 : vector<16xi32> to vector<1x16xi32>
      tpu.vector_store %arg13[%swap3A_505, %swap3A_506], %swap3A_509 {strides = array<i32>} : memref<2x128xi32, #tpu.memory_space<vmem>>, vector<1x16xi32>,
      %dma_start3A = arith.constant 0 : i32
      %dma_start3A_510 = arith.constant 0 : i32
      %dma_start3A_511 = arith.constant 0 : i32
      %dma_start3A_512 = arith.constant 0 : i32
      %dma_start3A_513 = arith.constant 0 : i32
      %dma_start3A_514 = tpu.memref_slice %arg7[%dma_start3A_510, %dma_start3A_512, %dma_start3A_513] : memref<2x128x64xf32, #tpu.memory_space<vmem>> -> memref<1x128x64xf32, #tpu.memory_space<vmem>>
      %dma_start3A_515 = tpu.memref_squeeze %dma_start3A_514 : memref<1x128x64xf32, #tpu.memory_space<vmem>> -> memref<128x64xf32, #tpu.memory_space<vmem>>
      %dma_start3A_516 = arith.constant 0 : i32
      %dma_start3A_517 = tpu.memref_slice %arg11[%dma_start3A, %dma_start3A_516] : memref<2x128xi32, #tpu.memory_space<vmem>> -> memref<1x128xi32, #tpu.memory_space<vmem>>
      %dma_start3A_518 = tpu.memref_squeeze %dma_start3A_517 : memref<1x128xi32, #tpu.memory_space<vmem>> -> memref<128xi32, #tpu.memory_space<vmem>>
      %dma_start3A_519 = arith.constant 0 : i32
      %dma_start3A_520 = arith.constant 0 : i32
      %dma_start3A_521 = tpu.memref_slice %arg2[%dma_start3A_519, %dma_start3A_520] : memref<20480x64xf32, #tpu.memory_space<hbm>> -> memref<20480x64xf32, #tpu.memory_space<hbm>>
      %dma_start3A_522 = tpu.memref_slice %arg18[%dma_start3A_511] : memref<2x!tpu.dma_semaphore, #tpu.memory_space<semaphore_mem>> -> memref<1x!tpu.dma_semaphore, #tpu.memory_space<semaphore_mem>>
      %dma_start3A_523 = tpu.memref_squeeze %dma_start3A_522 : memref<1x!tpu.dma_semaphore, #tpu.memory_space<semaphore_mem>> -> memref<!tpu.dma_semaphore, #tpu.memory_space<semaphore_mem>>
      tpu.enqueue_indirect_dma source(%dma_start3A_521 : memref<20480x64xf32, #tpu.memory_space<hbm>>) target(%dma_start3A_515 : memref<128x64xf32, #tpu.memory_space<vmem>>) offsets(%dma_start3A_518 : memref<128xi32, #tpu.memory_space<vmem>>) semaphore(%dma_start3A_523 : memref<!tpu.dma_semaphore, #tpu.memory_space<semaphore_mem>>)
      %dma_start3A_524 = arith.constant 0 : i32
      %dma_start3A_525 = arith.constant 0 : i32
      %dma_start3A_526 = arith.constant 0 : i32
      %dma_start3A_527 = tpu.memref_slice %arg12[%dma_start3A_524, %dma_start3A_526] : memref<2x128xi32, #tpu.memory_space<vmem>> -> memref<1x128xi32, #tpu.memory_space<vmem>>
      %dma_start3A_528 = tpu.memref_squeeze %dma_start3A_527 : memref<1x128xi32, #tpu.memory_space<vmem>> -> memref<128xi32, #tpu.memory_space<vmem>>
      %dma_start3A_529 = arith.constant 0 : i32
      %dma_start3A_530 = tpu.memref_slice %arg16[%dma_start3A_529] : memref<10240xf32, #tpu.memory_space<vmem_shared>> -> memref<10240xf32, #tpu.memory_space<vmem_shared>>
      %dma_start3A_531 = tpu.memref_slice %arg20[%dma_start3A_525] : memref<2x!tpu.dma_semaphore, #tpu.memory_space<semaphore_mem>> -> memref<1x!tpu.dma_semaphore, #tpu.memory_space<semaphore_mem>>
      %dma_start3A_532 = tpu.memref_squeeze %dma_start3A_531 : memref<1x!tpu.dma_semaphore, #tpu.memory_space<semaphore_mem>> -> memref<!tpu.dma_semaphore, #tpu.memory_space<semaphore_mem>>
      tpu.enqueue_indirect_dma source(%arg10 : memref<128xf32, #tpu.memory_space<vmem>>) target(%dma_start3A_530 : memref<10240xf32, #tpu.memory_space<vmem_shared>>) offsets(%dma_start3A_528 : memref<128xi32, #tpu.memory_space<vmem>>) semaphore(%dma_start3A_532 : memref<!tpu.dma_semaphore, #tpu.memory_space<semaphore_mem>>) {add = true}
      %dma_start3A_533 = arith.constant 0 : i32
      %dma_start3A_534 = arith.constant 0 : i32
      %dma_start3A_535 = arith.constant 0 : i32
      %dma_start3A_536 = tpu.memref_slice %arg13[%dma_start3A_533, %dma_start3A_535] : memref<2x128xi32, #tpu.memory_space<vmem>> -> memref<1x128xi32, #tpu.memory_space<vmem>>
      %dma_start3A_537 = tpu.memref_squeeze %dma_start3A_536 : memref<1x128xi32, #tpu.memory_space<vmem>> -> memref<128xi32, #tpu.memory_space<vmem>>
      %dma_start3A_538 = arith.constant 0 : i32
      %dma_start3A_539 = tpu.memref_slice %arg17[%dma_start3A_538] : memref<10240xf32, #tpu.memory_space<vmem_shared>> -> memref<10240xf32, #tpu.memory_space<vmem_shared>>
      %dma_start3A_540 = tpu.memref_slice %arg21[%dma_start3A_534] : memref<2x!tpu.dma_semaphore, #tpu.memory_space<semaphore_mem>> -> memref<1x!tpu.dma_semaphore, #tpu.memory_space<semaphore_mem>>
      %dma_start3A_541 = tpu.memref_squeeze %dma_start3A_540 : memref<1x!tpu.dma_semaphore, #tpu.memory_space<semaphore_mem>> -> memref<!tpu.dma_semaphore, #tpu.memory_space<semaphore_mem>>
      tpu.enqueue_indirect_dma source(%arg10 : memref<128xf32, #tpu.memory_space<vmem>>) target(%dma_start3A_539 : memref<10240xf32, #tpu.memory_space<vmem_shared>>) offsets(%dma_start3A_537 : memref<128xi32, #tpu.memory_space<vmem>>) semaphore(%dma_start3A_541 : memref<!tpu.dma_semaphore, #tpu.memory_space<semaphore_mem>>) {add = true}
      %mul3A_542 = arith.constant 2 : i32
      %mul3A_543 = arith.muli %scan3A_268, %mul3A_542 : i32
      %add3A_544 = arith.constant 1 : i32
      %add3A_545 = arith.addi %mul3A_543, %add3A_544 : i32
      %get3A_546 = arith.index_cast %add3A_545 : i32 to index
      %get3A_547 = arith.constant 0 : index
      %get3A_548 = tpu.vector_load %arg6[%get3A_546, %get3A_547] {strides = array<i32>} : memref<160x128xi32, #tpu.memory_space<vmem>>, vector<1x16xi32>,
      %get3A_549 = vector.shape_cast %get3A_548 : vector<1x16xi32> to vector<16xi32>
      %and3A_550 = arith.constant 65535 : i32
      %and3A_551 = vector.broadcast %and3A_550 : i32 to vector<16xi32>
      %and3A_552 = arith.andi %get3A_549, %and3A_551 : vector<16xi32>
      %shift_right_logical3A_553 = arith.constant 16 : i32
      %shift_right_logical3A_554 = vector.broadcast %shift_right_logical3A_553 : i32 to vector<16xi32>
      %shift_right_logical3A_555 = arith.shrui %get3A_549, %shift_right_logical3A_554 : vector<16xi32>
      %add3A_556 = vector.broadcast %mul3A_0 : i32 to vector<16xi32>
      %add3A_557 = arith.addi %and3A_552, %add3A_556 : vector<16xi32>
      %swap3A_558 = arith.constant 1 : i32
      %swap3A_559 = arith.index_cast %swap3A_558 : i32 to index
      %swap3A_560 = arith.constant 0 : index
      %swap3A_561 = tpu.vector_load %arg11[%swap3A_559, %swap3A_560] {strides = array<i32>} : memref<2x128xi32, #tpu.memory_space<vmem>>, vector<1x16xi32>,
      %swap3A_562 = vector.shape_cast %swap3A_561 : vector<1x16xi32> to vector<16xi32>
      %swap3A_563 = vector.shape_cast %add3A_557 : vector<16xi32> to vector<1x16xi32>
      tpu.vector_store %arg11[%swap3A_559, %swap3A_560], %swap3A_563 {strides = array<i32>} : memref<2x128xi32, #tpu.memory_space<vmem>>, vector<1x16xi32>,
      %swap3A_564 = arith.constant 1 : i32
      %swap3A_565 = arith.index_cast %swap3A_564 : i32 to index
      %swap3A_566 = arith.constant 0 : index
      %swap3A_567 = tpu.vector_load %arg12[%swap3A_565, %swap3A_566] {strides = array<i32>} : memref<2x128xi32, #tpu.memory_space<vmem>>, vector<1x16xi32>,
      %swap3A_568 = vector.shape_cast %swap3A_567 : vector<1x16xi32> to vector<16xi32>
      %swap3A_569 = vector.shape_cast %shift_right_logical3A_555 : vector<16xi32> to vector<1x16xi32>
      tpu.vector_store %arg12[%swap3A_565, %swap3A_566], %swap3A_569 {strides = array<i32>} : memref<2x128xi32, #tpu.memory_space<vmem>>, vector<1x16xi32>,
      %swap3A_570 = arith.constant 1 : i32
      %swap3A_571 = arith.index_cast %swap3A_570 : i32 to index
      %swap3A_572 = arith.constant 0 : index
      %swap3A_573 = tpu.vector_load %arg13[%swap3A_571, %swap3A_572] {strides = array<i32>} : memref<2x128xi32, #tpu.memory_space<vmem>>, vector<1x16xi32>,
      %swap3A_574 = vector.shape_cast %swap3A_573 : vector<1x16xi32> to vector<16xi32>
      %swap3A_575 = vector.shape_cast %and3A_552 : vector<16xi32> to vector<1x16xi32>
      tpu.vector_store %arg13[%swap3A_571, %swap3A_572], %swap3A_575 {strides = array<i32>} : memref<2x128xi32, #tpu.memory_space<vmem>>, vector<1x16xi32>,
      %get3A_576 = arith.index_cast %add3A_545 : i32 to index
      %get3A_577 = arith.constant 16 : index
      %get3A_578 = tpu.vector_load %arg6[%get3A_576, %get3A_577] {strides = array<i32>} : memref<160x128xi32, #tpu.memory_space<vmem>>, vector<1x16xi32>,
      %get3A_579 = vector.shape_cast %get3A_578 : vector<1x16xi32> to vector<16xi32>
      %and3A_580 = arith.constant 65535 : i32
      %and3A_581 = vector.broadcast %and3A_580 : i32 to vector<16xi32>
      %and3A_582 = arith.andi %get3A_579, %and3A_581 : vector<16xi32>
      %shift_right_logical3A_583 = arith.constant 16 : i32
      %shift_right_logical3A_584 = vector.broadcast %shift_right_logical3A_583 : i32 to vector<16xi32>
      %shift_right_logical3A_585 = arith.shrui %get3A_579, %shift_right_logical3A_584 : vector<16xi32>
      %add3A_586 = vector.broadcast %mul3A_0 : i32 to vector<16xi32>
      %add3A_587 = arith.addi %and3A_582, %add3A_586 : vector<16xi32>
      %swap3A_588 = arith.constant 1 : i32
      %swap3A_589 = arith.index_cast %swap3A_588 : i32 to index
      %swap3A_590 = arith.constant 16 : index
      %swap3A_591 = tpu.vector_load %arg11[%swap3A_589, %swap3A_590] {strides = array<i32>} : memref<2x128xi32, #tpu.memory_space<vmem>>, vector<1x16xi32>,
      %swap3A_592 = vector.shape_cast %swap3A_591 : vector<1x16xi32> to vector<16xi32>
      %swap3A_593 = vector.shape_cast %add3A_587 : vector<16xi32> to vector<1x16xi32>
      tpu.vector_store %arg11[%swap3A_589, %swap3A_590], %swap3A_593 {strides = array<i32>} : memref<2x128xi32, #tpu.memory_space<vmem>>, vector<1x16xi32>,
      %swap3A_594 = arith.constant 1 : i32
      %swap3A_595 = arith.index_cast %swap3A_594 : i32 to index
      %swap3A_596 = arith.constant 16 : index
      %swap3A_597 = tpu.vector_load %arg12[%swap3A_595, %swap3A_596] {strides = array<i32>} : memref<2x128xi32, #tpu.memory_space<vmem>>, vector<1x16xi32>,
      %swap3A_598 = vector.shape_cast %swap3A_597 : vector<1x16xi32> to vector<16xi32>
      %swap3A_599 = vector.shape_cast %shift_right_logical3A_585 : vector<16xi32> to vector<1x16xi32>
      tpu.vector_store %arg12[%swap3A_595, %swap3A_596], %swap3A_599 {strides = array<i32>} : memref<2x128xi32, #tpu.memory_space<vmem>>, vector<1x16xi32>,
      %swap3A_600 = arith.constant 1 : i32
      %swap3A_601 = arith.index_cast %swap3A_600 : i32 to index
      %swap3A_602 = arith.constant 16 : index
      %swap3A_603 = tpu.vector_load %arg13[%swap3A_601, %swap3A_602] {strides = array<i32>} : memref<2x128xi32, #tpu.memory_space<vmem>>, vector<1x16xi32>,
      %swap3A_604 = vector.shape_cast %swap3A_603 : vector<1x16xi32> to vector<16xi32>
      %swap3A_605 = vector.shape_cast %and3A_582 : vector<16xi32> to vector<1x16xi32>
      tpu.vector_store %arg13[%swap3A_601, %swap3A_602], %swap3A_605 {strides = array<i32>} : memref<2x128xi32, #tpu.memory_space<vmem>>, vector<1x16xi32>,
      %get3A_606 = arith.index_cast %add3A_545 : i32 to index
      %get3A_607 = arith.constant 32 : index
      %get3A_608 = tpu.vector_load %arg6[%get3A_606, %get3A_607] {strides = array<i32>} : memref<160x128xi32, #tpu.memory_space<vmem>>, vector<1x16xi32>,
      %get3A_609 = vector.shape_cast %get3A_608 : vector<1x16xi32> to vector<16xi32>
      %and3A_610 = arith.constant 65535 : i32
      %and3A_611 = vector.broadcast %and3A_610 : i32 to vector<16xi32>
      %and3A_612 = arith.andi %get3A_609, %and3A_611 : vector<16xi32>
      %shift_right_logical3A_613 = arith.constant 16 : i32
      %shift_right_logical3A_614 = vector.broadcast %shift_right_logical3A_613 : i32 to vector<16xi32>
      %shift_right_logical3A_615 = arith.shrui %get3A_609, %shift_right_logical3A_614 : vector<16xi32>
      %add3A_616 = vector.broadcast %mul3A_0 : i32 to vector<16xi32>
      %add3A_617 = arith.addi %and3A_612, %add3A_616 : vector<16xi32>
      %swap3A_618 = arith.constant 1 : i32
      %swap3A_619 = arith.index_cast %swap3A_618 : i32 to index
      %swap3A_620 = arith.constant 32 : index
      %swap3A_621 = tpu.vector_load %arg11[%swap3A_619, %swap3A_620] {strides = array<i32>} : memref<2x128xi32, #tpu.memory_space<vmem>>, vector<1x16xi32>,
      %swap3A_622 = vector.shape_cast %swap3A_621 : vector<1x16xi32> to vector<16xi32>
      %swap3A_623 = vector.shape_cast %add3A_617 : vector<16xi32> to vector<1x16xi32>
      tpu.vector_store %arg11[%swap3A_619, %swap3A_620], %swap3A_623 {strides = array<i32>} : memref<2x128xi32, #tpu.memory_space<vmem>>, vector<1x16xi32>,
      %swap3A_624 = arith.constant 1 : i32
      %swap3A_625 = arith.index_cast %swap3A_624 : i32 to index
      %swap3A_626 = arith.constant 32 : index
      %swap3A_627 = tpu.vector_load %arg12[%swap3A_625, %swap3A_626] {strides = array<i32>} : memref<2x128xi32, #tpu.memory_space<vmem>>, vector<1x16xi32>,
      %swap3A_628 = vector.shape_cast %swap3A_627 : vector<1x16xi32> to vector<16xi32>
      %swap3A_629 = vector.shape_cast %shift_right_logical3A_615 : vector<16xi32> to vector<1x16xi32>
      tpu.vector_store %arg12[%swap3A_625, %swap3A_626], %swap3A_629 {strides = array<i32>} : memref<2x128xi32, #tpu.memory_space<vmem>>, vector<1x16xi32>,
      %swap3A_630 = arith.constant 1 : i32
      %swap3A_631 = arith.index_cast %swap3A_630 : i32 to index
      %swap3A_632 = arith.constant 32 : index
      %swap3A_633 = tpu.vector_load %arg13[%swap3A_631, %swap3A_632] {strides = array<i32>} : memref<2x128xi32, #tpu.memory_space<vmem>>, vector<1x16xi32>,
      %swap3A_634 = vector.shape_cast %swap3A_633 : vector<1x16xi32> to vector<16xi32>
      %swap3A_635 = vector.shape_cast %and3A_612 : vector<16xi32> to vector<1x16xi32>
      tpu.vector_store %arg13[%swap3A_631, %swap3A_632], %swap3A_635 {strides = array<i32>} : memref<2x128xi32, #tpu.memory_space<vmem>>, vector<1x16xi32>,
      %get3A_636 = arith.index_cast %add3A_545 : i32 to index
      %get3A_637 = arith.constant 48 : index
      %get3A_638 = tpu.vector_load %arg6[%get3A_636, %get3A_637] {strides = array<i32>} : memref<160x128xi32, #tpu.memory_space<vmem>>, vector<1x16xi32>,
      %get3A_639 = vector.shape_cast %get3A_638 : vector<1x16xi32> to vector<16xi32>
      %and3A_640 = arith.constant 65535 : i32
      %and3A_641 = vector.broadcast %and3A_640 : i32 to vector<16xi32>
      %and3A_642 = arith.andi %get3A_639, %and3A_641 : vector<16xi32>
      %shift_right_logical3A_643 = arith.constant 16 : i32
      %shift_right_logical3A_644 = vector.broadcast %shift_right_logical3A_643 : i32 to vector<16xi32>
      %shift_right_logical3A_645 = arith.shrui %get3A_639, %shift_right_logical3A_644 : vector<16xi32>
      %add3A_646 = vector.broadcast %mul3A_0 : i32 to vector<16xi32>
      %add3A_647 = arith.addi %and3A_642, %add3A_646 : vector<16xi32>
      %swap3A_648 = arith.constant 1 : i32
      %swap3A_649 = arith.index_cast %swap3A_648 : i32 to index
      %swap3A_650 = arith.constant 48 : index
      %swap3A_651 = tpu.vector_load %arg11[%swap3A_649, %swap3A_650] {strides = array<i32>} : memref<2x128xi32, #tpu.memory_space<vmem>>, vector<1x16xi32>,
      %swap3A_652 = vector.shape_cast %swap3A_651 : vector<1x16xi32> to vector<16xi32>
      %swap3A_653 = vector.shape_cast %add3A_647 : vector<16xi32> to vector<1x16xi32>
      tpu.vector_store %arg11[%swap3A_649, %swap3A_650], %swap3A_653 {strides = array<i32>} : memref<2x128xi32, #tpu.memory_space<vmem>>, vector<1x16xi32>,
      %swap3A_654 = arith.constant 1 : i32
      %swap3A_655 = arith.index_cast %swap3A_654 : i32 to index
      %swap3A_656 = arith.constant 48 : index
      %swap3A_657 = tpu.vector_load %arg12[%swap3A_655, %swap3A_656] {strides = array<i32>} : memref<2x128xi32, #tpu.memory_space<vmem>>, vector<1x16xi32>,
      %swap3A_658 = vector.shape_cast %swap3A_657 : vector<1x16xi32> to vector<16xi32>
      %swap3A_659 = vector.shape_cast %shift_right_logical3A_645 : vector<16xi32> to vector<1x16xi32>
      tpu.vector_store %arg12[%swap3A_655, %swap3A_656], %swap3A_659 {strides = array<i32>} : memref<2x128xi32, #tpu.memory_space<vmem>>, vector<1x16xi32>,
      %swap3A_660 = arith.constant 1 : i32
      %swap3A_661 = arith.index_cast %swap3A_660 : i32 to index
      %swap3A_662 = arith.constant 48 : index
      %swap3A_663 = tpu.vector_load %arg13[%swap3A_661, %swap3A_662] {strides = array<i32>} : memref<2x128xi32, #tpu.memory_space<vmem>>, vector<1x16xi32>,
      %swap3A_664 = vector.shape_cast %swap3A_663 : vector<1x16xi32> to vector<16xi32>
      %swap3A_665 = vector.shape_cast %and3A_642 : vector<16xi32> to vector<1x16xi32>
      tpu.vector_store %arg13[%swap3A_661, %swap3A_662], %swap3A_665 {strides = array<i32>} : memref<2x128xi32, #tpu.memory_space<vmem>>, vector<1x16xi32>,
      %get3A_666 = arith.index_cast %add3A_545 : i32 to index
      %get3A_667 = arith.constant 64 : index
      %get3A_668 = tpu.vector_load %arg6[%get3A_666, %get3A_667] {strides = array<i32>} : memref<160x128xi32, #tpu.memory_space<vmem>>, vector<1x16xi32>,
      %get3A_669 = vector.shape_cast %get3A_668 : vector<1x16xi32> to vector<16xi32>
      %and3A_670 = arith.constant 65535 : i32
      %and3A_671 = vector.broadcast %and3A_670 : i32 to vector<16xi32>
      %and3A_672 = arith.andi %get3A_669, %and3A_671 : vector<16xi32>
      %shift_right_logical3A_673 = arith.constant 16 : i32
      %shift_right_logical3A_674 = vector.broadcast %shift_right_logical3A_673 : i32 to vector<16xi32>
      %shift_right_logical3A_675 = arith.shrui %get3A_669, %shift_right_logical3A_674 : vector<16xi32>
      %add3A_676 = vector.broadcast %mul3A_0 : i32 to vector<16xi32>
      %add3A_677 = arith.addi %and3A_672, %add3A_676 : vector<16xi32>
      %swap3A_678 = arith.constant 1 : i32
      %swap3A_679 = arith.index_cast %swap3A_678 : i32 to index
      %swap3A_680 = arith.constant 64 : index
      %swap3A_681 = tpu.vector_load %arg11[%swap3A_679, %swap3A_680] {strides = array<i32>} : memref<2x128xi32, #tpu.memory_space<vmem>>, vector<1x16xi32>,
      %swap3A_682 = vector.shape_cast %swap3A_681 : vector<1x16xi32> to vector<16xi32>
      %swap3A_683 = vector.shape_cast %add3A_677 : vector<16xi32> to vector<1x16xi32>
      tpu.vector_store %arg11[%swap3A_679, %swap3A_680], %swap3A_683 {strides = array<i32>} : memref<2x128xi32, #tpu.memory_space<vmem>>, vector<1x16xi32>,
      %swap3A_684 = arith.constant 1 : i32
      %swap3A_685 = arith.index_cast %swap3A_684 : i32 to index
      %swap3A_686 = arith.constant 64 : index
      %swap3A_687 = tpu.vector_load %arg12[%swap3A_685, %swap3A_686] {strides = array<i32>} : memref<2x128xi32, #tpu.memory_space<vmem>>, vector<1x16xi32>,
      %swap3A_688 = vector.shape_cast %swap3A_687 : vector<1x16xi32> to vector<16xi32>
      %swap3A_689 = vector.shape_cast %shift_right_logical3A_675 : vector<16xi32> to vector<1x16xi32>
      tpu.vector_store %arg12[%swap3A_685, %swap3A_686], %swap3A_689 {strides = array<i32>} : memref<2x128xi32, #tpu.memory_space<vmem>>, vector<1x16xi32>,
      %swap3A_690 = arith.constant 1 : i32
      %swap3A_691 = arith.index_cast %swap3A_690 : i32 to index
      %swap3A_692 = arith.constant 64 : index
      %swap3A_693 = tpu.vector_load %arg13[%swap3A_691, %swap3A_692] {strides = array<i32>} : memref<2x128xi32, #tpu.memory_space<vmem>>, vector<1x16xi32>,
      %swap3A_694 = vector.shape_cast %swap3A_693 : vector<1x16xi32> to vector<16xi32>
      %swap3A_695 = vector.shape_cast %and3A_672 : vector<16xi32> to vector<1x16xi32>
      tpu.vector_store %arg13[%swap3A_691, %swap3A_692], %swap3A_695 {strides = array<i32>} : memref<2x128xi32, #tpu.memory_space<vmem>>, vector<1x16xi32>,
      %get3A_696 = arith.index_cast %add3A_545 : i32 to index
      %get3A_697 = arith.constant 80 : index
      %get3A_698 = tpu.vector_load %arg6[%get3A_696, %get3A_697] {strides = array<i32>} : memref<160x128xi32, #tpu.memory_space<vmem>>, vector<1x16xi32>,
      %get3A_699 = vector.shape_cast %get3A_698 : vector<1x16xi32> to vector<16xi32>
      %and3A_700 = arith.constant 65535 : i32
      %and3A_701 = vector.broadcast %and3A_700 : i32 to vector<16xi32>
      %and3A_702 = arith.andi %get3A_699, %and3A_701 : vector<16xi32>
      %shift_right_logical3A_703 = arith.constant 16 : i32
      %shift_right_logical3A_704 = vector.broadcast %shift_right_logical3A_703 : i32 to vector<16xi32>
      %shift_right_logical3A_705 = arith.shrui %get3A_699, %shift_right_logical3A_704 : vector<16xi32>
      %add3A_706 = vector.broadcast %mul3A_0 : i32 to vector<16xi32>
      %add3A_707 = arith.addi %and3A_702, %add3A_706 : vector<16xi32>
      %swap3A_708 = arith.constant 1 : i32
      %swap3A_709 = arith.index_cast %swap3A_708 : i32 to index
      %swap3A_710 = arith.constant 80 : index
      %swap3A_711 = tpu.vector_load %arg11[%swap3A_709, %swap3A_710] {strides = array<i32>} : memref<2x128xi32, #tpu.memory_space<vmem>>, vector<1x16xi32>,
      %swap3A_712 = vector.shape_cast %swap3A_711 : vector<1x16xi32> to vector<16xi32>
      %swap3A_713 = vector.shape_cast %add3A_707 : vector<16xi32> to vector<1x16xi32>
      tpu.vector_store %arg11[%swap3A_709, %swap3A_710], %swap3A_713 {strides = array<i32>} : memref<2x128xi32, #tpu.memory_space<vmem>>, vector<1x16xi32>,
      %swap3A_714 = arith.constant 1 : i32
      %swap3A_715 = arith.index_cast %swap3A_714 : i32 to index
      %swap3A_716 = arith.constant 80 : index
      %swap3A_717 = tpu.vector_load %arg12[%swap3A_715, %swap3A_716] {strides = array<i32>} : memref<2x128xi32, #tpu.memory_space<vmem>>, vector<1x16xi32>,
      %swap3A_718 = vector.shape_cast %swap3A_717 : vector<1x16xi32> to vector<16xi32>
      %swap3A_719 = vector.shape_cast %shift_right_logical3A_705 : vector<16xi32> to vector<1x16xi32>
      tpu.vector_store %arg12[%swap3A_715, %swap3A_716], %swap3A_719 {strides = array<i32>} : memref<2x128xi32, #tpu.memory_space<vmem>>, vector<1x16xi32>,
      %swap3A_720 = arith.constant 1 : i32
      %swap3A_721 = arith.index_cast %swap3A_720 : i32 to index
      %swap3A_722 = arith.constant 80 : index
      %swap3A_723 = tpu.vector_load %arg13[%swap3A_721, %swap3A_722] {strides = array<i32>} : memref<2x128xi32, #tpu.memory_space<vmem>>, vector<1x16xi32>,
      %swap3A_724 = vector.shape_cast %swap3A_723 : vector<1x16xi32> to vector<16xi32>
      %swap3A_725 = vector.shape_cast %and3A_702 : vector<16xi32> to vector<1x16xi32>
      tpu.vector_store %arg13[%swap3A_721, %swap3A_722], %swap3A_725 {strides = array<i32>} : memref<2x128xi32, #tpu.memory_space<vmem>>, vector<1x16xi32>,
      %get3A_726 = arith.index_cast %add3A_545 : i32 to index
      %get3A_727 = arith.constant 96 : index
      %get3A_728 = tpu.vector_load %arg6[%get3A_726, %get3A_727] {strides = array<i32>} : memref<160x128xi32, #tpu.memory_space<vmem>>, vector<1x16xi32>,
      %get3A_729 = vector.shape_cast %get3A_728 : vector<1x16xi32> to vector<16xi32>
      %and3A_730 = arith.constant 65535 : i32
      %and3A_731 = vector.broadcast %and3A_730 : i32 to vector<16xi32>
      %and3A_732 = arith.andi %get3A_729, %and3A_731 : vector<16xi32>
      %shift_right_logical3A_733 = arith.constant 16 : i32
      %shift_right_logical3A_734 = vector.broadcast %shift_right_logical3A_733 : i32 to vector<16xi32>
      %shift_right_logical3A_735 = arith.shrui %get3A_729, %shift_right_logical3A_734 : vector<16xi32>
      %add3A_736 = vector.broadcast %mul3A_0 : i32 to vector<16xi32>
      %add3A_737 = arith.addi %and3A_732, %add3A_736 : vector<16xi32>
      %swap3A_738 = arith.constant 1 : i32
      %swap3A_739 = arith.index_cast %swap3A_738 : i32 to index
      %swap3A_740 = arith.constant 96 : index
      %swap3A_741 = tpu.vector_load %arg11[%swap3A_739, %swap3A_740] {strides = array<i32>} : memref<2x128xi32, #tpu.memory_space<vmem>>, vector<1x16xi32>,
      %swap3A_742 = vector.shape_cast %swap3A_741 : vector<1x16xi32> to vector<16xi32>
      %swap3A_743 = vector.shape_cast %add3A_737 : vector<16xi32> to vector<1x16xi32>
      tpu.vector_store %arg11[%swap3A_739, %swap3A_740], %swap3A_743 {strides = array<i32>} : memref<2x128xi32, #tpu.memory_space<vmem>>, vector<1x16xi32>,
      %swap3A_744 = arith.constant 1 : i32
      %swap3A_745 = arith.index_cast %swap3A_744 : i32 to index
      %swap3A_746 = arith.constant 96 : index
      %swap3A_747 = tpu.vector_load %arg12[%swap3A_745, %swap3A_746] {strides = array<i32>} : memref<2x128xi32, #tpu.memory_space<vmem>>, vector<1x16xi32>,
      %swap3A_748 = vector.shape_cast %swap3A_747 : vector<1x16xi32> to vector<16xi32>
      %swap3A_749 = vector.shape_cast %shift_right_logical3A_735 : vector<16xi32> to vector<1x16xi32>
      tpu.vector_store %arg12[%swap3A_745, %swap3A_746], %swap3A_749 {strides = array<i32>} : memref<2x128xi32, #tpu.memory_space<vmem>>, vector<1x16xi32>,
      %swap3A_750 = arith.constant 1 : i32
      %swap3A_751 = arith.index_cast %swap3A_750 : i32 to index
      %swap3A_752 = arith.constant 96 : index
      %swap3A_753 = tpu.vector_load %arg13[%swap3A_751, %swap3A_752] {strides = array<i32>} : memref<2x128xi32, #tpu.memory_space<vmem>>, vector<1x16xi32>,
      %swap3A_754 = vector.shape_cast %swap3A_753 : vector<1x16xi32> to vector<16xi32>
      %swap3A_755 = vector.shape_cast %and3A_732 : vector<16xi32> to vector<1x16xi32>
      tpu.vector_store %arg13[%swap3A_751, %swap3A_752], %swap3A_755 {strides = array<i32>} : memref<2x128xi32, #tpu.memory_space<vmem>>, vector<1x16xi32>,
      %get3A_756 = arith.index_cast %add3A_545 : i32 to index
      %get3A_757 = arith.constant 112 : index
      %get3A_758 = tpu.vector_load %arg6[%get3A_756, %get3A_757] {strides = array<i32>} : memref<160x128xi32, #tpu.memory_space<vmem>>, vector<1x16xi32>,
      %get3A_759 = vector.shape_cast %get3A_758 : vector<1x16xi32> to vector<16xi32>
      %and3A_760 = arith.constant 65535 : i32
      %and3A_761 = vector.broadcast %and3A_760 : i32 to vector<16xi32>
      %and3A_762 = arith.andi %get3A_759, %and3A_761 : vector<16xi32>
      %shift_right_logical3A_763 = arith.constant 16 : i32
      %shift_right_logical3A_764 = vector.broadcast %shift_right_logical3A_763 : i32 to vector<16xi32>
      %shift_right_logical3A_765 = arith.shrui %get3A_759, %shift_right_logical3A_764 : vector<16xi32>
      %add3A_766 = vector.broadcast %mul3A_0 : i32 to vector<16xi32>
      %add3A_767 = arith.addi %and3A_762, %add3A_766 : vector<16xi32>
      %swap3A_768 = arith.constant 1 : i32
      %swap3A_769 = arith.index_cast %swap3A_768 : i32 to index
      %swap3A_770 = arith.constant 112 : index
      %swap3A_771 = tpu.vector_load %arg11[%swap3A_769, %swap3A_770] {strides = array<i32>} : memref<2x128xi32, #tpu.memory_space<vmem>>, vector<1x16xi32>,
      %swap3A_772 = vector.shape_cast %swap3A_771 : vector<1x16xi32> to vector<16xi32>
      %swap3A_773 = vector.shape_cast %add3A_767 : vector<16xi32> to vector<1x16xi32>
      tpu.vector_store %arg11[%swap3A_769, %swap3A_770], %swap3A_773 {strides = array<i32>} : memref<2x128xi32, #tpu.memory_space<vmem>>, vector<1x16xi32>,
      %swap3A_774 = arith.constant 1 : i32
      %swap3A_775 = arith.index_cast %swap3A_774 : i32 to index
      %swap3A_776 = arith.constant 112 : index
      %swap3A_777 = tpu.vector_load %arg12[%swap3A_775, %swap3A_776] {strides = array<i32>} : memref<2x128xi32, #tpu.memory_space<vmem>>, vector<1x16xi32>,
      %swap3A_778 = vector.shape_cast %swap3A_777 : vector<1x16xi32> to vector<16xi32>
      %swap3A_779 = vector.shape_cast %shift_right_logical3A_765 : vector<16xi32> to vector<1x16xi32>
      tpu.vector_store %arg12[%swap3A_775, %swap3A_776], %swap3A_779 {strides = array<i32>} : memref<2x128xi32, #tpu.memory_space<vmem>>, vector<1x16xi32>,
      %swap3A_780 = arith.constant 1 : i32
      %swap3A_781 = arith.index_cast %swap3A_780 : i32 to index
      %swap3A_782 = arith.constant 112 : index
      %swap3A_783 = tpu.vector_load %arg13[%swap3A_781, %swap3A_782] {strides = array<i32>} : memref<2x128xi32, #tpu.memory_space<vmem>>, vector<1x16xi32>,
      %swap3A_784 = vector.shape_cast %swap3A_783 : vector<1x16xi32> to vector<16xi32>
      %swap3A_785 = vector.shape_cast %and3A_762 : vector<16xi32> to vector<1x16xi32>
      tpu.vector_store %arg13[%swap3A_781, %swap3A_782], %swap3A_785 {strides = array<i32>} : memref<2x128xi32, #tpu.memory_space<vmem>>, vector<1x16xi32>,
      %dma_start3A_786 = arith.constant 1 : i32
      %dma_start3A_787 = arith.constant 1 : i32
      %dma_start3A_788 = arith.constant 1 : i32
      %dma_start3A_789 = arith.constant 0 : i32
      %dma_start3A_790 = arith.constant 0 : i32
      %dma_start3A_791 = tpu.memref_slice %arg7[%dma_start3A_787, %dma_start3A_789, %dma_start3A_790] : memref<2x128x64xf32, #tpu.memory_space<vmem>> -> memref<1x128x64xf32, #tpu.memory_space<vmem>>
      %dma_start3A_792 = tpu.memref_squeeze %dma_start3A_791 : memref<1x128x64xf32, #tpu.memory_space<vmem>> -> memref<128x64xf32, #tpu.memory_space<vmem>>
      %dma_start3A_793 = arith.constant 0 : i32
      %dma_start3A_794 = tpu.memref_slice %arg11[%dma_start3A_786, %dma_start3A_793] : memref<2x128xi32, #tpu.memory_space<vmem>> -> memref<1x128xi32, #tpu.memory_space<vmem>>
      %dma_start3A_795 = tpu.memref_squeeze %dma_start3A_794 : memref<1x128xi32, #tpu.memory_space<vmem>> -> memref<128xi32, #tpu.memory_space<vmem>>
      %dma_start3A_796 = arith.constant 0 : i32
      %dma_start3A_797 = arith.constant 0 : i32
      %dma_start3A_798 = tpu.memref_slice %arg2[%dma_start3A_796, %dma_start3A_797] : memref<20480x64xf32, #tpu.memory_space<hbm>> -> memref<20480x64xf32, #tpu.memory_space<hbm>>
      %dma_start3A_799 = tpu.memref_slice %arg18[%dma_start3A_788] : memref<2x!tpu.dma_semaphore, #tpu.memory_space<semaphore_mem>> -> memref<1x!tpu.dma_semaphore, #tpu.memory_space<semaphore_mem>>
      %dma_start3A_800 = tpu.memref_squeeze %dma_start3A_799 : memref<1x!tpu.dma_semaphore, #tpu.memory_space<semaphore_mem>> -> memref<!tpu.dma_semaphore, #tpu.memory_space<semaphore_mem>>
      tpu.enqueue_indirect_dma source(%dma_start3A_798 : memref<20480x64xf32, #tpu.memory_space<hbm>>) target(%dma_start3A_792 : memref<128x64xf32, #tpu.memory_space<vmem>>) offsets(%dma_start3A_795 : memref<128xi32, #tpu.memory_space<vmem>>) semaphore(%dma_start3A_800 : memref<!tpu.dma_semaphore, #tpu.memory_space<semaphore_mem>>)
      %dma_start3A_801 = arith.constant 1 : i32
      %dma_start3A_802 = arith.constant 1 : i32
      %dma_start3A_803 = arith.constant 0 : i32
      %dma_start3A_804 = tpu.memref_slice %arg12[%dma_start3A_801, %dma_start3A_803] : memref<2x128xi32, #tpu.memory_space<vmem>> -> memref<1x128xi32, #tpu.memory_space<vmem>>
      %dma_start3A_805 = tpu.memref_squeeze %dma_start3A_804 : memref<1x128xi32, #tpu.memory_space<vmem>> -> memref<128xi32, #tpu.memory_space<vmem>>
      %dma_start3A_806 = arith.constant 0 : i32
      %dma_start3A_807 = tpu.memref_slice %arg16[%dma_start3A_806] : memref<10240xf32, #tpu.memory_space<vmem_shared>> -> memref<10240xf32, #tpu.memory_space<vmem_shared>>
      %dma_start3A_808 = tpu.memref_slice %arg20[%dma_start3A_802] : memref<2x!tpu.dma_semaphore, #tpu.memory_space<semaphore_mem>> -> memref<1x!tpu.dma_semaphore, #tpu.memory_space<semaphore_mem>>
      %dma_start3A_809 = tpu.memref_squeeze %dma_start3A_808 : memref<1x!tpu.dma_semaphore, #tpu.memory_space<semaphore_mem>> -> memref<!tpu.dma_semaphore, #tpu.memory_space<semaphore_mem>>
      tpu.enqueue_indirect_dma source(%arg10 : memref<128xf32, #tpu.memory_space<vmem>>) target(%dma_start3A_807 : memref<10240xf32, #tpu.memory_space<vmem_shared>>) offsets(%dma_start3A_805 : memref<128xi32, #tpu.memory_space<vmem>>) semaphore(%dma_start3A_809 : memref<!tpu.dma_semaphore, #tpu.memory_space<semaphore_mem>>) {add = true}
      %dma_start3A_810 = arith.constant 1 : i32
      %dma_start3A_811 = arith.constant 1 : i32
      %dma_start3A_812 = arith.constant 0 : i32
      %dma_start3A_813 = tpu.memref_slice %arg13[%dma_start3A_810, %dma_start3A_812] : memref<2x128xi32, #tpu.memory_space<vmem>> -> memref<1x128xi32, #tpu.memory_space<vmem>>
      %dma_start3A_814 = tpu.memref_squeeze %dma_start3A_813 : memref<1x128xi32, #tpu.memory_space<vmem>> -> memref<128xi32, #tpu.memory_space<vmem>>
      %dma_start3A_815 = arith.constant 0 : i32
      %dma_start3A_816 = tpu.memref_slice %arg17[%dma_start3A_815] : memref<10240xf32, #tpu.memory_space<vmem_shared>> -> memref<10240xf32, #tpu.memory_space<vmem_shared>>
      %dma_start3A_817 = tpu.memref_slice %arg21[%dma_start3A_811] : memref<2x!tpu.dma_semaphore, #tpu.memory_space<semaphore_mem>> -> memref<1x!tpu.dma_semaphore, #tpu.memory_space<semaphore_mem>>
      %dma_start3A_818 = tpu.memref_squeeze %dma_start3A_817 : memref<1x!tpu.dma_semaphore, #tpu.memory_space<semaphore_mem>> -> memref<!tpu.dma_semaphore, #tpu.memory_space<semaphore_mem>>
      tpu.enqueue_indirect_dma source(%arg10 : memref<128xf32, #tpu.memory_space<vmem>>) target(%dma_start3A_816 : memref<10240xf32, #tpu.memory_space<vmem_shared>>) offsets(%dma_start3A_814 : memref<128xi32, #tpu.memory_space<vmem>>) semaphore(%dma_start3A_818 : memref<!tpu.dma_semaphore, #tpu.memory_space<semaphore_mem>>) {add = true}
      %dma_wait3A = arith.constant 0 : i32
      %dma_wait3A_819 = arith.constant 0 : i32
      %dma_wait3A_820 = arith.constant 0 : i32
      %dma_wait3A_821 = arith.constant 0 : i32
      %dma_wait3A_822 = arith.constant 0 : i32
      %dma_wait3A_823 = tpu.memref_slice %arg7[%dma_wait3A_819, %dma_wait3A_821, %dma_wait3A_822] : memref<2x128x64xf32, #tpu.memory_space<vmem>> -> memref<1x128x64xf32, #tpu.memory_space<vmem>>
      %dma_wait3A_824 = tpu.memref_squeeze %dma_wait3A_823 : memref<1x128x64xf32, #tpu.memory_space<vmem>> -> memref<128x64xf32, #tpu.memory_space<vmem>>
      %dma_wait3A_825 = arith.constant 0 : i32
      %dma_wait3A_826 = tpu.memref_slice %arg11[%dma_wait3A, %dma_wait3A_825] : memref<2x128xi32, #tpu.memory_space<vmem>> -> memref<1x128xi32, #tpu.memory_space<vmem>>
      %dma_wait3A_827 = tpu.memref_squeeze %dma_wait3A_826 : memref<1x128xi32, #tpu.memory_space<vmem>> -> memref<128xi32, #tpu.memory_space<vmem>>
      %dma_wait3A_828 = arith.constant 0 : i32
      %dma_wait3A_829 = arith.constant 0 : i32
      %dma_wait3A_830 = tpu.memref_slice %arg2[%dma_wait3A_828, %dma_wait3A_829] : memref<20480x64xf32, #tpu.memory_space<hbm>> -> memref<20480x64xf32, #tpu.memory_space<hbm>>
      %dma_wait3A_831 = tpu.memref_slice %arg18[%dma_wait3A_820] : memref<2x!tpu.dma_semaphore, #tpu.memory_space<semaphore_mem>> -> memref<1x!tpu.dma_semaphore, #tpu.memory_space<semaphore_mem>>
      %dma_wait3A_832 = tpu.memref_squeeze %dma_wait3A_831 : memref<1x!tpu.dma_semaphore, #tpu.memory_space<semaphore_mem>> -> memref<!tpu.dma_semaphore, #tpu.memory_space<semaphore_mem>>
      tpu.wait_indirect_dma semaphore(%dma_wait3A_832 : memref<!tpu.dma_semaphore, #tpu.memory_space<semaphore_mem>>) src(%dma_wait3A_830 : memref<20480x64xf32, #tpu.memory_space<hbm>>) dst(%dma_wait3A_824 : memref<128x64xf32, #tpu.memory_space<vmem>>)
      %dma_start3A_833 = arith.constant 0 : i32
      %dma_start3A_834 = arith.constant 0 : i32
      %dma_start3A_835 = arith.constant 0 : i32
      %dma_start3A_836 = arith.constant 0 : i32
      %dma_start3A_837 = arith.constant 0 : i32
      %dma_start3A_838 = tpu.memref_slice %arg7[%dma_start3A_833, %dma_start3A_836, %dma_start3A_837] : memref<2x128x64xf32, #tpu.memory_space<vmem>> -> memref<1x128x64xf32, #tpu.memory_space<vmem>>
      %dma_start3A_839 = tpu.memref_squeeze %dma_start3A_838 : memref<1x128x64xf32, #tpu.memory_space<vmem>> -> memref<128x64xf32, #tpu.memory_space<vmem>>
      %dma_start3A_840 = arith.constant 0 : i32
      %dma_start3A_841 = tpu.memref_slice %arg12[%dma_start3A_834, %dma_start3A_840] : memref<2x128xi32, #tpu.memory_space<vmem>> -> memref<1x128xi32, #tpu.memory_space<vmem>>
      %dma_start3A_842 = tpu.memref_squeeze %dma_start3A_841 : memref<1x128xi32, #tpu.memory_space<vmem>> -> memref<128xi32, #tpu.memory_space<vmem>>
      %dma_start3A_843 = arith.constant 0 : i32
      %dma_start3A_844 = arith.constant 0 : i32
      %dma_start3A_845 = tpu.memref_slice %arg14[%dma_start3A_843, %dma_start3A_844] : memref<10240x64xf32, #tpu.memory_space<vmem_shared>> -> memref<10240x64xf32, #tpu.memory_space<vmem_shared>>
      %dma_start3A_846 = tpu.memref_slice %arg19[%dma_start3A_835] : memref<2x!tpu.dma_semaphore, #tpu.memory_space<semaphore_mem>> -> memref<1x!tpu.dma_semaphore, #tpu.memory_space<semaphore_mem>>
      %dma_start3A_847 = tpu.memref_squeeze %dma_start3A_846 : memref<1x!tpu.dma_semaphore, #tpu.memory_space<semaphore_mem>> -> memref<!tpu.dma_semaphore, #tpu.memory_space<semaphore_mem>>
      tpu.enqueue_indirect_dma source(%dma_start3A_839 : memref<128x64xf32, #tpu.memory_space<vmem>>) target(%dma_start3A_845 : memref<10240x64xf32, #tpu.memory_space<vmem_shared>>) offsets(%dma_start3A_842 : memref<128xi32, #tpu.memory_space<vmem>>) semaphore(%dma_start3A_847 : memref<!tpu.dma_semaphore, #tpu.memory_space<semaphore_mem>>) {add = true}
      %dma_wait3A_848 = arith.constant 1 : i32
      %dma_wait3A_849 = arith.constant 1 : i32
      %dma_wait3A_850 = arith.constant 1 : i32
      %dma_wait3A_851 = arith.constant 0 : i32
      %dma_wait3A_852 = arith.constant 0 : i32
      %dma_wait3A_853 = tpu.memref_slice %arg7[%dma_wait3A_849, %dma_wait3A_851, %dma_wait3A_852] : memref<2x128x64xf32, #tpu.memory_space<vmem>> -> memref<1x128x64xf32, #tpu.memory_space<vmem>>
      %dma_wait3A_854 = tpu.memref_squeeze %dma_wait3A_853 : memref<1x128x64xf32, #tpu.memory_space<vmem>> -> memref<128x64xf32, #tpu.memory_space<vmem>>
      %dma_wait3A_855 = arith.constant 0 : i32
      %dma_wait3A_856 = tpu.memref_slice %arg11[%dma_wait3A_848, %dma_wait3A_855] : memref<2x128xi32, #tpu.memory_space<vmem>> -> memref<1x128xi32, #tpu.memory_space<vmem>>
      %dma_wait3A_857 = tpu.memref_squeeze %dma_wait3A_856 : memref<1x128xi32, #tpu.memory_space<vmem>> -> memref<128xi32, #tpu.memory_space<vmem>>
      %dma_wait3A_858 = arith.constant 0 : i32
      %dma_wait3A_859 = arith.constant 0 : i32
      %dma_wait3A_860 = tpu.memref_slice %arg2[%dma_wait3A_858, %dma_wait3A_859] : memref<20480x64xf32, #tpu.memory_space<hbm>> -> memref<20480x64xf32, #tpu.memory_space<hbm>>
      %dma_wait3A_861 = tpu.memref_slice %arg18[%dma_wait3A_850] : memref<2x!tpu.dma_semaphore, #tpu.memory_space<semaphore_mem>> -> memref<1x!tpu.dma_semaphore, #tpu.memory_space<semaphore_mem>>
      %dma_wait3A_862 = tpu.memref_squeeze %dma_wait3A_861 : memref<1x!tpu.dma_semaphore, #tpu.memory_space<semaphore_mem>> -> memref<!tpu.dma_semaphore, #tpu.memory_space<semaphore_mem>>
      tpu.wait_indirect_dma semaphore(%dma_wait3A_862 : memref<!tpu.dma_semaphore, #tpu.memory_space<semaphore_mem>>) src(%dma_wait3A_860 : memref<20480x64xf32, #tpu.memory_space<hbm>>) dst(%dma_wait3A_854 : memref<128x64xf32, #tpu.memory_space<vmem>>)
      %dma_start3A_863 = arith.constant 1 : i32
      %dma_start3A_864 = arith.constant 1 : i32
      %dma_start3A_865 = arith.constant 1 : i32
      %dma_start3A_866 = arith.constant 0 : i32
      %dma_start3A_867 = arith.constant 0 : i32
      %dma_start3A_868 = tpu.memref_slice %arg7[%dma_start3A_863, %dma_start3A_866, %dma_start3A_867] : memref<2x128x64xf32, #tpu.memory_space<vmem>> -> memref<1x128x64xf32, #tpu.memory_space<vmem>>
      %dma_start3A_869 = tpu.memref_squeeze %dma_start3A_868 : memref<1x128x64xf32, #tpu.memory_space<vmem>> -> memref<128x64xf32, #tpu.memory_space<vmem>>
      %dma_start3A_870 = arith.constant 0 : i32
      %dma_start3A_871 = tpu.memref_slice %arg12[%dma_start3A_864, %dma_start3A_870] : memref<2x128xi32, #tpu.memory_space<vmem>> -> memref<1x128xi32, #tpu.memory_space<vmem>>
      %dma_start3A_872 = tpu.memref_squeeze %dma_start3A_871 : memref<1x128xi32, #tpu.memory_space<vmem>> -> memref<128xi32, #tpu.memory_space<vmem>>
      %dma_start3A_873 = arith.constant 0 : i32
      %dma_start3A_874 = arith.constant 0 : i32
      %dma_start3A_875 = tpu.memref_slice %arg14[%dma_start3A_873, %dma_start3A_874] : memref<10240x64xf32, #tpu.memory_space<vmem_shared>> -> memref<10240x64xf32, #tpu.memory_space<vmem_shared>>
      %dma_start3A_876 = tpu.memref_slice %arg19[%dma_start3A_865] : memref<2x!tpu.dma_semaphore, #tpu.memory_space<semaphore_mem>> -> memref<1x!tpu.dma_semaphore, #tpu.memory_space<semaphore_mem>>
      %dma_start3A_877 = tpu.memref_squeeze %dma_start3A_876 : memref<1x!tpu.dma_semaphore, #tpu.memory_space<semaphore_mem>> -> memref<!tpu.dma_semaphore, #tpu.memory_space<semaphore_mem>>
      tpu.enqueue_indirect_dma source(%dma_start3A_869 : memref<128x64xf32, #tpu.memory_space<vmem>>) target(%dma_start3A_875 : memref<10240x64xf32, #tpu.memory_space<vmem_shared>>) offsets(%dma_start3A_872 : memref<128xi32, #tpu.memory_space<vmem>>) semaphore(%dma_start3A_877 : memref<!tpu.dma_semaphore, #tpu.memory_space<semaphore_mem>>) {add = true}
      %dma_wait3A_878 = arith.constant 0 : i32
      %dma_wait3A_879 = arith.constant 0 : i32
      %dma_wait3A_880 = arith.constant 0 : i32
      %dma_wait3A_881 = arith.constant 0 : i32
      %dma_wait3A_882 = arith.constant 0 : i32
      %dma_wait3A_883 = tpu.memref_slice %arg7[%dma_wait3A_878, %dma_wait3A_881, %dma_wait3A_882] : memref<2x128x64xf32, #tpu.memory_space<vmem>> -> memref<1x128x64xf32, #tpu.memory_space<vmem>>
      %dma_wait3A_884 = tpu.memref_squeeze %dma_wait3A_883 : memref<1x128x64xf32, #tpu.memory_space<vmem>> -> memref<128x64xf32, #tpu.memory_space<vmem>>
      %dma_wait3A_885 = arith.constant 0 : i32
      %dma_wait3A_886 = tpu.memref_slice %arg12[%dma_wait3A_879, %dma_wait3A_885] : memref<2x128xi32, #tpu.memory_space<vmem>> -> memref<1x128xi32, #tpu.memory_space<vmem>>
      %dma_wait3A_887 = tpu.memref_squeeze %dma_wait3A_886 : memref<1x128xi32, #tpu.memory_space<vmem>> -> memref<128xi32, #tpu.memory_space<vmem>>
      %dma_wait3A_888 = arith.constant 0 : i32
      %dma_wait3A_889 = arith.constant 0 : i32
      %dma_wait3A_890 = tpu.memref_slice %arg14[%dma_wait3A_888, %dma_wait3A_889] : memref<10240x64xf32, #tpu.memory_space<vmem_shared>> -> memref<10240x64xf32, #tpu.memory_space<vmem_shared>>
      %dma_wait3A_891 = tpu.memref_slice %arg19[%dma_wait3A_880] : memref<2x!tpu.dma_semaphore, #tpu.memory_space<semaphore_mem>> -> memref<1x!tpu.dma_semaphore, #tpu.memory_space<semaphore_mem>>
      %dma_wait3A_892 = tpu.memref_squeeze %dma_wait3A_891 : memref<1x!tpu.dma_semaphore, #tpu.memory_space<semaphore_mem>> -> memref<!tpu.dma_semaphore, #tpu.memory_space<semaphore_mem>>
      tpu.wait_indirect_dma semaphore(%dma_wait3A_892 : memref<!tpu.dma_semaphore, #tpu.memory_space<semaphore_mem>>) src(%dma_wait3A_884 : memref<128x64xf32, #tpu.memory_space<vmem>>) dst(%dma_wait3A_890 : memref<10240x64xf32, #tpu.memory_space<vmem_shared>>)
      %dma_wait3A_893 = arith.constant 0 : i32
      %dma_wait3A_894 = arith.constant 0 : i32
      %dma_wait3A_895 = arith.constant 0 : i32
      %dma_wait3A_896 = tpu.memref_slice %arg12[%dma_wait3A_893, %dma_wait3A_895] : memref<2x128xi32, #tpu.memory_space<vmem>> -> memref<1x128xi32, #tpu.memory_space<vmem>>
      %dma_wait3A_897 = tpu.memref_squeeze %dma_wait3A_896 : memref<1x128xi32, #tpu.memory_space<vmem>> -> memref<128xi32, #tpu.memory_space<vmem>>
      %dma_wait3A_898 = arith.constant 0 : i32
      %dma_wait3A_899 = tpu.memref_slice %arg16[%dma_wait3A_898] : memref<10240xf32, #tpu.memory_space<vmem_shared>> -> memref<10240xf32, #tpu.memory_space<vmem_shared>>
      %dma_wait3A_900 = tpu.memref_slice %arg20[%dma_wait3A_894] : memref<2x!tpu.dma_semaphore, #tpu.memory_space<semaphore_mem>> -> memref<1x!tpu.dma_semaphore, #tpu.memory_space<semaphore_mem>>
      %dma_wait3A_901 = tpu.memref_squeeze %dma_wait3A_900 : memref<1x!tpu.dma_semaphore, #tpu.memory_space<semaphore_mem>> -> memref<!tpu.dma_semaphore, #tpu.memory_space<semaphore_mem>>
      tpu.wait_indirect_dma semaphore(%dma_wait3A_901 : memref<!tpu.dma_semaphore, #tpu.memory_space<semaphore_mem>>) src(%arg10 : memref<128xf32, #tpu.memory_space<vmem>>) dst(%dma_wait3A_899 : memref<10240xf32, #tpu.memory_space<vmem_shared>>)
      %dma_wait3A_902 = arith.constant 0 : i32
      %dma_wait3A_903 = arith.constant 0 : i32
      %dma_wait3A_904 = arith.constant 0 : i32
      %dma_wait3A_905 = tpu.memref_slice %arg13[%dma_wait3A_902, %dma_wait3A_904] : memref<2x128xi32, #tpu.memory_space<vmem>> -> memref<1x128xi32, #tpu.memory_space<vmem>>
      %dma_wait3A_906 = tpu.memref_squeeze %dma_wait3A_905 : memref<1x128xi32, #tpu.memory_space<vmem>> -> memref<128xi32, #tpu.memory_space<vmem>>
      %dma_wait3A_907 = arith.constant 0 : i32
      %dma_wait3A_908 = tpu.memref_slice %arg17[%dma_wait3A_907] : memref<10240xf32, #tpu.memory_space<vmem_shared>> -> memref<10240xf32, #tpu.memory_space<vmem_shared>>
      %dma_wait3A_909 = tpu.memref_slice %arg21[%dma_wait3A_903] : memref<2x!tpu.dma_semaphore, #tpu.memory_space<semaphore_mem>> -> memref<1x!tpu.dma_semaphore, #tpu.memory_space<semaphore_mem>>
      %dma_wait3A_910 = tpu.memref_squeeze %dma_wait3A_909 : memref<1x!tpu.dma_semaphore, #tpu.memory_space<semaphore_mem>> -> memref<!tpu.dma_semaphore, #tpu.memory_space<semaphore_mem>>
      tpu.wait_indirect_dma semaphore(%dma_wait3A_910 : memref<!tpu.dma_semaphore, #tpu.memory_space<semaphore_mem>>) src(%arg10 : memref<128xf32, #tpu.memory_space<vmem>>) dst(%dma_wait3A_908 : memref<10240xf32, #tpu.memory_space<vmem_shared>>)
      %dma_wait3A_911 = arith.constant 1 : i32
      %dma_wait3A_912 = arith.constant 1 : i32
      %dma_wait3A_913 = arith.constant 1 : i32
      %dma_wait3A_914 = arith.constant 0 : i32
      %dma_wait3A_915 = arith.constant 0 : i32
      %dma_wait3A_916 = tpu.memref_slice %arg7[%dma_wait3A_911, %dma_wait3A_914, %dma_wait3A_915] : memref<2x128x64xf32, #tpu.memory_space<vmem>> -> memref<1x128x64xf32, #tpu.memory_space<vmem>>
      %dma_wait3A_917 = tpu.memref_squeeze %dma_wait3A_916 : memref<1x128x64xf32, #tpu.memory_space<vmem>> -> memref<128x64xf32, #tpu.memory_space<vmem>>
      %dma_wait3A_918 = arith.constant 0 : i32
      %dma_wait3A_919 = tpu.memref_slice %arg12[%dma_wait3A_912, %dma_wait3A_918] : memref<2x128xi32, #tpu.memory_space<vmem>> -> memref<1x128xi32, #tpu.memory_space<vmem>>
      %dma_wait3A_920 = tpu.memref_squeeze %dma_wait3A_919 : memref<1x128xi32, #tpu.memory_space<vmem>> -> memref<128xi32, #tpu.memory_space<vmem>>
      %dma_wait3A_921 = arith.constant 0 : i32
      %dma_wait3A_922 = arith.constant 0 : i32
      %dma_wait3A_923 = tpu.memref_slice %arg14[%dma_wait3A_921, %dma_wait3A_922] : memref<10240x64xf32, #tpu.memory_space<vmem_shared>> -> memref<10240x64xf32, #tpu.memory_space<vmem_shared>>
      %dma_wait3A_924 = tpu.memref_slice %arg19[%dma_wait3A_913] : memref<2x!tpu.dma_semaphore, #tpu.memory_space<semaphore_mem>> -> memref<1x!tpu.dma_semaphore, #tpu.memory_space<semaphore_mem>>
      %dma_wait3A_925 = tpu.memref_squeeze %dma_wait3A_924 : memref<1x!tpu.dma_semaphore, #tpu.memory_space<semaphore_mem>> -> memref<!tpu.dma_semaphore, #tpu.memory_space<semaphore_mem>>
      tpu.wait_indirect_dma semaphore(%dma_wait3A_925 : memref<!tpu.dma_semaphore, #tpu.memory_space<semaphore_mem>>) src(%dma_wait3A_917 : memref<128x64xf32, #tpu.memory_space<vmem>>) dst(%dma_wait3A_923 : memref<10240x64xf32, #tpu.memory_space<vmem_shared>>)
      %dma_wait3A_926 = arith.constant 1 : i32
      %dma_wait3A_927 = arith.constant 1 : i32
      %dma_wait3A_928 = arith.constant 0 : i32
      %dma_wait3A_929 = tpu.memref_slice %arg12[%dma_wait3A_926, %dma_wait3A_928] : memref<2x128xi32, #tpu.memory_space<vmem>> -> memref<1x128xi32, #tpu.memory_space<vmem>>
      %dma_wait3A_930 = tpu.memref_squeeze %dma_wait3A_929 : memref<1x128xi32, #tpu.memory_space<vmem>> -> memref<128xi32, #tpu.memory_space<vmem>>
      %dma_wait3A_931 = arith.constant 0 : i32
      %dma_wait3A_932 = tpu.memref_slice %arg16[%dma_wait3A_931] : memref<10240xf32, #tpu.memory_space<vmem_shared>> -> memref<10240xf32, #tpu.memory_space<vmem_shared>>
      %dma_wait3A_933 = tpu.memref_slice %arg20[%dma_wait3A_927] : memref<2x!tpu.dma_semaphore, #tpu.memory_space<semaphore_mem>> -> memref<1x!tpu.dma_semaphore, #tpu.memory_space<semaphore_mem>>
      %dma_wait3A_934 = tpu.memref_squeeze %dma_wait3A_933 : memref<1x!tpu.dma_semaphore, #tpu.memory_space<semaphore_mem>> -> memref<!tpu.dma_semaphore, #tpu.memory_space<semaphore_mem>>
      tpu.wait_indirect_dma semaphore(%dma_wait3A_934 : memref<!tpu.dma_semaphore, #tpu.memory_space<semaphore_mem>>) src(%arg10 : memref<128xf32, #tpu.memory_space<vmem>>) dst(%dma_wait3A_932 : memref<10240xf32, #tpu.memory_space<vmem_shared>>)
      %dma_wait3A_935 = arith.constant 1 : i32
      %dma_wait3A_936 = arith.constant 1 : i32
      %dma_wait3A_937 = arith.constant 0 : i32
      %dma_wait3A_938 = tpu.memref_slice %arg13[%dma_wait3A_935, %dma_wait3A_937] : memref<2x128xi32, #tpu.memory_space<vmem>> -> memref<1x128xi32, #tpu.memory_space<vmem>>
      %dma_wait3A_939 = tpu.memref_squeeze %dma_wait3A_938 : memref<1x128xi32, #tpu.memory_space<vmem>> -> memref<128xi32, #tpu.memory_space<vmem>>
      %dma_wait3A_940 = arith.constant 0 : i32
      %dma_wait3A_941 = tpu.memref_slice %arg17[%dma_wait3A_940] : memref<10240xf32, #tpu.memory_space<vmem_shared>> -> memref<10240xf32, #tpu.memory_space<vmem_shared>>
      %dma_wait3A_942 = tpu.memref_slice %arg21[%dma_wait3A_936] : memref<2x!tpu.dma_semaphore, #tpu.memory_space<semaphore_mem>> -> memref<1x!tpu.dma_semaphore, #tpu.memory_space<semaphore_mem>>
      %dma_wait3A_943 = tpu.memref_squeeze %dma_wait3A_942 : memref<1x!tpu.dma_semaphore, #tpu.memory_space<semaphore_mem>> -> memref<!tpu.dma_semaphore, #tpu.memory_space<semaphore_mem>>
      tpu.wait_indirect_dma semaphore(%dma_wait3A_943 : memref<!tpu.dma_semaphore, #tpu.memory_space<semaphore_mem>>) src(%arg10 : memref<128xf32, #tpu.memory_space<vmem>>) dst(%dma_wait3A_941 : memref<10240xf32, #tpu.memory_space<vmem_shared>>)
    }
    %scan3A_235 = arith.constant 80 : i32
    %barrier3A_236 = arith.constant 0 : index
    tpu.barrier barrier_id(%barrier3A_236)
    %mul3A_237 = arith.constant 640 : i32
    %mul3A_238 = arith.muli %arg1, %mul3A_237 : i32
    "tpu.region"() ({
      %run_scoped3A = tpu.sem_alloc : memref<!tpu.dma_semaphore, #tpu.memory_space<semaphore_mem>>
      %dma_start3A = tpu.memref_slice %arg16[%mul3A_238] : memref<10240xf32, #tpu.memory_space<vmem_shared>> -> memref<640xf32, #tpu.memory_space<vmem_shared>>
      %dma_start3A_268 = tpu.memref_slice %arg16[%mul3A_238] : memref<10240xf32, #tpu.memory_space<vmem_shared>> -> memref<640xf32, #tpu.memory_space<vmem_shared>>
      tpu.enqueue_dma source(%dma_start3A_268 : memref<640xf32, #tpu.memory_space<vmem_shared>>) target(%arg9 : memref<640xf32, #tpu.memory_space<vmem>>) target_semaphore(%run_scoped3A : memref<!tpu.dma_semaphore, #tpu.memory_space<semaphore_mem>>)
      %dma_wait3A = tpu.memref_slice %arg16[%mul3A_238] : memref<10240xf32, #tpu.memory_space<vmem_shared>> -> memref<640xf32, #tpu.memory_space<vmem_shared>>
      %dma_wait3A_269 = tpu.memref_slice %arg16[%mul3A_238] : memref<10240xf32, #tpu.memory_space<vmem_shared>> -> memref<640xf32, #tpu.memory_space<vmem_shared>>
      tpu.wait_dma2 semaphore(%run_scoped3A : memref<!tpu.dma_semaphore, #tpu.memory_space<semaphore_mem>>) src(%dma_wait3A_269 : memref<640xf32, #tpu.memory_space<vmem_shared>>) dst(%arg9 : memref<640xf32, #tpu.memory_space<vmem>>)
      tpu.yield
    }) : () -> ()
    %scan3A_239 = arith.constant 0 : i32
    %scan3A_240 = arith.constant 0 : i32
    %scan3A_241 = arith.constant 40 : i32
    %scan3A_242 = arith.addi %scan3A_240, %scan3A_241 : i32
    %scan3A_243 = arith.constant 1 : i32
    scf.for %scan3A_268 = %scan3A_240 to %scan3A_242 step %scan3A_243  : i32 {
      %mul3A_269 = arith.constant 16 : i32
      %mul3A_270 = arith.muli %scan3A_268, %mul3A_269 : i32
      %get3A = arith.index_cast %mul3A_270 : i32 to index
      %get3A_271 = tpu.vector_load %arg9[%get3A] {strides = array<i32>} : memref<640xf32, #tpu.memory_space<vmem>>, vector<16xf32>,
      %get3A_272 = vector.shape_cast %get3A_271 : vector<16xf32> to vector<16xf32>
      %gt3A = arith.constant 0.000000e+00 : f32
      %gt3A_273 = vector.broadcast %gt3A : f32 to vector<16xf32>
      %gt3A_274 = arith.cmpf ogt, %get3A_272, %gt3A_273 : vector<16xf32>
      %div3A = arith.constant 1.000000e+00 : f32
      %div3A_275 = vector.broadcast %div3A : f32 to vector<16xf32>
      %div3A_276 = arith.divf %div3A_275, %get3A_272 : vector<16xf32>
      %jit3A = arith.constant 0.000000e+00 : f32
      %broadcast_in_dim3A_277 = vector.broadcast %jit3A : f32 to vector<16xf32>
      %select_n3A = arith.select %gt3A_274, %div3A_276, %broadcast_in_dim3A_277 : vector<16xi1>, vector<16xf32>
      %mul3A_278 = arith.constant 16 : i32
      %mul3A_279 = arith.muli %scan3A_268, %mul3A_278 : i32
      %swap3A_280 = arith.index_cast %mul3A_279 : i32 to index
      %swap3A_281 = tpu.vector_load %arg9[%swap3A_280] {strides = array<i32>} : memref<640xf32, #tpu.memory_space<vmem>>, vector<16xf32>,
      %swap3A_282 = vector.shape_cast %swap3A_281 : vector<16xf32> to vector<16xf32>
      %swap3A_283 = vector.shape_cast %select_n3A : vector<16xf32> to vector<16xf32>
      tpu.vector_store %arg9[%swap3A_280], %swap3A_283 {strides = array<i32>} : memref<640xf32, #tpu.memory_space<vmem>>, vector<16xf32>,
    }
    %scan3A_244 = arith.constant 40 : i32
    %scan3A_245 = arith.constant 0 : i32
    %scan3A_246 = arith.constant 0 : i32
    %scan3A_247 = arith.constant 10 : i32
    %scan3A_248 = arith.addi %scan3A_246, %scan3A_247 : i32
    %scan3A_249 = arith.constant 1 : i32
    scf.for %scan3A_268 = %scan3A_246 to %scan3A_248 step %scan3A_249  : i32 {
      %mul3A_269 = arith.constant 640 : i32
      %mul3A_270 = arith.muli %arg1, %mul3A_269 : i32
      %mul3A_271 = arith.constant 64 : i32
      %mul3A_272 = arith.muli %scan3A_268, %mul3A_271 : i32
      %add3A_273 = arith.addi %mul3A_270, %mul3A_272 : i32
      "tpu.region"() ({
        %run_scoped3A = tpu.sem_alloc : memref<!tpu.dma_semaphore, #tpu.memory_space<semaphore_mem>>
        %dma_start3A = arith.constant 0 : i32
        %dma_start3A_280 = tpu.memref_slice %arg14[%add3A_273, %dma_start3A] : memref<10240x64xf32, #tpu.memory_space<vmem_shared>> -> memref<64x64xf32, #tpu.memory_space<vmem_shared>>
        %dma_start3A_281 = arith.constant 0 : i32
        %dma_start3A_282 = tpu.memref_slice %arg14[%add3A_273, %dma_start3A_281] : memref<10240x64xf32, #tpu.memory_space<vmem_shared>> -> memref<64x64xf32, #tpu.memory_space<vmem_shared>>
        tpu.enqueue_dma source(%dma_start3A_282 : memref<64x64xf32, #tpu.memory_space<vmem_shared>>) target(%arg8 : memref<64x64xf32, #tpu.memory_space<vmem>>) target_semaphore(%run_scoped3A : memref<!tpu.dma_semaphore, #tpu.memory_space<semaphore_mem>>)
        %dma_wait3A = arith.constant 0 : i32
        %dma_wait3A_283 = tpu.memref_slice %arg14[%add3A_273, %dma_wait3A] : memref<10240x64xf32, #tpu.memory_space<vmem_shared>> -> memref<64x64xf32, #tpu.memory_space<vmem_shared>>
        %dma_wait3A_284 = arith.constant 0 : i32
        %dma_wait3A_285 = tpu.memref_slice %arg14[%add3A_273, %dma_wait3A_284] : memref<10240x64xf32, #tpu.memory_space<vmem_shared>> -> memref<64x64xf32, #tpu.memory_space<vmem_shared>>
        tpu.wait_dma2 semaphore(%run_scoped3A : memref<!tpu.dma_semaphore, #tpu.memory_space<semaphore_mem>>) src(%dma_wait3A_285 : memref<64x64xf32, #tpu.memory_space<vmem_shared>>) dst(%arg8 : memref<64x64xf32, #tpu.memory_space<vmem>>)
        tpu.yield
      }) : () -> ()
      %scan3A_274 = arith.constant 0 : i32
      %scan3A_275 = arith.constant 0 : i32
      %scan3A_276 = arith.constant 4 : i32
      %scan3A_277 = arith.addi %scan3A_275, %scan3A_276 : i32
      %scan3A_278 = arith.constant 1 : i32
      scf.for %scan3A_280 = %scan3A_275 to %scan3A_277 step %scan3A_278  : i32 {
        %mul3A_281 = arith.constant 64 : i32
        %mul3A_282 = arith.muli %scan3A_268, %mul3A_281 : i32
        %mul3A_283 = arith.constant 16 : i32
        %mul3A_284 = arith.muli %scan3A_280, %mul3A_283 : i32
        %add3A_285 = arith.addi %mul3A_282, %mul3A_284 : i32
        %get3A = arith.index_cast %add3A_285 : i32 to index
        %get3A_286 = tpu.vector_load %arg9[%get3A] {strides = array<i32>} : memref<640xf32, #tpu.memory_space<vmem>>, vector<16xf32>,
        %get3A_287 = vector.shape_cast %get3A_286 : vector<16xf32> to vector<16xf32>
        %mul3A_288 = arith.constant 16 : i32
        %mul3A_289 = arith.muli %scan3A_280, %mul3A_288 : i32
        %add3A_290 = arith.constant 0 : i32
        %add3A_291 = arith.addi %mul3A_289, %add3A_290 : i32
        %slice3A = vector.extract_strided_slice %get3A_287 {offsets = [0], sizes = [1], strides = [1]} : vector<16xf32> to vector<1xf32>
        %squeeze3A = vector.extract %slice3A[0] : f32 from vector<1xf32>
        %get3A_292 = arith.index_cast %add3A_291 : i32 to index
        %get3A_293 = arith.constant 0 : index
        %get3A_294 = tpu.vector_load %arg8[%get3A_292, %get3A_293] {strides = array<i32>} : memref<64x64xf32, #tpu.memory_space<vmem>>, vector<1x16xf32>,
        %get3A_295 = vector.shape_cast %get3A_294 : vector<1x16xf32> to vector<16xf32>
        %mul3A_296 = vector.broadcast %squeeze3A : f32 to vector<16xf32>
        %mul3A_297 = arith.mulf %get3A_295, %mul3A_296 : vector<16xf32>
        %swap3A_298 = arith.index_cast %add3A_291 : i32 to index
        %swap3A_299 = arith.constant 0 : index
        %swap3A_300 = tpu.vector_load %arg8[%swap3A_298, %swap3A_299] {strides = array<i32>} : memref<64x64xf32, #tpu.memory_space<vmem>>, vector<1x16xf32>,
        %swap3A_301 = vector.shape_cast %swap3A_300 : vector<1x16xf32> to vector<16xf32>
        %swap3A_302 = vector.shape_cast %mul3A_297 : vector<16xf32> to vector<1x16xf32>
        tpu.vector_store %arg8[%swap3A_298, %swap3A_299], %swap3A_302 {strides = array<i32>} : memref<64x64xf32, #tpu.memory_space<vmem>>, vector<1x16xf32>,
        %get3A_303 = arith.index_cast %add3A_291 : i32 to index
        %get3A_304 = arith.constant 16 : index
        %get3A_305 = tpu.vector_load %arg8[%get3A_303, %get3A_304] {strides = array<i32>} : memref<64x64xf32, #tpu.memory_space<vmem>>, vector<1x16xf32>,
        %get3A_306 = vector.shape_cast %get3A_305 : vector<1x16xf32> to vector<16xf32>
        %mul3A_307 = vector.broadcast %squeeze3A : f32 to vector<16xf32>
        %mul3A_308 = arith.mulf %get3A_306, %mul3A_307 : vector<16xf32>
        %swap3A_309 = arith.index_cast %add3A_291 : i32 to index
        %swap3A_310 = arith.constant 16 : index
        %swap3A_311 = tpu.vector_load %arg8[%swap3A_309, %swap3A_310] {strides = array<i32>} : memref<64x64xf32, #tpu.memory_space<vmem>>, vector<1x16xf32>,
        %swap3A_312 = vector.shape_cast %swap3A_311 : vector<1x16xf32> to vector<16xf32>
        %swap3A_313 = vector.shape_cast %mul3A_308 : vector<16xf32> to vector<1x16xf32>
        tpu.vector_store %arg8[%swap3A_309, %swap3A_310], %swap3A_313 {strides = array<i32>} : memref<64x64xf32, #tpu.memory_space<vmem>>, vector<1x16xf32>,
        %get3A_314 = arith.index_cast %add3A_291 : i32 to index
        %get3A_315 = arith.constant 32 : index
        %get3A_316 = tpu.vector_load %arg8[%get3A_314, %get3A_315] {strides = array<i32>} : memref<64x64xf32, #tpu.memory_space<vmem>>, vector<1x16xf32>,
        %get3A_317 = vector.shape_cast %get3A_316 : vector<1x16xf32> to vector<16xf32>
        %mul3A_318 = vector.broadcast %squeeze3A : f32 to vector<16xf32>
        %mul3A_319 = arith.mulf %get3A_317, %mul3A_318 : vector<16xf32>
        %swap3A_320 = arith.index_cast %add3A_291 : i32 to index
        %swap3A_321 = arith.constant 32 : index
        %swap3A_322 = tpu.vector_load %arg8[%swap3A_320, %swap3A_321] {strides = array<i32>} : memref<64x64xf32, #tpu.memory_space<vmem>>, vector<1x16xf32>,
        %swap3A_323 = vector.shape_cast %swap3A_322 : vector<1x16xf32> to vector<16xf32>
        %swap3A_324 = vector.shape_cast %mul3A_319 : vector<16xf32> to vector<1x16xf32>
        tpu.vector_store %arg8[%swap3A_320, %swap3A_321], %swap3A_324 {strides = array<i32>} : memref<64x64xf32, #tpu.memory_space<vmem>>, vector<1x16xf32>,
        %get3A_325 = arith.index_cast %add3A_291 : i32 to index
        %get3A_326 = arith.constant 48 : index
        %get3A_327 = tpu.vector_load %arg8[%get3A_325, %get3A_326] {strides = array<i32>} : memref<64x64xf32, #tpu.memory_space<vmem>>, vector<1x16xf32>,
        %get3A_328 = vector.shape_cast %get3A_327 : vector<1x16xf32> to vector<16xf32>
        %mul3A_329 = vector.broadcast %squeeze3A : f32 to vector<16xf32>
        %mul3A_330 = arith.mulf %get3A_328, %mul3A_329 : vector<16xf32>
        %swap3A_331 = arith.index_cast %add3A_291 : i32 to index
        %swap3A_332 = arith.constant 48 : index
        %swap3A_333 = tpu.vector_load %arg8[%swap3A_331, %swap3A_332] {strides = array<i32>} : memref<64x64xf32, #tpu.memory_space<vmem>>, vector<1x16xf32>,
        %swap3A_334 = vector.shape_cast %swap3A_333 : vector<1x16xf32> to vector<16xf32>
        %swap3A_335 = vector.shape_cast %mul3A_330 : vector<16xf32> to vector<1x16xf32>
        tpu.vector_store %arg8[%swap3A_331, %swap3A_332], %swap3A_335 {strides = array<i32>} : memref<64x64xf32, #tpu.memory_space<vmem>>, vector<1x16xf32>,
        %mul3A_336 = arith.constant 16 : i32
        %mul3A_337 = arith.muli %scan3A_280, %mul3A_336 : i32
        %add3A_338 = arith.constant 1 : i32
        %add3A_339 = arith.addi %mul3A_337, %add3A_338 : i32
        %slice3A_340 = vector.extract_strided_slice %get3A_287 {offsets = [1], sizes = [1], strides = [1]} : vector<16xf32> to vector<1xf32>
        %squeeze3A_341 = vector.extract %slice3A_340[0] : f32 from vector<1xf32>
        %get3A_342 = arith.index_cast %add3A_339 : i32 to index
        %get3A_343 = arith.constant 0 : index
        %get3A_344 = tpu.vector_load %arg8[%get3A_342, %get3A_343] {strides = array<i32>} : memref<64x64xf32, #tpu.memory_space<vmem>>, vector<1x16xf32>,
        %get3A_345 = vector.shape_cast %get3A_344 : vector<1x16xf32> to vector<16xf32>
        %mul3A_346 = vector.broadcast %squeeze3A_341 : f32 to vector<16xf32>
        %mul3A_347 = arith.mulf %get3A_345, %mul3A_346 : vector<16xf32>
        %swap3A_348 = arith.index_cast %add3A_339 : i32 to index
        %swap3A_349 = arith.constant 0 : index
        %swap3A_350 = tpu.vector_load %arg8[%swap3A_348, %swap3A_349] {strides = array<i32>} : memref<64x64xf32, #tpu.memory_space<vmem>>, vector<1x16xf32>,
        %swap3A_351 = vector.shape_cast %swap3A_350 : vector<1x16xf32> to vector<16xf32>
        %swap3A_352 = vector.shape_cast %mul3A_347 : vector<16xf32> to vector<1x16xf32>
        tpu.vector_store %arg8[%swap3A_348, %swap3A_349], %swap3A_352 {strides = array<i32>} : memref<64x64xf32, #tpu.memory_space<vmem>>, vector<1x16xf32>,
        %get3A_353 = arith.index_cast %add3A_339 : i32 to index
        %get3A_354 = arith.constant 16 : index
        %get3A_355 = tpu.vector_load %arg8[%get3A_353, %get3A_354] {strides = array<i32>} : memref<64x64xf32, #tpu.memory_space<vmem>>, vector<1x16xf32>,
        %get3A_356 = vector.shape_cast %get3A_355 : vector<1x16xf32> to vector<16xf32>
        %mul3A_357 = vector.broadcast %squeeze3A_341 : f32 to vector<16xf32>
        %mul3A_358 = arith.mulf %get3A_356, %mul3A_357 : vector<16xf32>
        %swap3A_359 = arith.index_cast %add3A_339 : i32 to index
        %swap3A_360 = arith.constant 16 : index
        %swap3A_361 = tpu.vector_load %arg8[%swap3A_359, %swap3A_360] {strides = array<i32>} : memref<64x64xf32, #tpu.memory_space<vmem>>, vector<1x16xf32>,
        %swap3A_362 = vector.shape_cast %swap3A_361 : vector<1x16xf32> to vector<16xf32>
        %swap3A_363 = vector.shape_cast %mul3A_358 : vector<16xf32> to vector<1x16xf32>
        tpu.vector_store %arg8[%swap3A_359, %swap3A_360], %swap3A_363 {strides = array<i32>} : memref<64x64xf32, #tpu.memory_space<vmem>>, vector<1x16xf32>,
        %get3A_364 = arith.index_cast %add3A_339 : i32 to index
        %get3A_365 = arith.constant 32 : index
        %get3A_366 = tpu.vector_load %arg8[%get3A_364, %get3A_365] {strides = array<i32>} : memref<64x64xf32, #tpu.memory_space<vmem>>, vector<1x16xf32>,
        %get3A_367 = vector.shape_cast %get3A_366 : vector<1x16xf32> to vector<16xf32>
        %mul3A_368 = vector.broadcast %squeeze3A_341 : f32 to vector<16xf32>
        %mul3A_369 = arith.mulf %get3A_367, %mul3A_368 : vector<16xf32>
        %swap3A_370 = arith.index_cast %add3A_339 : i32 to index
        %swap3A_371 = arith.constant 32 : index
        %swap3A_372 = tpu.vector_load %arg8[%swap3A_370, %swap3A_371] {strides = array<i32>} : memref<64x64xf32, #tpu.memory_space<vmem>>, vector<1x16xf32>,
        %swap3A_373 = vector.shape_cast %swap3A_372 : vector<1x16xf32> to vector<16xf32>
        %swap3A_374 = vector.shape_cast %mul3A_369 : vector<16xf32> to vector<1x16xf32>
        tpu.vector_store %arg8[%swap3A_370, %swap3A_371], %swap3A_374 {strides = array<i32>} : memref<64x64xf32, #tpu.memory_space<vmem>>, vector<1x16xf32>,
        %get3A_375 = arith.index_cast %add3A_339 : i32 to index
        %get3A_376 = arith.constant 48 : index
        %get3A_377 = tpu.vector_load %arg8[%get3A_375, %get3A_376] {strides = array<i32>} : memref<64x64xf32, #tpu.memory_space<vmem>>, vector<1x16xf32>,
        %get3A_378 = vector.shape_cast %get3A_377 : vector<1x16xf32> to vector<16xf32>
        %mul3A_379 = vector.broadcast %squeeze3A_341 : f32 to vector<16xf32>
        %mul3A_380 = arith.mulf %get3A_378, %mul3A_379 : vector<16xf32>
        %swap3A_381 = arith.index_cast %add3A_339 : i32 to index
        %swap3A_382 = arith.constant 48 : index
        %swap3A_383 = tpu.vector_load %arg8[%swap3A_381, %swap3A_382] {strides = array<i32>} : memref<64x64xf32, #tpu.memory_space<vmem>>, vector<1x16xf32>,
        %swap3A_384 = vector.shape_cast %swap3A_383 : vector<1x16xf32> to vector<16xf32>
        %swap3A_385 = vector.shape_cast %mul3A_380 : vector<16xf32> to vector<1x16xf32>
        tpu.vector_store %arg8[%swap3A_381, %swap3A_382], %swap3A_385 {strides = array<i32>} : memref<64x64xf32, #tpu.memory_space<vmem>>, vector<1x16xf32>,
        %mul3A_386 = arith.constant 16 : i32
        %mul3A_387 = arith.muli %scan3A_280, %mul3A_386 : i32
        %add3A_388 = arith.constant 2 : i32
        %add3A_389 = arith.addi %mul3A_387, %add3A_388 : i32
        %slice3A_390 = vector.extract_strided_slice %get3A_287 {offsets = [2], sizes = [1], strides = [1]} : vector<16xf32> to vector<1xf32>
        %squeeze3A_391 = vector.extract %slice3A_390[0] : f32 from vector<1xf32>
        %get3A_392 = arith.index_cast %add3A_389 : i32 to index
        %get3A_393 = arith.constant 0 : index
        %get3A_394 = tpu.vector_load %arg8[%get3A_392, %get3A_393] {strides = array<i32>} : memref<64x64xf32, #tpu.memory_space<vmem>>, vector<1x16xf32>,
        %get3A_395 = vector.shape_cast %get3A_394 : vector<1x16xf32> to vector<16xf32>
        %mul3A_396 = vector.broadcast %squeeze3A_391 : f32 to vector<16xf32>
        %mul3A_397 = arith.mulf %get3A_395, %mul3A_396 : vector<16xf32>
        %swap3A_398 = arith.index_cast %add3A_389 : i32 to index
        %swap3A_399 = arith.constant 0 : index
        %swap3A_400 = tpu.vector_load %arg8[%swap3A_398, %swap3A_399] {strides = array<i32>} : memref<64x64xf32, #tpu.memory_space<vmem>>, vector<1x16xf32>,
        %swap3A_401 = vector.shape_cast %swap3A_400 : vector<1x16xf32> to vector<16xf32>
        %swap3A_402 = vector.shape_cast %mul3A_397 : vector<16xf32> to vector<1x16xf32>
        tpu.vector_store %arg8[%swap3A_398, %swap3A_399], %swap3A_402 {strides = array<i32>} : memref<64x64xf32, #tpu.memory_space<vmem>>, vector<1x16xf32>,
        %get3A_403 = arith.index_cast %add3A_389 : i32 to index
        %get3A_404 = arith.constant 16 : index
        %get3A_405 = tpu.vector_load %arg8[%get3A_403, %get3A_404] {strides = array<i32>} : memref<64x64xf32, #tpu.memory_space<vmem>>, vector<1x16xf32>,
        %get3A_406 = vector.shape_cast %get3A_405 : vector<1x16xf32> to vector<16xf32>
        %mul3A_407 = vector.broadcast %squeeze3A_391 : f32 to vector<16xf32>
        %mul3A_408 = arith.mulf %get3A_406, %mul3A_407 : vector<16xf32>
        %swap3A_409 = arith.index_cast %add3A_389 : i32 to index
        %swap3A_410 = arith.constant 16 : index
        %swap3A_411 = tpu.vector_load %arg8[%swap3A_409, %swap3A_410] {strides = array<i32>} : memref<64x64xf32, #tpu.memory_space<vmem>>, vector<1x16xf32>,
        %swap3A_412 = vector.shape_cast %swap3A_411 : vector<1x16xf32> to vector<16xf32>
        %swap3A_413 = vector.shape_cast %mul3A_408 : vector<16xf32> to vector<1x16xf32>
        tpu.vector_store %arg8[%swap3A_409, %swap3A_410], %swap3A_413 {strides = array<i32>} : memref<64x64xf32, #tpu.memory_space<vmem>>, vector<1x16xf32>,
        %get3A_414 = arith.index_cast %add3A_389 : i32 to index
        %get3A_415 = arith.constant 32 : index
        %get3A_416 = tpu.vector_load %arg8[%get3A_414, %get3A_415] {strides = array<i32>} : memref<64x64xf32, #tpu.memory_space<vmem>>, vector<1x16xf32>,
        %get3A_417 = vector.shape_cast %get3A_416 : vector<1x16xf32> to vector<16xf32>
        %mul3A_418 = vector.broadcast %squeeze3A_391 : f32 to vector<16xf32>
        %mul3A_419 = arith.mulf %get3A_417, %mul3A_418 : vector<16xf32>
        %swap3A_420 = arith.index_cast %add3A_389 : i32 to index
        %swap3A_421 = arith.constant 32 : index
        %swap3A_422 = tpu.vector_load %arg8[%swap3A_420, %swap3A_421] {strides = array<i32>} : memref<64x64xf32, #tpu.memory_space<vmem>>, vector<1x16xf32>,
        %swap3A_423 = vector.shape_cast %swap3A_422 : vector<1x16xf32> to vector<16xf32>
        %swap3A_424 = vector.shape_cast %mul3A_419 : vector<16xf32> to vector<1x16xf32>
        tpu.vector_store %arg8[%swap3A_420, %swap3A_421], %swap3A_424 {strides = array<i32>} : memref<64x64xf32, #tpu.memory_space<vmem>>, vector<1x16xf32>,
        %get3A_425 = arith.index_cast %add3A_389 : i32 to index
        %get3A_426 = arith.constant 48 : index
        %get3A_427 = tpu.vector_load %arg8[%get3A_425, %get3A_426] {strides = array<i32>} : memref<64x64xf32, #tpu.memory_space<vmem>>, vector<1x16xf32>,
        %get3A_428 = vector.shape_cast %get3A_427 : vector<1x16xf32> to vector<16xf32>
        %mul3A_429 = vector.broadcast %squeeze3A_391 : f32 to vector<16xf32>
        %mul3A_430 = arith.mulf %get3A_428, %mul3A_429 : vector<16xf32>
        %swap3A_431 = arith.index_cast %add3A_389 : i32 to index
        %swap3A_432 = arith.constant 48 : index
        %swap3A_433 = tpu.vector_load %arg8[%swap3A_431, %swap3A_432] {strides = array<i32>} : memref<64x64xf32, #tpu.memory_space<vmem>>, vector<1x16xf32>,
        %swap3A_434 = vector.shape_cast %swap3A_433 : vector<1x16xf32> to vector<16xf32>
        %swap3A_435 = vector.shape_cast %mul3A_430 : vector<16xf32> to vector<1x16xf32>
        tpu.vector_store %arg8[%swap3A_431, %swap3A_432], %swap3A_435 {strides = array<i32>} : memref<64x64xf32, #tpu.memory_space<vmem>>, vector<1x16xf32>,
        %mul3A_436 = arith.constant 16 : i32
        %mul3A_437 = arith.muli %scan3A_280, %mul3A_436 : i32
        %add3A_438 = arith.constant 3 : i32
        %add3A_439 = arith.addi %mul3A_437, %add3A_438 : i32
        %slice3A_440 = vector.extract_strided_slice %get3A_287 {offsets = [3], sizes = [1], strides = [1]} : vector<16xf32> to vector<1xf32>
        %squeeze3A_441 = vector.extract %slice3A_440[0] : f32 from vector<1xf32>
        %get3A_442 = arith.index_cast %add3A_439 : i32 to index
        %get3A_443 = arith.constant 0 : index
        %get3A_444 = tpu.vector_load %arg8[%get3A_442, %get3A_443] {strides = array<i32>} : memref<64x64xf32, #tpu.memory_space<vmem>>, vector<1x16xf32>,
        %get3A_445 = vector.shape_cast %get3A_444 : vector<1x16xf32> to vector<16xf32>
        %mul3A_446 = vector.broadcast %squeeze3A_441 : f32 to vector<16xf32>
        %mul3A_447 = arith.mulf %get3A_445, %mul3A_446 : vector<16xf32>
        %swap3A_448 = arith.index_cast %add3A_439 : i32 to index
        %swap3A_449 = arith.constant 0 : index
        %swap3A_450 = tpu.vector_load %arg8[%swap3A_448, %swap3A_449] {strides = array<i32>} : memref<64x64xf32, #tpu.memory_space<vmem>>, vector<1x16xf32>,
        %swap3A_451 = vector.shape_cast %swap3A_450 : vector<1x16xf32> to vector<16xf32>
        %swap3A_452 = vector.shape_cast %mul3A_447 : vector<16xf32> to vector<1x16xf32>
        tpu.vector_store %arg8[%swap3A_448, %swap3A_449], %swap3A_452 {strides = array<i32>} : memref<64x64xf32, #tpu.memory_space<vmem>>, vector<1x16xf32>,
        %get3A_453 = arith.index_cast %add3A_439 : i32 to index
        %get3A_454 = arith.constant 16 : index
        %get3A_455 = tpu.vector_load %arg8[%get3A_453, %get3A_454] {strides = array<i32>} : memref<64x64xf32, #tpu.memory_space<vmem>>, vector<1x16xf32>,
        %get3A_456 = vector.shape_cast %get3A_455 : vector<1x16xf32> to vector<16xf32>
        %mul3A_457 = vector.broadcast %squeeze3A_441 : f32 to vector<16xf32>
        %mul3A_458 = arith.mulf %get3A_456, %mul3A_457 : vector<16xf32>
        %swap3A_459 = arith.index_cast %add3A_439 : i32 to index
        %swap3A_460 = arith.constant 16 : index
        %swap3A_461 = tpu.vector_load %arg8[%swap3A_459, %swap3A_460] {strides = array<i32>} : memref<64x64xf32, #tpu.memory_space<vmem>>, vector<1x16xf32>,
        %swap3A_462 = vector.shape_cast %swap3A_461 : vector<1x16xf32> to vector<16xf32>
        %swap3A_463 = vector.shape_cast %mul3A_458 : vector<16xf32> to vector<1x16xf32>
        tpu.vector_store %arg8[%swap3A_459, %swap3A_460], %swap3A_463 {strides = array<i32>} : memref<64x64xf32, #tpu.memory_space<vmem>>, vector<1x16xf32>,
        %get3A_464 = arith.index_cast %add3A_439 : i32 to index
        %get3A_465 = arith.constant 32 : index
        %get3A_466 = tpu.vector_load %arg8[%get3A_464, %get3A_465] {strides = array<i32>} : memref<64x64xf32, #tpu.memory_space<vmem>>, vector<1x16xf32>,
        %get3A_467 = vector.shape_cast %get3A_466 : vector<1x16xf32> to vector<16xf32>
        %mul3A_468 = vector.broadcast %squeeze3A_441 : f32 to vector<16xf32>
        %mul3A_469 = arith.mulf %get3A_467, %mul3A_468 : vector<16xf32>
        %swap3A_470 = arith.index_cast %add3A_439 : i32 to index
        %swap3A_471 = arith.constant 32 : index
        %swap3A_472 = tpu.vector_load %arg8[%swap3A_470, %swap3A_471] {strides = array<i32>} : memref<64x64xf32, #tpu.memory_space<vmem>>, vector<1x16xf32>,
        %swap3A_473 = vector.shape_cast %swap3A_472 : vector<1x16xf32> to vector<16xf32>
        %swap3A_474 = vector.shape_cast %mul3A_469 : vector<16xf32> to vector<1x16xf32>
        tpu.vector_store %arg8[%swap3A_470, %swap3A_471], %swap3A_474 {strides = array<i32>} : memref<64x64xf32, #tpu.memory_space<vmem>>, vector<1x16xf32>,
        %get3A_475 = arith.index_cast %add3A_439 : i32 to index
        %get3A_476 = arith.constant 48 : index
        %get3A_477 = tpu.vector_load %arg8[%get3A_475, %get3A_476] {strides = array<i32>} : memref<64x64xf32, #tpu.memory_space<vmem>>, vector<1x16xf32>,
        %get3A_478 = vector.shape_cast %get3A_477 : vector<1x16xf32> to vector<16xf32>
        %mul3A_479 = vector.broadcast %squeeze3A_441 : f32 to vector<16xf32>
        %mul3A_480 = arith.mulf %get3A_478, %mul3A_479 : vector<16xf32>
        %swap3A_481 = arith.index_cast %add3A_439 : i32 to index
        %swap3A_482 = arith.constant 48 : index
        %swap3A_483 = tpu.vector_load %arg8[%swap3A_481, %swap3A_482] {strides = array<i32>} : memref<64x64xf32, #tpu.memory_space<vmem>>, vector<1x16xf32>,
        %swap3A_484 = vector.shape_cast %swap3A_483 : vector<1x16xf32> to vector<16xf32>
        %swap3A_485 = vector.shape_cast %mul3A_480 : vector<16xf32> to vector<1x16xf32>
        tpu.vector_store %arg8[%swap3A_481, %swap3A_482], %swap3A_485 {strides = array<i32>} : memref<64x64xf32, #tpu.memory_space<vmem>>, vector<1x16xf32>,
        %mul3A_486 = arith.constant 16 : i32
        %mul3A_487 = arith.muli %scan3A_280, %mul3A_486 : i32
        %add3A_488 = arith.constant 4 : i32
        %add3A_489 = arith.addi %mul3A_487, %add3A_488 : i32
        %slice3A_490 = vector.extract_strided_slice %get3A_287 {offsets = [4], sizes = [1], strides = [1]} : vector<16xf32> to vector<1xf32>
        %squeeze3A_491 = vector.extract %slice3A_490[0] : f32 from vector<1xf32>
        %get3A_492 = arith.index_cast %add3A_489 : i32 to index
        %get3A_493 = arith.constant 0 : index
        %get3A_494 = tpu.vector_load %arg8[%get3A_492, %get3A_493] {strides = array<i32>} : memref<64x64xf32, #tpu.memory_space<vmem>>, vector<1x16xf32>,
        %get3A_495 = vector.shape_cast %get3A_494 : vector<1x16xf32> to vector<16xf32>
        %mul3A_496 = vector.broadcast %squeeze3A_491 : f32 to vector<16xf32>
        %mul3A_497 = arith.mulf %get3A_495, %mul3A_496 : vector<16xf32>
        %swap3A_498 = arith.index_cast %add3A_489 : i32 to index
        %swap3A_499 = arith.constant 0 : index
        %swap3A_500 = tpu.vector_load %arg8[%swap3A_498, %swap3A_499] {strides = array<i32>} : memref<64x64xf32, #tpu.memory_space<vmem>>, vector<1x16xf32>,
        %swap3A_501 = vector.shape_cast %swap3A_500 : vector<1x16xf32> to vector<16xf32>
        %swap3A_502 = vector.shape_cast %mul3A_497 : vector<16xf32> to vector<1x16xf32>
        tpu.vector_store %arg8[%swap3A_498, %swap3A_499], %swap3A_502 {strides = array<i32>} : memref<64x64xf32, #tpu.memory_space<vmem>>, vector<1x16xf32>,
        %get3A_503 = arith.index_cast %add3A_489 : i32 to index
        %get3A_504 = arith.constant 16 : index
        %get3A_505 = tpu.vector_load %arg8[%get3A_503, %get3A_504] {strides = array<i32>} : memref<64x64xf32, #tpu.memory_space<vmem>>, vector<1x16xf32>,
        %get3A_506 = vector.shape_cast %get3A_505 : vector<1x16xf32> to vector<16xf32>
        %mul3A_507 = vector.broadcast %squeeze3A_491 : f32 to vector<16xf32>
        %mul3A_508 = arith.mulf %get3A_506, %mul3A_507 : vector<16xf32>
        %swap3A_509 = arith.index_cast %add3A_489 : i32 to index
        %swap3A_510 = arith.constant 16 : index
        %swap3A_511 = tpu.vector_load %arg8[%swap3A_509, %swap3A_510] {strides = array<i32>} : memref<64x64xf32, #tpu.memory_space<vmem>>, vector<1x16xf32>,
        %swap3A_512 = vector.shape_cast %swap3A_511 : vector<1x16xf32> to vector<16xf32>
        %swap3A_513 = vector.shape_cast %mul3A_508 : vector<16xf32> to vector<1x16xf32>
        tpu.vector_store %arg8[%swap3A_509, %swap3A_510], %swap3A_513 {strides = array<i32>} : memref<64x64xf32, #tpu.memory_space<vmem>>, vector<1x16xf32>,
        %get3A_514 = arith.index_cast %add3A_489 : i32 to index
        %get3A_515 = arith.constant 32 : index
        %get3A_516 = tpu.vector_load %arg8[%get3A_514, %get3A_515] {strides = array<i32>} : memref<64x64xf32, #tpu.memory_space<vmem>>, vector<1x16xf32>,
        %get3A_517 = vector.shape_cast %get3A_516 : vector<1x16xf32> to vector<16xf32>
        %mul3A_518 = vector.broadcast %squeeze3A_491 : f32 to vector<16xf32>
        %mul3A_519 = arith.mulf %get3A_517, %mul3A_518 : vector<16xf32>
        %swap3A_520 = arith.index_cast %add3A_489 : i32 to index
        %swap3A_521 = arith.constant 32 : index
        %swap3A_522 = tpu.vector_load %arg8[%swap3A_520, %swap3A_521] {strides = array<i32>} : memref<64x64xf32, #tpu.memory_space<vmem>>, vector<1x16xf32>,
        %swap3A_523 = vector.shape_cast %swap3A_522 : vector<1x16xf32> to vector<16xf32>
        %swap3A_524 = vector.shape_cast %mul3A_519 : vector<16xf32> to vector<1x16xf32>
        tpu.vector_store %arg8[%swap3A_520, %swap3A_521], %swap3A_524 {strides = array<i32>} : memref<64x64xf32, #tpu.memory_space<vmem>>, vector<1x16xf32>,
        %get3A_525 = arith.index_cast %add3A_489 : i32 to index
        %get3A_526 = arith.constant 48 : index
        %get3A_527 = tpu.vector_load %arg8[%get3A_525, %get3A_526] {strides = array<i32>} : memref<64x64xf32, #tpu.memory_space<vmem>>, vector<1x16xf32>,
        %get3A_528 = vector.shape_cast %get3A_527 : vector<1x16xf32> to vector<16xf32>
        %mul3A_529 = vector.broadcast %squeeze3A_491 : f32 to vector<16xf32>
        %mul3A_530 = arith.mulf %get3A_528, %mul3A_529 : vector<16xf32>
        %swap3A_531 = arith.index_cast %add3A_489 : i32 to index
        %swap3A_532 = arith.constant 48 : index
        %swap3A_533 = tpu.vector_load %arg8[%swap3A_531, %swap3A_532] {strides = array<i32>} : memref<64x64xf32, #tpu.memory_space<vmem>>, vector<1x16xf32>,
        %swap3A_534 = vector.shape_cast %swap3A_533 : vector<1x16xf32> to vector<16xf32>
        %swap3A_535 = vector.shape_cast %mul3A_530 : vector<16xf32> to vector<1x16xf32>
        tpu.vector_store %arg8[%swap3A_531, %swap3A_532], %swap3A_535 {strides = array<i32>} : memref<64x64xf32, #tpu.memory_space<vmem>>, vector<1x16xf32>,
        %mul3A_536 = arith.constant 16 : i32
        %mul3A_537 = arith.muli %scan3A_280, %mul3A_536 : i32
        %add3A_538 = arith.constant 5 : i32
        %add3A_539 = arith.addi %mul3A_537, %add3A_538 : i32
        %slice3A_540 = vector.extract_strided_slice %get3A_287 {offsets = [5], sizes = [1], strides = [1]} : vector<16xf32> to vector<1xf32>
        %squeeze3A_541 = vector.extract %slice3A_540[0] : f32 from vector<1xf32>
        %get3A_542 = arith.index_cast %add3A_539 : i32 to index
        %get3A_543 = arith.constant 0 : index
        %get3A_544 = tpu.vector_load %arg8[%get3A_542, %get3A_543] {strides = array<i32>} : memref<64x64xf32, #tpu.memory_space<vmem>>, vector<1x16xf32>,
        %get3A_545 = vector.shape_cast %get3A_544 : vector<1x16xf32> to vector<16xf32>
        %mul3A_546 = vector.broadcast %squeeze3A_541 : f32 to vector<16xf32>
        %mul3A_547 = arith.mulf %get3A_545, %mul3A_546 : vector<16xf32>
        %swap3A_548 = arith.index_cast %add3A_539 : i32 to index
        %swap3A_549 = arith.constant 0 : index
        %swap3A_550 = tpu.vector_load %arg8[%swap3A_548, %swap3A_549] {strides = array<i32>} : memref<64x64xf32, #tpu.memory_space<vmem>>, vector<1x16xf32>,
        %swap3A_551 = vector.shape_cast %swap3A_550 : vector<1x16xf32> to vector<16xf32>
        %swap3A_552 = vector.shape_cast %mul3A_547 : vector<16xf32> to vector<1x16xf32>
        tpu.vector_store %arg8[%swap3A_548, %swap3A_549], %swap3A_552 {strides = array<i32>} : memref<64x64xf32, #tpu.memory_space<vmem>>, vector<1x16xf32>,
        %get3A_553 = arith.index_cast %add3A_539 : i32 to index
        %get3A_554 = arith.constant 16 : index
        %get3A_555 = tpu.vector_load %arg8[%get3A_553, %get3A_554] {strides = array<i32>} : memref<64x64xf32, #tpu.memory_space<vmem>>, vector<1x16xf32>,
        %get3A_556 = vector.shape_cast %get3A_555 : vector<1x16xf32> to vector<16xf32>
        %mul3A_557 = vector.broadcast %squeeze3A_541 : f32 to vector<16xf32>
        %mul3A_558 = arith.mulf %get3A_556, %mul3A_557 : vector<16xf32>
        %swap3A_559 = arith.index_cast %add3A_539 : i32 to index
        %swap3A_560 = arith.constant 16 : index
        %swap3A_561 = tpu.vector_load %arg8[%swap3A_559, %swap3A_560] {strides = array<i32>} : memref<64x64xf32, #tpu.memory_space<vmem>>, vector<1x16xf32>,
        %swap3A_562 = vector.shape_cast %swap3A_561 : vector<1x16xf32> to vector<16xf32>
        %swap3A_563 = vector.shape_cast %mul3A_558 : vector<16xf32> to vector<1x16xf32>
        tpu.vector_store %arg8[%swap3A_559, %swap3A_560], %swap3A_563 {strides = array<i32>} : memref<64x64xf32, #tpu.memory_space<vmem>>, vector<1x16xf32>,
        %get3A_564 = arith.index_cast %add3A_539 : i32 to index
        %get3A_565 = arith.constant 32 : index
        %get3A_566 = tpu.vector_load %arg8[%get3A_564, %get3A_565] {strides = array<i32>} : memref<64x64xf32, #tpu.memory_space<vmem>>, vector<1x16xf32>,
        %get3A_567 = vector.shape_cast %get3A_566 : vector<1x16xf32> to vector<16xf32>
        %mul3A_568 = vector.broadcast %squeeze3A_541 : f32 to vector<16xf32>
        %mul3A_569 = arith.mulf %get3A_567, %mul3A_568 : vector<16xf32>
        %swap3A_570 = arith.index_cast %add3A_539 : i32 to index
        %swap3A_571 = arith.constant 32 : index
        %swap3A_572 = tpu.vector_load %arg8[%swap3A_570, %swap3A_571] {strides = array<i32>} : memref<64x64xf32, #tpu.memory_space<vmem>>, vector<1x16xf32>,
        %swap3A_573 = vector.shape_cast %swap3A_572 : vector<1x16xf32> to vector<16xf32>
        %swap3A_574 = vector.shape_cast %mul3A_569 : vector<16xf32> to vector<1x16xf32>
        tpu.vector_store %arg8[%swap3A_570, %swap3A_571], %swap3A_574 {strides = array<i32>} : memref<64x64xf32, #tpu.memory_space<vmem>>, vector<1x16xf32>,
        %get3A_575 = arith.index_cast %add3A_539 : i32 to index
        %get3A_576 = arith.constant 48 : index
        %get3A_577 = tpu.vector_load %arg8[%get3A_575, %get3A_576] {strides = array<i32>} : memref<64x64xf32, #tpu.memory_space<vmem>>, vector<1x16xf32>,
        %get3A_578 = vector.shape_cast %get3A_577 : vector<1x16xf32> to vector<16xf32>
        %mul3A_579 = vector.broadcast %squeeze3A_541 : f32 to vector<16xf32>
        %mul3A_580 = arith.mulf %get3A_578, %mul3A_579 : vector<16xf32>
        %swap3A_581 = arith.index_cast %add3A_539 : i32 to index
        %swap3A_582 = arith.constant 48 : index
        %swap3A_583 = tpu.vector_load %arg8[%swap3A_581, %swap3A_582] {strides = array<i32>} : memref<64x64xf32, #tpu.memory_space<vmem>>, vector<1x16xf32>,
        %swap3A_584 = vector.shape_cast %swap3A_583 : vector<1x16xf32> to vector<16xf32>
        %swap3A_585 = vector.shape_cast %mul3A_580 : vector<16xf32> to vector<1x16xf32>
        tpu.vector_store %arg8[%swap3A_581, %swap3A_582], %swap3A_585 {strides = array<i32>} : memref<64x64xf32, #tpu.memory_space<vmem>>, vector<1x16xf32>,
        %mul3A_586 = arith.constant 16 : i32
        %mul3A_587 = arith.muli %scan3A_280, %mul3A_586 : i32
        %add3A_588 = arith.constant 6 : i32
        %add3A_589 = arith.addi %mul3A_587, %add3A_588 : i32
        %slice3A_590 = vector.extract_strided_slice %get3A_287 {offsets = [6], sizes = [1], strides = [1]} : vector<16xf32> to vector<1xf32>
        %squeeze3A_591 = vector.extract %slice3A_590[0] : f32 from vector<1xf32>
        %get3A_592 = arith.index_cast %add3A_589 : i32 to index
        %get3A_593 = arith.constant 0 : index
        %get3A_594 = tpu.vector_load %arg8[%get3A_592, %get3A_593] {strides = array<i32>} : memref<64x64xf32, #tpu.memory_space<vmem>>, vector<1x16xf32>,
        %get3A_595 = vector.shape_cast %get3A_594 : vector<1x16xf32> to vector<16xf32>
        %mul3A_596 = vector.broadcast %squeeze3A_591 : f32 to vector<16xf32>
        %mul3A_597 = arith.mulf %get3A_595, %mul3A_596 : vector<16xf32>
        %swap3A_598 = arith.index_cast %add3A_589 : i32 to index
        %swap3A_599 = arith.constant 0 : index
        %swap3A_600 = tpu.vector_load %arg8[%swap3A_598, %swap3A_599] {strides = array<i32>} : memref<64x64xf32, #tpu.memory_space<vmem>>, vector<1x16xf32>,
        %swap3A_601 = vector.shape_cast %swap3A_600 : vector<1x16xf32> to vector<16xf32>
        %swap3A_602 = vector.shape_cast %mul3A_597 : vector<16xf32> to vector<1x16xf32>
        tpu.vector_store %arg8[%swap3A_598, %swap3A_599], %swap3A_602 {strides = array<i32>} : memref<64x64xf32, #tpu.memory_space<vmem>>, vector<1x16xf32>,
        %get3A_603 = arith.index_cast %add3A_589 : i32 to index
        %get3A_604 = arith.constant 16 : index
        %get3A_605 = tpu.vector_load %arg8[%get3A_603, %get3A_604] {strides = array<i32>} : memref<64x64xf32, #tpu.memory_space<vmem>>, vector<1x16xf32>,
        %get3A_606 = vector.shape_cast %get3A_605 : vector<1x16xf32> to vector<16xf32>
        %mul3A_607 = vector.broadcast %squeeze3A_591 : f32 to vector<16xf32>
        %mul3A_608 = arith.mulf %get3A_606, %mul3A_607 : vector<16xf32>
        %swap3A_609 = arith.index_cast %add3A_589 : i32 to index
        %swap3A_610 = arith.constant 16 : index
        %swap3A_611 = tpu.vector_load %arg8[%swap3A_609, %swap3A_610] {strides = array<i32>} : memref<64x64xf32, #tpu.memory_space<vmem>>, vector<1x16xf32>,
        %swap3A_612 = vector.shape_cast %swap3A_611 : vector<1x16xf32> to vector<16xf32>
        %swap3A_613 = vector.shape_cast %mul3A_608 : vector<16xf32> to vector<1x16xf32>
        tpu.vector_store %arg8[%swap3A_609, %swap3A_610], %swap3A_613 {strides = array<i32>} : memref<64x64xf32, #tpu.memory_space<vmem>>, vector<1x16xf32>,
        %get3A_614 = arith.index_cast %add3A_589 : i32 to index
        %get3A_615 = arith.constant 32 : index
        %get3A_616 = tpu.vector_load %arg8[%get3A_614, %get3A_615] {strides = array<i32>} : memref<64x64xf32, #tpu.memory_space<vmem>>, vector<1x16xf32>,
        %get3A_617 = vector.shape_cast %get3A_616 : vector<1x16xf32> to vector<16xf32>
        %mul3A_618 = vector.broadcast %squeeze3A_591 : f32 to vector<16xf32>
        %mul3A_619 = arith.mulf %get3A_617, %mul3A_618 : vector<16xf32>
        %swap3A_620 = arith.index_cast %add3A_589 : i32 to index
        %swap3A_621 = arith.constant 32 : index
        %swap3A_622 = tpu.vector_load %arg8[%swap3A_620, %swap3A_621] {strides = array<i32>} : memref<64x64xf32, #tpu.memory_space<vmem>>, vector<1x16xf32>,
        %swap3A_623 = vector.shape_cast %swap3A_622 : vector<1x16xf32> to vector<16xf32>
        %swap3A_624 = vector.shape_cast %mul3A_619 : vector<16xf32> to vector<1x16xf32>
        tpu.vector_store %arg8[%swap3A_620, %swap3A_621], %swap3A_624 {strides = array<i32>} : memref<64x64xf32, #tpu.memory_space<vmem>>, vector<1x16xf32>,
        %get3A_625 = arith.index_cast %add3A_589 : i32 to index
        %get3A_626 = arith.constant 48 : index
        %get3A_627 = tpu.vector_load %arg8[%get3A_625, %get3A_626] {strides = array<i32>} : memref<64x64xf32, #tpu.memory_space<vmem>>, vector<1x16xf32>,
        %get3A_628 = vector.shape_cast %get3A_627 : vector<1x16xf32> to vector<16xf32>
        %mul3A_629 = vector.broadcast %squeeze3A_591 : f32 to vector<16xf32>
        %mul3A_630 = arith.mulf %get3A_628, %mul3A_629 : vector<16xf32>
        %swap3A_631 = arith.index_cast %add3A_589 : i32 to index
        %swap3A_632 = arith.constant 48 : index
        %swap3A_633 = tpu.vector_load %arg8[%swap3A_631, %swap3A_632] {strides = array<i32>} : memref<64x64xf32, #tpu.memory_space<vmem>>, vector<1x16xf32>,
        %swap3A_634 = vector.shape_cast %swap3A_633 : vector<1x16xf32> to vector<16xf32>
        %swap3A_635 = vector.shape_cast %mul3A_630 : vector<16xf32> to vector<1x16xf32>
        tpu.vector_store %arg8[%swap3A_631, %swap3A_632], %swap3A_635 {strides = array<i32>} : memref<64x64xf32, #tpu.memory_space<vmem>>, vector<1x16xf32>,
        %mul3A_636 = arith.constant 16 : i32
        %mul3A_637 = arith.muli %scan3A_280, %mul3A_636 : i32
        %add3A_638 = arith.constant 7 : i32
        %add3A_639 = arith.addi %mul3A_637, %add3A_638 : i32
        %slice3A_640 = vector.extract_strided_slice %get3A_287 {offsets = [7], sizes = [1], strides = [1]} : vector<16xf32> to vector<1xf32>
        %squeeze3A_641 = vector.extract %slice3A_640[0] : f32 from vector<1xf32>
        %get3A_642 = arith.index_cast %add3A_639 : i32 to index
        %get3A_643 = arith.constant 0 : index
        %get3A_644 = tpu.vector_load %arg8[%get3A_642, %get3A_643] {strides = array<i32>} : memref<64x64xf32, #tpu.memory_space<vmem>>, vector<1x16xf32>,
        %get3A_645 = vector.shape_cast %get3A_644 : vector<1x16xf32> to vector<16xf32>
        %mul3A_646 = vector.broadcast %squeeze3A_641 : f32 to vector<16xf32>
        %mul3A_647 = arith.mulf %get3A_645, %mul3A_646 : vector<16xf32>
        %swap3A_648 = arith.index_cast %add3A_639 : i32 to index
        %swap3A_649 = arith.constant 0 : index
        %swap3A_650 = tpu.vector_load %arg8[%swap3A_648, %swap3A_649] {strides = array<i32>} : memref<64x64xf32, #tpu.memory_space<vmem>>, vector<1x16xf32>,
        %swap3A_651 = vector.shape_cast %swap3A_650 : vector<1x16xf32> to vector<16xf32>
        %swap3A_652 = vector.shape_cast %mul3A_647 : vector<16xf32> to vector<1x16xf32>
        tpu.vector_store %arg8[%swap3A_648, %swap3A_649], %swap3A_652 {strides = array<i32>} : memref<64x64xf32, #tpu.memory_space<vmem>>, vector<1x16xf32>,
        %get3A_653 = arith.index_cast %add3A_639 : i32 to index
        %get3A_654 = arith.constant 16 : index
        %get3A_655 = tpu.vector_load %arg8[%get3A_653, %get3A_654] {strides = array<i32>} : memref<64x64xf32, #tpu.memory_space<vmem>>, vector<1x16xf32>,
        %get3A_656 = vector.shape_cast %get3A_655 : vector<1x16xf32> to vector<16xf32>
        %mul3A_657 = vector.broadcast %squeeze3A_641 : f32 to vector<16xf32>
        %mul3A_658 = arith.mulf %get3A_656, %mul3A_657 : vector<16xf32>
        %swap3A_659 = arith.index_cast %add3A_639 : i32 to index
        %swap3A_660 = arith.constant 16 : index
        %swap3A_661 = tpu.vector_load %arg8[%swap3A_659, %swap3A_660] {strides = array<i32>} : memref<64x64xf32, #tpu.memory_space<vmem>>, vector<1x16xf32>,
        %swap3A_662 = vector.shape_cast %swap3A_661 : vector<1x16xf32> to vector<16xf32>
        %swap3A_663 = vector.shape_cast %mul3A_658 : vector<16xf32> to vector<1x16xf32>
        tpu.vector_store %arg8[%swap3A_659, %swap3A_660], %swap3A_663 {strides = array<i32>} : memref<64x64xf32, #tpu.memory_space<vmem>>, vector<1x16xf32>,
        %get3A_664 = arith.index_cast %add3A_639 : i32 to index
        %get3A_665 = arith.constant 32 : index
        %get3A_666 = tpu.vector_load %arg8[%get3A_664, %get3A_665] {strides = array<i32>} : memref<64x64xf32, #tpu.memory_space<vmem>>, vector<1x16xf32>,
        %get3A_667 = vector.shape_cast %get3A_666 : vector<1x16xf32> to vector<16xf32>
        %mul3A_668 = vector.broadcast %squeeze3A_641 : f32 to vector<16xf32>
        %mul3A_669 = arith.mulf %get3A_667, %mul3A_668 : vector<16xf32>
        %swap3A_670 = arith.index_cast %add3A_639 : i32 to index
        %swap3A_671 = arith.constant 32 : index
        %swap3A_672 = tpu.vector_load %arg8[%swap3A_670, %swap3A_671] {strides = array<i32>} : memref<64x64xf32, #tpu.memory_space<vmem>>, vector<1x16xf32>,
        %swap3A_673 = vector.shape_cast %swap3A_672 : vector<1x16xf32> to vector<16xf32>
        %swap3A_674 = vector.shape_cast %mul3A_669 : vector<16xf32> to vector<1x16xf32>
        tpu.vector_store %arg8[%swap3A_670, %swap3A_671], %swap3A_674 {strides = array<i32>} : memref<64x64xf32, #tpu.memory_space<vmem>>, vector<1x16xf32>,
        %get3A_675 = arith.index_cast %add3A_639 : i32 to index
        %get3A_676 = arith.constant 48 : index
        %get3A_677 = tpu.vector_load %arg8[%get3A_675, %get3A_676] {strides = array<i32>} : memref<64x64xf32, #tpu.memory_space<vmem>>, vector<1x16xf32>,
        %get3A_678 = vector.shape_cast %get3A_677 : vector<1x16xf32> to vector<16xf32>
        %mul3A_679 = vector.broadcast %squeeze3A_641 : f32 to vector<16xf32>
        %mul3A_680 = arith.mulf %get3A_678, %mul3A_679 : vector<16xf32>
        %swap3A_681 = arith.index_cast %add3A_639 : i32 to index
        %swap3A_682 = arith.constant 48 : index
        %swap3A_683 = tpu.vector_load %arg8[%swap3A_681, %swap3A_682] {strides = array<i32>} : memref<64x64xf32, #tpu.memory_space<vmem>>, vector<1x16xf32>,
        %swap3A_684 = vector.shape_cast %swap3A_683 : vector<1x16xf32> to vector<16xf32>
        %swap3A_685 = vector.shape_cast %mul3A_680 : vector<16xf32> to vector<1x16xf32>
        tpu.vector_store %arg8[%swap3A_681, %swap3A_682], %swap3A_685 {strides = array<i32>} : memref<64x64xf32, #tpu.memory_space<vmem>>, vector<1x16xf32>,
        %mul3A_686 = arith.constant 16 : i32
        %mul3A_687 = arith.muli %scan3A_280, %mul3A_686 : i32
        %add3A_688 = arith.constant 8 : i32
        %add3A_689 = arith.addi %mul3A_687, %add3A_688 : i32
        %slice3A_690 = vector.extract_strided_slice %get3A_287 {offsets = [8], sizes = [1], strides = [1]} : vector<16xf32> to vector<1xf32>
        %squeeze3A_691 = vector.extract %slice3A_690[0] : f32 from vector<1xf32>
        %get3A_692 = arith.index_cast %add3A_689 : i32 to index
        %get3A_693 = arith.constant 0 : index
        %get3A_694 = tpu.vector_load %arg8[%get3A_692, %get3A_693] {strides = array<i32>} : memref<64x64xf32, #tpu.memory_space<vmem>>, vector<1x16xf32>,
        %get3A_695 = vector.shape_cast %get3A_694 : vector<1x16xf32> to vector<16xf32>
        %mul3A_696 = vector.broadcast %squeeze3A_691 : f32 to vector<16xf32>
        %mul3A_697 = arith.mulf %get3A_695, %mul3A_696 : vector<16xf32>
        %swap3A_698 = arith.index_cast %add3A_689 : i32 to index
        %swap3A_699 = arith.constant 0 : index
        %swap3A_700 = tpu.vector_load %arg8[%swap3A_698, %swap3A_699] {strides = array<i32>} : memref<64x64xf32, #tpu.memory_space<vmem>>, vector<1x16xf32>,
        %swap3A_701 = vector.shape_cast %swap3A_700 : vector<1x16xf32> to vector<16xf32>
        %swap3A_702 = vector.shape_cast %mul3A_697 : vector<16xf32> to vector<1x16xf32>
        tpu.vector_store %arg8[%swap3A_698, %swap3A_699], %swap3A_702 {strides = array<i32>} : memref<64x64xf32, #tpu.memory_space<vmem>>, vector<1x16xf32>,
        %get3A_703 = arith.index_cast %add3A_689 : i32 to index
        %get3A_704 = arith.constant 16 : index
        %get3A_705 = tpu.vector_load %arg8[%get3A_703, %get3A_704] {strides = array<i32>} : memref<64x64xf32, #tpu.memory_space<vmem>>, vector<1x16xf32>,
        %get3A_706 = vector.shape_cast %get3A_705 : vector<1x16xf32> to vector<16xf32>
        %mul3A_707 = vector.broadcast %squeeze3A_691 : f32 to vector<16xf32>
        %mul3A_708 = arith.mulf %get3A_706, %mul3A_707 : vector<16xf32>
        %swap3A_709 = arith.index_cast %add3A_689 : i32 to index
        %swap3A_710 = arith.constant 16 : index
        %swap3A_711 = tpu.vector_load %arg8[%swap3A_709, %swap3A_710] {strides = array<i32>} : memref<64x64xf32, #tpu.memory_space<vmem>>, vector<1x16xf32>,
        %swap3A_712 = vector.shape_cast %swap3A_711 : vector<1x16xf32> to vector<16xf32>
        %swap3A_713 = vector.shape_cast %mul3A_708 : vector<16xf32> to vector<1x16xf32>
        tpu.vector_store %arg8[%swap3A_709, %swap3A_710], %swap3A_713 {strides = array<i32>} : memref<64x64xf32, #tpu.memory_space<vmem>>, vector<1x16xf32>,
        %get3A_714 = arith.index_cast %add3A_689 : i32 to index
        %get3A_715 = arith.constant 32 : index
        %get3A_716 = tpu.vector_load %arg8[%get3A_714, %get3A_715] {strides = array<i32>} : memref<64x64xf32, #tpu.memory_space<vmem>>, vector<1x16xf32>,
        %get3A_717 = vector.shape_cast %get3A_716 : vector<1x16xf32> to vector<16xf32>
        %mul3A_718 = vector.broadcast %squeeze3A_691 : f32 to vector<16xf32>
        %mul3A_719 = arith.mulf %get3A_717, %mul3A_718 : vector<16xf32>
        %swap3A_720 = arith.index_cast %add3A_689 : i32 to index
        %swap3A_721 = arith.constant 32 : index
        %swap3A_722 = tpu.vector_load %arg8[%swap3A_720, %swap3A_721] {strides = array<i32>} : memref<64x64xf32, #tpu.memory_space<vmem>>, vector<1x16xf32>,
        %swap3A_723 = vector.shape_cast %swap3A_722 : vector<1x16xf32> to vector<16xf32>
        %swap3A_724 = vector.shape_cast %mul3A_719 : vector<16xf32> to vector<1x16xf32>
        tpu.vector_store %arg8[%swap3A_720, %swap3A_721], %swap3A_724 {strides = array<i32>} : memref<64x64xf32, #tpu.memory_space<vmem>>, vector<1x16xf32>,
        %get3A_725 = arith.index_cast %add3A_689 : i32 to index
        %get3A_726 = arith.constant 48 : index
        %get3A_727 = tpu.vector_load %arg8[%get3A_725, %get3A_726] {strides = array<i32>} : memref<64x64xf32, #tpu.memory_space<vmem>>, vector<1x16xf32>,
        %get3A_728 = vector.shape_cast %get3A_727 : vector<1x16xf32> to vector<16xf32>
        %mul3A_729 = vector.broadcast %squeeze3A_691 : f32 to vector<16xf32>
        %mul3A_730 = arith.mulf %get3A_728, %mul3A_729 : vector<16xf32>
        %swap3A_731 = arith.index_cast %add3A_689 : i32 to index
        %swap3A_732 = arith.constant 48 : index
        %swap3A_733 = tpu.vector_load %arg8[%swap3A_731, %swap3A_732] {strides = array<i32>} : memref<64x64xf32, #tpu.memory_space<vmem>>, vector<1x16xf32>,
        %swap3A_734 = vector.shape_cast %swap3A_733 : vector<1x16xf32> to vector<16xf32>
        %swap3A_735 = vector.shape_cast %mul3A_730 : vector<16xf32> to vector<1x16xf32>
        tpu.vector_store %arg8[%swap3A_731, %swap3A_732], %swap3A_735 {strides = array<i32>} : memref<64x64xf32, #tpu.memory_space<vmem>>, vector<1x16xf32>,
        %mul3A_736 = arith.constant 16 : i32
        %mul3A_737 = arith.muli %scan3A_280, %mul3A_736 : i32
        %add3A_738 = arith.constant 9 : i32
        %add3A_739 = arith.addi %mul3A_737, %add3A_738 : i32
        %slice3A_740 = vector.extract_strided_slice %get3A_287 {offsets = [9], sizes = [1], strides = [1]} : vector<16xf32> to vector<1xf32>
        %squeeze3A_741 = vector.extract %slice3A_740[0] : f32 from vector<1xf32>
        %get3A_742 = arith.index_cast %add3A_739 : i32 to index
        %get3A_743 = arith.constant 0 : index
        %get3A_744 = tpu.vector_load %arg8[%get3A_742, %get3A_743] {strides = array<i32>} : memref<64x64xf32, #tpu.memory_space<vmem>>, vector<1x16xf32>,
        %get3A_745 = vector.shape_cast %get3A_744 : vector<1x16xf32> to vector<16xf32>
        %mul3A_746 = vector.broadcast %squeeze3A_741 : f32 to vector<16xf32>
        %mul3A_747 = arith.mulf %get3A_745, %mul3A_746 : vector<16xf32>
        %swap3A_748 = arith.index_cast %add3A_739 : i32 to index
        %swap3A_749 = arith.constant 0 : index
        %swap3A_750 = tpu.vector_load %arg8[%swap3A_748, %swap3A_749] {strides = array<i32>} : memref<64x64xf32, #tpu.memory_space<vmem>>, vector<1x16xf32>,
        %swap3A_751 = vector.shape_cast %swap3A_750 : vector<1x16xf32> to vector<16xf32>
        %swap3A_752 = vector.shape_cast %mul3A_747 : vector<16xf32> to vector<1x16xf32>
        tpu.vector_store %arg8[%swap3A_748, %swap3A_749], %swap3A_752 {strides = array<i32>} : memref<64x64xf32, #tpu.memory_space<vmem>>, vector<1x16xf32>,
        %get3A_753 = arith.index_cast %add3A_739 : i32 to index
        %get3A_754 = arith.constant 16 : index
        %get3A_755 = tpu.vector_load %arg8[%get3A_753, %get3A_754] {strides = array<i32>} : memref<64x64xf32, #tpu.memory_space<vmem>>, vector<1x16xf32>,
        %get3A_756 = vector.shape_cast %get3A_755 : vector<1x16xf32> to vector<16xf32>
        %mul3A_757 = vector.broadcast %squeeze3A_741 : f32 to vector<16xf32>
        %mul3A_758 = arith.mulf %get3A_756, %mul3A_757 : vector<16xf32>
        %swap3A_759 = arith.index_cast %add3A_739 : i32 to index
        %swap3A_760 = arith.constant 16 : index
        %swap3A_761 = tpu.vector_load %arg8[%swap3A_759, %swap3A_760] {strides = array<i32>} : memref<64x64xf32, #tpu.memory_space<vmem>>, vector<1x16xf32>,
        %swap3A_762 = vector.shape_cast %swap3A_761 : vector<1x16xf32> to vector<16xf32>
        %swap3A_763 = vector.shape_cast %mul3A_758 : vector<16xf32> to vector<1x16xf32>
        tpu.vector_store %arg8[%swap3A_759, %swap3A_760], %swap3A_763 {strides = array<i32>} : memref<64x64xf32, #tpu.memory_space<vmem>>, vector<1x16xf32>,
        %get3A_764 = arith.index_cast %add3A_739 : i32 to index
        %get3A_765 = arith.constant 32 : index
        %get3A_766 = tpu.vector_load %arg8[%get3A_764, %get3A_765] {strides = array<i32>} : memref<64x64xf32, #tpu.memory_space<vmem>>, vector<1x16xf32>,
        %get3A_767 = vector.shape_cast %get3A_766 : vector<1x16xf32> to vector<16xf32>
        %mul3A_768 = vector.broadcast %squeeze3A_741 : f32 to vector<16xf32>
        %mul3A_769 = arith.mulf %get3A_767, %mul3A_768 : vector<16xf32>
        %swap3A_770 = arith.index_cast %add3A_739 : i32 to index
        %swap3A_771 = arith.constant 32 : index
        %swap3A_772 = tpu.vector_load %arg8[%swap3A_770, %swap3A_771] {strides = array<i32>} : memref<64x64xf32, #tpu.memory_space<vmem>>, vector<1x16xf32>,
        %swap3A_773 = vector.shape_cast %swap3A_772 : vector<1x16xf32> to vector<16xf32>
        %swap3A_774 = vector.shape_cast %mul3A_769 : vector<16xf32> to vector<1x16xf32>
        tpu.vector_store %arg8[%swap3A_770, %swap3A_771], %swap3A_774 {strides = array<i32>} : memref<64x64xf32, #tpu.memory_space<vmem>>, vector<1x16xf32>,
        %get3A_775 = arith.index_cast %add3A_739 : i32 to index
        %get3A_776 = arith.constant 48 : index
        %get3A_777 = tpu.vector_load %arg8[%get3A_775, %get3A_776] {strides = array<i32>} : memref<64x64xf32, #tpu.memory_space<vmem>>, vector<1x16xf32>,
        %get3A_778 = vector.shape_cast %get3A_777 : vector<1x16xf32> to vector<16xf32>
        %mul3A_779 = vector.broadcast %squeeze3A_741 : f32 to vector<16xf32>
        %mul3A_780 = arith.mulf %get3A_778, %mul3A_779 : vector<16xf32>
        %swap3A_781 = arith.index_cast %add3A_739 : i32 to index
        %swap3A_782 = arith.constant 48 : index
        %swap3A_783 = tpu.vector_load %arg8[%swap3A_781, %swap3A_782] {strides = array<i32>} : memref<64x64xf32, #tpu.memory_space<vmem>>, vector<1x16xf32>,
        %swap3A_784 = vector.shape_cast %swap3A_783 : vector<1x16xf32> to vector<16xf32>
        %swap3A_785 = vector.shape_cast %mul3A_780 : vector<16xf32> to vector<1x16xf32>
        tpu.vector_store %arg8[%swap3A_781, %swap3A_782], %swap3A_785 {strides = array<i32>} : memref<64x64xf32, #tpu.memory_space<vmem>>, vector<1x16xf32>,
        %mul3A_786 = arith.constant 16 : i32
        %mul3A_787 = arith.muli %scan3A_280, %mul3A_786 : i32
        %add3A_788 = arith.constant 10 : i32
        %add3A_789 = arith.addi %mul3A_787, %add3A_788 : i32
        %slice3A_790 = vector.extract_strided_slice %get3A_287 {offsets = [10], sizes = [1], strides = [1]} : vector<16xf32> to vector<1xf32>
        %squeeze3A_791 = vector.extract %slice3A_790[0] : f32 from vector<1xf32>
        %get3A_792 = arith.index_cast %add3A_789 : i32 to index
        %get3A_793 = arith.constant 0 : index
        %get3A_794 = tpu.vector_load %arg8[%get3A_792, %get3A_793] {strides = array<i32>} : memref<64x64xf32, #tpu.memory_space<vmem>>, vector<1x16xf32>,
        %get3A_795 = vector.shape_cast %get3A_794 : vector<1x16xf32> to vector<16xf32>
        %mul3A_796 = vector.broadcast %squeeze3A_791 : f32 to vector<16xf32>
        %mul3A_797 = arith.mulf %get3A_795, %mul3A_796 : vector<16xf32>
        %swap3A_798 = arith.index_cast %add3A_789 : i32 to index
        %swap3A_799 = arith.constant 0 : index
        %swap3A_800 = tpu.vector_load %arg8[%swap3A_798, %swap3A_799] {strides = array<i32>} : memref<64x64xf32, #tpu.memory_space<vmem>>, vector<1x16xf32>,
        %swap3A_801 = vector.shape_cast %swap3A_800 : vector<1x16xf32> to vector<16xf32>
        %swap3A_802 = vector.shape_cast %mul3A_797 : vector<16xf32> to vector<1x16xf32>
        tpu.vector_store %arg8[%swap3A_798, %swap3A_799], %swap3A_802 {strides = array<i32>} : memref<64x64xf32, #tpu.memory_space<vmem>>, vector<1x16xf32>,
        %get3A_803 = arith.index_cast %add3A_789 : i32 to index
        %get3A_804 = arith.constant 16 : index
        %get3A_805 = tpu.vector_load %arg8[%get3A_803, %get3A_804] {strides = array<i32>} : memref<64x64xf32, #tpu.memory_space<vmem>>, vector<1x16xf32>,
        %get3A_806 = vector.shape_cast %get3A_805 : vector<1x16xf32> to vector<16xf32>
        %mul3A_807 = vector.broadcast %squeeze3A_791 : f32 to vector<16xf32>
        %mul3A_808 = arith.mulf %get3A_806, %mul3A_807 : vector<16xf32>
        %swap3A_809 = arith.index_cast %add3A_789 : i32 to index
        %swap3A_810 = arith.constant 16 : index
        %swap3A_811 = tpu.vector_load %arg8[%swap3A_809, %swap3A_810] {strides = array<i32>} : memref<64x64xf32, #tpu.memory_space<vmem>>, vector<1x16xf32>,
        %swap3A_812 = vector.shape_cast %swap3A_811 : vector<1x16xf32> to vector<16xf32>
        %swap3A_813 = vector.shape_cast %mul3A_808 : vector<16xf32> to vector<1x16xf32>
        tpu.vector_store %arg8[%swap3A_809, %swap3A_810], %swap3A_813 {strides = array<i32>} : memref<64x64xf32, #tpu.memory_space<vmem>>, vector<1x16xf32>,
        %get3A_814 = arith.index_cast %add3A_789 : i32 to index
        %get3A_815 = arith.constant 32 : index
        %get3A_816 = tpu.vector_load %arg8[%get3A_814, %get3A_815] {strides = array<i32>} : memref<64x64xf32, #tpu.memory_space<vmem>>, vector<1x16xf32>,
        %get3A_817 = vector.shape_cast %get3A_816 : vector<1x16xf32> to vector<16xf32>
        %mul3A_818 = vector.broadcast %squeeze3A_791 : f32 to vector<16xf32>
        %mul3A_819 = arith.mulf %get3A_817, %mul3A_818 : vector<16xf32>
        %swap3A_820 = arith.index_cast %add3A_789 : i32 to index
        %swap3A_821 = arith.constant 32 : index
        %swap3A_822 = tpu.vector_load %arg8[%swap3A_820, %swap3A_821] {strides = array<i32>} : memref<64x64xf32, #tpu.memory_space<vmem>>, vector<1x16xf32>,
        %swap3A_823 = vector.shape_cast %swap3A_822 : vector<1x16xf32> to vector<16xf32>
        %swap3A_824 = vector.shape_cast %mul3A_819 : vector<16xf32> to vector<1x16xf32>
        tpu.vector_store %arg8[%swap3A_820, %swap3A_821], %swap3A_824 {strides = array<i32>} : memref<64x64xf32, #tpu.memory_space<vmem>>, vector<1x16xf32>,
        %get3A_825 = arith.index_cast %add3A_789 : i32 to index
        %get3A_826 = arith.constant 48 : index
        %get3A_827 = tpu.vector_load %arg8[%get3A_825, %get3A_826] {strides = array<i32>} : memref<64x64xf32, #tpu.memory_space<vmem>>, vector<1x16xf32>,
        %get3A_828 = vector.shape_cast %get3A_827 : vector<1x16xf32> to vector<16xf32>
        %mul3A_829 = vector.broadcast %squeeze3A_791 : f32 to vector<16xf32>
        %mul3A_830 = arith.mulf %get3A_828, %mul3A_829 : vector<16xf32>
        %swap3A_831 = arith.index_cast %add3A_789 : i32 to index
        %swap3A_832 = arith.constant 48 : index
        %swap3A_833 = tpu.vector_load %arg8[%swap3A_831, %swap3A_832] {strides = array<i32>} : memref<64x64xf32, #tpu.memory_space<vmem>>, vector<1x16xf32>,
        %swap3A_834 = vector.shape_cast %swap3A_833 : vector<1x16xf32> to vector<16xf32>
        %swap3A_835 = vector.shape_cast %mul3A_830 : vector<16xf32> to vector<1x16xf32>
        tpu.vector_store %arg8[%swap3A_831, %swap3A_832], %swap3A_835 {strides = array<i32>} : memref<64x64xf32, #tpu.memory_space<vmem>>, vector<1x16xf32>,
        %mul3A_836 = arith.constant 16 : i32
        %mul3A_837 = arith.muli %scan3A_280, %mul3A_836 : i32
        %add3A_838 = arith.constant 11 : i32
        %add3A_839 = arith.addi %mul3A_837, %add3A_838 : i32
        %slice3A_840 = vector.extract_strided_slice %get3A_287 {offsets = [11], sizes = [1], strides = [1]} : vector<16xf32> to vector<1xf32>
        %squeeze3A_841 = vector.extract %slice3A_840[0] : f32 from vector<1xf32>
        %get3A_842 = arith.index_cast %add3A_839 : i32 to index
        %get3A_843 = arith.constant 0 : index
        %get3A_844 = tpu.vector_load %arg8[%get3A_842, %get3A_843] {strides = array<i32>} : memref<64x64xf32, #tpu.memory_space<vmem>>, vector<1x16xf32>,
        %get3A_845 = vector.shape_cast %get3A_844 : vector<1x16xf32> to vector<16xf32>
        %mul3A_846 = vector.broadcast %squeeze3A_841 : f32 to vector<16xf32>
        %mul3A_847 = arith.mulf %get3A_845, %mul3A_846 : vector<16xf32>
        %swap3A_848 = arith.index_cast %add3A_839 : i32 to index
        %swap3A_849 = arith.constant 0 : index
        %swap3A_850 = tpu.vector_load %arg8[%swap3A_848, %swap3A_849] {strides = array<i32>} : memref<64x64xf32, #tpu.memory_space<vmem>>, vector<1x16xf32>,
        %swap3A_851 = vector.shape_cast %swap3A_850 : vector<1x16xf32> to vector<16xf32>
        %swap3A_852 = vector.shape_cast %mul3A_847 : vector<16xf32> to vector<1x16xf32>
        tpu.vector_store %arg8[%swap3A_848, %swap3A_849], %swap3A_852 {strides = array<i32>} : memref<64x64xf32, #tpu.memory_space<vmem>>, vector<1x16xf32>,
        %get3A_853 = arith.index_cast %add3A_839 : i32 to index
        %get3A_854 = arith.constant 16 : index
        %get3A_855 = tpu.vector_load %arg8[%get3A_853, %get3A_854] {strides = array<i32>} : memref<64x64xf32, #tpu.memory_space<vmem>>, vector<1x16xf32>,
        %get3A_856 = vector.shape_cast %get3A_855 : vector<1x16xf32> to vector<16xf32>
        %mul3A_857 = vector.broadcast %squeeze3A_841 : f32 to vector<16xf32>
        %mul3A_858 = arith.mulf %get3A_856, %mul3A_857 : vector<16xf32>
        %swap3A_859 = arith.index_cast %add3A_839 : i32 to index
        %swap3A_860 = arith.constant 16 : index
        %swap3A_861 = tpu.vector_load %arg8[%swap3A_859, %swap3A_860] {strides = array<i32>} : memref<64x64xf32, #tpu.memory_space<vmem>>, vector<1x16xf32>,
        %swap3A_862 = vector.shape_cast %swap3A_861 : vector<1x16xf32> to vector<16xf32>
        %swap3A_863 = vector.shape_cast %mul3A_858 : vector<16xf32> to vector<1x16xf32>
        tpu.vector_store %arg8[%swap3A_859, %swap3A_860], %swap3A_863 {strides = array<i32>} : memref<64x64xf32, #tpu.memory_space<vmem>>, vector<1x16xf32>,
        %get3A_864 = arith.index_cast %add3A_839 : i32 to index
        %get3A_865 = arith.constant 32 : index
        %get3A_866 = tpu.vector_load %arg8[%get3A_864, %get3A_865] {strides = array<i32>} : memref<64x64xf32, #tpu.memory_space<vmem>>, vector<1x16xf32>,
        %get3A_867 = vector.shape_cast %get3A_866 : vector<1x16xf32> to vector<16xf32>
        %mul3A_868 = vector.broadcast %squeeze3A_841 : f32 to vector<16xf32>
        %mul3A_869 = arith.mulf %get3A_867, %mul3A_868 : vector<16xf32>
        %swap3A_870 = arith.index_cast %add3A_839 : i32 to index
        %swap3A_871 = arith.constant 32 : index
        %swap3A_872 = tpu.vector_load %arg8[%swap3A_870, %swap3A_871] {strides = array<i32>} : memref<64x64xf32, #tpu.memory_space<vmem>>, vector<1x16xf32>,
        %swap3A_873 = vector.shape_cast %swap3A_872 : vector<1x16xf32> to vector<16xf32>
        %swap3A_874 = vector.shape_cast %mul3A_869 : vector<16xf32> to vector<1x16xf32>
        tpu.vector_store %arg8[%swap3A_870, %swap3A_871], %swap3A_874 {strides = array<i32>} : memref<64x64xf32, #tpu.memory_space<vmem>>, vector<1x16xf32>,
        %get3A_875 = arith.index_cast %add3A_839 : i32 to index
        %get3A_876 = arith.constant 48 : index
        %get3A_877 = tpu.vector_load %arg8[%get3A_875, %get3A_876] {strides = array<i32>} : memref<64x64xf32, #tpu.memory_space<vmem>>, vector<1x16xf32>,
        %get3A_878 = vector.shape_cast %get3A_877 : vector<1x16xf32> to vector<16xf32>
        %mul3A_879 = vector.broadcast %squeeze3A_841 : f32 to vector<16xf32>
        %mul3A_880 = arith.mulf %get3A_878, %mul3A_879 : vector<16xf32>
        %swap3A_881 = arith.index_cast %add3A_839 : i32 to index
        %swap3A_882 = arith.constant 48 : index
        %swap3A_883 = tpu.vector_load %arg8[%swap3A_881, %swap3A_882] {strides = array<i32>} : memref<64x64xf32, #tpu.memory_space<vmem>>, vector<1x16xf32>,
        %swap3A_884 = vector.shape_cast %swap3A_883 : vector<1x16xf32> to vector<16xf32>
        %swap3A_885 = vector.shape_cast %mul3A_880 : vector<16xf32> to vector<1x16xf32>
        tpu.vector_store %arg8[%swap3A_881, %swap3A_882], %swap3A_885 {strides = array<i32>} : memref<64x64xf32, #tpu.memory_space<vmem>>, vector<1x16xf32>,
        %mul3A_886 = arith.constant 16 : i32
        %mul3A_887 = arith.muli %scan3A_280, %mul3A_886 : i32
        %add3A_888 = arith.constant 12 : i32
        %add3A_889 = arith.addi %mul3A_887, %add3A_888 : i32
        %slice3A_890 = vector.extract_strided_slice %get3A_287 {offsets = [12], sizes = [1], strides = [1]} : vector<16xf32> to vector<1xf32>
        %squeeze3A_891 = vector.extract %slice3A_890[0] : f32 from vector<1xf32>
        %get3A_892 = arith.index_cast %add3A_889 : i32 to index
        %get3A_893 = arith.constant 0 : index
        %get3A_894 = tpu.vector_load %arg8[%get3A_892, %get3A_893] {strides = array<i32>} : memref<64x64xf32, #tpu.memory_space<vmem>>, vector<1x16xf32>,
        %get3A_895 = vector.shape_cast %get3A_894 : vector<1x16xf32> to vector<16xf32>
        %mul3A_896 = vector.broadcast %squeeze3A_891 : f32 to vector<16xf32>
        %mul3A_897 = arith.mulf %get3A_895, %mul3A_896 : vector<16xf32>
        %swap3A_898 = arith.index_cast %add3A_889 : i32 to index
        %swap3A_899 = arith.constant 0 : index
        %swap3A_900 = tpu.vector_load %arg8[%swap3A_898, %swap3A_899] {strides = array<i32>} : memref<64x64xf32, #tpu.memory_space<vmem>>, vector<1x16xf32>,
        %swap3A_901 = vector.shape_cast %swap3A_900 : vector<1x16xf32> to vector<16xf32>
        %swap3A_902 = vector.shape_cast %mul3A_897 : vector<16xf32> to vector<1x16xf32>
        tpu.vector_store %arg8[%swap3A_898, %swap3A_899], %swap3A_902 {strides = array<i32>} : memref<64x64xf32, #tpu.memory_space<vmem>>, vector<1x16xf32>,
        %get3A_903 = arith.index_cast %add3A_889 : i32 to index
        %get3A_904 = arith.constant 16 : index
        %get3A_905 = tpu.vector_load %arg8[%get3A_903, %get3A_904] {strides = array<i32>} : memref<64x64xf32, #tpu.memory_space<vmem>>, vector<1x16xf32>,
        %get3A_906 = vector.shape_cast %get3A_905 : vector<1x16xf32> to vector<16xf32>
        %mul3A_907 = vector.broadcast %squeeze3A_891 : f32 to vector<16xf32>
        %mul3A_908 = arith.mulf %get3A_906, %mul3A_907 : vector<16xf32>
        %swap3A_909 = arith.index_cast %add3A_889 : i32 to index
        %swap3A_910 = arith.constant 16 : index
        %swap3A_911 = tpu.vector_load %arg8[%swap3A_909, %swap3A_910] {strides = array<i32>} : memref<64x64xf32, #tpu.memory_space<vmem>>, vector<1x16xf32>,
        %swap3A_912 = vector.shape_cast %swap3A_911 : vector<1x16xf32> to vector<16xf32>
        %swap3A_913 = vector.shape_cast %mul3A_908 : vector<16xf32> to vector<1x16xf32>
        tpu.vector_store %arg8[%swap3A_909, %swap3A_910], %swap3A_913 {strides = array<i32>} : memref<64x64xf32, #tpu.memory_space<vmem>>, vector<1x16xf32>,
        %get3A_914 = arith.index_cast %add3A_889 : i32 to index
        %get3A_915 = arith.constant 32 : index
        %get3A_916 = tpu.vector_load %arg8[%get3A_914, %get3A_915] {strides = array<i32>} : memref<64x64xf32, #tpu.memory_space<vmem>>, vector<1x16xf32>,
        %get3A_917 = vector.shape_cast %get3A_916 : vector<1x16xf32> to vector<16xf32>
        %mul3A_918 = vector.broadcast %squeeze3A_891 : f32 to vector<16xf32>
        %mul3A_919 = arith.mulf %get3A_917, %mul3A_918 : vector<16xf32>
        %swap3A_920 = arith.index_cast %add3A_889 : i32 to index
        %swap3A_921 = arith.constant 32 : index
        %swap3A_922 = tpu.vector_load %arg8[%swap3A_920, %swap3A_921] {strides = array<i32>} : memref<64x64xf32, #tpu.memory_space<vmem>>, vector<1x16xf32>,
        %swap3A_923 = vector.shape_cast %swap3A_922 : vector<1x16xf32> to vector<16xf32>
        %swap3A_924 = vector.shape_cast %mul3A_919 : vector<16xf32> to vector<1x16xf32>
        tpu.vector_store %arg8[%swap3A_920, %swap3A_921], %swap3A_924 {strides = array<i32>} : memref<64x64xf32, #tpu.memory_space<vmem>>, vector<1x16xf32>,
        %get3A_925 = arith.index_cast %add3A_889 : i32 to index
        %get3A_926 = arith.constant 48 : index
        %get3A_927 = tpu.vector_load %arg8[%get3A_925, %get3A_926] {strides = array<i32>} : memref<64x64xf32, #tpu.memory_space<vmem>>, vector<1x16xf32>,
        %get3A_928 = vector.shape_cast %get3A_927 : vector<1x16xf32> to vector<16xf32>
        %mul3A_929 = vector.broadcast %squeeze3A_891 : f32 to vector<16xf32>
        %mul3A_930 = arith.mulf %get3A_928, %mul3A_929 : vector<16xf32>
        %swap3A_931 = arith.index_cast %add3A_889 : i32 to index
        %swap3A_932 = arith.constant 48 : index
        %swap3A_933 = tpu.vector_load %arg8[%swap3A_931, %swap3A_932] {strides = array<i32>} : memref<64x64xf32, #tpu.memory_space<vmem>>, vector<1x16xf32>,
        %swap3A_934 = vector.shape_cast %swap3A_933 : vector<1x16xf32> to vector<16xf32>
        %swap3A_935 = vector.shape_cast %mul3A_930 : vector<16xf32> to vector<1x16xf32>
        tpu.vector_store %arg8[%swap3A_931, %swap3A_932], %swap3A_935 {strides = array<i32>} : memref<64x64xf32, #tpu.memory_space<vmem>>, vector<1x16xf32>,
        %mul3A_936 = arith.constant 16 : i32
        %mul3A_937 = arith.muli %scan3A_280, %mul3A_936 : i32
        %add3A_938 = arith.constant 13 : i32
        %add3A_939 = arith.addi %mul3A_937, %add3A_938 : i32
        %slice3A_940 = vector.extract_strided_slice %get3A_287 {offsets = [13], sizes = [1], strides = [1]} : vector<16xf32> to vector<1xf32>
        %squeeze3A_941 = vector.extract %slice3A_940[0] : f32 from vector<1xf32>
        %get3A_942 = arith.index_cast %add3A_939 : i32 to index
        %get3A_943 = arith.constant 0 : index
        %get3A_944 = tpu.vector_load %arg8[%get3A_942, %get3A_943] {strides = array<i32>} : memref<64x64xf32, #tpu.memory_space<vmem>>, vector<1x16xf32>,
        %get3A_945 = vector.shape_cast %get3A_944 : vector<1x16xf32> to vector<16xf32>
        %mul3A_946 = vector.broadcast %squeeze3A_941 : f32 to vector<16xf32>
        %mul3A_947 = arith.mulf %get3A_945, %mul3A_946 : vector<16xf32>
        %swap3A_948 = arith.index_cast %add3A_939 : i32 to index
        %swap3A_949 = arith.constant 0 : index
        %swap3A_950 = tpu.vector_load %arg8[%swap3A_948, %swap3A_949] {strides = array<i32>} : memref<64x64xf32, #tpu.memory_space<vmem>>, vector<1x16xf32>,
        %swap3A_951 = vector.shape_cast %swap3A_950 : vector<1x16xf32> to vector<16xf32>
        %swap3A_952 = vector.shape_cast %mul3A_947 : vector<16xf32> to vector<1x16xf32>
        tpu.vector_store %arg8[%swap3A_948, %swap3A_949], %swap3A_952 {strides = array<i32>} : memref<64x64xf32, #tpu.memory_space<vmem>>, vector<1x16xf32>,
        %get3A_953 = arith.index_cast %add3A_939 : i32 to index
        %get3A_954 = arith.constant 16 : index
        %get3A_955 = tpu.vector_load %arg8[%get3A_953, %get3A_954] {strides = array<i32>} : memref<64x64xf32, #tpu.memory_space<vmem>>, vector<1x16xf32>,
        %get3A_956 = vector.shape_cast %get3A_955 : vector<1x16xf32> to vector<16xf32>
        %mul3A_957 = vector.broadcast %squeeze3A_941 : f32 to vector<16xf32>
        %mul3A_958 = arith.mulf %get3A_956, %mul3A_957 : vector<16xf32>
        %swap3A_959 = arith.index_cast %add3A_939 : i32 to index
        %swap3A_960 = arith.constant 16 : index
        %swap3A_961 = tpu.vector_load %arg8[%swap3A_959, %swap3A_960] {strides = array<i32>} : memref<64x64xf32, #tpu.memory_space<vmem>>, vector<1x16xf32>,
        %swap3A_962 = vector.shape_cast %swap3A_961 : vector<1x16xf32> to vector<16xf32>
        %swap3A_963 = vector.shape_cast %mul3A_958 : vector<16xf32> to vector<1x16xf32>
        tpu.vector_store %arg8[%swap3A_959, %swap3A_960], %swap3A_963 {strides = array<i32>} : memref<64x64xf32, #tpu.memory_space<vmem>>, vector<1x16xf32>,
        %get3A_964 = arith.index_cast %add3A_939 : i32 to index
        %get3A_965 = arith.constant 32 : index
        %get3A_966 = tpu.vector_load %arg8[%get3A_964, %get3A_965] {strides = array<i32>} : memref<64x64xf32, #tpu.memory_space<vmem>>, vector<1x16xf32>,
        %get3A_967 = vector.shape_cast %get3A_966 : vector<1x16xf32> to vector<16xf32>
        %mul3A_968 = vector.broadcast %squeeze3A_941 : f32 to vector<16xf32>
        %mul3A_969 = arith.mulf %get3A_967, %mul3A_968 : vector<16xf32>
        %swap3A_970 = arith.index_cast %add3A_939 : i32 to index
        %swap3A_971 = arith.constant 32 : index
        %swap3A_972 = tpu.vector_load %arg8[%swap3A_970, %swap3A_971] {strides = array<i32>} : memref<64x64xf32, #tpu.memory_space<vmem>>, vector<1x16xf32>,
        %swap3A_973 = vector.shape_cast %swap3A_972 : vector<1x16xf32> to vector<16xf32>
        %swap3A_974 = vector.shape_cast %mul3A_969 : vector<16xf32> to vector<1x16xf32>
        tpu.vector_store %arg8[%swap3A_970, %swap3A_971], %swap3A_974 {strides = array<i32>} : memref<64x64xf32, #tpu.memory_space<vmem>>, vector<1x16xf32>,
        %get3A_975 = arith.index_cast %add3A_939 : i32 to index
        %get3A_976 = arith.constant 48 : index
        %get3A_977 = tpu.vector_load %arg8[%get3A_975, %get3A_976] {strides = array<i32>} : memref<64x64xf32, #tpu.memory_space<vmem>>, vector<1x16xf32>,
        %get3A_978 = vector.shape_cast %get3A_977 : vector<1x16xf32> to vector<16xf32>
        %mul3A_979 = vector.broadcast %squeeze3A_941 : f32 to vector<16xf32>
        %mul3A_980 = arith.mulf %get3A_978, %mul3A_979 : vector<16xf32>
        %swap3A_981 = arith.index_cast %add3A_939 : i32 to index
        %swap3A_982 = arith.constant 48 : index
        %swap3A_983 = tpu.vector_load %arg8[%swap3A_981, %swap3A_982] {strides = array<i32>} : memref<64x64xf32, #tpu.memory_space<vmem>>, vector<1x16xf32>,
        %swap3A_984 = vector.shape_cast %swap3A_983 : vector<1x16xf32> to vector<16xf32>
        %swap3A_985 = vector.shape_cast %mul3A_980 : vector<16xf32> to vector<1x16xf32>
        tpu.vector_store %arg8[%swap3A_981, %swap3A_982], %swap3A_985 {strides = array<i32>} : memref<64x64xf32, #tpu.memory_space<vmem>>, vector<1x16xf32>,
        %mul3A_986 = arith.constant 16 : i32
        %mul3A_987 = arith.muli %scan3A_280, %mul3A_986 : i32
        %add3A_988 = arith.constant 14 : i32
        %add3A_989 = arith.addi %mul3A_987, %add3A_988 : i32
        %slice3A_990 = vector.extract_strided_slice %get3A_287 {offsets = [14], sizes = [1], strides = [1]} : vector<16xf32> to vector<1xf32>
        %squeeze3A_991 = vector.extract %slice3A_990[0] : f32 from vector<1xf32>
        %get3A_992 = arith.index_cast %add3A_989 : i32 to index
        %get3A_993 = arith.constant 0 : index
        %get3A_994 = tpu.vector_load %arg8[%get3A_992, %get3A_993] {strides = array<i32>} : memref<64x64xf32, #tpu.memory_space<vmem>>, vector<1x16xf32>,
        %get3A_995 = vector.shape_cast %get3A_994 : vector<1x16xf32> to vector<16xf32>
        %mul3A_996 = vector.broadcast %squeeze3A_991 : f32 to vector<16xf32>
        %mul3A_997 = arith.mulf %get3A_995, %mul3A_996 : vector<16xf32>
        %swap3A_998 = arith.index_cast %add3A_989 : i32 to index
        %swap3A_999 = arith.constant 0 : index
        %swap3A_1000 = tpu.vector_load %arg8[%swap3A_998, %swap3A_999] {strides = array<i32>} : memref<64x64xf32, #tpu.memory_space<vmem>>, vector<1x16xf32>,
        %swap3A_1001 = vector.shape_cast %swap3A_1000 : vector<1x16xf32> to vector<16xf32>
        %swap3A_1002 = vector.shape_cast %mul3A_997 : vector<16xf32> to vector<1x16xf32>
        tpu.vector_store %arg8[%swap3A_998, %swap3A_999], %swap3A_1002 {strides = array<i32>} : memref<64x64xf32, #tpu.memory_space<vmem>>, vector<1x16xf32>,
        %get3A_1003 = arith.index_cast %add3A_989 : i32 to index
        %get3A_1004 = arith.constant 16 : index
        %get3A_1005 = tpu.vector_load %arg8[%get3A_1003, %get3A_1004] {strides = array<i32>} : memref<64x64xf32, #tpu.memory_space<vmem>>, vector<1x16xf32>,
        %get3A_1006 = vector.shape_cast %get3A_1005 : vector<1x16xf32> to vector<16xf32>
        %mul3A_1007 = vector.broadcast %squeeze3A_991 : f32 to vector<16xf32>
        %mul3A_1008 = arith.mulf %get3A_1006, %mul3A_1007 : vector<16xf32>
        %swap3A_1009 = arith.index_cast %add3A_989 : i32 to index
        %swap3A_1010 = arith.constant 16 : index
        %swap3A_1011 = tpu.vector_load %arg8[%swap3A_1009, %swap3A_1010] {strides = array<i32>} : memref<64x64xf32, #tpu.memory_space<vmem>>, vector<1x16xf32>,
        %swap3A_1012 = vector.shape_cast %swap3A_1011 : vector<1x16xf32> to vector<16xf32>
        %swap3A_1013 = vector.shape_cast %mul3A_1008 : vector<16xf32> to vector<1x16xf32>
        tpu.vector_store %arg8[%swap3A_1009, %swap3A_1010], %swap3A_1013 {strides = array<i32>} : memref<64x64xf32, #tpu.memory_space<vmem>>, vector<1x16xf32>,
        %get3A_1014 = arith.index_cast %add3A_989 : i32 to index
        %get3A_1015 = arith.constant 32 : index
        %get3A_1016 = tpu.vector_load %arg8[%get3A_1014, %get3A_1015] {strides = array<i32>} : memref<64x64xf32, #tpu.memory_space<vmem>>, vector<1x16xf32>,
        %get3A_1017 = vector.shape_cast %get3A_1016 : vector<1x16xf32> to vector<16xf32>
        %mul3A_1018 = vector.broadcast %squeeze3A_991 : f32 to vector<16xf32>
        %mul3A_1019 = arith.mulf %get3A_1017, %mul3A_1018 : vector<16xf32>
        %swap3A_1020 = arith.index_cast %add3A_989 : i32 to index
        %swap3A_1021 = arith.constant 32 : index
        %swap3A_1022 = tpu.vector_load %arg8[%swap3A_1020, %swap3A_1021] {strides = array<i32>} : memref<64x64xf32, #tpu.memory_space<vmem>>, vector<1x16xf32>,
        %swap3A_1023 = vector.shape_cast %swap3A_1022 : vector<1x16xf32> to vector<16xf32>
        %swap3A_1024 = vector.shape_cast %mul3A_1019 : vector<16xf32> to vector<1x16xf32>
        tpu.vector_store %arg8[%swap3A_1020, %swap3A_1021], %swap3A_1024 {strides = array<i32>} : memref<64x64xf32, #tpu.memory_space<vmem>>, vector<1x16xf32>,
        %get3A_1025 = arith.index_cast %add3A_989 : i32 to index
        %get3A_1026 = arith.constant 48 : index
        %get3A_1027 = tpu.vector_load %arg8[%get3A_1025, %get3A_1026] {strides = array<i32>} : memref<64x64xf32, #tpu.memory_space<vmem>>, vector<1x16xf32>,
        %get3A_1028 = vector.shape_cast %get3A_1027 : vector<1x16xf32> to vector<16xf32>
        %mul3A_1029 = vector.broadcast %squeeze3A_991 : f32 to vector<16xf32>
        %mul3A_1030 = arith.mulf %get3A_1028, %mul3A_1029 : vector<16xf32>
        %swap3A_1031 = arith.index_cast %add3A_989 : i32 to index
        %swap3A_1032 = arith.constant 48 : index
        %swap3A_1033 = tpu.vector_load %arg8[%swap3A_1031, %swap3A_1032] {strides = array<i32>} : memref<64x64xf32, #tpu.memory_space<vmem>>, vector<1x16xf32>,
        %swap3A_1034 = vector.shape_cast %swap3A_1033 : vector<1x16xf32> to vector<16xf32>
        %swap3A_1035 = vector.shape_cast %mul3A_1030 : vector<16xf32> to vector<1x16xf32>
        tpu.vector_store %arg8[%swap3A_1031, %swap3A_1032], %swap3A_1035 {strides = array<i32>} : memref<64x64xf32, #tpu.memory_space<vmem>>, vector<1x16xf32>,
        %mul3A_1036 = arith.constant 16 : i32
        %mul3A_1037 = arith.muli %scan3A_280, %mul3A_1036 : i32
        %add3A_1038 = arith.constant 15 : i32
        %add3A_1039 = arith.addi %mul3A_1037, %add3A_1038 : i32
        %slice3A_1040 = vector.extract_strided_slice %get3A_287 {offsets = [15], sizes = [1], strides = [1]} : vector<16xf32> to vector<1xf32>
        %squeeze3A_1041 = vector.extract %slice3A_1040[0] : f32 from vector<1xf32>
        %get3A_1042 = arith.index_cast %add3A_1039 : i32 to index
        %get3A_1043 = arith.constant 0 : index
        %get3A_1044 = tpu.vector_load %arg8[%get3A_1042, %get3A_1043] {strides = array<i32>} : memref<64x64xf32, #tpu.memory_space<vmem>>, vector<1x16xf32>,
        %get3A_1045 = vector.shape_cast %get3A_1044 : vector<1x16xf32> to vector<16xf32>
        %mul3A_1046 = vector.broadcast %squeeze3A_1041 : f32 to vector<16xf32>
        %mul3A_1047 = arith.mulf %get3A_1045, %mul3A_1046 : vector<16xf32>
        %swap3A_1048 = arith.index_cast %add3A_1039 : i32 to index
        %swap3A_1049 = arith.constant 0 : index
        %swap3A_1050 = tpu.vector_load %arg8[%swap3A_1048, %swap3A_1049] {strides = array<i32>} : memref<64x64xf32, #tpu.memory_space<vmem>>, vector<1x16xf32>,
        %swap3A_1051 = vector.shape_cast %swap3A_1050 : vector<1x16xf32> to vector<16xf32>
        %swap3A_1052 = vector.shape_cast %mul3A_1047 : vector<16xf32> to vector<1x16xf32>
        tpu.vector_store %arg8[%swap3A_1048, %swap3A_1049], %swap3A_1052 {strides = array<i32>} : memref<64x64xf32, #tpu.memory_space<vmem>>, vector<1x16xf32>,
        %get3A_1053 = arith.index_cast %add3A_1039 : i32 to index
        %get3A_1054 = arith.constant 16 : index
        %get3A_1055 = tpu.vector_load %arg8[%get3A_1053, %get3A_1054] {strides = array<i32>} : memref<64x64xf32, #tpu.memory_space<vmem>>, vector<1x16xf32>,
        %get3A_1056 = vector.shape_cast %get3A_1055 : vector<1x16xf32> to vector<16xf32>
        %mul3A_1057 = vector.broadcast %squeeze3A_1041 : f32 to vector<16xf32>
        %mul3A_1058 = arith.mulf %get3A_1056, %mul3A_1057 : vector<16xf32>
        %swap3A_1059 = arith.index_cast %add3A_1039 : i32 to index
        %swap3A_1060 = arith.constant 16 : index
        %swap3A_1061 = tpu.vector_load %arg8[%swap3A_1059, %swap3A_1060] {strides = array<i32>} : memref<64x64xf32, #tpu.memory_space<vmem>>, vector<1x16xf32>,
        %swap3A_1062 = vector.shape_cast %swap3A_1061 : vector<1x16xf32> to vector<16xf32>
        %swap3A_1063 = vector.shape_cast %mul3A_1058 : vector<16xf32> to vector<1x16xf32>
        tpu.vector_store %arg8[%swap3A_1059, %swap3A_1060], %swap3A_1063 {strides = array<i32>} : memref<64x64xf32, #tpu.memory_space<vmem>>, vector<1x16xf32>,
        %get3A_1064 = arith.index_cast %add3A_1039 : i32 to index
        %get3A_1065 = arith.constant 32 : index
        %get3A_1066 = tpu.vector_load %arg8[%get3A_1064, %get3A_1065] {strides = array<i32>} : memref<64x64xf32, #tpu.memory_space<vmem>>, vector<1x16xf32>,
        %get3A_1067 = vector.shape_cast %get3A_1066 : vector<1x16xf32> to vector<16xf32>
        %mul3A_1068 = vector.broadcast %squeeze3A_1041 : f32 to vector<16xf32>
        %mul3A_1069 = arith.mulf %get3A_1067, %mul3A_1068 : vector<16xf32>
        %swap3A_1070 = arith.index_cast %add3A_1039 : i32 to index
        %swap3A_1071 = arith.constant 32 : index
        %swap3A_1072 = tpu.vector_load %arg8[%swap3A_1070, %swap3A_1071] {strides = array<i32>} : memref<64x64xf32, #tpu.memory_space<vmem>>, vector<1x16xf32>,
        %swap3A_1073 = vector.shape_cast %swap3A_1072 : vector<1x16xf32> to vector<16xf32>
        %swap3A_1074 = vector.shape_cast %mul3A_1069 : vector<16xf32> to vector<1x16xf32>
        tpu.vector_store %arg8[%swap3A_1070, %swap3A_1071], %swap3A_1074 {strides = array<i32>} : memref<64x64xf32, #tpu.memory_space<vmem>>, vector<1x16xf32>,
        %get3A_1075 = arith.index_cast %add3A_1039 : i32 to index
        %get3A_1076 = arith.constant 48 : index
        %get3A_1077 = tpu.vector_load %arg8[%get3A_1075, %get3A_1076] {strides = array<i32>} : memref<64x64xf32, #tpu.memory_space<vmem>>, vector<1x16xf32>,
        %get3A_1078 = vector.shape_cast %get3A_1077 : vector<1x16xf32> to vector<16xf32>
        %mul3A_1079 = vector.broadcast %squeeze3A_1041 : f32 to vector<16xf32>
        %mul3A_1080 = arith.mulf %get3A_1078, %mul3A_1079 : vector<16xf32>
        %swap3A_1081 = arith.index_cast %add3A_1039 : i32 to index
        %swap3A_1082 = arith.constant 48 : index
        %swap3A_1083 = tpu.vector_load %arg8[%swap3A_1081, %swap3A_1082] {strides = array<i32>} : memref<64x64xf32, #tpu.memory_space<vmem>>, vector<1x16xf32>,
        %swap3A_1084 = vector.shape_cast %swap3A_1083 : vector<1x16xf32> to vector<16xf32>
        %swap3A_1085 = vector.shape_cast %mul3A_1080 : vector<16xf32> to vector<1x16xf32>
        tpu.vector_store %arg8[%swap3A_1081, %swap3A_1082], %swap3A_1085 {strides = array<i32>} : memref<64x64xf32, #tpu.memory_space<vmem>>, vector<1x16xf32>,
      }
      %scan3A_279 = arith.constant 4 : i32
      "tpu.region"() ({
        %run_scoped3A = tpu.sem_alloc : memref<!tpu.dma_semaphore, #tpu.memory_space<semaphore_mem>>
        %dma_start3A = arith.constant 0 : i32
        %dma_start3A_280 = tpu.memref_slice %arg14[%add3A_273, %dma_start3A] : memref<10240x64xf32, #tpu.memory_space<vmem_shared>> -> memref<64x64xf32, #tpu.memory_space<vmem_shared>>
        %dma_start3A_281 = arith.constant 0 : i32
        %dma_start3A_282 = tpu.memref_slice %arg14[%add3A_273, %dma_start3A_281] : memref<10240x64xf32, #tpu.memory_space<vmem_shared>> -> memref<64x64xf32, #tpu.memory_space<vmem_shared>>
        tpu.enqueue_dma source(%arg8 : memref<64x64xf32, #tpu.memory_space<vmem>>) target(%dma_start3A_282 : memref<64x64xf32, #tpu.memory_space<vmem_shared>>) target_semaphore(%run_scoped3A : memref<!tpu.dma_semaphore, #tpu.memory_space<semaphore_mem>>)
        %dma_wait3A = arith.constant 0 : i32
        %dma_wait3A_283 = tpu.memref_slice %arg14[%add3A_273, %dma_wait3A] : memref<10240x64xf32, #tpu.memory_space<vmem_shared>> -> memref<64x64xf32, #tpu.memory_space<vmem_shared>>
        %dma_wait3A_284 = arith.constant 0 : i32
        %dma_wait3A_285 = tpu.memref_slice %arg14[%add3A_273, %dma_wait3A_284] : memref<10240x64xf32, #tpu.memory_space<vmem_shared>> -> memref<64x64xf32, #tpu.memory_space<vmem_shared>>
        tpu.wait_dma2 semaphore(%run_scoped3A : memref<!tpu.dma_semaphore, #tpu.memory_space<semaphore_mem>>) src(%arg8 : memref<64x64xf32, #tpu.memory_space<vmem>>) dst(%dma_wait3A_285 : memref<64x64xf32, #tpu.memory_space<vmem_shared>>)
        tpu.yield
      }) : () -> ()
    }
    %scan3A_250 = arith.constant 10 : i32
    %barrier3A_251 = arith.constant 0 : index
    tpu.barrier barrier_id(%barrier3A_251)
    %scan3A_252 = arith.constant 0 : i32
    %scan3A_253 = arith.constant 0 : i32
    %scan3A_254 = arith.constant 80 : i32
    %scan3A_255 = arith.addi %scan3A_253, %scan3A_254 : i32
    %scan3A_256 = arith.constant 1 : i32
    scf.for %scan3A_268 = %scan3A_253 to %scan3A_255 step %scan3A_256  : i32 {
      %mul3A_269 = arith.constant 2 : i32
      %mul3A_270 = arith.muli %scan3A_268, %mul3A_269 : i32
      %add3A_271 = arith.constant 0 : i32
      %add3A_272 = arith.addi %mul3A_270, %add3A_271 : i32
      %get3A = arith.index_cast %add3A_272 : i32 to index
      %get3A_273 = arith.constant 0 : index
      %get3A_274 = tpu.vector_load %arg6[%get3A, %get3A_273] {strides = array<i32>} : memref<160x128xi32, #tpu.memory_space<vmem>>, vector<1x16xi32>,
      %get3A_275 = vector.shape_cast %get3A_274 : vector<1x16xi32> to vector<16xi32>
      %and3A = arith.constant 65535 : i32
      %and3A_276 = vector.broadcast %and3A : i32 to vector<16xi32>
      %and3A_277 = arith.andi %get3A_275, %and3A_276 : vector<16xi32>
      %shift_right_logical3A = arith.constant 16 : i32
      %shift_right_logical3A_278 = vector.broadcast %shift_right_logical3A : i32 to vector<16xi32>
      %shift_right_logical3A_279 = arith.shrui %get3A_275, %shift_right_logical3A_278 : vector<16xi32>
      %swap3A_280 = arith.constant 0 : i32
      %swap3A_281 = arith.index_cast %swap3A_280 : i32 to index
      %swap3A_282 = arith.constant 0 : index
      %swap3A_283 = tpu.vector_load %arg11[%swap3A_281, %swap3A_282] {strides = array<i32>} : memref<2x128xi32, #tpu.memory_space<vmem>>, vector<1x16xi32>,
      %swap3A_284 = vector.shape_cast %swap3A_283 : vector<1x16xi32> to vector<16xi32>
      %swap3A_285 = vector.shape_cast %shift_right_logical3A_279 : vector<16xi32> to vector<1x16xi32>
      tpu.vector_store %arg11[%swap3A_281, %swap3A_282], %swap3A_285 {strides = array<i32>} : memref<2x128xi32, #tpu.memory_space<vmem>>, vector<1x16xi32>,
      %swap3A_286 = arith.constant 0 : i32
      %swap3A_287 = arith.index_cast %swap3A_286 : i32 to index
      %swap3A_288 = arith.constant 0 : index
      %swap3A_289 = tpu.vector_load %arg12[%swap3A_287, %swap3A_288] {strides = array<i32>} : memref<2x128xi32, #tpu.memory_space<vmem>>, vector<1x16xi32>,
      %swap3A_290 = vector.shape_cast %swap3A_289 : vector<1x16xi32> to vector<16xi32>
      %swap3A_291 = vector.shape_cast %and3A_277 : vector<16xi32> to vector<1x16xi32>
      tpu.vector_store %arg12[%swap3A_287, %swap3A_288], %swap3A_291 {strides = array<i32>} : memref<2x128xi32, #tpu.memory_space<vmem>>, vector<1x16xi32>,
      %get3A_292 = arith.index_cast %add3A_272 : i32 to index
      %get3A_293 = arith.constant 16 : index
      %get3A_294 = tpu.vector_load %arg6[%get3A_292, %get3A_293] {strides = array<i32>} : memref<160x128xi32, #tpu.memory_space<vmem>>, vector<1x16xi32>,
      %get3A_295 = vector.shape_cast %get3A_294 : vector<1x16xi32> to vector<16xi32>
      %and3A_296 = arith.constant 65535 : i32
      %and3A_297 = vector.broadcast %and3A_296 : i32 to vector<16xi32>
      %and3A_298 = arith.andi %get3A_295, %and3A_297 : vector<16xi32>
      %shift_right_logical3A_299 = arith.constant 16 : i32
      %shift_right_logical3A_300 = vector.broadcast %shift_right_logical3A_299 : i32 to vector<16xi32>
      %shift_right_logical3A_301 = arith.shrui %get3A_295, %shift_right_logical3A_300 : vector<16xi32>
      %swap3A_302 = arith.constant 0 : i32
      %swap3A_303 = arith.index_cast %swap3A_302 : i32 to index
      %swap3A_304 = arith.constant 16 : index
      %swap3A_305 = tpu.vector_load %arg11[%swap3A_303, %swap3A_304] {strides = array<i32>} : memref<2x128xi32, #tpu.memory_space<vmem>>, vector<1x16xi32>,
      %swap3A_306 = vector.shape_cast %swap3A_305 : vector<1x16xi32> to vector<16xi32>
      %swap3A_307 = vector.shape_cast %shift_right_logical3A_301 : vector<16xi32> to vector<1x16xi32>
      tpu.vector_store %arg11[%swap3A_303, %swap3A_304], %swap3A_307 {strides = array<i32>} : memref<2x128xi32, #tpu.memory_space<vmem>>, vector<1x16xi32>,
      %swap3A_308 = arith.constant 0 : i32
      %swap3A_309 = arith.index_cast %swap3A_308 : i32 to index
      %swap3A_310 = arith.constant 16 : index
      %swap3A_311 = tpu.vector_load %arg12[%swap3A_309, %swap3A_310] {strides = array<i32>} : memref<2x128xi32, #tpu.memory_space<vmem>>, vector<1x16xi32>,
      %swap3A_312 = vector.shape_cast %swap3A_311 : vector<1x16xi32> to vector<16xi32>
      %swap3A_313 = vector.shape_cast %and3A_298 : vector<16xi32> to vector<1x16xi32>
      tpu.vector_store %arg12[%swap3A_309, %swap3A_310], %swap3A_313 {strides = array<i32>} : memref<2x128xi32, #tpu.memory_space<vmem>>, vector<1x16xi32>,
      %get3A_314 = arith.index_cast %add3A_272 : i32 to index
      %get3A_315 = arith.constant 32 : index
      %get3A_316 = tpu.vector_load %arg6[%get3A_314, %get3A_315] {strides = array<i32>} : memref<160x128xi32, #tpu.memory_space<vmem>>, vector<1x16xi32>,
      %get3A_317 = vector.shape_cast %get3A_316 : vector<1x16xi32> to vector<16xi32>
      %and3A_318 = arith.constant 65535 : i32
      %and3A_319 = vector.broadcast %and3A_318 : i32 to vector<16xi32>
      %and3A_320 = arith.andi %get3A_317, %and3A_319 : vector<16xi32>
      %shift_right_logical3A_321 = arith.constant 16 : i32
      %shift_right_logical3A_322 = vector.broadcast %shift_right_logical3A_321 : i32 to vector<16xi32>
      %shift_right_logical3A_323 = arith.shrui %get3A_317, %shift_right_logical3A_322 : vector<16xi32>
      %swap3A_324 = arith.constant 0 : i32
      %swap3A_325 = arith.index_cast %swap3A_324 : i32 to index
      %swap3A_326 = arith.constant 32 : index
      %swap3A_327 = tpu.vector_load %arg11[%swap3A_325, %swap3A_326] {strides = array<i32>} : memref<2x128xi32, #tpu.memory_space<vmem>>, vector<1x16xi32>,
      %swap3A_328 = vector.shape_cast %swap3A_327 : vector<1x16xi32> to vector<16xi32>
      %swap3A_329 = vector.shape_cast %shift_right_logical3A_323 : vector<16xi32> to vector<1x16xi32>
      tpu.vector_store %arg11[%swap3A_325, %swap3A_326], %swap3A_329 {strides = array<i32>} : memref<2x128xi32, #tpu.memory_space<vmem>>, vector<1x16xi32>,
      %swap3A_330 = arith.constant 0 : i32
      %swap3A_331 = arith.index_cast %swap3A_330 : i32 to index
      %swap3A_332 = arith.constant 32 : index
      %swap3A_333 = tpu.vector_load %arg12[%swap3A_331, %swap3A_332] {strides = array<i32>} : memref<2x128xi32, #tpu.memory_space<vmem>>, vector<1x16xi32>,
      %swap3A_334 = vector.shape_cast %swap3A_333 : vector<1x16xi32> to vector<16xi32>
      %swap3A_335 = vector.shape_cast %and3A_320 : vector<16xi32> to vector<1x16xi32>
      tpu.vector_store %arg12[%swap3A_331, %swap3A_332], %swap3A_335 {strides = array<i32>} : memref<2x128xi32, #tpu.memory_space<vmem>>, vector<1x16xi32>,
      %get3A_336 = arith.index_cast %add3A_272 : i32 to index
      %get3A_337 = arith.constant 48 : index
      %get3A_338 = tpu.vector_load %arg6[%get3A_336, %get3A_337] {strides = array<i32>} : memref<160x128xi32, #tpu.memory_space<vmem>>, vector<1x16xi32>,
      %get3A_339 = vector.shape_cast %get3A_338 : vector<1x16xi32> to vector<16xi32>
      %and3A_340 = arith.constant 65535 : i32
      %and3A_341 = vector.broadcast %and3A_340 : i32 to vector<16xi32>
      %and3A_342 = arith.andi %get3A_339, %and3A_341 : vector<16xi32>
      %shift_right_logical3A_343 = arith.constant 16 : i32
      %shift_right_logical3A_344 = vector.broadcast %shift_right_logical3A_343 : i32 to vector<16xi32>
      %shift_right_logical3A_345 = arith.shrui %get3A_339, %shift_right_logical3A_344 : vector<16xi32>
      %swap3A_346 = arith.constant 0 : i32
      %swap3A_347 = arith.index_cast %swap3A_346 : i32 to index
      %swap3A_348 = arith.constant 48 : index
      %swap3A_349 = tpu.vector_load %arg11[%swap3A_347, %swap3A_348] {strides = array<i32>} : memref<2x128xi32, #tpu.memory_space<vmem>>, vector<1x16xi32>,
      %swap3A_350 = vector.shape_cast %swap3A_349 : vector<1x16xi32> to vector<16xi32>
      %swap3A_351 = vector.shape_cast %shift_right_logical3A_345 : vector<16xi32> to vector<1x16xi32>
      tpu.vector_store %arg11[%swap3A_347, %swap3A_348], %swap3A_351 {strides = array<i32>} : memref<2x128xi32, #tpu.memory_space<vmem>>, vector<1x16xi32>,
      %swap3A_352 = arith.constant 0 : i32
      %swap3A_353 = arith.index_cast %swap3A_352 : i32 to index
      %swap3A_354 = arith.constant 48 : index
      %swap3A_355 = tpu.vector_load %arg12[%swap3A_353, %swap3A_354] {strides = array<i32>} : memref<2x128xi32, #tpu.memory_space<vmem>>, vector<1x16xi32>,
      %swap3A_356 = vector.shape_cast %swap3A_355 : vector<1x16xi32> to vector<16xi32>
      %swap3A_357 = vector.shape_cast %and3A_342 : vector<16xi32> to vector<1x16xi32>
      tpu.vector_store %arg12[%swap3A_353, %swap3A_354], %swap3A_357 {strides = array<i32>} : memref<2x128xi32, #tpu.memory_space<vmem>>, vector<1x16xi32>,
      %get3A_358 = arith.index_cast %add3A_272 : i32 to index
      %get3A_359 = arith.constant 64 : index
      %get3A_360 = tpu.vector_load %arg6[%get3A_358, %get3A_359] {strides = array<i32>} : memref<160x128xi32, #tpu.memory_space<vmem>>, vector<1x16xi32>,
      %get3A_361 = vector.shape_cast %get3A_360 : vector<1x16xi32> to vector<16xi32>
      %and3A_362 = arith.constant 65535 : i32
      %and3A_363 = vector.broadcast %and3A_362 : i32 to vector<16xi32>
      %and3A_364 = arith.andi %get3A_361, %and3A_363 : vector<16xi32>
      %shift_right_logical3A_365 = arith.constant 16 : i32
      %shift_right_logical3A_366 = vector.broadcast %shift_right_logical3A_365 : i32 to vector<16xi32>
      %shift_right_logical3A_367 = arith.shrui %get3A_361, %shift_right_logical3A_366 : vector<16xi32>
      %swap3A_368 = arith.constant 0 : i32
      %swap3A_369 = arith.index_cast %swap3A_368 : i32 to index
      %swap3A_370 = arith.constant 64 : index
      %swap3A_371 = tpu.vector_load %arg11[%swap3A_369, %swap3A_370] {strides = array<i32>} : memref<2x128xi32, #tpu.memory_space<vmem>>, vector<1x16xi32>,
      %swap3A_372 = vector.shape_cast %swap3A_371 : vector<1x16xi32> to vector<16xi32>
      %swap3A_373 = vector.shape_cast %shift_right_logical3A_367 : vector<16xi32> to vector<1x16xi32>
      tpu.vector_store %arg11[%swap3A_369, %swap3A_370], %swap3A_373 {strides = array<i32>} : memref<2x128xi32, #tpu.memory_space<vmem>>, vector<1x16xi32>,
      %swap3A_374 = arith.constant 0 : i32
      %swap3A_375 = arith.index_cast %swap3A_374 : i32 to index
      %swap3A_376 = arith.constant 64 : index
      %swap3A_377 = tpu.vector_load %arg12[%swap3A_375, %swap3A_376] {strides = array<i32>} : memref<2x128xi32, #tpu.memory_space<vmem>>, vector<1x16xi32>,
      %swap3A_378 = vector.shape_cast %swap3A_377 : vector<1x16xi32> to vector<16xi32>
      %swap3A_379 = vector.shape_cast %and3A_364 : vector<16xi32> to vector<1x16xi32>
      tpu.vector_store %arg12[%swap3A_375, %swap3A_376], %swap3A_379 {strides = array<i32>} : memref<2x128xi32, #tpu.memory_space<vmem>>, vector<1x16xi32>,
      %get3A_380 = arith.index_cast %add3A_272 : i32 to index
      %get3A_381 = arith.constant 80 : index
      %get3A_382 = tpu.vector_load %arg6[%get3A_380, %get3A_381] {strides = array<i32>} : memref<160x128xi32, #tpu.memory_space<vmem>>, vector<1x16xi32>,
      %get3A_383 = vector.shape_cast %get3A_382 : vector<1x16xi32> to vector<16xi32>
      %and3A_384 = arith.constant 65535 : i32
      %and3A_385 = vector.broadcast %and3A_384 : i32 to vector<16xi32>
      %and3A_386 = arith.andi %get3A_383, %and3A_385 : vector<16xi32>
      %shift_right_logical3A_387 = arith.constant 16 : i32
      %shift_right_logical3A_388 = vector.broadcast %shift_right_logical3A_387 : i32 to vector<16xi32>
      %shift_right_logical3A_389 = arith.shrui %get3A_383, %shift_right_logical3A_388 : vector<16xi32>
      %swap3A_390 = arith.constant 0 : i32
      %swap3A_391 = arith.index_cast %swap3A_390 : i32 to index
      %swap3A_392 = arith.constant 80 : index
      %swap3A_393 = tpu.vector_load %arg11[%swap3A_391, %swap3A_392] {strides = array<i32>} : memref<2x128xi32, #tpu.memory_space<vmem>>, vector<1x16xi32>,
      %swap3A_394 = vector.shape_cast %swap3A_393 : vector<1x16xi32> to vector<16xi32>
      %swap3A_395 = vector.shape_cast %shift_right_logical3A_389 : vector<16xi32> to vector<1x16xi32>
      tpu.vector_store %arg11[%swap3A_391, %swap3A_392], %swap3A_395 {strides = array<i32>} : memref<2x128xi32, #tpu.memory_space<vmem>>, vector<1x16xi32>,
      %swap3A_396 = arith.constant 0 : i32
      %swap3A_397 = arith.index_cast %swap3A_396 : i32 to index
      %swap3A_398 = arith.constant 80 : index
      %swap3A_399 = tpu.vector_load %arg12[%swap3A_397, %swap3A_398] {strides = array<i32>} : memref<2x128xi32, #tpu.memory_space<vmem>>, vector<1x16xi32>,
      %swap3A_400 = vector.shape_cast %swap3A_399 : vector<1x16xi32> to vector<16xi32>
      %swap3A_401 = vector.shape_cast %and3A_386 : vector<16xi32> to vector<1x16xi32>
      tpu.vector_store %arg12[%swap3A_397, %swap3A_398], %swap3A_401 {strides = array<i32>} : memref<2x128xi32, #tpu.memory_space<vmem>>, vector<1x16xi32>,
      %get3A_402 = arith.index_cast %add3A_272 : i32 to index
      %get3A_403 = arith.constant 96 : index
      %get3A_404 = tpu.vector_load %arg6[%get3A_402, %get3A_403] {strides = array<i32>} : memref<160x128xi32, #tpu.memory_space<vmem>>, vector<1x16xi32>,
      %get3A_405 = vector.shape_cast %get3A_404 : vector<1x16xi32> to vector<16xi32>
      %and3A_406 = arith.constant 65535 : i32
      %and3A_407 = vector.broadcast %and3A_406 : i32 to vector<16xi32>
      %and3A_408 = arith.andi %get3A_405, %and3A_407 : vector<16xi32>
      %shift_right_logical3A_409 = arith.constant 16 : i32
      %shift_right_logical3A_410 = vector.broadcast %shift_right_logical3A_409 : i32 to vector<16xi32>
      %shift_right_logical3A_411 = arith.shrui %get3A_405, %shift_right_logical3A_410 : vector<16xi32>
      %swap3A_412 = arith.constant 0 : i32
      %swap3A_413 = arith.index_cast %swap3A_412 : i32 to index
      %swap3A_414 = arith.constant 96 : index
      %swap3A_415 = tpu.vector_load %arg11[%swap3A_413, %swap3A_414] {strides = array<i32>} : memref<2x128xi32, #tpu.memory_space<vmem>>, vector<1x16xi32>,
      %swap3A_416 = vector.shape_cast %swap3A_415 : vector<1x16xi32> to vector<16xi32>
      %swap3A_417 = vector.shape_cast %shift_right_logical3A_411 : vector<16xi32> to vector<1x16xi32>
      tpu.vector_store %arg11[%swap3A_413, %swap3A_414], %swap3A_417 {strides = array<i32>} : memref<2x128xi32, #tpu.memory_space<vmem>>, vector<1x16xi32>,
      %swap3A_418 = arith.constant 0 : i32
      %swap3A_419 = arith.index_cast %swap3A_418 : i32 to index
      %swap3A_420 = arith.constant 96 : index
      %swap3A_421 = tpu.vector_load %arg12[%swap3A_419, %swap3A_420] {strides = array<i32>} : memref<2x128xi32, #tpu.memory_space<vmem>>, vector<1x16xi32>,
      %swap3A_422 = vector.shape_cast %swap3A_421 : vector<1x16xi32> to vector<16xi32>
      %swap3A_423 = vector.shape_cast %and3A_408 : vector<16xi32> to vector<1x16xi32>
      tpu.vector_store %arg12[%swap3A_419, %swap3A_420], %swap3A_423 {strides = array<i32>} : memref<2x128xi32, #tpu.memory_space<vmem>>, vector<1x16xi32>,
      %get3A_424 = arith.index_cast %add3A_272 : i32 to index
      %get3A_425 = arith.constant 112 : index
      %get3A_426 = tpu.vector_load %arg6[%get3A_424, %get3A_425] {strides = array<i32>} : memref<160x128xi32, #tpu.memory_space<vmem>>, vector<1x16xi32>,
      %get3A_427 = vector.shape_cast %get3A_426 : vector<1x16xi32> to vector<16xi32>
      %and3A_428 = arith.constant 65535 : i32
      %and3A_429 = vector.broadcast %and3A_428 : i32 to vector<16xi32>
      %and3A_430 = arith.andi %get3A_427, %and3A_429 : vector<16xi32>
      %shift_right_logical3A_431 = arith.constant 16 : i32
      %shift_right_logical3A_432 = vector.broadcast %shift_right_logical3A_431 : i32 to vector<16xi32>
      %shift_right_logical3A_433 = arith.shrui %get3A_427, %shift_right_logical3A_432 : vector<16xi32>
      %swap3A_434 = arith.constant 0 : i32
      %swap3A_435 = arith.index_cast %swap3A_434 : i32 to index
      %swap3A_436 = arith.constant 112 : index
      %swap3A_437 = tpu.vector_load %arg11[%swap3A_435, %swap3A_436] {strides = array<i32>} : memref<2x128xi32, #tpu.memory_space<vmem>>, vector<1x16xi32>,
      %swap3A_438 = vector.shape_cast %swap3A_437 : vector<1x16xi32> to vector<16xi32>
      %swap3A_439 = vector.shape_cast %shift_right_logical3A_433 : vector<16xi32> to vector<1x16xi32>
      tpu.vector_store %arg11[%swap3A_435, %swap3A_436], %swap3A_439 {strides = array<i32>} : memref<2x128xi32, #tpu.memory_space<vmem>>, vector<1x16xi32>,
      %swap3A_440 = arith.constant 0 : i32
      %swap3A_441 = arith.index_cast %swap3A_440 : i32 to index
      %swap3A_442 = arith.constant 112 : index
      %swap3A_443 = tpu.vector_load %arg12[%swap3A_441, %swap3A_442] {strides = array<i32>} : memref<2x128xi32, #tpu.memory_space<vmem>>, vector<1x16xi32>,
      %swap3A_444 = vector.shape_cast %swap3A_443 : vector<1x16xi32> to vector<16xi32>
      %swap3A_445 = vector.shape_cast %and3A_430 : vector<16xi32> to vector<1x16xi32>
      tpu.vector_store %arg12[%swap3A_441, %swap3A_442], %swap3A_445 {strides = array<i32>} : memref<2x128xi32, #tpu.memory_space<vmem>>, vector<1x16xi32>,
      %dma_start3A = arith.constant 0 : i32
      %dma_start3A_446 = arith.constant 0 : i32
      %dma_start3A_447 = arith.constant 0 : i32
      %dma_start3A_448 = arith.constant 0 : i32
      %dma_start3A_449 = arith.constant 0 : i32
      %dma_start3A_450 = tpu.memref_slice %arg7[%dma_start3A_446, %dma_start3A_448, %dma_start3A_449] : memref<2x128x64xf32, #tpu.memory_space<vmem>> -> memref<1x128x64xf32, #tpu.memory_space<vmem>>
      %dma_start3A_451 = tpu.memref_squeeze %dma_start3A_450 : memref<1x128x64xf32, #tpu.memory_space<vmem>> -> memref<128x64xf32, #tpu.memory_space<vmem>>
      %dma_start3A_452 = arith.constant 0 : i32
      %dma_start3A_453 = tpu.memref_slice %arg11[%dma_start3A, %dma_start3A_452] : memref<2x128xi32, #tpu.memory_space<vmem>> -> memref<1x128xi32, #tpu.memory_space<vmem>>
      %dma_start3A_454 = tpu.memref_squeeze %dma_start3A_453 : memref<1x128xi32, #tpu.memory_space<vmem>> -> memref<128xi32, #tpu.memory_space<vmem>>
      %dma_start3A_455 = arith.constant 0 : i32
      %dma_start3A_456 = arith.constant 0 : i32
      %dma_start3A_457 = tpu.memref_slice %arg14[%dma_start3A_455, %dma_start3A_456] : memref<10240x64xf32, #tpu.memory_space<vmem_shared>> -> memref<10240x64xf32, #tpu.memory_space<vmem_shared>>
      %dma_start3A_458 = tpu.memref_slice %arg18[%dma_start3A_447] : memref<2x!tpu.dma_semaphore, #tpu.memory_space<semaphore_mem>> -> memref<1x!tpu.dma_semaphore, #tpu.memory_space<semaphore_mem>>
      %dma_start3A_459 = tpu.memref_squeeze %dma_start3A_458 : memref<1x!tpu.dma_semaphore, #tpu.memory_space<semaphore_mem>> -> memref<!tpu.dma_semaphore, #tpu.memory_space<semaphore_mem>>
      tpu.enqueue_indirect_dma source(%dma_start3A_457 : memref<10240x64xf32, #tpu.memory_space<vmem_shared>>) target(%dma_start3A_451 : memref<128x64xf32, #tpu.memory_space<vmem>>) offsets(%dma_start3A_454 : memref<128xi32, #tpu.memory_space<vmem>>) semaphore(%dma_start3A_459 : memref<!tpu.dma_semaphore, #tpu.memory_space<semaphore_mem>>)
      %mul3A_460 = arith.constant 2 : i32
      %mul3A_461 = arith.muli %scan3A_268, %mul3A_460 : i32
      %add3A_462 = arith.constant 1 : i32
      %add3A_463 = arith.addi %mul3A_461, %add3A_462 : i32
      %get3A_464 = arith.index_cast %add3A_463 : i32 to index
      %get3A_465 = arith.constant 0 : index
      %get3A_466 = tpu.vector_load %arg6[%get3A_464, %get3A_465] {strides = array<i32>} : memref<160x128xi32, #tpu.memory_space<vmem>>, vector<1x16xi32>,
      %get3A_467 = vector.shape_cast %get3A_466 : vector<1x16xi32> to vector<16xi32>
      %and3A_468 = arith.constant 65535 : i32
      %and3A_469 = vector.broadcast %and3A_468 : i32 to vector<16xi32>
      %and3A_470 = arith.andi %get3A_467, %and3A_469 : vector<16xi32>
      %shift_right_logical3A_471 = arith.constant 16 : i32
      %shift_right_logical3A_472 = vector.broadcast %shift_right_logical3A_471 : i32 to vector<16xi32>
      %shift_right_logical3A_473 = arith.shrui %get3A_467, %shift_right_logical3A_472 : vector<16xi32>
      %swap3A_474 = arith.constant 1 : i32
      %swap3A_475 = arith.index_cast %swap3A_474 : i32 to index
      %swap3A_476 = arith.constant 0 : index
      %swap3A_477 = tpu.vector_load %arg11[%swap3A_475, %swap3A_476] {strides = array<i32>} : memref<2x128xi32, #tpu.memory_space<vmem>>, vector<1x16xi32>,
      %swap3A_478 = vector.shape_cast %swap3A_477 : vector<1x16xi32> to vector<16xi32>
      %swap3A_479 = vector.shape_cast %shift_right_logical3A_473 : vector<16xi32> to vector<1x16xi32>
      tpu.vector_store %arg11[%swap3A_475, %swap3A_476], %swap3A_479 {strides = array<i32>} : memref<2x128xi32, #tpu.memory_space<vmem>>, vector<1x16xi32>,
      %swap3A_480 = arith.constant 1 : i32
      %swap3A_481 = arith.index_cast %swap3A_480 : i32 to index
      %swap3A_482 = arith.constant 0 : index
      %swap3A_483 = tpu.vector_load %arg12[%swap3A_481, %swap3A_482] {strides = array<i32>} : memref<2x128xi32, #tpu.memory_space<vmem>>, vector<1x16xi32>,
      %swap3A_484 = vector.shape_cast %swap3A_483 : vector<1x16xi32> to vector<16xi32>
      %swap3A_485 = vector.shape_cast %and3A_470 : vector<16xi32> to vector<1x16xi32>
      tpu.vector_store %arg12[%swap3A_481, %swap3A_482], %swap3A_485 {strides = array<i32>} : memref<2x128xi32, #tpu.memory_space<vmem>>, vector<1x16xi32>,
      %get3A_486 = arith.index_cast %add3A_463 : i32 to index
      %get3A_487 = arith.constant 16 : index
      %get3A_488 = tpu.vector_load %arg6[%get3A_486, %get3A_487] {strides = array<i32>} : memref<160x128xi32, #tpu.memory_space<vmem>>, vector<1x16xi32>,
      %get3A_489 = vector.shape_cast %get3A_488 : vector<1x16xi32> to vector<16xi32>
      %and3A_490 = arith.constant 65535 : i32
      %and3A_491 = vector.broadcast %and3A_490 : i32 to vector<16xi32>
      %and3A_492 = arith.andi %get3A_489, %and3A_491 : vector<16xi32>
      %shift_right_logical3A_493 = arith.constant 16 : i32
      %shift_right_logical3A_494 = vector.broadcast %shift_right_logical3A_493 : i32 to vector<16xi32>
      %shift_right_logical3A_495 = arith.shrui %get3A_489, %shift_right_logical3A_494 : vector<16xi32>
      %swap3A_496 = arith.constant 1 : i32
      %swap3A_497 = arith.index_cast %swap3A_496 : i32 to index
      %swap3A_498 = arith.constant 16 : index
      %swap3A_499 = tpu.vector_load %arg11[%swap3A_497, %swap3A_498] {strides = array<i32>} : memref<2x128xi32, #tpu.memory_space<vmem>>, vector<1x16xi32>,
      %swap3A_500 = vector.shape_cast %swap3A_499 : vector<1x16xi32> to vector<16xi32>
      %swap3A_501 = vector.shape_cast %shift_right_logical3A_495 : vector<16xi32> to vector<1x16xi32>
      tpu.vector_store %arg11[%swap3A_497, %swap3A_498], %swap3A_501 {strides = array<i32>} : memref<2x128xi32, #tpu.memory_space<vmem>>, vector<1x16xi32>,
      %swap3A_502 = arith.constant 1 : i32
      %swap3A_503 = arith.index_cast %swap3A_502 : i32 to index
      %swap3A_504 = arith.constant 16 : index
      %swap3A_505 = tpu.vector_load %arg12[%swap3A_503, %swap3A_504] {strides = array<i32>} : memref<2x128xi32, #tpu.memory_space<vmem>>, vector<1x16xi32>,
      %swap3A_506 = vector.shape_cast %swap3A_505 : vector<1x16xi32> to vector<16xi32>
      %swap3A_507 = vector.shape_cast %and3A_492 : vector<16xi32> to vector<1x16xi32>
      tpu.vector_store %arg12[%swap3A_503, %swap3A_504], %swap3A_507 {strides = array<i32>} : memref<2x128xi32, #tpu.memory_space<vmem>>, vector<1x16xi32>,
      %get3A_508 = arith.index_cast %add3A_463 : i32 to index
      %get3A_509 = arith.constant 32 : index
      %get3A_510 = tpu.vector_load %arg6[%get3A_508, %get3A_509] {strides = array<i32>} : memref<160x128xi32, #tpu.memory_space<vmem>>, vector<1x16xi32>,
      %get3A_511 = vector.shape_cast %get3A_510 : vector<1x16xi32> to vector<16xi32>
      %and3A_512 = arith.constant 65535 : i32
      %and3A_513 = vector.broadcast %and3A_512 : i32 to vector<16xi32>
      %and3A_514 = arith.andi %get3A_511, %and3A_513 : vector<16xi32>
      %shift_right_logical3A_515 = arith.constant 16 : i32
      %shift_right_logical3A_516 = vector.broadcast %shift_right_logical3A_515 : i32 to vector<16xi32>
      %shift_right_logical3A_517 = arith.shrui %get3A_511, %shift_right_logical3A_516 : vector<16xi32>
      %swap3A_518 = arith.constant 1 : i32
      %swap3A_519 = arith.index_cast %swap3A_518 : i32 to index
      %swap3A_520 = arith.constant 32 : index
      %swap3A_521 = tpu.vector_load %arg11[%swap3A_519, %swap3A_520] {strides = array<i32>} : memref<2x128xi32, #tpu.memory_space<vmem>>, vector<1x16xi32>,
      %swap3A_522 = vector.shape_cast %swap3A_521 : vector<1x16xi32> to vector<16xi32>
      %swap3A_523 = vector.shape_cast %shift_right_logical3A_517 : vector<16xi32> to vector<1x16xi32>
      tpu.vector_store %arg11[%swap3A_519, %swap3A_520], %swap3A_523 {strides = array<i32>} : memref<2x128xi32, #tpu.memory_space<vmem>>, vector<1x16xi32>,
      %swap3A_524 = arith.constant 1 : i32
      %swap3A_525 = arith.index_cast %swap3A_524 : i32 to index
      %swap3A_526 = arith.constant 32 : index
      %swap3A_527 = tpu.vector_load %arg12[%swap3A_525, %swap3A_526] {strides = array<i32>} : memref<2x128xi32, #tpu.memory_space<vmem>>, vector<1x16xi32>,
      %swap3A_528 = vector.shape_cast %swap3A_527 : vector<1x16xi32> to vector<16xi32>
      %swap3A_529 = vector.shape_cast %and3A_514 : vector<16xi32> to vector<1x16xi32>
      tpu.vector_store %arg12[%swap3A_525, %swap3A_526], %swap3A_529 {strides = array<i32>} : memref<2x128xi32, #tpu.memory_space<vmem>>, vector<1x16xi32>,
      %get3A_530 = arith.index_cast %add3A_463 : i32 to index
      %get3A_531 = arith.constant 48 : index
      %get3A_532 = tpu.vector_load %arg6[%get3A_530, %get3A_531] {strides = array<i32>} : memref<160x128xi32, #tpu.memory_space<vmem>>, vector<1x16xi32>,
      %get3A_533 = vector.shape_cast %get3A_532 : vector<1x16xi32> to vector<16xi32>
      %and3A_534 = arith.constant 65535 : i32
      %and3A_535 = vector.broadcast %and3A_534 : i32 to vector<16xi32>
      %and3A_536 = arith.andi %get3A_533, %and3A_535 : vector<16xi32>
      %shift_right_logical3A_537 = arith.constant 16 : i32
      %shift_right_logical3A_538 = vector.broadcast %shift_right_logical3A_537 : i32 to vector<16xi32>
      %shift_right_logical3A_539 = arith.shrui %get3A_533, %shift_right_logical3A_538 : vector<16xi32>
      %swap3A_540 = arith.constant 1 : i32
      %swap3A_541 = arith.index_cast %swap3A_540 : i32 to index
      %swap3A_542 = arith.constant 48 : index
      %swap3A_543 = tpu.vector_load %arg11[%swap3A_541, %swap3A_542] {strides = array<i32>} : memref<2x128xi32, #tpu.memory_space<vmem>>, vector<1x16xi32>,
      %swap3A_544 = vector.shape_cast %swap3A_543 : vector<1x16xi32> to vector<16xi32>
      %swap3A_545 = vector.shape_cast %shift_right_logical3A_539 : vector<16xi32> to vector<1x16xi32>
      tpu.vector_store %arg11[%swap3A_541, %swap3A_542], %swap3A_545 {strides = array<i32>} : memref<2x128xi32, #tpu.memory_space<vmem>>, vector<1x16xi32>,
      %swap3A_546 = arith.constant 1 : i32
      %swap3A_547 = arith.index_cast %swap3A_546 : i32 to index
      %swap3A_548 = arith.constant 48 : index
      %swap3A_549 = tpu.vector_load %arg12[%swap3A_547, %swap3A_548] {strides = array<i32>} : memref<2x128xi32, #tpu.memory_space<vmem>>, vector<1x16xi32>,
      %swap3A_550 = vector.shape_cast %swap3A_549 : vector<1x16xi32> to vector<16xi32>
      %swap3A_551 = vector.shape_cast %and3A_536 : vector<16xi32> to vector<1x16xi32>
      tpu.vector_store %arg12[%swap3A_547, %swap3A_548], %swap3A_551 {strides = array<i32>} : memref<2x128xi32, #tpu.memory_space<vmem>>, vector<1x16xi32>,
      %get3A_552 = arith.index_cast %add3A_463 : i32 to index
      %get3A_553 = arith.constant 64 : index
      %get3A_554 = tpu.vector_load %arg6[%get3A_552, %get3A_553] {strides = array<i32>} : memref<160x128xi32, #tpu.memory_space<vmem>>, vector<1x16xi32>,
      %get3A_555 = vector.shape_cast %get3A_554 : vector<1x16xi32> to vector<16xi32>
      %and3A_556 = arith.constant 65535 : i32
      %and3A_557 = vector.broadcast %and3A_556 : i32 to vector<16xi32>
      %and3A_558 = arith.andi %get3A_555, %and3A_557 : vector<16xi32>
      %shift_right_logical3A_559 = arith.constant 16 : i32
      %shift_right_logical3A_560 = vector.broadcast %shift_right_logical3A_559 : i32 to vector<16xi32>
      %shift_right_logical3A_561 = arith.shrui %get3A_555, %shift_right_logical3A_560 : vector<16xi32>
      %swap3A_562 = arith.constant 1 : i32
      %swap3A_563 = arith.index_cast %swap3A_562 : i32 to index
      %swap3A_564 = arith.constant 64 : index
      %swap3A_565 = tpu.vector_load %arg11[%swap3A_563, %swap3A_564] {strides = array<i32>} : memref<2x128xi32, #tpu.memory_space<vmem>>, vector<1x16xi32>,
      %swap3A_566 = vector.shape_cast %swap3A_565 : vector<1x16xi32> to vector<16xi32>
      %swap3A_567 = vector.shape_cast %shift_right_logical3A_561 : vector<16xi32> to vector<1x16xi32>
      tpu.vector_store %arg11[%swap3A_563, %swap3A_564], %swap3A_567 {strides = array<i32>} : memref<2x128xi32, #tpu.memory_space<vmem>>, vector<1x16xi32>,
      %swap3A_568 = arith.constant 1 : i32
      %swap3A_569 = arith.index_cast %swap3A_568 : i32 to index
      %swap3A_570 = arith.constant 64 : index
      %swap3A_571 = tpu.vector_load %arg12[%swap3A_569, %swap3A_570] {strides = array<i32>} : memref<2x128xi32, #tpu.memory_space<vmem>>, vector<1x16xi32>,
      %swap3A_572 = vector.shape_cast %swap3A_571 : vector<1x16xi32> to vector<16xi32>
      %swap3A_573 = vector.shape_cast %and3A_558 : vector<16xi32> to vector<1x16xi32>
      tpu.vector_store %arg12[%swap3A_569, %swap3A_570], %swap3A_573 {strides = array<i32>} : memref<2x128xi32, #tpu.memory_space<vmem>>, vector<1x16xi32>,
      %get3A_574 = arith.index_cast %add3A_463 : i32 to index
      %get3A_575 = arith.constant 80 : index
      %get3A_576 = tpu.vector_load %arg6[%get3A_574, %get3A_575] {strides = array<i32>} : memref<160x128xi32, #tpu.memory_space<vmem>>, vector<1x16xi32>,
      %get3A_577 = vector.shape_cast %get3A_576 : vector<1x16xi32> to vector<16xi32>
      %and3A_578 = arith.constant 65535 : i32
      %and3A_579 = vector.broadcast %and3A_578 : i32 to vector<16xi32>
      %and3A_580 = arith.andi %get3A_577, %and3A_579 : vector<16xi32>
      %shift_right_logical3A_581 = arith.constant 16 : i32
      %shift_right_logical3A_582 = vector.broadcast %shift_right_logical3A_581 : i32 to vector<16xi32>
      %shift_right_logical3A_583 = arith.shrui %get3A_577, %shift_right_logical3A_582 : vector<16xi32>
      %swap3A_584 = arith.constant 1 : i32
      %swap3A_585 = arith.index_cast %swap3A_584 : i32 to index
      %swap3A_586 = arith.constant 80 : index
      %swap3A_587 = tpu.vector_load %arg11[%swap3A_585, %swap3A_586] {strides = array<i32>} : memref<2x128xi32, #tpu.memory_space<vmem>>, vector<1x16xi32>,
      %swap3A_588 = vector.shape_cast %swap3A_587 : vector<1x16xi32> to vector<16xi32>
      %swap3A_589 = vector.shape_cast %shift_right_logical3A_583 : vector<16xi32> to vector<1x16xi32>
      tpu.vector_store %arg11[%swap3A_585, %swap3A_586], %swap3A_589 {strides = array<i32>} : memref<2x128xi32, #tpu.memory_space<vmem>>, vector<1x16xi32>,
      %swap3A_590 = arith.constant 1 : i32
      %swap3A_591 = arith.index_cast %swap3A_590 : i32 to index
      %swap3A_592 = arith.constant 80 : index
      %swap3A_593 = tpu.vector_load %arg12[%swap3A_591, %swap3A_592] {strides = array<i32>} : memref<2x128xi32, #tpu.memory_space<vmem>>, vector<1x16xi32>,
      %swap3A_594 = vector.shape_cast %swap3A_593 : vector<1x16xi32> to vector<16xi32>
      %swap3A_595 = vector.shape_cast %and3A_580 : vector<16xi32> to vector<1x16xi32>
      tpu.vector_store %arg12[%swap3A_591, %swap3A_592], %swap3A_595 {strides = array<i32>} : memref<2x128xi32, #tpu.memory_space<vmem>>, vector<1x16xi32>,
      %get3A_596 = arith.index_cast %add3A_463 : i32 to index
      %get3A_597 = arith.constant 96 : index
      %get3A_598 = tpu.vector_load %arg6[%get3A_596, %get3A_597] {strides = array<i32>} : memref<160x128xi32, #tpu.memory_space<vmem>>, vector<1x16xi32>,
      %get3A_599 = vector.shape_cast %get3A_598 : vector<1x16xi32> to vector<16xi32>
      %and3A_600 = arith.constant 65535 : i32
      %and3A_601 = vector.broadcast %and3A_600 : i32 to vector<16xi32>
      %and3A_602 = arith.andi %get3A_599, %and3A_601 : vector<16xi32>
      %shift_right_logical3A_603 = arith.constant 16 : i32
      %shift_right_logical3A_604 = vector.broadcast %shift_right_logical3A_603 : i32 to vector<16xi32>
      %shift_right_logical3A_605 = arith.shrui %get3A_599, %shift_right_logical3A_604 : vector<16xi32>
      %swap3A_606 = arith.constant 1 : i32
      %swap3A_607 = arith.index_cast %swap3A_606 : i32 to index
      %swap3A_608 = arith.constant 96 : index
      %swap3A_609 = tpu.vector_load %arg11[%swap3A_607, %swap3A_608] {strides = array<i32>} : memref<2x128xi32, #tpu.memory_space<vmem>>, vector<1x16xi32>,
      %swap3A_610 = vector.shape_cast %swap3A_609 : vector<1x16xi32> to vector<16xi32>
      %swap3A_611 = vector.shape_cast %shift_right_logical3A_605 : vector<16xi32> to vector<1x16xi32>
      tpu.vector_store %arg11[%swap3A_607, %swap3A_608], %swap3A_611 {strides = array<i32>} : memref<2x128xi32, #tpu.memory_space<vmem>>, vector<1x16xi32>,
      %swap3A_612 = arith.constant 1 : i32
      %swap3A_613 = arith.index_cast %swap3A_612 : i32 to index
      %swap3A_614 = arith.constant 96 : index
      %swap3A_615 = tpu.vector_load %arg12[%swap3A_613, %swap3A_614] {strides = array<i32>} : memref<2x128xi32, #tpu.memory_space<vmem>>, vector<1x16xi32>,
      %swap3A_616 = vector.shape_cast %swap3A_615 : vector<1x16xi32> to vector<16xi32>
      %swap3A_617 = vector.shape_cast %and3A_602 : vector<16xi32> to vector<1x16xi32>
      tpu.vector_store %arg12[%swap3A_613, %swap3A_614], %swap3A_617 {strides = array<i32>} : memref<2x128xi32, #tpu.memory_space<vmem>>, vector<1x16xi32>,
      %get3A_618 = arith.index_cast %add3A_463 : i32 to index
      %get3A_619 = arith.constant 112 : index
      %get3A_620 = tpu.vector_load %arg6[%get3A_618, %get3A_619] {strides = array<i32>} : memref<160x128xi32, #tpu.memory_space<vmem>>, vector<1x16xi32>,
      %get3A_621 = vector.shape_cast %get3A_620 : vector<1x16xi32> to vector<16xi32>
      %and3A_622 = arith.constant 65535 : i32
      %and3A_623 = vector.broadcast %and3A_622 : i32 to vector<16xi32>
      %and3A_624 = arith.andi %get3A_621, %and3A_623 : vector<16xi32>
      %shift_right_logical3A_625 = arith.constant 16 : i32
      %shift_right_logical3A_626 = vector.broadcast %shift_right_logical3A_625 : i32 to vector<16xi32>
      %shift_right_logical3A_627 = arith.shrui %get3A_621, %shift_right_logical3A_626 : vector<16xi32>
      %swap3A_628 = arith.constant 1 : i32
      %swap3A_629 = arith.index_cast %swap3A_628 : i32 to index
      %swap3A_630 = arith.constant 112 : index
      %swap3A_631 = tpu.vector_load %arg11[%swap3A_629, %swap3A_630] {strides = array<i32>} : memref<2x128xi32, #tpu.memory_space<vmem>>, vector<1x16xi32>,
      %swap3A_632 = vector.shape_cast %swap3A_631 : vector<1x16xi32> to vector<16xi32>
      %swap3A_633 = vector.shape_cast %shift_right_logical3A_627 : vector<16xi32> to vector<1x16xi32>
      tpu.vector_store %arg11[%swap3A_629, %swap3A_630], %swap3A_633 {strides = array<i32>} : memref<2x128xi32, #tpu.memory_space<vmem>>, vector<1x16xi32>,
      %swap3A_634 = arith.constant 1 : i32
      %swap3A_635 = arith.index_cast %swap3A_634 : i32 to index
      %swap3A_636 = arith.constant 112 : index
      %swap3A_637 = tpu.vector_load %arg12[%swap3A_635, %swap3A_636] {strides = array<i32>} : memref<2x128xi32, #tpu.memory_space<vmem>>, vector<1x16xi32>,
      %swap3A_638 = vector.shape_cast %swap3A_637 : vector<1x16xi32> to vector<16xi32>
      %swap3A_639 = vector.shape_cast %and3A_624 : vector<16xi32> to vector<1x16xi32>
      tpu.vector_store %arg12[%swap3A_635, %swap3A_636], %swap3A_639 {strides = array<i32>} : memref<2x128xi32, #tpu.memory_space<vmem>>, vector<1x16xi32>,
      %dma_start3A_640 = arith.constant 1 : i32
      %dma_start3A_641 = arith.constant 1 : i32
      %dma_start3A_642 = arith.constant 1 : i32
      %dma_start3A_643 = arith.constant 0 : i32
      %dma_start3A_644 = arith.constant 0 : i32
      %dma_start3A_645 = tpu.memref_slice %arg7[%dma_start3A_641, %dma_start3A_643, %dma_start3A_644] : memref<2x128x64xf32, #tpu.memory_space<vmem>> -> memref<1x128x64xf32, #tpu.memory_space<vmem>>
      %dma_start3A_646 = tpu.memref_squeeze %dma_start3A_645 : memref<1x128x64xf32, #tpu.memory_space<vmem>> -> memref<128x64xf32, #tpu.memory_space<vmem>>
      %dma_start3A_647 = arith.constant 0 : i32
      %dma_start3A_648 = tpu.memref_slice %arg11[%dma_start3A_640, %dma_start3A_647] : memref<2x128xi32, #tpu.memory_space<vmem>> -> memref<1x128xi32, #tpu.memory_space<vmem>>
      %dma_start3A_649 = tpu.memref_squeeze %dma_start3A_648 : memref<1x128xi32, #tpu.memory_space<vmem>> -> memref<128xi32, #tpu.memory_space<vmem>>
      %dma_start3A_650 = arith.constant 0 : i32
      %dma_start3A_651 = arith.constant 0 : i32
      %dma_start3A_652 = tpu.memref_slice %arg14[%dma_start3A_650, %dma_start3A_651] : memref<10240x64xf32, #tpu.memory_space<vmem_shared>> -> memref<10240x64xf32, #tpu.memory_space<vmem_shared>>
      %dma_start3A_653 = tpu.memref_slice %arg18[%dma_start3A_642] : memref<2x!tpu.dma_semaphore, #tpu.memory_space<semaphore_mem>> -> memref<1x!tpu.dma_semaphore, #tpu.memory_space<semaphore_mem>>
      %dma_start3A_654 = tpu.memref_squeeze %dma_start3A_653 : memref<1x!tpu.dma_semaphore, #tpu.memory_space<semaphore_mem>> -> memref<!tpu.dma_semaphore, #tpu.memory_space<semaphore_mem>>
      tpu.enqueue_indirect_dma source(%dma_start3A_652 : memref<10240x64xf32, #tpu.memory_space<vmem_shared>>) target(%dma_start3A_646 : memref<128x64xf32, #tpu.memory_space<vmem>>) offsets(%dma_start3A_649 : memref<128xi32, #tpu.memory_space<vmem>>) semaphore(%dma_start3A_654 : memref<!tpu.dma_semaphore, #tpu.memory_space<semaphore_mem>>)
      %dma_wait3A = arith.constant 0 : i32
      %dma_wait3A_655 = arith.constant 0 : i32
      %dma_wait3A_656 = arith.constant 0 : i32
      %dma_wait3A_657 = arith.constant 0 : i32
      %dma_wait3A_658 = arith.constant 0 : i32
      %dma_wait3A_659 = tpu.memref_slice %arg7[%dma_wait3A_655, %dma_wait3A_657, %dma_wait3A_658] : memref<2x128x64xf32, #tpu.memory_space<vmem>> -> memref<1x128x64xf32, #tpu.memory_space<vmem>>
      %dma_wait3A_660 = tpu.memref_squeeze %dma_wait3A_659 : memref<1x128x64xf32, #tpu.memory_space<vmem>> -> memref<128x64xf32, #tpu.memory_space<vmem>>
      %dma_wait3A_661 = arith.constant 0 : i32
      %dma_wait3A_662 = tpu.memref_slice %arg11[%dma_wait3A, %dma_wait3A_661] : memref<2x128xi32, #tpu.memory_space<vmem>> -> memref<1x128xi32, #tpu.memory_space<vmem>>
      %dma_wait3A_663 = tpu.memref_squeeze %dma_wait3A_662 : memref<1x128xi32, #tpu.memory_space<vmem>> -> memref<128xi32, #tpu.memory_space<vmem>>
      %dma_wait3A_664 = arith.constant 0 : i32
      %dma_wait3A_665 = arith.constant 0 : i32
      %dma_wait3A_666 = tpu.memref_slice %arg14[%dma_wait3A_664, %dma_wait3A_665] : memref<10240x64xf32, #tpu.memory_space<vmem_shared>> -> memref<10240x64xf32, #tpu.memory_space<vmem_shared>>
      %dma_wait3A_667 = tpu.memref_slice %arg18[%dma_wait3A_656] : memref<2x!tpu.dma_semaphore, #tpu.memory_space<semaphore_mem>> -> memref<1x!tpu.dma_semaphore, #tpu.memory_space<semaphore_mem>>
      %dma_wait3A_668 = tpu.memref_squeeze %dma_wait3A_667 : memref<1x!tpu.dma_semaphore, #tpu.memory_space<semaphore_mem>> -> memref<!tpu.dma_semaphore, #tpu.memory_space<semaphore_mem>>
      tpu.wait_indirect_dma semaphore(%dma_wait3A_668 : memref<!tpu.dma_semaphore, #tpu.memory_space<semaphore_mem>>) src(%dma_wait3A_666 : memref<10240x64xf32, #tpu.memory_space<vmem_shared>>) dst(%dma_wait3A_660 : memref<128x64xf32, #tpu.memory_space<vmem>>)
      %dma_start3A_669 = arith.constant 0 : i32
      %dma_start3A_670 = arith.constant 0 : i32
      %dma_start3A_671 = arith.constant 0 : i32
      %dma_start3A_672 = arith.constant 0 : i32
      %dma_start3A_673 = arith.constant 0 : i32
      %dma_start3A_674 = tpu.memref_slice %arg7[%dma_start3A_669, %dma_start3A_672, %dma_start3A_673] : memref<2x128x64xf32, #tpu.memory_space<vmem>> -> memref<1x128x64xf32, #tpu.memory_space<vmem>>
      %dma_start3A_675 = tpu.memref_squeeze %dma_start3A_674 : memref<1x128x64xf32, #tpu.memory_space<vmem>> -> memref<128x64xf32, #tpu.memory_space<vmem>>
      %dma_start3A_676 = arith.constant 0 : i32
      %dma_start3A_677 = tpu.memref_slice %arg12[%dma_start3A_670, %dma_start3A_676] : memref<2x128xi32, #tpu.memory_space<vmem>> -> memref<1x128xi32, #tpu.memory_space<vmem>>
      %dma_start3A_678 = tpu.memref_squeeze %dma_start3A_677 : memref<1x128xi32, #tpu.memory_space<vmem>> -> memref<128xi32, #tpu.memory_space<vmem>>
      %dma_start3A_679 = arith.constant 0 : i32
      %dma_start3A_680 = arith.constant 0 : i32
      %dma_start3A_681 = tpu.memref_slice %arg15[%dma_start3A_679, %dma_start3A_680] : memref<10240x64xf32, #tpu.memory_space<vmem_shared>> -> memref<10240x64xf32, #tpu.memory_space<vmem_shared>>
      %dma_start3A_682 = tpu.memref_slice %arg19[%dma_start3A_671] : memref<2x!tpu.dma_semaphore, #tpu.memory_space<semaphore_mem>> -> memref<1x!tpu.dma_semaphore, #tpu.memory_space<semaphore_mem>>
      %dma_start3A_683 = tpu.memref_squeeze %dma_start3A_682 : memref<1x!tpu.dma_semaphore, #tpu.memory_space<semaphore_mem>> -> memref<!tpu.dma_semaphore, #tpu.memory_space<semaphore_mem>>
      tpu.enqueue_indirect_dma source(%dma_start3A_675 : memref<128x64xf32, #tpu.memory_space<vmem>>) target(%dma_start3A_681 : memref<10240x64xf32, #tpu.memory_space<vmem_shared>>) offsets(%dma_start3A_678 : memref<128xi32, #tpu.memory_space<vmem>>) semaphore(%dma_start3A_683 : memref<!tpu.dma_semaphore, #tpu.memory_space<semaphore_mem>>) {add = true}
      %dma_wait3A_684 = arith.constant 1 : i32
      %dma_wait3A_685 = arith.constant 1 : i32
      %dma_wait3A_686 = arith.constant 1 : i32
      %dma_wait3A_687 = arith.constant 0 : i32
      %dma_wait3A_688 = arith.constant 0 : i32
      %dma_wait3A_689 = tpu.memref_slice %arg7[%dma_wait3A_685, %dma_wait3A_687, %dma_wait3A_688] : memref<2x128x64xf32, #tpu.memory_space<vmem>> -> memref<1x128x64xf32, #tpu.memory_space<vmem>>
      %dma_wait3A_690 = tpu.memref_squeeze %dma_wait3A_689 : memref<1x128x64xf32, #tpu.memory_space<vmem>> -> memref<128x64xf32, #tpu.memory_space<vmem>>
      %dma_wait3A_691 = arith.constant 0 : i32
      %dma_wait3A_692 = tpu.memref_slice %arg11[%dma_wait3A_684, %dma_wait3A_691] : memref<2x128xi32, #tpu.memory_space<vmem>> -> memref<1x128xi32, #tpu.memory_space<vmem>>
      %dma_wait3A_693 = tpu.memref_squeeze %dma_wait3A_692 : memref<1x128xi32, #tpu.memory_space<vmem>> -> memref<128xi32, #tpu.memory_space<vmem>>
      %dma_wait3A_694 = arith.constant 0 : i32
      %dma_wait3A_695 = arith.constant 0 : i32
      %dma_wait3A_696 = tpu.memref_slice %arg14[%dma_wait3A_694, %dma_wait3A_695] : memref<10240x64xf32, #tpu.memory_space<vmem_shared>> -> memref<10240x64xf32, #tpu.memory_space<vmem_shared>>
      %dma_wait3A_697 = tpu.memref_slice %arg18[%dma_wait3A_686] : memref<2x!tpu.dma_semaphore, #tpu.memory_space<semaphore_mem>> -> memref<1x!tpu.dma_semaphore, #tpu.memory_space<semaphore_mem>>
      %dma_wait3A_698 = tpu.memref_squeeze %dma_wait3A_697 : memref<1x!tpu.dma_semaphore, #tpu.memory_space<semaphore_mem>> -> memref<!tpu.dma_semaphore, #tpu.memory_space<semaphore_mem>>
      tpu.wait_indirect_dma semaphore(%dma_wait3A_698 : memref<!tpu.dma_semaphore, #tpu.memory_space<semaphore_mem>>) src(%dma_wait3A_696 : memref<10240x64xf32, #tpu.memory_space<vmem_shared>>) dst(%dma_wait3A_690 : memref<128x64xf32, #tpu.memory_space<vmem>>)
      %dma_start3A_699 = arith.constant 1 : i32
      %dma_start3A_700 = arith.constant 1 : i32
      %dma_start3A_701 = arith.constant 1 : i32
      %dma_start3A_702 = arith.constant 0 : i32
      %dma_start3A_703 = arith.constant 0 : i32
      %dma_start3A_704 = tpu.memref_slice %arg7[%dma_start3A_699, %dma_start3A_702, %dma_start3A_703] : memref<2x128x64xf32, #tpu.memory_space<vmem>> -> memref<1x128x64xf32, #tpu.memory_space<vmem>>
      %dma_start3A_705 = tpu.memref_squeeze %dma_start3A_704 : memref<1x128x64xf32, #tpu.memory_space<vmem>> -> memref<128x64xf32, #tpu.memory_space<vmem>>
      %dma_start3A_706 = arith.constant 0 : i32
      %dma_start3A_707 = tpu.memref_slice %arg12[%dma_start3A_700, %dma_start3A_706] : memref<2x128xi32, #tpu.memory_space<vmem>> -> memref<1x128xi32, #tpu.memory_space<vmem>>
      %dma_start3A_708 = tpu.memref_squeeze %dma_start3A_707 : memref<1x128xi32, #tpu.memory_space<vmem>> -> memref<128xi32, #tpu.memory_space<vmem>>
      %dma_start3A_709 = arith.constant 0 : i32
      %dma_start3A_710 = arith.constant 0 : i32
      %dma_start3A_711 = tpu.memref_slice %arg15[%dma_start3A_709, %dma_start3A_710] : memref<10240x64xf32, #tpu.memory_space<vmem_shared>> -> memref<10240x64xf32, #tpu.memory_space<vmem_shared>>
      %dma_start3A_712 = tpu.memref_slice %arg19[%dma_start3A_701] : memref<2x!tpu.dma_semaphore, #tpu.memory_space<semaphore_mem>> -> memref<1x!tpu.dma_semaphore, #tpu.memory_space<semaphore_mem>>
      %dma_start3A_713 = tpu.memref_squeeze %dma_start3A_712 : memref<1x!tpu.dma_semaphore, #tpu.memory_space<semaphore_mem>> -> memref<!tpu.dma_semaphore, #tpu.memory_space<semaphore_mem>>
      tpu.enqueue_indirect_dma source(%dma_start3A_705 : memref<128x64xf32, #tpu.memory_space<vmem>>) target(%dma_start3A_711 : memref<10240x64xf32, #tpu.memory_space<vmem_shared>>) offsets(%dma_start3A_708 : memref<128xi32, #tpu.memory_space<vmem>>) semaphore(%dma_start3A_713 : memref<!tpu.dma_semaphore, #tpu.memory_space<semaphore_mem>>) {add = true}
      %dma_wait3A_714 = arith.constant 0 : i32
      %dma_wait3A_715 = arith.constant 0 : i32
      %dma_wait3A_716 = arith.constant 0 : i32
      %dma_wait3A_717 = arith.constant 0 : i32
      %dma_wait3A_718 = arith.constant 0 : i32
      %dma_wait3A_719 = tpu.memref_slice %arg7[%dma_wait3A_714, %dma_wait3A_717, %dma_wait3A_718] : memref<2x128x64xf32, #tpu.memory_space<vmem>> -> memref<1x128x64xf32, #tpu.memory_space<vmem>>
      %dma_wait3A_720 = tpu.memref_squeeze %dma_wait3A_719 : memref<1x128x64xf32, #tpu.memory_space<vmem>> -> memref<128x64xf32, #tpu.memory_space<vmem>>
      %dma_wait3A_721 = arith.constant 0 : i32
      %dma_wait3A_722 = tpu.memref_slice %arg12[%dma_wait3A_715, %dma_wait3A_721] : memref<2x128xi32, #tpu.memory_space<vmem>> -> memref<1x128xi32, #tpu.memory_space<vmem>>
      %dma_wait3A_723 = tpu.memref_squeeze %dma_wait3A_722 : memref<1x128xi32, #tpu.memory_space<vmem>> -> memref<128xi32, #tpu.memory_space<vmem>>
      %dma_wait3A_724 = arith.constant 0 : i32
      %dma_wait3A_725 = arith.constant 0 : i32
      %dma_wait3A_726 = tpu.memref_slice %arg15[%dma_wait3A_724, %dma_wait3A_725] : memref<10240x64xf32, #tpu.memory_space<vmem_shared>> -> memref<10240x64xf32, #tpu.memory_space<vmem_shared>>
      %dma_wait3A_727 = tpu.memref_slice %arg19[%dma_wait3A_716] : memref<2x!tpu.dma_semaphore, #tpu.memory_space<semaphore_mem>> -> memref<1x!tpu.dma_semaphore, #tpu.memory_space<semaphore_mem>>
      %dma_wait3A_728 = tpu.memref_squeeze %dma_wait3A_727 : memref<1x!tpu.dma_semaphore, #tpu.memory_space<semaphore_mem>> -> memref<!tpu.dma_semaphore, #tpu.memory_space<semaphore_mem>>
      tpu.wait_indirect_dma semaphore(%dma_wait3A_728 : memref<!tpu.dma_semaphore, #tpu.memory_space<semaphore_mem>>) src(%dma_wait3A_720 : memref<128x64xf32, #tpu.memory_space<vmem>>) dst(%dma_wait3A_726 : memref<10240x64xf32, #tpu.memory_space<vmem_shared>>)
      %dma_wait3A_729 = arith.constant 1 : i32
      %dma_wait3A_730 = arith.constant 1 : i32
      %dma_wait3A_731 = arith.constant 1 : i32
      %dma_wait3A_732 = arith.constant 0 : i32
      %dma_wait3A_733 = arith.constant 0 : i32
      %dma_wait3A_734 = tpu.memref_slice %arg7[%dma_wait3A_729, %dma_wait3A_732, %dma_wait3A_733] : memref<2x128x64xf32, #tpu.memory_space<vmem>> -> memref<1x128x64xf32, #tpu.memory_space<vmem>>
      %dma_wait3A_735 = tpu.memref_squeeze %dma_wait3A_734 : memref<1x128x64xf32, #tpu.memory_space<vmem>> -> memref<128x64xf32, #tpu.memory_space<vmem>>
      %dma_wait3A_736 = arith.constant 0 : i32
      %dma_wait3A_737 = tpu.memref_slice %arg12[%dma_wait3A_730, %dma_wait3A_736] : memref<2x128xi32, #tpu.memory_space<vmem>> -> memref<1x128xi32, #tpu.memory_space<vmem>>
      %dma_wait3A_738 = tpu.memref_squeeze %dma_wait3A_737 : memref<1x128xi32, #tpu.memory_space<vmem>> -> memref<128xi32, #tpu.memory_space<vmem>>
      %dma_wait3A_739 = arith.constant 0 : i32
      %dma_wait3A_740 = arith.constant 0 : i32
      %dma_wait3A_741 = tpu.memref_slice %arg15[%dma_wait3A_739, %dma_wait3A_740] : memref<10240x64xf32, #tpu.memory_space<vmem_shared>> -> memref<10240x64xf32, #tpu.memory_space<vmem_shared>>
      %dma_wait3A_742 = tpu.memref_slice %arg19[%dma_wait3A_731] : memref<2x!tpu.dma_semaphore, #tpu.memory_space<semaphore_mem>> -> memref<1x!tpu.dma_semaphore, #tpu.memory_space<semaphore_mem>>
      %dma_wait3A_743 = tpu.memref_squeeze %dma_wait3A_742 : memref<1x!tpu.dma_semaphore, #tpu.memory_space<semaphore_mem>> -> memref<!tpu.dma_semaphore, #tpu.memory_space<semaphore_mem>>
      tpu.wait_indirect_dma semaphore(%dma_wait3A_743 : memref<!tpu.dma_semaphore, #tpu.memory_space<semaphore_mem>>) src(%dma_wait3A_735 : memref<128x64xf32, #tpu.memory_space<vmem>>) dst(%dma_wait3A_741 : memref<10240x64xf32, #tpu.memory_space<vmem_shared>>)
    }
    %scan3A_257 = arith.constant 80 : i32
    %barrier3A_258 = arith.constant 0 : index
    tpu.barrier barrier_id(%barrier3A_258)
    %mul3A_259 = arith.constant 640 : i32
    %mul3A_260 = arith.muli %arg1, %mul3A_259 : i32
    %mul3A_261 = arith.constant 640 : i32
    %mul3A_262 = arith.muli %arg1, %mul3A_261 : i32
    %add3A = arith.addi %mul3A_0, %mul3A_262 : i32
    "tpu.region"() ({
      %run_scoped3A = tpu.sem_alloc : memref<!tpu.dma_semaphore, #tpu.memory_space<semaphore_mem>>
      %dma_start3A = arith.constant 0 : i32
      %dma_start3A_268 = tpu.memref_slice %arg4[%add3A, %dma_start3A] : memref<20480x64xf32, #tpu.memory_space<hbm>> -> memref<640x64xf32, #tpu.memory_space<hbm>>
      %dma_start3A_269 = arith.constant 0 : i32
      %dma_start3A_270 = tpu.memref_slice %arg15[%mul3A_260, %dma_start3A_269] : memref<10240x64xf32, #tpu.memory_space<vmem_shared>> -> memref<640x64xf32, #tpu.memory_space<vmem_shared>>
      tpu.enqueue_dma source(%dma_start3A_270 : memref<640x64xf32, #tpu.memory_space<vmem_shared>>) target(%dma_start3A_268 : memref<640x64xf32, #tpu.memory_space<hbm>>) target_semaphore(%run_scoped3A : memref<!tpu.dma_semaphore, #tpu.memory_space<semaphore_mem>>)
      %dma_wait3A = arith.constant 0 : i32
      %dma_wait3A_271 = tpu.memref_slice %arg4[%add3A, %dma_wait3A] : memref<20480x64xf32, #tpu.memory_space<hbm>> -> memref<640x64xf32, #tpu.memory_space<hbm>>
      %dma_wait3A_272 = arith.constant 0 : i32
      %dma_wait3A_273 = tpu.memref_slice %arg15[%mul3A_260, %dma_wait3A_272] : memref<10240x64xf32, #tpu.memory_space<vmem_shared>> -> memref<640x64xf32, #tpu.memory_space<vmem_shared>>
      tpu.wait_dma2 semaphore(%run_scoped3A : memref<!tpu.dma_semaphore, #tpu.memory_space<semaphore_mem>>) src(%dma_wait3A_273 : memref<640x64xf32, #tpu.memory_space<vmem_shared>>) dst(%dma_wait3A_271 : memref<640x64xf32, #tpu.memory_space<hbm>>)
      tpu.yield
    }) : () -> ()
    %mul3A_263 = arith.constant 640 : i32
    %mul3A_264 = arith.muli %arg1, %mul3A_263 : i32
    %mul3A_265 = arith.constant 640 : i32
    %mul3A_266 = arith.muli %arg1, %mul3A_265 : i32
    %add3A_267 = arith.addi %mul3A_0, %mul3A_266 : i32
    "tpu.region"() ({
      %run_scoped3A = tpu.sem_alloc : memref<!tpu.dma_semaphore, #tpu.memory_space<semaphore_mem>>
      %dma_start3A = tpu.memref_slice %arg5[%add3A_267] : memref<20480xf32, #tpu.memory_space<hbm>> -> memref<640xf32, #tpu.memory_space<hbm>>
      %dma_start3A_268 = tpu.memref_slice %arg17[%mul3A_264] : memref<10240xf32, #tpu.memory_space<vmem_shared>> -> memref<640xf32, #tpu.memory_space<vmem_shared>>
      tpu.enqueue_dma source(%dma_start3A_268 : memref<640xf32, #tpu.memory_space<vmem_shared>>) target(%dma_start3A : memref<640xf32, #tpu.memory_space<hbm>>) target_semaphore(%run_scoped3A : memref<!tpu.dma_semaphore, #tpu.memory_space<semaphore_mem>>)
      %dma_wait3A = tpu.memref_slice %arg5[%add3A_267] : memref<20480xf32, #tpu.memory_space<hbm>> -> memref<640xf32, #tpu.memory_space<hbm>>
      %dma_wait3A_269 = tpu.memref_slice %arg17[%mul3A_264] : memref<10240xf32, #tpu.memory_space<vmem_shared>> -> memref<640xf32, #tpu.memory_space<vmem_shared>>
      tpu.wait_dma2 semaphore(%run_scoped3A : memref<!tpu.dma_semaphore, #tpu.memory_space<semaphore_mem>>) src(%dma_wait3A_269 : memref<640xf32, #tpu.memory_space<vmem_shared>>) dst(%dma_wait3A : memref<640xf32, #tpu.memory_space<hbm>>)
      tpu.yield
    }) : () -> ()
    return
  }
}

module attributes {stable_mosaic.version = 14 : i64} {
  func.func @_matmul_body(%arg0: i32, %arg1: memref<1280x128xf32, #tpu.memory_space<vmem>>, %arg2: memref<128x128xf32, #tpu.memory_space<vmem>>, %arg3: memref<2x1280x64xf32, #tpu.memory_space<vmem>>) attributes {dimension_semantics = [#tpu.dimension_semantics<arbitrary>], iteration_bounds = array<i64: 8>, scalar_prefetch = 0 : i64, scratch_operands = 0 : i64, tpu.core_type = #tpu.core_type<tc>, window_params = [{transform_indices = @transform_0, window_bounds = array<i64: 1280, 128>}, {pipeline_mode = #tpu.pipeline_mode<synchronous>, transform_indices = @transform_1, window_bounds = array<i64: 128, 128>}, {transform_indices = @transform_2, window_bounds = array<i64: 2, 1280, 64>}]} {
    %get3A = arith.constant 0 : index
    %get3A_0 = arith.constant 0 : index
    %get3A_1 = vector.load %arg1[%get3A, %get3A_0] : memref<1280x128xf32, #tpu.memory_space<vmem>>, vector<1280x128xf32>
    %get3A_2 = arith.constant 0 : index
    %get3A_3 = arith.constant 0 : index
    %get3A_4 = vector.load %arg2[%get3A_2, %get3A_3] : memref<128x128xf32, #tpu.memory_space<vmem>>, vector<128x128xf32>
    %dot_general3A = arith.constant dense<0.000000e+00> : vector<1280x128xf32>
    %dot_general3A_5 = tpu.matmul %get3A_1, %get3A_4, %dot_general3A {dimension_numbers = #tpu.dot_dimension_numbers<[1], [0], [0], [1], [0, 0, 1, 1], [], []>, transpose_lhs_hint = false} : vector<1280x128xf32>, vector<128x128xf32>, vector<1280x128xf32> -> vector<1280x128xf32>
    %slice3A = vector.extract_strided_slice %dot_general3A_5 {offsets = [0, 0], sizes = [1280, 64], strides = [1, 1]} : vector<1280x128xf32> to vector<1280x64xf32>
    %swap3A = arith.constant 0 : index
    %swap3A_6 = arith.constant 0 : index
    %swap3A_7 = arith.constant 0 : index
    %swap3A_8 = vector.load %arg3[%swap3A, %swap3A_6, %swap3A_7] : memref<2x1280x64xf32, #tpu.memory_space<vmem>>, vector<1x1280x64xf32>
    %swap3A_9 = vector.shape_cast %swap3A_8 : vector<1x1280x64xf32> to vector<1280x64xf32>
    %swap3A_10 = vector.shape_cast %slice3A : vector<1280x64xf32> to vector<1x1280x64xf32>
    tpu.vector_store %arg3[%swap3A, %swap3A_6, %swap3A_7], %swap3A_10 {strides = array<i32>} : memref<2x1280x64xf32, #tpu.memory_space<vmem>>, vector<1x1280x64xf32>,
    %slice3A_11 = vector.extract_strided_slice %dot_general3A_5 {offsets = [0, 64], sizes = [1280, 64], strides = [1, 1]} : vector<1280x128xf32> to vector<1280x64xf32>
    %swap3A_12 = arith.constant 1 : index
    %swap3A_13 = arith.constant 0 : index
    %swap3A_14 = arith.constant 0 : index
    %swap3A_15 = vector.load %arg3[%swap3A_12, %swap3A_13, %swap3A_14] : memref<2x1280x64xf32, #tpu.memory_space<vmem>>, vector<1x1280x64xf32>
    %swap3A_16 = vector.shape_cast %swap3A_15 : vector<1x1280x64xf32> to vector<1280x64xf32>
    %swap3A_17 = vector.shape_cast %slice3A_11 : vector<1280x64xf32> to vector<1x1280x64xf32>
    tpu.vector_store %arg3[%swap3A_12, %swap3A_13, %swap3A_14], %swap3A_17 {strides = array<i32>} : memref<2x1280x64xf32, #tpu.memory_space<vmem>>, vector<1x1280x64xf32>,
    return
  }
  func.func @transform_0(%arg0: i32) -> (i32, i32) {
    %c0_i32 = arith.constant 0 : i32
    %c0_i32_0 = arith.constant 0 : i32
    return %arg0, %c0_i32 : i32, i32
  }
  func.func @transform_1(%arg0: i32) -> (i32, i32) {
    %c0_i32 = arith.constant 0 : i32
    %c0_i32_0 = arith.constant 0 : i32
    %c0_i32_1 = arith.constant 0 : i32
    return %c0_i32, %c0_i32_0 : i32, i32
  }
  func.func @transform_2(%arg0: i32) -> (i32, i32, i32) {
    %c0_i32 = arith.constant 0 : i32
    %c0_i32_0 = arith.constant 0 : i32
    %c0_i32_1 = arith.constant 0 : i32
    return %c0_i32, %arg0, %c0_i32_0 : i32, i32, i32
  }
}

module attributes {stable_mosaic.version = 14 : i64} {
  func.func @_bn_body(%arg0: memref<2x10240x64xf32, #tpu.memory_space<vmem>>, %arg1: memref<10240x1xf32, #tpu.memory_space<vmem>>, %arg2: memref<1x128xf32, #tpu.memory_space<vmem>>, %arg3: memref<1x128xf32, #tpu.memory_space<vmem>>, %arg4: memref<10000x128xf32, #tpu.memory_space<vmem>>) attributes {dimension_semantics = [], scalar_prefetch = 0 : i64, scratch_operands = 0 : i64, tpu.core_type = #tpu.core_type<tc>} {
    %get3A = arith.constant 0 : index
    %get3A_0 = arith.constant 0 : index
    %get3A_1 = vector.load %arg1[%get3A, %get3A_0] : memref<10240x1xf32, #tpu.memory_space<vmem>>, vector<10000x1xf32>
    %gt3A = arith.constant 0.000000e+00 : f32
    %gt3A_2 = vector.broadcast %gt3A : f32 to vector<10000x1xf32>
    %gt3A_3 = arith.cmpf ogt, %get3A_1, %gt3A_2 : vector<10000x1xf32>
    %div3A = arith.constant 1.000000e+00 : f32
    %div3A_4 = vector.broadcast %div3A : f32 to vector<10000x1xf32>
    %div3A_5 = arith.divf %div3A_4, %get3A_1 : vector<10000x1xf32>
    %jit3A = arith.constant 0.000000e+00 : f32
    %broadcast_in_dim3A = vector.broadcast %jit3A : f32 to vector<10000x1xf32>
    %select_n3A = arith.select %gt3A_3, %div3A_5, %broadcast_in_dim3A : vector<10000x1xi1>, vector<10000x1xf32>
    %get3A_6 = arith.constant 0 : index
    %get3A_7 = arith.constant 0 : index
    %get3A_8 = arith.constant 0 : index
    %get3A_9 = vector.load %arg0[%get3A_6, %get3A_7, %get3A_8] : memref<2x10240x64xf32, #tpu.memory_space<vmem>>, vector<1x10000x64xf32>
    %get3A_10 = vector.shape_cast %get3A_9 : vector<1x10000x64xf32> to vector<10000x64xf32>
    %mul3A = vector.broadcast %select_n3A : vector<10000x1xf32> to vector<10000x64xf32>
    %mul3A_11 = arith.mulf %get3A_10, %mul3A : vector<10000x64xf32>
    %reduce_sum3A = arith.constant dense<0.000000e+00> : vector<64xf32>
    %reduce_sum3A_12 = vector.multi_reduction <add>, %mul3A_11, %reduce_sum3A [0] : vector<10000x64xf32> to vector<64xf32>
    %broadcast_in_dim3A_13 = vector.shape_cast %reduce_sum3A_12 : vector<64xf32> to vector<1x64xf32>
    %div3A_14 = arith.constant 1.000000e+04 : f32
    %div3A_15 = vector.broadcast %div3A_14 : f32 to vector<1x64xf32>
    %div3A_16 = arith.divf %broadcast_in_dim3A_13, %div3A_15 : vector<1x64xf32>
    %sub3A = vector.broadcast %div3A_16 : vector<1x64xf32> to vector<10000x64xf32>
    %sub3A_17 = arith.subf %mul3A_11, %sub3A : vector<10000x64xf32>
    %square3A = arith.mulf %sub3A_17, %sub3A_17 : vector<10000x64xf32>
    %reduce_sum3A_18 = arith.constant dense<0.000000e+00> : vector<64xf32>
    %reduce_sum3A_19 = vector.multi_reduction <add>, %square3A, %reduce_sum3A_18 [0] : vector<10000x64xf32> to vector<64xf32>
    %broadcast_in_dim3A_20 = vector.shape_cast %reduce_sum3A_19 : vector<64xf32> to vector<1x64xf32>
    %div3A_21 = arith.constant 1.000000e+04 : f32
    %div3A_22 = vector.broadcast %div3A_21 : f32 to vector<1x64xf32>
    %div3A_23 = arith.divf %broadcast_in_dim3A_20, %div3A_22 : vector<1x64xf32>
    %get3A_24 = arith.constant 0 : index
    %get3A_25 = arith.constant 0 : index
    %get3A_26 = vector.load %arg2[%get3A_24, %get3A_25] : memref<1x128xf32, #tpu.memory_space<vmem>>, vector<1x64xf32>
    %get3A_27 = arith.constant 0 : index
    %get3A_28 = arith.constant 0 : index
    %get3A_29 = vector.load %arg3[%get3A_27, %get3A_28] : memref<1x128xf32, #tpu.memory_space<vmem>>, vector<1x64xf32>
    %sub3A_30 = vector.broadcast %div3A_16 : vector<1x64xf32> to vector<10000x64xf32>
    %sub3A_31 = arith.subf %mul3A_11, %sub3A_30 : vector<10000x64xf32>
    %mul3A_32 = vector.broadcast %get3A_26 : vector<1x64xf32> to vector<10000x64xf32>
    %mul3A_33 = arith.mulf %mul3A_32, %sub3A_31 : vector<10000x64xf32>
    %add3A = arith.constant 9.99999974E-6 : f32
    %add3A_34 = vector.broadcast %add3A : f32 to vector<1x64xf32>
    %add3A_35 = arith.addf %div3A_23, %add3A_34 : vector<1x64xf32>
    %rsqrt3A = math.rsqrt %add3A_35 : vector<1x64xf32>
    %mul3A_36 = vector.broadcast %rsqrt3A : vector<1x64xf32> to vector<10000x64xf32>
    %mul3A_37 = arith.mulf %mul3A_33, %mul3A_36 : vector<10000x64xf32>
    %add3A_38 = vector.broadcast %get3A_29 : vector<1x64xf32> to vector<10000x64xf32>
    %add3A_39 = arith.addf %mul3A_37, %add3A_38 : vector<10000x64xf32>
    %swap3A = arith.constant 0 : index
    %swap3A_40 = arith.constant 0 : index
    %swap3A_41 = vector.load %arg4[%swap3A, %swap3A_40] : memref<10000x128xf32, #tpu.memory_space<vmem>>, vector<10000x64xf32>
    tpu.vector_store %arg4[%swap3A, %swap3A_40], %add3A_39 {strides = array<i32>} : memref<10000x128xf32, #tpu.memory_space<vmem>>, vector<10000x64xf32>,
    %get3A_42 = arith.constant 1 : index
    %get3A_43 = arith.constant 0 : index
    %get3A_44 = arith.constant 0 : index
    %get3A_45 = vector.load %arg0[%get3A_42, %get3A_43, %get3A_44] : memref<2x10240x64xf32, #tpu.memory_space<vmem>>, vector<1x10000x64xf32>
    %get3A_46 = vector.shape_cast %get3A_45 : vector<1x10000x64xf32> to vector<10000x64xf32>
    %mul3A_47 = vector.broadcast %select_n3A : vector<10000x1xf32> to vector<10000x64xf32>
    %mul3A_48 = arith.mulf %get3A_46, %mul3A_47 : vector<10000x64xf32>
    %reduce_sum3A_49 = arith.constant dense<0.000000e+00> : vector<64xf32>
    %reduce_sum3A_50 = vector.multi_reduction <add>, %mul3A_48, %reduce_sum3A_49 [0] : vector<10000x64xf32> to vector<64xf32>
    %broadcast_in_dim3A_51 = vector.shape_cast %reduce_sum3A_50 : vector<64xf32> to vector<1x64xf32>
    %div3A_52 = arith.constant 1.000000e+04 : f32
    %div3A_53 = vector.broadcast %div3A_52 : f32 to vector<1x64xf32>
    %div3A_54 = arith.divf %broadcast_in_dim3A_51, %div3A_53 : vector<1x64xf32>
    %sub3A_55 = vector.broadcast %div3A_54 : vector<1x64xf32> to vector<10000x64xf32>
    %sub3A_56 = arith.subf %mul3A_48, %sub3A_55 : vector<10000x64xf32>
    %square3A_57 = arith.mulf %sub3A_56, %sub3A_56 : vector<10000x64xf32>
    %reduce_sum3A_58 = arith.constant dense<0.000000e+00> : vector<64xf32>
    %reduce_sum3A_59 = vector.multi_reduction <add>, %square3A_57, %reduce_sum3A_58 [0] : vector<10000x64xf32> to vector<64xf32>
    %broadcast_in_dim3A_60 = vector.shape_cast %reduce_sum3A_59 : vector<64xf32> to vector<1x64xf32>
    %div3A_61 = arith.constant 1.000000e+04 : f32
    %div3A_62 = vector.broadcast %div3A_61 : f32 to vector<1x64xf32>
    %div3A_63 = arith.divf %broadcast_in_dim3A_60, %div3A_62 : vector<1x64xf32>
    %get3A_64 = arith.constant 0 : index
    %get3A_65 = arith.constant 64 : index
    %get3A_66 = vector.load %arg2[%get3A_64, %get3A_65] : memref<1x128xf32, #tpu.memory_space<vmem>>, vector<1x64xf32>
    %get3A_67 = arith.constant 0 : index
    %get3A_68 = arith.constant 64 : index
    %get3A_69 = vector.load %arg3[%get3A_67, %get3A_68] : memref<1x128xf32, #tpu.memory_space<vmem>>, vector<1x64xf32>
    %sub3A_70 = vector.broadcast %div3A_54 : vector<1x64xf32> to vector<10000x64xf32>
    %sub3A_71 = arith.subf %mul3A_48, %sub3A_70 : vector<10000x64xf32>
    %mul3A_72 = vector.broadcast %get3A_66 : vector<1x64xf32> to vector<10000x64xf32>
    %mul3A_73 = arith.mulf %mul3A_72, %sub3A_71 : vector<10000x64xf32>
    %add3A_74 = arith.constant 9.99999974E-6 : f32
    %add3A_75 = vector.broadcast %add3A_74 : f32 to vector<1x64xf32>
    %add3A_76 = arith.addf %div3A_63, %add3A_75 : vector<1x64xf32>
    %rsqrt3A_77 = math.rsqrt %add3A_76 : vector<1x64xf32>
    %mul3A_78 = vector.broadcast %rsqrt3A_77 : vector<1x64xf32> to vector<10000x64xf32>
    %mul3A_79 = arith.mulf %mul3A_73, %mul3A_78 : vector<10000x64xf32>
    %add3A_80 = vector.broadcast %get3A_69 : vector<1x64xf32> to vector<10000x64xf32>
    %add3A_81 = arith.addf %mul3A_79, %add3A_80 : vector<10000x64xf32>
    %swap3A_82 = arith.constant 0 : index
    %swap3A_83 = arith.constant 64 : index
    %swap3A_84 = vector.load %arg4[%swap3A_82, %swap3A_83] : memref<10000x128xf32, #tpu.memory_space<vmem>>, vector<10000x64xf32>
    tpu.vector_store %arg4[%swap3A_82, %swap3A_83], %add3A_81 {strides = array<i32>} : memref<10000x128xf32, #tpu.memory_space<vmem>>, vector<10000x64xf32>,
    return
  }
}

</mosaic_0001>

<sc_bundles>
// kernel: kernel.5.cloned.1.call-start
scs
__scs_entry_jumppad:
0x0: {  	(pc) =	sbr.rel $0x88, $3  }
0x1: {  	(tag) =	ssettag $0x0;
	lr =	simm.s32 $0x1  }
0x2: {  	[smem:$0x3F9C] =	sst lr;
	_ =	strace $0xD0000000  }
0x3: {  	_ = 	snop  }
0x4: {  	_ = 	snop  }
0x5: {  	_ = 	snop  }
0x6: {  	_ = 	snop  }
0x7: {  	_ = 	snop  }
__scs_overlays_trampoline_lowered:
0x8: {  	[smem:$0x3FAB] =	sst s0  }
0x9: {  	[smem:$0x3FAC] =	sst s1  }
0xa: {  	[smem:$0x3FAD] =	sst s2  }
0xb: {  	[smem:$0x3FAE] =	sst s3  }
0xc: {  	[smem:$0x3FAF] =	sst s4  }
0xd: {  	[smem:$0x3FB0] =	sst s5  }
0xe: {  	[smem:$0x3FB1] =	sst s6  }
0xf: {  	[smem:$0x3FB2] =	sst s7  }
0x10: {  	[smem:$0x3FB3] =	sst s8  }
0x11: {  	[smem:$0x3FB4] =	sst s9;
	s0 =	simm.s32 @!p0 $0x0  }
0x12: {  	s1 =	sld [smem:$0x3F9A];
	s0 =	simm.s32 @p0 $0x1  }
0x13: {  	[smem:$0x3FB5] =	sst s0;
	s0 =	simm.s32 @!p1 $0x0  }
0x14: {  	s2 =	sld [smem:$0x3F99];
	s0 =	simm.s32 @p1 $0x1  }
0x15: {  	[smem:$0x3FB6] =	sst s0;
	s0 =	simm.s32 @!p2 $0x0  }
0x16: {  	s3 =	sld [smem:$0x3FDB];
	s0 =	simm.s32 @p2 $0x1  }
0x17: {  	s4 =	simm.s32 $0x1BF5;
	[smem:$0x3FB8] =	sst s0  }
0x18: {  	s0 =	sld [smem:$0x3F9B];
	_ =	swait.ge [sflag:s4], $0x0  }
0x19: {  	s7 =	sld [smem:$0x3F9C]  }
0x1a: {  	s8 =	sadd.s32 $0xFFFFE003, lr  }
0x1b: {  	s9 =	sadd.s32 $0xFFFFFEF7, lr;
	s5 =	simm.s32 $0xFFFFFFFF;
	p2 =	slt.u32 s8, $0xFFFFF086  }
0x1c: {  	p1 =	slt.u32 s9, $0xF7A;
	s5 =	simm.s32 @!p2 $0x0  }
0x1d: {  	s5 =	simm.s32 @p1 $0x1;
	p0 =	seq.s32 s7, s2  }
0x1e: {  	s7 =	smul.u32 @!p0 $0xF7A, s2;
	p2 =	seq.s32 @!p0 s5, $0x0  }
0x1f: {  	s9 =	smul.u32 $0xF7A, s1;
	s8 =	simm.s32 @!p0 $0x1BF5;
	p2 =	por !p2, p0  }
0x20: {  	[sflag:s8] =	ssyncset.s32 @!p0 $0xFFFFF086;
	s6 =	sadd.s32 @!p0 s3, s7;
	s7 =	simm.s32 @!p0 $0x108  }
0x21: {  	s3 =	sadd.s32 s3, s9;
	s6 =	sadd.s32 @!p0 $0x88, s6;
	s7 =	simm.s32 @p2 $0x1082  }
0x22: {  	[simem:s7], [sflag:s8] =	dma.local @!p0 [hbm:s6], $0xF7A  }
0x23: {  	s9 =	sor.u32 $0xD0000000, s2;
	s6 =	simm.s32 $0x108;
	_ =	swait.ge @!p0 [sflag:s8], $0x0  }
0x24: {  	s3 =	sadd.s32 $0x88, s3;
	s6 =	simm.s32 @!p1 $0x1082;
	[sflag:s4] =	ssyncset.s32 $0xFFFFF086  }
0x25: {  	[simem:s6], [sflag:s4] =	dma.local [hbm:s3], $0xF7A  }
0x26: {  	[smem:$0x3F9C] =	sst s1;
	(tag) =	ssettag s2;
	_ =	strace s9  }
0x27: {  	s1 =	sld [smem:$0x3FAC]  }
0x28: {  	s2 =	sld [smem:$0x3FAD]  }
0x29: {  	s4 =	sld [smem:$0x3FAF]  }
0x2a: {  	p0 =	seq.s32 s5, $0x0;
	s5 =	sld [smem:$0x3FB0]  }
0x2b: {  	s6 =	sld [smem:$0x3FB1]  }
0x2c: {  	s7 =	sld [smem:$0x3FB2]  }
0x2d: {  	s3 =	simm.s32 $0x108;
	s8 =	sld [smem:$0x3FB3]  }
0x2e: {  	s3 =	simm.s32 @!p0 $0x1082;
	s9 =	sld [smem:$0x3FB4]  }
0x2f: {  	lr =	sadd.s32 s0, s3;
	s0 =	sld [smem:$0x3FAB]  }
0x30: {  	s3 =	sld [smem:$0x3FAE]  }
0x31: {  	[smem:$0x3FB7] =	sst s10  }
0x32: {  	s10 =	sld [smem:$0x3FB5];
	_ =	sdelay $0x3  }
0x33: {  	p0 =	seq.s32 s10, $0x1;
	s10 =	sld [smem:$0x3FB7];
	_ =	sdelay $0x3  }
0x34: {  	[smem:$0x3FB7] =	sst s10  }
0x35: {  	s10 =	sld [smem:$0x3FB6];
	_ =	sdelay $0x3  }
0x36: {  	p1 =	seq.s32 s10, $0x1;
	s10 =	sld [smem:$0x3FB7];
	_ =	sdelay $0x3  }
0x37: {  	[smem:$0x3FB7] =	sst s10  }
0x38: {  	s10 =	sld [smem:$0x3FB8]  }
0x39: {  	_ = 	snop;
	(pc) =	sbr.ind lr, $3  }
0x3a: {  	_ = 	snop  }
0x3b: {  	_ = 	snop  }
0x3c: {  	p2 =	seq.s32 s10, $0x1;
	s10 =	sld [smem:$0x3FB7]  }
0x3d: {  	_ =	shalt  }
0x3e: {  	_ =	shalt  }
0x3f: {  	_ =	shalt  }
0x40: {  	_ =	shalt  }
0x41: {  	_ =	shalt  }
0x42: {  	_ =	shalt  }
0x43: {  	_ =	shalt  }
0x44: {  	_ =	shalt  }
0x45: {  	_ =	shalt  }
0x46: {  	_ =	shalt  }
0x47: {  	_ =	shalt  }
0x48: {  	_ =	shalt  }
0x49: {  	_ =	shalt  }
0x4a: {  	_ =	shalt  }
0x4b: {  	_ =	shalt  }
0x4c: {  	_ =	shalt  }
0x4d: {  	_ =	shalt  }
0x4e: {  	_ =	shalt  }
0x4f: {  	_ =	shalt  }
0x50: {  	_ =	shalt  }
0x51: {  	_ =	shalt  }
0x52: {  	_ =	shalt  }
0x53: {  	_ =	shalt  }
0x54: {  	_ =	shalt  }
0x55: {  	_ =	shalt  }
0x56: {  	_ =	shalt  }
0x57: {  	_ =	shalt  }
0x58: {  	_ =	shalt  }
0x59: {  	_ =	shalt  }
0x5a: {  	_ =	shalt  }
0x5b: {  	_ =	shalt  }
0x5c: {  	_ =	shalt  }
0x5d: {  	_ =	shalt  }
0x5e: {  	_ =	shalt  }
0x5f: {  	_ =	shalt  }
0x60: {  	_ =	shalt  }
0x61: {  	_ =	shalt  }
0x62: {  	_ =	shalt  }
0x63: {  	_ =	shalt  }
0x64: {  	_ =	shalt  }
0x65: {  	_ =	shalt  }
0x66: {  	_ =	shalt  }
0x67: {  	_ =	shalt  }
0x68: {  	_ =	shalt  }
0x69: {  	_ =	shalt  }
0x6a: {  	_ =	shalt  }
0x6b: {  	_ =	shalt  }
0x6c: {  	_ =	shalt  }
0x6d: {  	_ =	shalt  }
0x6e: {  	_ =	shalt  }
0x6f: {  	_ =	shalt  }
0x70: {  	_ =	shalt  }
0x71: {  	_ =	shalt  }
0x72: {  	_ =	shalt  }
0x73: {  	_ =	shalt  }
0x74: {  	_ =	shalt  }
0x75: {  	_ =	shalt  }
0x76: {  	_ =	shalt  }
0x77: {  	_ =	shalt  }
0x78: {  	_ =	shalt  }
0x79: {  	_ =	shalt  }
0x7a: {  	_ =	shalt  }
0x7b: {  	_ =	shalt  }
0x7c: {  	_ =	shalt  }
0x7d: {  	_ =	shalt  }
0x7e: {  	_ =	shalt  }
0x7f: {  	_ =	shalt  }
0x80: {  	_ =	shalt  }
0x81: {  	_ =	shalt  }
0x82: {  	_ =	shalt  }
0x83: {  	_ =	shalt  }
0x84: {  	_ =	shalt  }
0x85: {  	_ =	shalt  }
0x86: {  	_ =	shalt  }
0x87: {  	_ =	shalt  }
.Lfunc_end0:
.L_simem_size_0:
called_computation_lowered:
.L_overlay_start_0:
0x88: {  	s2 =	sld [smem:$0x3FD9]  }
0x89: {  	s3 =	sld [smem:$0x3FFE];
	_ =	sdelay $0x1  }
0x8a: {  	s1 =	srdreg.scid  }
0x8b: {  	s0 =	sand.u32 $0x1, s1  }
0x8c: {  	s17 =	sshll.u32 s0, $0xA;
	s2 =	sadd.s32 s3, s2  }
0x8d: {  	s2 =	sadd.s32 s2, s17  }
0x8e: {  	[smem:$0x3FC3] =	sst s2  }
0x8f: {  	_ = 	snop  }
0x90: {  	s2 =	sld [smem:$0x3FD0];
	(tm) =	ssettm $0x1  }
0x91: {  	s18 =	sld [smem:$0x3FFB];
	_ =	sdelay $0x3  }
0x92: {  	_ =	strace s18  }
0x93: {  	s3 =	sld [smem:$0x3FFC];
	_ =	sdelay $0x3  }
0x94: {  	_ =	strace s3  }
0x95: {  	s3 =	sld [smem:$0x3FFD];
	_ =	sdelay $0x3  }
0x96: {  	_ =	strace s3  }
0x97: {  	_ =	strace $0x8FFFFFFF  }
0x98: {  	s19 =	sld [smem:$0x3FDB];
	_ =	sdelay $0x1  }
0x99: {  	s4 =	simm.s32 $_scs_section_size  }
0x9a: {  	s5 =	simm.s32 $_size__tile_overlayer_lowered;
	s6 =	simm.s32 $_tile_overlayer_lowered  }
0x9b: {  	s22 =	simm.s32 $0x1BFF;
	s21 =	sshll.u32 s6, $0x1;
	s3 =	sadd.s32 s4, s19  }
0x9c: {  	s7 =	simm.s32 $0x0;
	s20 =	sshll.u32 s5, $0x1;
	s5 =	sadd.s32 s21, s3  }
0x9d: {  	[timem:s7], [sflag:s22] =	dma.local [hbm:s5], s20  }
0x9e: {  	_ =	swait.ge [sflag:s22], s20  }
0x9f: {  	s4 =	ssub.s32 $0x0, s20;
	[sflag:s22] =	ssyncset.done $0x0  }
0xa0: {  	[sflag:s22] =	ssyncadd.s32 s4;
	_ =	sdelay $0x1  }
0xa1: {  	s23 =	simm.s32 $0x1B8B  }
0xa2: {  	_ =	swait.ge [sflag:s23], $0x1  }
0xa3: {  	[sflag:s23] =	ssyncset.done $0x0  }
0xa4: {  	s25 =	simm.s32 $0x1B8E;
	s24 =	sld [smem:$0x3FFE];
	[sflag:s23] =	ssyncadd.s32 $0xFFFFFFFF  }
0xa5: {  	s26 =	simm.s32 $execute0_lowered;
	[smem:$0x3FD2] =	sst s25  }
0xa6: {  	s5 =	sshll.u32 s26, $0x1;
	_ =	strace $0x80000046;
	[dreg:$0x1] =	wrdreg $0xFFFFFFFF  }
0xa7: {  	s28 =	simm.s32 $_size_execute0_lowered;
	s3 =	sadd.s32 s3, s5;
	[dreg:$0x0] =	wrdreg $0x0  }
0xa8: {  	s5 =	sshll.u32 s28, $0x1;
	[dreg:$0x2] =	wrdreg s3  }
0xa9: {  	[dreg:$0x3] =	wrdreg s5  }
0xaa: {  	[dreg:$0x4] =	wrdreg $0xC0  }
0xab: {  	_ =	task [dreg:s7], $0x5FFFF  }
0xac: {  	[dreg:$0x1] =	wrdreg $0xFFFFFFFF  }
0xad: {  	[dreg:$0x0] =	wrdreg $0x60  }
0xae: {  	[dreg:$0x2] =	wrdreg s24  }
0xaf: {  	[dreg:$0x3] =	wrdreg s2  }
0xb0: {  	[dreg:$0x4] =	wrdreg $0xA6000  }
0xb1: {  	[dreg:$0x5] =	wrdreg $0x146000  }
0xb2: {  	[dreg:$0x6] =	wrdreg $0x1E6000  }
0xb3: {  	[dreg:$0x7] =	wrdreg $0x1E8800  }
0xb4: {  	[dreg:$0x8] =	wrdreg $0x9  }
0xb5: {  	_ =	task.clear_ibuf [dreg:s7], $0x9FFFF;
	_ =	strace $0x90000046  }
0xb6: {  	s29 =	simm.s32 $0x9;
	_ =	strace $0x80000048  }
0xb7: {  	_ =	swait.ge [sflag:s29], $0x1  }
0xb8: {  	[sflag:s29] =	ssyncadd.s32 $0xFFFFFFFF  }
0xb9: {  	_ =	strace $0x90000048  }
0xba: {  	_ =	sfence  }
0xbb: {  	s30 =	sld [smem:$0x0];
	_ =	sdelay $0x2  }
0xbc: {  	s31 =	sshll.u32 s1, $0xD;
	s1 =	sshrl.u32 s1, $0x2  }
0xbd: {  	s3 =	sand.u32 $0x4000, s31;
	s1 =	sadd.s32 s1, s30  }
0xbe: {  	s0 =	sor.u32 s3, s0;
	s1 =	sshll.u32 s1, $0x11  }
0xbf: {  	s0 =	sor.u32 s1, s0  }
0xc0: {  	s0 =	sadd.s32 $0x8F2B, s0  }
0xc1: {  	[sflag:s0] =	ssyncadd.remote.s32 $0x1  }
0xc2: {  	_ =	sfence.sel $0xFFFF  }
0xc3: {  	[dreg:$0x0] =	wrdreg $0xFFFFFFFF;
	(pc) =	sbr.abs _section_cstart, $3  }
0xc4: {  	[dreg:$0x1] =	wrdreg $0xFFFFFFFF  }
0xc5: {  	_ =	task.clear_ibuf [dreg:s7], $0x2FFFF;
	_ =	strace $0x9FFFFFFF  }
0xc6: {  	(tm) =	ssettm $0x7FFFFFFF  }
0xc7: {  	_ =	shalt  }
tec
execute0_lowered:
.L_overlay_start_1:
0x0: {  	(tag) =	ssettag $0x1  }
0x1: {  	s3 =	rddreg [dreg:$0x0]  }
0x2: {  	s7 =	rddreg [dreg:$0x1]  }
0x3: {  	s0 =	rddreg [dreg:$0x2]  }
0x4: {  	s2 =	rddreg [dreg:$0x3]  }
0x5: {  	s1 =	srdreg.scid;
	s6 =	stileid.u32  }
0x6: {  	s4 =	rddreg [dreg:$0x4];
	s15 =	smul.u32 $0x280, s6  }
0x7: {  	s5 =	rddreg [dreg:$0x5];
	s12 =	smul.u32 $0x28000, s6  }
0x8: {  	s8 =	simm.s32 $0x0;
	s9 =	sand.u32 $0x1, s1;
	s14 =	smul.u32 $0xA00, s6  }
0x9: {  	[smem:$0x7FF] =	sst s8;
	s1 =	smul.u32 $0x2800, s9  }
0xa: {  	_ =	strace $0x80000047;
	s6 =	sadd.s32 s7, s14;
	[dreg:$0x7] =	wrdreg s15  }
0xb: {  	s9 =	ssub.s32 $0x2, s9;
	s23 =	sadd.s32 s15, s4;
	[dreg:$0x8] =	wrdreg s6  }
0xc: {  	s21 =	sshrl.u32 s12, $0x2;
	s16 =	sadd.s32 s15, s5;
	[dreg:$0xb] =	wrdreg s23  }
0xd: {  	s13 =	sshrl.u32 s9, $0x1;
	s22 =	sadd.s32 s21, s0;
	[dreg:$0xc] =	wrdreg s16  }
0xe: {  	s9 =	ssub.s32 s9, s13;
	s13 =	sadd.s32 s21, s2;
	[dreg:$0x9] =	wrdreg s22  }
0xf: {  	s25 =	smax.u32 s9, $0x1;
	[dreg:$0xa] =	wrdreg s13  }
0x10: {  	s26 =	sadd.s32 $0x1000, s22;
	[dreg:$0xf] =	wrdreg s25  }
0x11: {  	s28 =	simm.s32 $0x1;
	s7 =	sadd.s32 $0x2000, s22;
	[dreg:$0x10] =	wrdreg s26  }
0x12: {  	s29 =	simm.s32 $0x2;
	s9 =	sadd.s32 $0x3000, s22;
	[dreg:$0x11] =	wrdreg s7  }
0x13: {  	s30 =	simm.s32 $0x3;
	s12 =	sadd.s32 $0x6000, s22;
	[dreg:$0x12] =	wrdreg s9  }
0x14: {  	s31 =	simm.s32 $0x5;
	s14 =	sadd.s32 $0x7000, s22;
	[dreg:$0x15] =	wrdreg s12  }
0x15: {  	s10 =	sadd.s32 s15, s1;
	s15 =	sadd.s32 $0x8000, s22;
	[dreg:$0x16] =	wrdreg s14  }
0x16: {  	s8 =	sadd.s32 $0xA00, s3;
	s17 =	sadd.s32 $0x9000, s22;
	[dreg:$0x17] =	wrdreg s15  }
0x17: {  	v0 =	vmov s1;
	s1 =	simm.s32 $0x6;
	s18 =	sadd.s32 $0x1000, s13;
	[dreg:$0x18] =	wrdreg s17  }
0x18: {  	s11 =	sshll.u32 s10, $0x3;
	s19 =	sadd.s32 $0x2000, s13;
	[dreg:$0x19] =	wrdreg s18  }
0x19: {  	s10 =	sshrl.u32 s10, $0x3;
	s20 =	sadd.s32 $0x3000, s13;
	[dreg:$0x1a] =	wrdreg s19  }
0x1a: {  	s21 =	sadd.s32 $0x4000, s13;
	s23 =	sadd.s32 $0x6000, s13;
	[dreg:$0x1b] =	wrdreg s20  }
0x1b: {  	s11 =	sadd.s32 s11, s3;
	s3 =	sadd.s32 s10, s3;
	[dreg:$0x1c] =	wrdreg s21  }
0x1c: {  	s10 =	sadd.s32 $0x4000, s22;
	[dreg:$0x1e] =	wrdreg s23;
	s25 =	sadd.s32 $0x8000, s13  }
0x1d: {  	s26 =	sadd.s32 $0x9000, s13;
	s14 =	simm.s32 $0x9;
	s15 =	simm.s32 $0x9000  }
0x1e: {  	s17 =	simm.s32 $0x80;
	s18 =	simm.s32 $0xA300;
	s19 =	simm.s32 $0x5000  }
0x1f: {  	s20 =	simm.s32 $0xA400;
	s21 =	simm.s32 $0xA280;
	[dreg:$0x13] =	wrdreg s10  }
0x20: {  	s23 =	simm.s32 $0xA380;
	s7 =	simm.s32 $0x4;
	[smem:$0x7FC] =	sst s25  }
0x21: {  	s9 =	simm.s32 $0x8;
	s24 =	sadd.s32 $0x28A00, s11;
	[smem:$0x7FD] =	sst s26  }
0x22: {  	s3 =	sadd.s32 $0x50A00, s3;
	s11 =	sadd.s32 $0x5000, s22;
	[dreg:$0xd] =	wrdreg s24  }
0x23: {  	s22 =	sadd.s32 $0x5000, s13;
	s25 =	simm.s32 $0xA480;
	[dreg:$0xe] =	wrdreg s3  }
0x24: {  	s26 =	simm.s32 $0xA580;
	s10 =	simm.s32 $0x0;
	[dreg:$0x14] =	wrdreg s11  }
0x25: {  	[dreg:$0x1d] =	wrdreg s22;
	s24 =	sadd.s32 $0x7000, s13;
	s22 =	simm.s32 $0xA500  }
0x26: {  	v1 =	vimm.f32 $0.0e+00;
	v2 =	vimm.f32 $1.000000000e+00;
	s3 =	simm.s32 $0x7;
	[dreg:$0x1f] =	wrdreg s24;
	s24 =	simm.s32 $0x7000  }
.LBB2_1:
0x27: {  	[smem:$0x7FB] =	sst s10  }
0x28: {  	s6 =	simm.s32 $0x0;
	s12 =	rddreg [dreg:$0x8]  }
0x29: {  	[tilespmem:s6], [sflag:$0x9] =	stream.linear.gather [hbm4b:s12+s6], $0x5000, $0x38;
	[tilespmem:$0x1EB00] =	vst v63  }
0x2a: {  	_ =	swait.ge [sflag:s14], $0x5000  }
0x2b: {  	[sflag:s14] =	ssyncset.done $0x0  }
0x2c: {  	s11 =	simm.s32 $0x100;
	s10 =	simm.s32 $0x0;
	[sflag:s14] =	ssyncadd.s32 $0xFFFFB000  }
.LBB2_2:
0x2d: {  	p0 =	sne.s32 s11, $0x3F00;
	[tilespmem:s10+$0x9030] =	vst v1;
	s12 =	smov.u32 s11;
	s11 =	sadd.s32 $0x100, s11  }
.Ltmp0:
0x2e: {  	[tilespmem:s10+$0x9020] =	vst v1;
	(pc) =	sbr.rel @p0 .LBB2_2-.Ltmp0, $3  }
0x2f: {  	[tilespmem:s10+$0x9000] =	vst v1  }
0x30: {  	[tilespmem:s10+$0x9010] =	vst v1;
	_ =	sdelay $0x1  }
0x31: {  	s10 =	sshra.s32 s12, $0x2  }
0x32: {  	[tilespmem:s10+$0x9030] =	vst v1  }
0x33: {  	[tilespmem:s10+$0x9020] =	vst v1  }
0x34: {  	[tilespmem:s10+$0x9000] =	vst v1  }
0x35: {  	[tilespmem:s10+$0x9010] =	vst v1  }
0x36: {  	[tilespmem:$0xA000] =	vst v1  }
0x37: {  	[tilespmem:$0xA010] =	vst v1  }
0x38: {  	[tilespmem:$0xA020] =	vst v1  }
0x39: {  	[tilespmem:$0xA030] =	vst v1  }
0x3a: {  	[tilespmem:$0xA040] =	vst v1  }
0x3b: {  	[tilespmem:$0xA050] =	vst v1  }
0x3c: {  	[tilespmem:$0xA060] =	vst v1  }
0x3d: {  	[tilespmem:$0xA070] =	vst v1  }
0x3e: {  	[tilespmem:$0xA080] =	vst v1  }
0x3f: {  	[tilespmem:$0xA090] =	vst v1  }
0x40: {  	[tilespmem:$0xA0A0] =	vst v1  }
0x41: {  	[tilespmem:$0xA0B0] =	vst v1  }
0x42: {  	[tilespmem:$0xA0C0] =	vst v1  }
0x43: {  	[tilespmem:$0xA0D0] =	vst v1  }
0x44: {  	[tilespmem:$0xA0E0] =	vst v1  }
0x45: {  	[tilespmem:$0xA0F0] =	vst v1  }
0x46: {  	[tilespmem:$0xA100] =	vst v1  }
0x47: {  	[tilespmem:$0xA110] =	vst v1  }
0x48: {  	[tilespmem:$0xA120] =	vst v1  }
0x49: {  	[tilespmem:$0xA130] =	vst v1  }
0x4a: {  	[tilespmem:$0xA140] =	vst v1  }
0x4b: {  	[tilespmem:$0xA150] =	vst v1  }
0x4c: {  	[tilespmem:$0xA160] =	vst v1  }
0x4d: {  	[tilespmem:$0xA170] =	vst v1  }
0x4e: {  	[tilespmem:$0xA180] =	vst v1  }
0x4f: {  	[tilespmem:$0xA190] =	vst v1  }
0x50: {  	[tilespmem:$0xA1A0] =	vst v1  }
0x51: {  	[tilespmem:$0xA1B0] =	vst v1  }
0x52: {  	[tilespmem:$0xA1C0] =	vst v1  }
0x53: {  	[tilespmem:$0xA1D0] =	vst v1  }
0x54: {  	[tilespmem:$0xA1E0] =	vst v1  }
0x55: {  	[tilespmem:$0xA1F0] =	vst v1  }
0x56: {  	[tilespmem:$0xA200] =	vst v1  }
0x57: {  	[tilespmem:$0xA210] =	vst v1  }
0x58: {  	[tilespmem:$0xA220] =	vst v1  }
0x59: {  	[tilespmem:$0xA230] =	vst v1  }
0x5a: {  	[tilespmem:$0xA240] =	vst v1  }
0x5b: {  	[tilespmem:$0xA250] =	vst v1  }
0x5c: {  	[tilespmem:$0xA260] =	vst v1  }
0x5d: {  	[tilespmem:$0xA270] =	vst v1  }
0x5e: {  	[tilespmem:$0xA280] =	vst v2  }
0x5f: {  	[tilespmem:$0xA290] =	vst v2  }
0x60: {  	[tilespmem:$0xA2A0] =	vst v2  }
0x61: {  	[tilespmem:$0xA2B0] =	vst v2  }
0x62: {  	[tilespmem:$0xA2C0] =	vst v2  }
0x63: {  	[tilespmem:$0xA2D0] =	vst v2  }
0x64: {  	[tilespmem:$0xA2E0] =	vst v2  }
0x65: {  	s6 =	rddreg [dreg:$0x9];
	[tilespmem:$0xA2F0] =	vst v2  }
0x66: {  	[spmem:s6] =	stream.linear.scatter [tilespmem:s15], [sflag:$0x9], $0x1000, $0x38;
	[tilespmem:$0x1EB00] =	vst v63  }
0x67: {  	_ =	swait.ge [sflag:s14], $0x1000  }
0x68: {  	[sflag:s14] =	ssyncset.done $0x0  }
0x69: {  	s11 =	rddreg [dreg:$0x10];
	[sflag:s14] =	ssyncadd.s32 $0xFFFFF000  }
0x6a: {  	[spmem:s11] =	stream.linear.scatter [tilespmem:s15], [sflag:$0x9], $0x1000, $0x38;
	[tilespmem:$0x1EB00] =	vst v63  }
0x6b: {  	_ =	swait.ge [sflag:s14], $0x1000  }
0x6c: {  	[sflag:s14] =	ssyncset.done $0x0  }
0x6d: {  	s12 =	rddreg [dreg:$0x11];
	[sflag:s14] =	ssyncadd.s32 $0xFFFFF000  }
0x6e: {  	[spmem:s12] =	stream.linear.scatter [tilespmem:s15], [sflag:$0x9], $0x1000, $0x38;
	[tilespmem:$0x1EB00] =	vst v63  }
0x6f: {  	_ =	swait.ge [sflag:s14], $0x1000  }
0x70: {  	[sflag:s14] =	ssyncset.done $0x0  }
0x71: {  	s10 =	rddreg [dreg:$0x12];
	[sflag:s14] =	ssyncadd.s32 $0xFFFFF000  }
0x72: {  	[spmem:s10] =	stream.linear.scatter [tilespmem:s15], [sflag:$0x9], $0x1000, $0x38;
	[tilespmem:$0x1EB00] =	vst v63  }
0x73: {  	_ =	swait.ge [sflag:s14], $0x1000  }
0x74: {  	[sflag:s14] =	ssyncset.done $0x0  }
0x75: {  	s11 =	rddreg [dreg:$0x13];
	[sflag:s14] =	ssyncadd.s32 $0xFFFFF000  }
0x76: {  	[spmem:s11] =	stream.linear.scatter [tilespmem:s15], [sflag:$0x9], $0x1000, $0x38;
	[tilespmem:$0x1EB00] =	vst v63  }
0x77: {  	_ =	swait.ge [sflag:s14], $0x1000  }
0x78: {  	[sflag:s14] =	ssyncset.done $0x0  }
0x79: {  	s12 =	rddreg [dreg:$0x14];
	[sflag:s14] =	ssyncadd.s32 $0xFFFFF000  }
0x7a: {  	[spmem:s12] =	stream.linear.scatter [tilespmem:s15], [sflag:$0x9], $0x1000, $0x38;
	[tilespmem:$0x1EB00] =	vst v63  }
0x7b: {  	_ =	swait.ge [sflag:s14], $0x1000  }
0x7c: {  	[sflag:s14] =	ssyncset.done $0x0  }
0x7d: {  	s10 =	rddreg [dreg:$0x15];
	[sflag:s14] =	ssyncadd.s32 $0xFFFFF000  }
0x7e: {  	[spmem:s10] =	stream.linear.scatter [tilespmem:s15], [sflag:$0x9], $0x1000, $0x38;
	[tilespmem:$0x1EB00] =	vst v63  }
0x7f: {  	_ =	swait.ge [sflag:s14], $0x1000  }
0x80: {  	[sflag:s14] =	ssyncset.done $0x0  }
0x81: {  	s11 =	rddreg [dreg:$0x16];
	[sflag:s14] =	ssyncadd.s32 $0xFFFFF000  }
0x82: {  	[spmem:s11] =	stream.linear.scatter [tilespmem:s15], [sflag:$0x9], $0x1000, $0x38;
	[tilespmem:$0x1EB00] =	vst v63  }
0x83: {  	_ =	swait.ge [sflag:s14], $0x1000  }
0x84: {  	[sflag:s14] =	ssyncset.done $0x0  }
0x85: {  	s12 =	rddreg [dreg:$0x17];
	[sflag:s14] =	ssyncadd.s32 $0xFFFFF000  }
0x86: {  	[spmem:s12] =	stream.linear.scatter [tilespmem:s15], [sflag:$0x9], $0x1000, $0x38;
	[tilespmem:$0x1EB00] =	vst v63  }
0x87: {  	_ =	swait.ge [sflag:s14], $0x1000  }
0x88: {  	[sflag:s14] =	ssyncset.done $0x0  }
0x89: {  	s10 =	rddreg [dreg:$0x18];
	[sflag:s14] =	ssyncadd.s32 $0xFFFFF000  }
0x8a: {  	[spmem:s10] =	stream.linear.scatter [tilespmem:s15], [sflag:$0x9], $0x1000, $0x38;
	[tilespmem:$0x1EB00] =	vst v63  }
0x8b: {  	_ =	swait.ge [sflag:s14], $0x1000  }
0x8c: {  	[sflag:s14] =	ssyncset.done $0x0  }
0x8d: {  	[sflag:s14] =	ssyncadd.s32 $0xFFFFF000  }
0x8e: {  	[spmem:s13] =	stream.linear.scatter [tilespmem:s15], [sflag:$0x9], $0x1000, $0x38;
	[tilespmem:$0x1EB00] =	vst v63  }
0x8f: {  	_ =	swait.ge [sflag:s14], $0x1000  }
0x90: {  	[sflag:s14] =	ssyncset.done $0x0  }
0x91: {  	s11 =	rddreg [dreg:$0x19];
	[sflag:s14] =	ssyncadd.s32 $0xFFFFF000  }
0x92: {  	[spmem:s11] =	stream.linear.scatter [tilespmem:s15], [sflag:$0x9], $0x1000, $0x38;
	[tilespmem:$0x1EB00] =	vst v63  }
0x93: {  	_ =	swait.ge [sflag:s14], $0x1000  }
0x94: {  	[sflag:s14] =	ssyncset.done $0x0  }
0x95: {  	s12 =	rddreg [dreg:$0x1a];
	[sflag:s14] =	ssyncadd.s32 $0xFFFFF000  }
0x96: {  	[spmem:s12] =	stream.linear.scatter [tilespmem:s15], [sflag:$0x9], $0x1000, $0x38;
	[tilespmem:$0x1EB00] =	vst v63  }
0x97: {  	_ =	swait.ge [sflag:s14], $0x1000  }
0x98: {  	[sflag:s14] =	ssyncset.done $0x0  }
0x99: {  	s13 =	rddreg [dreg:$0x1b];
	[sflag:s14] =	ssyncadd.s32 $0xFFFFF000  }
0x9a: {  	[spmem:s13] =	stream.linear.scatter [tilespmem:s15], [sflag:$0x9], $0x1000, $0x38;
	[tilespmem:$0x1EB00] =	vst v63  }
0x9b: {  	_ =	swait.ge [sflag:s14], $0x1000  }
0x9c: {  	[sflag:s14] =	ssyncset.done $0x0  }
0x9d: {  	s10 =	rddreg [dreg:$0x1c];
	[sflag:s14] =	ssyncadd.s32 $0xFFFFF000  }
0x9e: {  	[spmem:s10] =	stream.linear.scatter [tilespmem:s15], [sflag:$0x9], $0x1000, $0x38;
	[tilespmem:$0x1EB00] =	vst v63  }
0x9f: {  	_ =	swait.ge [sflag:s14], $0x1000  }
0xa0: {  	[sflag:s14] =	ssyncset.done $0x0  }
0xa1: {  	s11 =	rddreg [dreg:$0x1d];
	[sflag:s14] =	ssyncadd.s32 $0xFFFFF000  }
0xa2: {  	[spmem:s11] =	stream.linear.scatter [tilespmem:s15], [sflag:$0x9], $0x1000, $0x38;
	[tilespmem:$0x1EB00] =	vst v63  }
0xa3: {  	_ =	swait.ge [sflag:s14], $0x1000  }
0xa4: {  	[sflag:s14] =	ssyncset.done $0x0  }
0xa5: {  	s12 =	rddreg [dreg:$0x1e];
	[sflag:s14] =	ssyncadd.s32 $0xFFFFF000  }
0xa6: {  	[spmem:s12] =	stream.linear.scatter [tilespmem:s15], [sflag:$0x9], $0x1000, $0x38;
	[tilespmem:$0x1EB00] =	vst v63  }
0xa7: {  	_ =	swait.ge [sflag:s14], $0x1000  }
0xa8: {  	[sflag:s14] =	ssyncset.done $0x0  }
0xa9: {  	s13 =	rddreg [dreg:$0x1f];
	[sflag:s14] =	ssyncadd.s32 $0xFFFFF000  }
0xaa: {  	[spmem:s13] =	stream.linear.scatter [tilespmem:s15], [sflag:$0x9], $0x1000, $0x38;
	[tilespmem:$0x1EB00] =	vst v63  }
0xab: {  	_ =	swait.ge [sflag:s14], $0x1000  }
0xac: {  	s10 =	sld [smem:$0x7FC]  }
0xad: {  	[sflag:s14] =	ssyncset.done $0x0  }
0xae: {  	[sflag:s14] =	ssyncadd.s32 $0xFFFFF000  }
0xaf: {  	[spmem:s10] =	stream.linear.scatter [tilespmem:s15], [sflag:$0x9], $0x1000, $0x38;
	[tilespmem:$0x1EB00] =	vst v63  }
0xb0: {  	_ =	swait.ge [sflag:s14], $0x1000  }
0xb1: {  	s11 =	sld [smem:$0x7FD]  }
0xb2: {  	[sflag:s14] =	ssyncset.done $0x0  }
0xb3: {  	[sflag:s14] =	ssyncadd.s32 $0xFFFFF000  }
0xb4: {  	[spmem:s11] =	stream.linear.scatter [tilespmem:s15], [sflag:$0x9], $0x1000, $0x38;
	[tilespmem:$0x1EB00] =	vst v63  }
0xb5: {  	_ =	swait.ge [sflag:s14], $0x1000  }
0xb6: {  	[sflag:s14] =	ssyncset.done $0x0  }
0xb7: {  	s13 =	simm.s32 $0xA000;
	s12 =	rddreg [dreg:$0xb];
	[sflag:s14] =	ssyncadd.s32 $0xFFFFF000  }
0xb8: {  	[spmem:s12] =	stream.linear.scatter [tilespmem:s13], [sflag:$0x9], $0x280, $0x38;
	[tilespmem:$0x1EB00] =	vst v63  }
0xb9: {  	_ =	swait.ge [sflag:s14], $0x280  }
0xba: {  	[sflag:s14] =	ssyncset.done $0x0  }
0xbb: {  	[sflag:s14] =	ssyncadd.s32 $0xFFFFFD80  }
0xbc: {  	[spmem:s16] =	stream.linear.scatter [tilespmem:s13], [sflag:$0x9], $0x280, $0x38;
	[tilespmem:$0x1EB00] =	vst v63  }
0xbd: {  	_ =	swait.ge [sflag:s14], $0x280  }
0xbe: {  	[sflag:s14] =	ssyncset.done $0x0  }
0xbf: {  	[sflag:s14] =	ssyncadd.s32 $0xFFFFFD80  }
0xc0: {  	s16 =	simm.s32 $0x0;
	[bflag:$0x0] =	sbarrier.arrive $0xFFFF  }
0xc1: {  	v3 =	vld [tilespmem:s16+$0x0];
	_ =	sdelay $0x4  }
0xc2: {  	v4 =	vand.u32 $0xFFFF, v3;
	v3 =	vshrl.u32 v3, $0x10  }
0xc3: {  	[tilespmem:$0xA400] =	vst v3  }
0xc4: {  	v5 =	vadd.s32 v0, v4;
	[tilespmem:$0xA500] =	vst v4  }
0xc5: {  	[tilespmem:$0xA300] =	vst v5  }
0xc6: {  	v3 =	vld [tilespmem:s16+$0x10];
	_ =	sdelay $0x4  }
0xc7: {  	v34 =	vand.u32 $0xFFFF, v3;
	v3 =	vshrl.u32 v3, $0x10  }
0xc8: {  	[tilespmem:$0xA410] =	vst v3  }
0xc9: {  	v35 =	vadd.s32 v0, v34;
	[tilespmem:$0xA510] =	vst v34  }
0xca: {  	[tilespmem:$0xA310] =	vst v35  }
0xcb: {  	v3 =	vld [tilespmem:s16+$0x20];
	_ =	sdelay $0x4  }
0xcc: {  	v36 =	vand.u32 $0xFFFF, v3;
	v3 =	vshrl.u32 v3, $0x10  }
0xcd: {  	[tilespmem:$0xA420] =	vst v3  }
0xce: {  	v37 =	vadd.s32 v0, v36;
	[tilespmem:$0xA520] =	vst v36  }
0xcf: {  	[tilespmem:$0xA320] =	vst v37  }
0xd0: {  	v3 =	vld [tilespmem:s16+$0x30];
	_ =	sdelay $0x4  }
0xd1: {  	v38 =	vand.u32 $0xFFFF, v3;
	v3 =	vshrl.u32 v3, $0x10  }
0xd2: {  	[tilespmem:$0xA430] =	vst v3  }
0xd3: {  	v39 =	vadd.s32 v0, v38;
	[tilespmem:$0xA530] =	vst v38  }
0xd4: {  	[tilespmem:$0xA330] =	vst v39  }
0xd5: {  	v3 =	vld [tilespmem:s16+$0x40];
	_ =	sdelay $0x4  }
0xd6: {  	v40 =	vand.u32 $0xFFFF, v3;
	v3 =	vshrl.u32 v3, $0x10  }
0xd7: {  	[tilespmem:$0xA440] =	vst v3  }
0xd8: {  	v41 =	vadd.s32 v0, v40;
	[tilespmem:$0xA540] =	vst v40  }
0xd9: {  	[tilespmem:$0xA340] =	vst v41  }
0xda: {  	v3 =	vld [tilespmem:s16+$0x50];
	_ =	sdelay $0x4  }
0xdb: {  	v42 =	vand.u32 $0xFFFF, v3;
	v3 =	vshrl.u32 v3, $0x10  }
0xdc: {  	[tilespmem:$0xA450] =	vst v3  }
0xdd: {  	v43 =	vadd.s32 v0, v42;
	[tilespmem:$0xA550] =	vst v42  }
0xde: {  	[tilespmem:$0xA350] =	vst v43  }
0xdf: {  	v3 =	vld [tilespmem:s16+$0x60];
	_ =	sdelay $0x4  }
0xe0: {  	v44 =	vand.u32 $0xFFFF, v3;
	v3 =	vshrl.u32 v3, $0x10  }
0xe1: {  	[tilespmem:$0xA460] =	vst v3  }
0xe2: {  	v45 =	vadd.s32 v0, v44;
	[tilespmem:$0xA560] =	vst v44  }
0xe3: {  	[tilespmem:$0xA360] =	vst v45  }
0xe4: {  	v3 =	vld [tilespmem:s16+$0x70];
	_ =	sdelay $0x4  }
0xe5: {  	v46 =	vand.u32 $0xFFFF, v3;
	v3 =	vshrl.u32 v3, $0x10  }
0xe6: {  	[tilespmem:$0xA470] =	vst v3  }
0xe7: {  	v47 =	vadd.s32 v0, v46;
	[tilespmem:$0xA570] =	vst v46  }
0xe8: {  	[tilespmem:$0xA370] =	vst v47  }
0xe9: {  	[tilespmem:s19], [sflag:$0x1] =	stream.indirect.gather [hbm4b:s8+s17], $0x40, s18, s17, $0xb8;
	[tilespmem:$0x1EB00] =	vst v63  }
0xea: {  	_ = 	snop  }
0xeb: {  	[spmem:s4] =	stream.indirect.scatter.add.f32 [tilespmem:s21], [sflag:$0x5], $0x1, s20, s17, $0xb8;
	[tilespmem:$0x1EB00] =	vst v63  }
0xec: {  	_ = 	snop  }
0xed: {  	[spmem:s5] =	stream.indirect.scatter.add.f32 [tilespmem:s21], [sflag:$0x7], $0x1, s22, s17, $0xb8;
	[tilespmem:$0x1EB00] =	vst v63  }
0xee: {  	v3 =	vld [tilespmem:s16+$0x80];
	_ =	sdelay $0x4  }
0xef: {  	v48 =	vand.u32 $0xFFFF, v3;
	v3 =	vshrl.u32 v3, $0x10  }
0xf0: {  	[tilespmem:$0xA480] =	vst v3  }
0xf1: {  	v49 =	vadd.s32 v0, v48;
	[tilespmem:$0xA580] =	vst v48  }
0xf2: {  	[tilespmem:$0xA380] =	vst v49  }
0xf3: {  	v3 =	vld [tilespmem:s16+$0x90];
	_ =	sdelay $0x4  }
0xf4: {  	v50 =	vand.u32 $0xFFFF, v3;
	v3 =	vshrl.u32 v3, $0x10  }
0xf5: {  	[tilespmem:$0xA490] =	vst v3  }
0xf6: {  	v51 =	vadd.s32 v0, v50;
	[tilespmem:$0xA590] =	vst v50  }
0xf7: {  	[tilespmem:$0xA390] =	vst v51  }
0xf8: {  	v3 =	vld [tilespmem:s16+$0xA0];
	_ =	sdelay $0x4  }
0xf9: {  	v52 =	vand.u32 $0xFFFF, v3;
	v3 =	vshrl.u32 v3, $0x10  }
0xfa: {  	[tilespmem:$0xA4A0] =	vst v3  }
0xfb: {  	v53 =	vadd.s32 v0, v52;
	[tilespmem:$0xA5A0] =	vst v52  }
0xfc: {  	[tilespmem:$0xA3A0] =	vst v53  }
0xfd: {  	v3 =	vld [tilespmem:s16+$0xB0];
	_ =	sdelay $0x4  }
0xfe: {  	v54 =	vand.u32 $0xFFFF, v3;
	v3 =	vshrl.u32 v3, $0x10  }
0xff: {  	[tilespmem:$0xA4B0] =	vst v3  }
0x100: {  	v55 =	vadd.s32 v0, v54;
	[tilespmem:$0xA5B0] =	vst v54  }
0x101: {  	[tilespmem:$0xA3B0] =	vst v55  }
0x102: {  	v3 =	vld [tilespmem:s16+$0xC0];
	_ =	sdelay $0x4  }
0x103: {  	v56 =	vand.u32 $0xFFFF, v3;
	v3 =	vshrl.u32 v3, $0x10  }
0x104: {  	[tilespmem:$0xA4C0] =	vst v3  }
0x105: {  	v57 =	vadd.s32 v0, v56;
	[tilespmem:$0xA5C0] =	vst v56  }
0x106: {  	[tilespmem:$0xA3C0] =	vst v57  }
0x107: {  	v3 =	vld [tilespmem:s16+$0xD0];
	_ =	sdelay $0x4  }
0x108: {  	v58 =	vand.u32 $0xFFFF, v3;
	v3 =	vshrl.u32 v3, $0x10  }
0x109: {  	[tilespmem:$0xA4D0] =	vst v3  }
0x10a: {  	v59 =	vadd.s32 v0, v58;
	[tilespmem:$0xA5D0] =	vst v58  }
0x10b: {  	[tilespmem:$0xA3D0] =	vst v59  }
0x10c: {  	v3 =	vld [tilespmem:s16+$0xE0];
	_ =	sdelay $0x4  }
0x10d: {  	v60 =	vand.u32 $0xFFFF, v3;
	v3 =	vshrl.u32 v3, $0x10  }
0x10e: {  	[tilespmem:$0xA4E0] =	vst v3  }
0x10f: {  	v61 =	vadd.s32 v0, v60;
	[tilespmem:$0xA5E0] =	vst v60  }
0x110: {  	[tilespmem:$0xA3E0] =	vst v61  }
0x111: {  	v3 =	vld [tilespmem:s16+$0xF0];
	_ =	sdelay $0x4  }
0x112: {  	v62 =	vand.u32 $0xFFFF, v3;
	v3 =	vshrl.u32 v3, $0x10  }
0x113: {  	[tilespmem:$0xA4F0] =	vst v3  }
0x114: {  	v63 =	vadd.s32 v0, v62;
	[tilespmem:$0xA5F0] =	vst v62  }
0x115: {  	[tilespmem:$0xA3F0] =	vst v63  }
0x116: {  	[tilespmem:s24], [sflag:$0x2] =	stream.indirect.gather [hbm4b:s8+s17], $0x40, s23, s17, $0xb8;
	[tilespmem:$0x1EB00] =	vst v63  }
0x117: {  	_ = 	snop  }
0x118: {  	[spmem:s4] =	stream.indirect.scatter.add.f32 [tilespmem:s21], [sflag:$0x6], $0x1, s25, s17, $0xb8;
	[tilespmem:$0x1EB00] =	vst v63  }
0x119: {  	_ = 	snop  }
0x11a: {  	[spmem:s5] =	stream.indirect.scatter.add.f32 [tilespmem:s21], [sflag:$0x8], $0x1, s26, s17, $0xb8;
	[tilespmem:$0x1EB00] =	vst v63  }
0x11b: {  	_ =	swait.ge [sflag:s28], $0x2000  }
0x11c: {  	[sflag:s28] =	ssyncset.done $0x0  }
0x11d: {  	[sflag:s28] =	ssyncadd.s32 $0xFFFFE000  }
0x11e: {  	[spmem:s0] =	stream.indirect.scatter.add.f32 [tilespmem:s19], [sflag:$0x3], $0x40, s20, s17, $0xb8;
	[tilespmem:$0x1EB00] =	vst v63  }
0x11f: {  	_ =	swait.ge [sflag:s29], $0x2000  }
0x120: {  	[sflag:s29] =	ssyncset.done $0x0  }
0x121: {  	[sflag:s29] =	ssyncadd.s32 $0xFFFFE000  }
0x122: {  	[spmem:s0] =	stream.indirect.scatter.add.f32 [tilespmem:s24], [sflag:$0x4], $0x40, s25, s17, $0xb8;
	[tilespmem:$0x1EB00] =	vst v63  }
0x123: {  	s11 =	simm.s32 $0xA000;
	s16 =	simm.s32 $0x400;
	_ =	swait.ge [sflag:s30], $0x2000  }
.LBB2_4:
0x124: {  	p0 =	sne.s32 s16, $0x13C00  }
0x125: {  	[sflag:s30] =	ssyncset.done $0x0;
	s10 =	smov.u32 s16;
	s16 =	sadd.s32 $0x400, s16  }
0x126: {  	[sflag:s30] =	ssyncadd.s32 $0xFFFFE000  }
0x127: {  	_ =	swait.ge [sflag:s31], $0x80  }
0x128: {  	[sflag:s31] =	ssyncset.done $0x0  }
0x129: {  	[sflag:s31] =	ssyncadd.s32 $0xFFFFFF80  }
0x12a: {  	_ =	swait.ge [sflag:s3], $0x80  }
0x12b: {  	[sflag:s3] =	ssyncset.done $0x0  }
0x12c: {  	[sflag:s3] =	ssyncadd.s32 $0xFFFFFF80  }
0x12d: {  	_ =	swait.ge [sflag:s7], $0x2000  }
0x12e: {  	[sflag:s7] =	ssyncset.done $0x0  }
0x12f: {  	[sflag:s7] =	ssyncadd.s32 $0xFFFFE000  }
0x130: {  	_ =	swait.ge [sflag:s1], $0x80  }
0x131: {  	[sflag:s1] =	ssyncset.done $0x0  }
0x132: {  	[sflag:s1] =	ssyncadd.s32 $0xFFFFFF80  }
0x133: {  	_ =	swait.ge [sflag:s9], $0x80  }
0x134: {  	[sflag:s9] =	ssyncset.done $0x0  }
0x135: {  	s12 =	sshra.s32 s10, $0x2;
	[sflag:s9] =	ssyncadd.s32 $0xFFFFFF80  }
0x136: {  	v3 =	vld [tilespmem:s12+$0x0];
	_ =	sdelay $0x4  }
0x137: {  	v4 =	vand.u32 $0xFFFF, v3;
	v3 =	vshrl.u32 v3, $0x10  }
0x138: {  	v5 =	vadd.s32 v0, v4;
	[tilespmem:$0xA400] =	vst v3  }
0x139: {  	[tilespmem:$0xA300] =	vst v5  }
0x13a: {  	[tilespmem:$0xA500] =	vst v4  }
0x13b: {  	v3 =	vld [tilespmem:s12+$0x10];
	_ =	sdelay $0x4  }
0x13c: {  	v4 =	vand.u32 $0xFFFF, v3;
	v3 =	vshrl.u32 v3, $0x10  }
0x13d: {  	v5 =	vadd.s32 v0, v4;
	[tilespmem:$0xA410] =	vst v3  }
0x13e: {  	[tilespmem:$0xA310] =	vst v5  }
0x13f: {  	[tilespmem:$0xA510] =	vst v4  }
0x140: {  	v3 =	vld [tilespmem:s12+$0x20];
	_ =	sdelay $0x4  }
0x141: {  	v4 =	vand.u32 $0xFFFF, v3;
	v3 =	vshrl.u32 v3, $0x10  }
0x142: {  	v5 =	vadd.s32 v0, v4;
	[tilespmem:$0xA420] =	vst v3  }
0x143: {  	[tilespmem:$0xA320] =	vst v5  }
0x144: {  	[tilespmem:$0xA520] =	vst v4  }
0x145: {  	v3 =	vld [tilespmem:s12+$0x30];
	_ =	sdelay $0x4  }
0x146: {  	v4 =	vand.u32 $0xFFFF, v3;
	v3 =	vshrl.u32 v3, $0x10  }
0x147: {  	v5 =	vadd.s32 v0, v4;
	[tilespmem:$0xA430] =	vst v3  }
0x148: {  	[tilespmem:$0xA330] =	vst v5  }
0x149: {  	[tilespmem:$0xA530] =	vst v4  }
0x14a: {  	v3 =	vld [tilespmem:s12+$0x40];
	_ =	sdelay $0x4  }
0x14b: {  	v4 =	vand.u32 $0xFFFF, v3;
	v3 =	vshrl.u32 v3, $0x10  }
0x14c: {  	v5 =	vadd.s32 v0, v4;
	[tilespmem:$0xA440] =	vst v3  }
0x14d: {  	[tilespmem:$0xA340] =	vst v5  }
0x14e: {  	[tilespmem:$0xA540] =	vst v4  }
0x14f: {  	v3 =	vld [tilespmem:s12+$0x50];
	_ =	sdelay $0x4  }
0x150: {  	v4 =	vand.u32 $0xFFFF, v3;
	v3 =	vshrl.u32 v3, $0x10  }
0x151: {  	v5 =	vadd.s32 v0, v4;
	[tilespmem:$0xA450] =	vst v3  }
0x152: {  	[tilespmem:$0xA350] =	vst v5  }
0x153: {  	[tilespmem:$0xA550] =	vst v4  }
0x154: {  	v3 =	vld [tilespmem:s12+$0x60];
	_ =	sdelay $0x4  }
0x155: {  	v4 =	vand.u32 $0xFFFF, v3;
	v3 =	vshrl.u32 v3, $0x10  }
0x156: {  	v5 =	vadd.s32 v0, v4;
	[tilespmem:$0xA460] =	vst v3  }
0x157: {  	[tilespmem:$0xA360] =	vst v5  }
0x158: {  	[tilespmem:$0xA560] =	vst v4  }
0x159: {  	v3 =	vld [tilespmem:s12+$0x70];
	_ =	sdelay $0x4  }
0x15a: {  	v4 =	vand.u32 $0xFFFF, v3;
	v3 =	vshrl.u32 v3, $0x10  }
0x15b: {  	v5 =	vadd.s32 v0, v4;
	[tilespmem:$0xA470] =	vst v3  }
0x15c: {  	[tilespmem:$0xA370] =	vst v5  }
0x15d: {  	[tilespmem:$0xA570] =	vst v4  }
0x15e: {  	[tilespmem:s19], [sflag:$0x1] =	stream.indirect.gather [hbm4b:s8+s17], $0x40, s18, s17, $0xb8;
	[tilespmem:$0x1EB00] =	vst v63  }
0x15f: {  	_ = 	snop  }
0x160: {  	[spmem:s4] =	stream.indirect.scatter.add.f32 [tilespmem:s21], [sflag:$0x5], $0x1, s20, s17, $0xb8;
	[tilespmem:$0x1EB00] =	vst v63  }
0x161: {  	_ = 	snop  }
0x162: {  	[spmem:s5] =	stream.indirect.scatter.add.f32 [tilespmem:s21], [sflag:$0x7], $0x1, s22, s17, $0xb8;
	[tilespmem:$0x1EB00] =	vst v63  }
0x163: {  	v3 =	vld [tilespmem:s12+$0x80];
	_ =	sdelay $0x4  }
0x164: {  	v4 =	vand.u32 $0xFFFF, v3;
	v3 =	vshrl.u32 v3, $0x10  }
0x165: {  	v5 =	vadd.s32 v0, v4;
	[tilespmem:$0xA480] =	vst v3  }
0x166: {  	[tilespmem:$0xA380] =	vst v5  }
0x167: {  	[tilespmem:$0xA580] =	vst v4  }
0x168: {  	v3 =	vld [tilespmem:s12+$0x90];
	_ =	sdelay $0x4  }
0x169: {  	v4 =	vand.u32 $0xFFFF, v3;
	v3 =	vshrl.u32 v3, $0x10  }
0x16a: {  	v5 =	vadd.s32 v0, v4;
	[tilespmem:$0xA490] =	vst v3  }
0x16b: {  	[tilespmem:$0xA390] =	vst v5  }
0x16c: {  	[tilespmem:$0xA590] =	vst v4  }
0x16d: {  	v3 =	vld [tilespmem:s12+$0xA0];
	_ =	sdelay $0x4  }
0x16e: {  	v4 =	vand.u32 $0xFFFF, v3;
	v3 =	vshrl.u32 v3, $0x10  }
0x16f: {  	v5 =	vadd.s32 v0, v4;
	[tilespmem:$0xA4A0] =	vst v3  }
0x170: {  	[tilespmem:$0xA3A0] =	vst v5  }
0x171: {  	[tilespmem:$0xA5A0] =	vst v4  }
0x172: {  	v3 =	vld [tilespmem:s12+$0xB0];
	_ =	sdelay $0x4  }
0x173: {  	v4 =	vand.u32 $0xFFFF, v3;
	v3 =	vshrl.u32 v3, $0x10  }
0x174: {  	v5 =	vadd.s32 v0, v4;
	[tilespmem:$0xA4B0] =	vst v3  }
0x175: {  	[tilespmem:$0xA3B0] =	vst v5  }
0x176: {  	[tilespmem:$0xA5B0] =	vst v4  }
0x177: {  	v3 =	vld [tilespmem:s12+$0xC0];
	_ =	sdelay $0x4  }
0x178: {  	v4 =	vand.u32 $0xFFFF, v3;
	v3 =	vshrl.u32 v3, $0x10  }
0x179: {  	v5 =	vadd.s32 v0, v4;
	[tilespmem:$0xA4C0] =	vst v3  }
0x17a: {  	[tilespmem:$0xA3C0] =	vst v5  }
0x17b: {  	[tilespmem:$0xA5C0] =	vst v4  }
0x17c: {  	v3 =	vld [tilespmem:s12+$0xD0];
	_ =	sdelay $0x4  }
0x17d: {  	v4 =	vand.u32 $0xFFFF, v3;
	v3 =	vshrl.u32 v3, $0x10  }
0x17e: {  	v5 =	vadd.s32 v0, v4;
	[tilespmem:$0xA4D0] =	vst v3  }
0x17f: {  	[tilespmem:$0xA3D0] =	vst v5  }
0x180: {  	[tilespmem:$0xA5D0] =	vst v4  }
0x181: {  	v3 =	vld [tilespmem:s12+$0xE0];
	_ =	sdelay $0x4  }
0x182: {  	v4 =	vand.u32 $0xFFFF, v3;
	v3 =	vshrl.u32 v3, $0x10  }
0x183: {  	v5 =	vadd.s32 v0, v4;
	[tilespmem:$0xA4E0] =	vst v3  }
0x184: {  	[tilespmem:$0xA3E0] =	vst v5  }
0x185: {  	[tilespmem:$0xA5E0] =	vst v4  }
0x186: {  	v3 =	vld [tilespmem:s12+$0xF0];
	_ =	sdelay $0x4  }
0x187: {  	v4 =	vand.u32 $0xFFFF, v3;
	v3 =	vshrl.u32 v3, $0x10  }
0x188: {  	v5 =	vadd.s32 v0, v4;
	[tilespmem:$0xA4F0] =	vst v3  }
0x189: {  	[tilespmem:$0xA3F0] =	vst v5  }
0x18a: {  	[tilespmem:$0xA5F0] =	vst v4  }
0x18b: {  	[tilespmem:s24], [sflag:$0x2] =	stream.indirect.gather [hbm4b:s8+s17], $0x40, s23, s17, $0xb8;
	[tilespmem:$0x1EB00] =	vst v63  }
0x18c: {  	_ = 	snop  }
0x18d: {  	[spmem:s4] =	stream.indirect.scatter.add.f32 [tilespmem:s21], [sflag:$0x6], $0x1, s25, s17, $0xb8;
	[tilespmem:$0x1EB00] =	vst v63  }
0x18e: {  	_ = 	snop  }
0x18f: {  	[spmem:s5] =	stream.indirect.scatter.add.f32 [tilespmem:s21], [sflag:$0x8], $0x1, s26, s17, $0xb8;
	[tilespmem:$0x1EB00] =	vst v63  }
0x190: {  	_ =	swait.ge [sflag:s28], $0x2000  }
0x191: {  	[sflag:s28] =	ssyncset.done $0x0  }
0x192: {  	[sflag:s28] =	ssyncadd.s32 $0xFFFFE000  }
0x193: {  	[spmem:s0] =	stream.indirect.scatter.add.f32 [tilespmem:s19], [sflag:$0x3], $0x40, s20, s17, $0xb8;
	[tilespmem:$0x1EB00] =	vst v63  }
.Ltmp1:
0x194: {  	_ =	swait.ge [sflag:s29], $0x2000;
	(pc) =	sbr.rel @p0 .LBB2_4-.Ltmp1, $4  }
0x195: {  	[sflag:s29] =	ssyncset.done $0x0  }
0x196: {  	[sflag:s29] =	ssyncadd.s32 $0xFFFFE000  }
0x197: {  	[spmem:s0] =	stream.indirect.scatter.add.f32 [tilespmem:s24], [sflag:$0x4], $0x40, s25, s17, $0xb8;
	[tilespmem:$0x1EB00] =	vst v63  }
0x198: {  	_ =	swait.ge [sflag:s30], $0x2000  }
0x199: {  	[sflag:s30] =	ssyncset.done $0x0  }
0x19a: {  	[sflag:s30] =	ssyncadd.s32 $0xFFFFE000  }
0x19b: {  	_ =	swait.ge [sflag:s31], $0x80  }
0x19c: {  	[sflag:s31] =	ssyncset.done $0x0  }
0x19d: {  	[sflag:s31] =	ssyncadd.s32 $0xFFFFFF80  }
0x19e: {  	_ =	swait.ge [sflag:s3], $0x80  }
0x19f: {  	[sflag:s3] =	ssyncset.done $0x0  }
0x1a0: {  	[sflag:s3] =	ssyncadd.s32 $0xFFFFFF80  }
0x1a1: {  	_ =	swait.ge [sflag:s7], $0x2000  }
0x1a2: {  	[sflag:s7] =	ssyncset.done $0x0  }
0x1a3: {  	[sflag:s7] =	ssyncadd.s32 $0xFFFFE000  }
0x1a4: {  	_ =	swait.ge [sflag:s1], $0x80  }
0x1a5: {  	[sflag:s1] =	ssyncset.done $0x0  }
0x1a6: {  	[sflag:s1] =	ssyncadd.s32 $0xFFFFFF80  }
0x1a7: {  	_ =	swait.ge [sflag:s9], $0x80  }
0x1a8: {  	[sflag:s9] =	ssyncset.done $0x0  }
0x1a9: {  	[sflag:s9] =	ssyncadd.s32 $0xFFFFFF80  }
0x1aa: {  	[bflag:$0x0] =	sbarrier.arrive $0xFFFF  }
0x1ab: {  	s6 =	rddreg [dreg:$0xb]  }
0x1ac: {  	[tilespmem:s11], [sflag:$0x9] =	stream.linear.gather [spmem:s6], $0x280, $0x38;
	[tilespmem:$0x1EB00] =	vst v63  }
0x1ad: {  	_ =	swait.ge [sflag:s14], $0x280  }
0x1ae: {  	s16 =	simm.s32 $0x0;
	[sflag:s14] =	ssyncset.done $0x0  }
0x1af: {  	s10 =	simm.s32 $0x0;
	s11 =	simm.s32 $0x40;
	[sflag:s14] =	ssyncadd.s32 $0xFFFFFD80  }
.LBB2_6:
0x1b0: {  	p0 =	sne.s32 s11, $0x9C0;
	v3 =	vld [tilespmem:s10+$0xA000];
	_ =	sdelay $0x4  }
0x1b1: {  	(erf) = vrcp.f32 v3;
	_ =	sdelay $0x6  }
.Ltmp2:
0x1b2: {  	(pc) =	sbr.rel @p0 .LBB2_6-.Ltmp2, $4  }
0x1b3: {  	_ = 	snop  }
0x1b4: {  	vm0 =	vgt.f32 v3, $0.0e+00;
	v3 =	vpop (erf)  }
0x1b5: {  	v3 =	vnsel vm0, $0x0, v3  }
0x1b6: {  	[tilespmem:s10+$0xA000] =	vst v3;
	s10 =	sshra.s32 s11, $0x2;
	s11 =	sadd.s32 $0x40, s11  }
0x1b7: {  	v3 =	vld [tilespmem:s10+$0xA000];
	_ =	sdelay $0x4  }
0x1b8: {  	(erf) = vrcp.f32 v3;
	_ =	sdelay $0x8  }
0x1b9: {  	vm0 =	vgt.f32 v3, $0.0e+00;
	v3 =	vpop (erf)  }
0x1ba: {  	v3 =	vnsel vm0, $0x0, v3  }
0x1bb: {  	s12 =	simm.s32 $0xA000;
	[tilespmem:s10+$0xA000] =	vst v3  }
.LBB2_8:
0x1bc: {  	s10 =	sshll.u32 s16, $0x6;
	s6 =	rddreg [dreg:$0x7]  }
0x1bd: {  	s10 =	sadd.s32 s6, s10  }
0x1be: {  	s10 =	sshll.u32 s10, $0x6  }
0x1bf: {  	s10 =	sand.u32 $0x3FFFFFC0, s10  }
0x1c0: {  	s13 =	sadd.s32 s10, s0  }
0x1c1: {  	v3 =	vmov s12;
	[tilespmem:s15], [sflag:$0x9] =	stream.linear.gather [spmem:s13], $0x1000, $0x38;
	[tilespmem:$0x1EB00] =	vst v63  }
0x1c2: {  	_ =	swait.ge [sflag:s14], $0x1000  }
0x1c3: {  	[sflag:s14] =	ssyncset.done $0x0  }
0x1c4: {  	s11 =	simm.s32 $0x0;
	s10 =	simm.s32 $0x9200;
	[sflag:s14] =	ssyncadd.s32 $0xFFFFF000  }
.LBB2_9:
0x1c5: {  	s6 =	sshra.s32 s11, $0x2  }
0x1c6: {  	v4 =	vld.idx.msk [tilespmem:v3+s6+$0x0 ss:$0x1], $0xffff;
	_ =	sdelay $0x1  }
0x1c7: {  	v5 =	vld [tilespmem:s10+$0xFFFFFE00];
	_ =	sdelay $0x2  }
0x1c8: {  	v6 =	vbroadcast v4, $0x0;
	_ =	sdelay $0x1  }
0x1c9: {  	v5 =	vmul.f32 v6, v5;
	_ =	sdelay $0x1  }
0x1ca: {  	[tilespmem:s10+$0xFFFFFE00] =	vst v5;
	v5 =	vld [tilespmem:s10+$0xFFFFFE10];
	_ =	sdelay $0x4  }
0x1cb: {  	v5 =	vmul.f32 v5, v6;
	_ =	sdelay $0x1  }
0x1cc: {  	[tilespmem:s10+$0xFFFFFE10] =	vst v5;
	v5 =	vld [tilespmem:s10+$0xFFFFFE20];
	_ =	sdelay $0x4  }
0x1cd: {  	v5 =	vmul.f32 v5, v6;
	_ =	sdelay $0x1  }
0x1ce: {  	[tilespmem:s10+$0xFFFFFE20] =	vst v5;
	v5 =	vld [tilespmem:s10+$0xFFFFFE30];
	_ =	sdelay $0x4  }
0x1cf: {  	v5 =	vmul.f32 v5, v6;
	_ =	sdelay $0x1  }
0x1d0: {  	[tilespmem:s10+$0xFFFFFE30] =	vst v5;
	v5 =	vld [tilespmem:s10+$0xFFFFFE40];
	_ =	sdelay $0x2  }
0x1d1: {  	v50 =	vbroadcast v4, $0x1;
	_ =	sdelay $0x1  }
0x1d2: {  	v5 =	vmul.f32 v5, v50;
	_ =	sdelay $0x1  }
0x1d3: {  	[tilespmem:s10+$0xFFFFFE40] =	vst v5;
	v5 =	vld [tilespmem:s10+$0xFFFFFE50];
	_ =	sdelay $0x4  }
0x1d4: {  	v5 =	vmul.f32 v5, v50;
	_ =	sdelay $0x1  }
0x1d5: {  	[tilespmem:s10+$0xFFFFFE50] =	vst v5;
	v5 =	vld [tilespmem:s10+$0xFFFFFE60];
	_ =	sdelay $0x4  }
0x1d6: {  	v5 =	vmul.f32 v5, v50;
	_ =	sdelay $0x1  }
0x1d7: {  	[tilespmem:s10+$0xFFFFFE60] =	vst v5;
	v5 =	vld [tilespmem:s10+$0xFFFFFE70];
	_ =	sdelay $0x4  }
0x1d8: {  	v5 =	vmul.f32 v5, v50;
	_ =	sdelay $0x1  }
0x1d9: {  	[tilespmem:s10+$0xFFFFFE70] =	vst v5;
	v5 =	vld [tilespmem:s10+$0xFFFFFE80];
	_ =	sdelay $0x2  }
0x1da: {  	v51 =	vbroadcast v4, $0x2;
	_ =	sdelay $0x1  }
0x1db: {  	v5 =	vmul.f32 v5, v51;
	_ =	sdelay $0x1  }
0x1dc: {  	[tilespmem:s10+$0xFFFFFE80] =	vst v5;
	v5 =	vld [tilespmem:s10+$0xFFFFFE90];
	_ =	sdelay $0x4  }
0x1dd: {  	v5 =	vmul.f32 v5, v51;
	_ =	sdelay $0x1  }
0x1de: {  	[tilespmem:s10+$0xFFFFFE90] =	vst v5;
	v5 =	vld [tilespmem:s10+$0xFFFFFEA0];
	_ =	sdelay $0x4  }
0x1df: {  	v5 =	vmul.f32 v5, v51;
	_ =	sdelay $0x1  }
0x1e0: {  	[tilespmem:s10+$0xFFFFFEA0] =	vst v5;
	v5 =	vld [tilespmem:s10+$0xFFFFFEB0];
	_ =	sdelay $0x4  }
0x1e1: {  	v5 =	vmul.f32 v5, v51;
	_ =	sdelay $0x1  }
0x1e2: {  	[tilespmem:s10+$0xFFFFFEB0] =	vst v5;
	v5 =	vld [tilespmem:s10+$0xFFFFFEC0];
	_ =	sdelay $0x2  }
0x1e3: {  	v52 =	vbroadcast v4, $0x3;
	_ =	sdelay $0x1  }
0x1e4: {  	v5 =	vmul.f32 v5, v52;
	_ =	sdelay $0x1  }
0x1e5: {  	[tilespmem:s10+$0xFFFFFEC0] =	vst v5;
	v5 =	vld [tilespmem:s10+$0xFFFFFED0];
	_ =	sdelay $0x4  }
0x1e6: {  	v5 =	vmul.f32 v5, v52;
	_ =	sdelay $0x1  }
0x1e7: {  	[tilespmem:s10+$0xFFFFFED0] =	vst v5;
	v5 =	vld [tilespmem:s10+$0xFFFFFEE0];
	_ =	sdelay $0x4  }
0x1e8: {  	v5 =	vmul.f32 v5, v52;
	_ =	sdelay $0x1  }
0x1e9: {  	[tilespmem:s10+$0xFFFFFEE0] =	vst v5;
	v5 =	vld [tilespmem:s10+$0xFFFFFEF0];
	_ =	sdelay $0x4  }
0x1ea: {  	v5 =	vmul.f32 v5, v52;
	_ =	sdelay $0x1  }
0x1eb: {  	[tilespmem:s10+$0xFFFFFEF0] =	vst v5;
	v5 =	vld [tilespmem:s10+$0xFFFFFF00];
	_ =	sdelay $0x2  }
0x1ec: {  	v53 =	vbroadcast v4, $0x4;
	_ =	sdelay $0x1  }
0x1ed: {  	v5 =	vmul.f32 v5, v53;
	_ =	sdelay $0x1  }
0x1ee: {  	[tilespmem:s10+$0xFFFFFF00] =	vst v5;
	v5 =	vld [tilespmem:s10+$0xFFFFFF10];
	_ =	sdelay $0x4  }
0x1ef: {  	v5 =	vmul.f32 v5, v53;
	_ =	sdelay $0x1  }
0x1f0: {  	[tilespmem:s10+$0xFFFFFF10] =	vst v5;
	v5 =	vld [tilespmem:s10+$0xFFFFFF20];
	_ =	sdelay $0x4  }
0x1f1: {  	v5 =	vmul.f32 v5, v53;
	_ =	sdelay $0x1  }
0x1f2: {  	[tilespmem:s10+$0xFFFFFF20] =	vst v5;
	v5 =	vld [tilespmem:s10+$0xFFFFFF30];
	_ =	sdelay $0x4  }
0x1f3: {  	v5 =	vmul.f32 v5, v53;
	_ =	sdelay $0x1  }
0x1f4: {  	[tilespmem:s10+$0xFFFFFF30] =	vst v5;
	v5 =	vld [tilespmem:s10+$0xFFFFFF40];
	_ =	sdelay $0x2  }
0x1f5: {  	v54 =	vbroadcast v4, $0x5;
	_ =	sdelay $0x1  }
0x1f6: {  	v5 =	vmul.f32 v5, v54;
	_ =	sdelay $0x1  }
0x1f7: {  	[tilespmem:s10+$0xFFFFFF40] =	vst v5;
	v5 =	vld [tilespmem:s10+$0xFFFFFF50];
	_ =	sdelay $0x4  }
0x1f8: {  	v5 =	vmul.f32 v5, v54;
	_ =	sdelay $0x1  }
0x1f9: {  	[tilespmem:s10+$0xFFFFFF50] =	vst v5;
	v5 =	vld [tilespmem:s10+$0xFFFFFF60];
	_ =	sdelay $0x4  }
0x1fa: {  	v5 =	vmul.f32 v5, v54;
	_ =	sdelay $0x1  }
0x1fb: {  	[tilespmem:s10+$0xFFFFFF60] =	vst v5;
	v5 =	vld [tilespmem:s10+$0xFFFFFF70];
	_ =	sdelay $0x4  }
0x1fc: {  	v5 =	vmul.f32 v5, v54;
	_ =	sdelay $0x1  }
0x1fd: {  	[tilespmem:s10+$0xFFFFFF70] =	vst v5;
	v5 =	vld [tilespmem:s10+$0xFFFFFF80];
	_ =	sdelay $0x2  }
0x1fe: {  	v55 =	vbroadcast v4, $0x6;
	_ =	sdelay $0x1  }
0x1ff: {  	v5 =	vmul.f32 v5, v55;
	_ =	sdelay $0x1  }
0x200: {  	[tilespmem:s10+$0xFFFFFF80] =	vst v5;
	v5 =	vld [tilespmem:s10+$0xFFFFFF90];
	_ =	sdelay $0x4  }
0x201: {  	v5 =	vmul.f32 v5, v55;
	_ =	sdelay $0x1  }
0x202: {  	[tilespmem:s10+$0xFFFFFF90] =	vst v5;
	v5 =	vld [tilespmem:s10+$0xFFFFFFA0];
	_ =	sdelay $0x4  }
0x203: {  	v5 =	vmul.f32 v5, v55;
	_ =	sdelay $0x1  }
0x204: {  	[tilespmem:s10+$0xFFFFFFA0] =	vst v5;
	v5 =	vld [tilespmem:s10+$0xFFFFFFB0];
	_ =	sdelay $0x4  }
0x205: {  	v5 =	vmul.f32 v5, v55;
	_ =	sdelay $0x1  }
0x206: {  	[tilespmem:s10+$0xFFFFFFB0] =	vst v5;
	v5 =	vld [tilespmem:s10+$0xFFFFFFC0];
	_ =	sdelay $0x2  }
0x207: {  	v56 =	vbroadcast v4, $0x7;
	_ =	sdelay $0x1  }
0x208: {  	v5 =	vmul.f32 v5, v56;
	_ =	sdelay $0x1  }
0x209: {  	[tilespmem:s10+$0xFFFFFFC0] =	vst v5;
	v5 =	vld [tilespmem:s10+$0xFFFFFFD0];
	_ =	sdelay $0x4  }
0x20a: {  	v5 =	vmul.f32 v5, v56;
	_ =	sdelay $0x1  }
0x20b: {  	[tilespmem:s10+$0xFFFFFFD0] =	vst v5;
	v5 =	vld [tilespmem:s10+$0xFFFFFFE0];
	_ =	sdelay $0x4  }
0x20c: {  	v5 =	vmul.f32 v5, v56;
	_ =	sdelay $0x1  }
0x20d: {  	[tilespmem:s10+$0xFFFFFFE0] =	vst v5;
	v5 =	vld [tilespmem:s10+$0xFFFFFFF0];
	_ =	sdelay $0x4  }
0x20e: {  	v5 =	vmul.f32 v5, v56;
	_ =	sdelay $0x1  }
0x20f: {  	[tilespmem:s10+$0xFFFFFFF0] =	vst v5;
	v5 =	vld [tilespmem:s10+$0x0];
	_ =	sdelay $0x2  }
0x210: {  	v57 =	vbroadcast v4, $0x8;
	_ =	sdelay $0x1  }
0x211: {  	v5 =	vmul.f32 v5, v57;
	_ =	sdelay $0x1  }
0x212: {  	[tilespmem:s10+$0x0] =	vst v5;
	v5 =	vld [tilespmem:s10+$0x10];
	_ =	sdelay $0x4  }
0x213: {  	v5 =	vmul.f32 v5, v57;
	_ =	sdelay $0x1  }
0x214: {  	[tilespmem:s10+$0x10] =	vst v5;
	v5 =	vld [tilespmem:s10+$0x20];
	_ =	sdelay $0x4  }
0x215: {  	v5 =	vmul.f32 v5, v57;
	_ =	sdelay $0x1  }
0x216: {  	[tilespmem:s10+$0x20] =	vst v5;
	v5 =	vld [tilespmem:s10+$0x30];
	_ =	sdelay $0x4  }
0x217: {  	v5 =	vmul.f32 v5, v57;
	_ =	sdelay $0x1  }
0x218: {  	[tilespmem:s10+$0x30] =	vst v5;
	v5 =	vld [tilespmem:s10+$0x40];
	_ =	sdelay $0x2  }
0x219: {  	v58 =	vbroadcast v4, $0x9;
	_ =	sdelay $0x1  }
0x21a: {  	v5 =	vmul.f32 v5, v58;
	_ =	sdelay $0x1  }
0x21b: {  	[tilespmem:s10+$0x40] =	vst v5;
	v5 =	vld [tilespmem:s10+$0x50];
	_ =	sdelay $0x4  }
0x21c: {  	v5 =	vmul.f32 v5, v58;
	_ =	sdelay $0x1  }
0x21d: {  	[tilespmem:s10+$0x50] =	vst v5;
	v5 =	vld [tilespmem:s10+$0x60];
	_ =	sdelay $0x4  }
0x21e: {  	v5 =	vmul.f32 v5, v58;
	_ =	sdelay $0x1  }
0x21f: {  	[tilespmem:s10+$0x60] =	vst v5;
	v5 =	vld [tilespmem:s10+$0x70];
	_ =	sdelay $0x4  }
0x220: {  	v5 =	vmul.f32 v5, v58;
	_ =	sdelay $0x1  }
0x221: {  	[tilespmem:s10+$0x70] =	vst v5;
	v5 =	vld [tilespmem:s10+$0x80];
	_ =	sdelay $0x2  }
0x222: {  	v59 =	vbroadcast v4, $0xA;
	_ =	sdelay $0x1  }
0x223: {  	v5 =	vmul.f32 v5, v59;
	_ =	sdelay $0x1  }
0x224: {  	[tilespmem:s10+$0x80] =	vst v5;
	v5 =	vld [tilespmem:s10+$0x90];
	_ =	sdelay $0x4  }
0x225: {  	v5 =	vmul.f32 v5, v59;
	_ =	sdelay $0x1  }
0x226: {  	[tilespmem:s10+$0x90] =	vst v5;
	v5 =	vld [tilespmem:s10+$0xA0];
	_ =	sdelay $0x4  }
0x227: {  	v5 =	vmul.f32 v5, v59;
	_ =	sdelay $0x1  }
0x228: {  	[tilespmem:s10+$0xA0] =	vst v5;
	v5 =	vld [tilespmem:s10+$0xB0];
	_ =	sdelay $0x4  }
0x229: {  	v5 =	vmul.f32 v5, v59;
	_ =	sdelay $0x1  }
0x22a: {  	[tilespmem:s10+$0xB0] =	vst v5;
	v5 =	vld [tilespmem:s10+$0xC0];
	_ =	sdelay $0x2  }
0x22b: {  	v60 =	vbroadcast v4, $0xB;
	_ =	sdelay $0x1  }
0x22c: {  	v5 =	vmul.f32 v5, v60;
	_ =	sdelay $0x1  }
0x22d: {  	[tilespmem:s10+$0xC0] =	vst v5;
	v5 =	vld [tilespmem:s10+$0xD0];
	_ =	sdelay $0x4  }
0x22e: {  	v5 =	vmul.f32 v5, v60;
	_ =	sdelay $0x1  }
0x22f: {  	[tilespmem:s10+$0xD0] =	vst v5;
	v5 =	vld [tilespmem:s10+$0xE0];
	_ =	sdelay $0x4  }
0x230: {  	v5 =	vmul.f32 v5, v60;
	_ =	sdelay $0x1  }
0x231: {  	[tilespmem:s10+$0xE0] =	vst v5;
	v5 =	vld [tilespmem:s10+$0xF0];
	_ =	sdelay $0x4  }
0x232: {  	v5 =	vmul.f32 v5, v60;
	_ =	sdelay $0x1  }
0x233: {  	[tilespmem:s10+$0xF0] =	vst v5;
	v5 =	vld [tilespmem:s10+$0x100];
	_ =	sdelay $0x2  }
0x234: {  	v61 =	vbroadcast v4, $0xC;
	_ =	sdelay $0x1  }
0x235: {  	v5 =	vmul.f32 v5, v61;
	_ =	sdelay $0x1  }
0x236: {  	[tilespmem:s10+$0x100] =	vst v5;
	v5 =	vld [tilespmem:s10+$0x110];
	_ =	sdelay $0x4  }
0x237: {  	v5 =	vmul.f32 v5, v61;
	_ =	sdelay $0x1  }
0x238: {  	[tilespmem:s10+$0x110] =	vst v5;
	v5 =	vld [tilespmem:s10+$0x120];
	_ =	sdelay $0x4  }
0x239: {  	v5 =	vmul.f32 v5, v61;
	_ =	sdelay $0x1  }
0x23a: {  	[tilespmem:s10+$0x120] =	vst v5;
	v5 =	vld [tilespmem:s10+$0x130];
	_ =	sdelay $0x4  }
0x23b: {  	v5 =	vmul.f32 v5, v61;
	_ =	sdelay $0x1  }
0x23c: {  	[tilespmem:s10+$0x130] =	vst v5;
	v5 =	vld [tilespmem:s10+$0x140];
	_ =	sdelay $0x2  }
0x23d: {  	v62 =	vbroadcast v4, $0xD;
	_ =	sdelay $0x1  }
0x23e: {  	v5 =	vmul.f32 v5, v62;
	_ =	sdelay $0x1  }
0x23f: {  	[tilespmem:s10+$0x140] =	vst v5;
	v5 =	vld [tilespmem:s10+$0x150];
	_ =	sdelay $0x4  }
0x240: {  	v5 =	vmul.f32 v5, v62;
	_ =	sdelay $0x1  }
0x241: {  	[tilespmem:s10+$0x150] =	vst v5;
	v5 =	vld [tilespmem:s10+$0x160];
	_ =	sdelay $0x4  }
0x242: {  	v5 =	vmul.f32 v5, v62;
	_ =	sdelay $0x1  }
0x243: {  	[tilespmem:s10+$0x160] =	vst v5;
	v5 =	vld [tilespmem:s10+$0x170];
	_ =	sdelay $0x4  }
0x244: {  	v5 =	vmul.f32 v5, v62;
	_ =	sdelay $0x1  }
0x245: {  	[tilespmem:s10+$0x170] =	vst v5;
	v5 =	vld [tilespmem:s10+$0x180];
	_ =	sdelay $0x2  }
0x246: {  	v63 =	vbroadcast v4, $0xE;
	_ =	sdelay $0x1  }
0x247: {  	v5 =	vmul.f32 v5, v63;
	_ =	sdelay $0x1  }
0x248: {  	[tilespmem:s10+$0x180] =	vst v5;
	v5 =	vld [tilespmem:s10+$0x190];
	_ =	sdelay $0x4  }
0x249: {  	v5 =	vmul.f32 v5, v63;
	_ =	sdelay $0x1  }
0x24a: {  	[tilespmem:s10+$0x190] =	vst v5;
	v5 =	vld [tilespmem:s10+$0x1A0];
	_ =	sdelay $0x4  }
0x24b: {  	v5 =	vmul.f32 v5, v63;
	_ =	sdelay $0x1  }
0x24c: {  	[tilespmem:s10+$0x1A0] =	vst v5;
	v5 =	vld [tilespmem:s10+$0x1B0];
	_ =	sdelay $0x4  }
0x24d: {  	v5 =	vmul.f32 v5, v63;
	_ =	sdelay $0x1  }
0x24e: {  	[tilespmem:s10+$0x1B0] =	vst v5;
	v5 =	vld [tilespmem:s10+$0x1C0];
	_ =	sdelay $0x2  }
0x24f: {  	v4 =	vbroadcast v4, $0xF;
	_ =	sdelay $0x1  }
0x250: {  	v5 =	vmul.f32 v5, v4;
	_ =	sdelay $0x1  }
0x251: {  	[tilespmem:s10+$0x1C0] =	vst v5;
	v5 =	vld [tilespmem:s10+$0x1D0];
	_ =	sdelay $0x4  }
0x252: {  	v5 =	vmul.f32 v5, v4;
	_ =	sdelay $0x1  }
0x253: {  	[tilespmem:s10+$0x1D0] =	vst v5;
	v5 =	vld [tilespmem:s10+$0x1E0];
	_ =	sdelay $0x4  }
0x254: {  	v5 =	vmul.f32 v5, v4;
	_ =	sdelay $0x1  }
0x255: {  	[tilespmem:s10+$0x1E0] =	vst v5;
	v5 =	vld [tilespmem:s10+$0x1F0];
	_ =	sdelay $0x1  }
0x256: {  	p0 =	sne.s32 s11, $0xC0  }
.Ltmp3:
0x257: {  	_ = 	snop;
	(pc) =	sbr.rel @p0 .LBB2_9-.Ltmp3, $3  }
0x258: {  	_ = 	snop  }
0x259: {  	v4 =	vmul.f32 v5, v4;
	_ =	sdelay $0x1  }
0x25a: {  	s11 =	sadd.s32 $0x40, s11;
	[tilespmem:s10+$0x1F0] =	vst v4;
	s10 =	sadd.s32 $0x400, s10  }
0x25b: {  	s16 =	sadd.s32 $0x1, s16  }
0x25c: {  	p0 =	sne.s32 s16, $0xA  }
.Ltmp4:
0x25d: {  	_ = 	snop;
	(pc) =	sbr.rel @p0 .LBB2_8-.Ltmp4, $4  }
0x25e: {  	[spmem:s13] =	stream.linear.scatter [tilespmem:s15], [sflag:$0x9], $0x1000, $0x38;
	[tilespmem:$0x1EB00] =	vst v63  }
0x25f: {  	_ =	swait.ge [sflag:s14], $0x1000  }
0x260: {  	[sflag:s14] =	ssyncset.done $0x0  }
0x261: {  	s12 =	sadd.s32 $0x40, s12;
	[sflag:s14] =	ssyncadd.s32 $0xFFFFF000  }
0x262: {  	[bflag:$0x0] =	sbarrier.arrive $0xFFFF;
	s10 =	simm.s32 $0x0  }
0x263: {  	v3 =	vld [tilespmem:s10+$0x0];
	_ =	sdelay $0x4  }
0x264: {  	v4 =	vshrl.u32 v3, $0x10  }
0x265: {  	v3 =	vand.u32 $0xFFFF, v3;
	[tilespmem:$0xA300] =	vst v4  }
0x266: {  	[tilespmem:$0xA400] =	vst v3  }
0x267: {  	v3 =	vld [tilespmem:s10+$0x10];
	_ =	sdelay $0x4  }
0x268: {  	v4 =	vshrl.u32 v3, $0x10  }
0x269: {  	v3 =	vand.u32 $0xFFFF, v3;
	[tilespmem:$0xA310] =	vst v4  }
0x26a: {  	[tilespmem:$0xA410] =	vst v3  }
0x26b: {  	v3 =	vld [tilespmem:s10+$0x20];
	_ =	sdelay $0x4  }
0x26c: {  	v4 =	vshrl.u32 v3, $0x10  }
0x26d: {  	v3 =	vand.u32 $0xFFFF, v3;
	[tilespmem:$0xA320] =	vst v4  }
0x26e: {  	[tilespmem:$0xA420] =	vst v3  }
0x26f: {  	v3 =	vld [tilespmem:s10+$0x30];
	_ =	sdelay $0x4  }
0x270: {  	v4 =	vshrl.u32 v3, $0x10  }
0x271: {  	v3 =	vand.u32 $0xFFFF, v3;
	[tilespmem:$0xA330] =	vst v4  }
0x272: {  	[tilespmem:$0xA430] =	vst v3  }
0x273: {  	v3 =	vld [tilespmem:s10+$0x40];
	_ =	sdelay $0x4  }
0x274: {  	v4 =	vshrl.u32 v3, $0x10  }
0x275: {  	v3 =	vand.u32 $0xFFFF, v3;
	[tilespmem:$0xA340] =	vst v4  }
0x276: {  	[tilespmem:$0xA440] =	vst v3  }
0x277: {  	v3 =	vld [tilespmem:s10+$0x50];
	_ =	sdelay $0x4  }
0x278: {  	v4 =	vshrl.u32 v3, $0x10  }
0x279: {  	v3 =	vand.u32 $0xFFFF, v3;
	[tilespmem:$0xA350] =	vst v4  }
0x27a: {  	[tilespmem:$0xA450] =	vst v3  }
0x27b: {  	v3 =	vld [tilespmem:s10+$0x60];
	_ =	sdelay $0x4  }
0x27c: {  	v4 =	vshrl.u32 v3, $0x10  }
0x27d: {  	v3 =	vand.u32 $0xFFFF, v3;
	[tilespmem:$0xA360] =	vst v4  }
0x27e: {  	[tilespmem:$0xA460] =	vst v3  }
0x27f: {  	v3 =	vld [tilespmem:s10+$0x70];
	_ =	sdelay $0x4  }
0x280: {  	v4 =	vshrl.u32 v3, $0x10  }
0x281: {  	v3 =	vand.u32 $0xFFFF, v3;
	[tilespmem:$0xA370] =	vst v4  }
0x282: {  	[tilespmem:$0xA470] =	vst v3  }
0x283: {  	[tilespmem:s19], [sflag:$0x1] =	stream.indirect.gather [spmem:s0], $0x40, s18, s17, $0xb8;
	[tilespmem:$0x1EB00] =	vst v63  }
0x284: {  	v3 =	vld [tilespmem:s10+$0x80];
	_ =	sdelay $0x4  }
0x285: {  	v4 =	vshrl.u32 v3, $0x10  }
0x286: {  	v3 =	vand.u32 $0xFFFF, v3;
	[tilespmem:$0xA380] =	vst v4  }
0x287: {  	[tilespmem:$0xA480] =	vst v3  }
0x288: {  	v3 =	vld [tilespmem:s10+$0x90];
	_ =	sdelay $0x4  }
0x289: {  	v4 =	vshrl.u32 v3, $0x10  }
0x28a: {  	v3 =	vand.u32 $0xFFFF, v3;
	[tilespmem:$0xA390] =	vst v4  }
0x28b: {  	[tilespmem:$0xA490] =	vst v3  }
0x28c: {  	v3 =	vld [tilespmem:s10+$0xA0];
	_ =	sdelay $0x4  }
0x28d: {  	v4 =	vshrl.u32 v3, $0x10  }
0x28e: {  	v3 =	vand.u32 $0xFFFF, v3;
	[tilespmem:$0xA3A0] =	vst v4  }
0x28f: {  	[tilespmem:$0xA4A0] =	vst v3  }
0x290: {  	v3 =	vld [tilespmem:s10+$0xB0];
	_ =	sdelay $0x4  }
0x291: {  	v4 =	vshrl.u32 v3, $0x10  }
0x292: {  	v3 =	vand.u32 $0xFFFF, v3;
	[tilespmem:$0xA3B0] =	vst v4  }
0x293: {  	[tilespmem:$0xA4B0] =	vst v3  }
0x294: {  	v3 =	vld [tilespmem:s10+$0xC0];
	_ =	sdelay $0x4  }
0x295: {  	v4 =	vshrl.u32 v3, $0x10  }
0x296: {  	v3 =	vand.u32 $0xFFFF, v3;
	[tilespmem:$0xA3C0] =	vst v4  }
0x297: {  	[tilespmem:$0xA4C0] =	vst v3  }
0x298: {  	v3 =	vld [tilespmem:s10+$0xD0];
	_ =	sdelay $0x4  }
0x299: {  	v4 =	vshrl.u32 v3, $0x10  }
0x29a: {  	v3 =	vand.u32 $0xFFFF, v3;
	[tilespmem:$0xA3D0] =	vst v4  }
0x29b: {  	[tilespmem:$0xA4D0] =	vst v3  }
0x29c: {  	v3 =	vld [tilespmem:s10+$0xE0];
	_ =	sdelay $0x4  }
0x29d: {  	v4 =	vshrl.u32 v3, $0x10  }
0x29e: {  	v3 =	vand.u32 $0xFFFF, v3;
	[tilespmem:$0xA3E0] =	vst v4  }
0x29f: {  	[tilespmem:$0xA4E0] =	vst v3  }
0x2a0: {  	v4 =	vld [tilespmem:s10+$0xF0];
	_ =	sdelay $0x4  }
0x2a1: {  	s12 =	simm.s32 $0x400;
	v3 =	vand.u32 $0xFFFF, v4;
	v4 =	vshrl.u32 v4, $0x10  }
.LBB2_12:
0x2a2: {  	p0 =	sne.s32 s12, $0x13C00;
	[tilespmem:$0xA3F0] =	vst v4;
	s6 =	smov.u32 s12;
	s12 =	sadd.s32 $0x400, s12  }
0x2a3: {  	[tilespmem:$0xA4F0] =	vst v3  }
0x2a4: {  	[tilespmem:s24], [sflag:$0x2] =	stream.indirect.gather [spmem:s0], $0x40, s23, s17, $0xb8;
	[tilespmem:$0x1EB00] =	vst v63  }
0x2a5: {  	_ =	swait.ge [sflag:s28], $0x2000  }
0x2a6: {  	[sflag:s28] =	ssyncset.done $0x0  }
0x2a7: {  	[sflag:s28] =	ssyncadd.s32 $0xFFFFE000  }
0x2a8: {  	[spmem:s2] =	stream.indirect.scatter.add.f32 [tilespmem:s19], [sflag:$0x3], $0x40, s20, s17, $0xb8;
	[tilespmem:$0x1EB00] =	vst v63  }
0x2a9: {  	_ =	swait.ge [sflag:s29], $0x2000  }
0x2aa: {  	[sflag:s29] =	ssyncset.done $0x0  }
0x2ab: {  	[sflag:s29] =	ssyncadd.s32 $0xFFFFE000  }
0x2ac: {  	[spmem:s2] =	stream.indirect.scatter.add.f32 [tilespmem:s24], [sflag:$0x4], $0x40, s25, s17, $0xb8;
	[tilespmem:$0x1EB00] =	vst v63  }
0x2ad: {  	_ =	swait.ge [sflag:s30], $0x2000  }
0x2ae: {  	[sflag:s30] =	ssyncset.done $0x0  }
0x2af: {  	[sflag:s30] =	ssyncadd.s32 $0xFFFFE000  }
0x2b0: {  	_ =	swait.ge [sflag:s7], $0x2000  }
0x2b1: {  	[sflag:s7] =	ssyncset.done $0x0  }
0x2b2: {  	s10 =	sshra.s32 s6, $0x2;
	[sflag:s7] =	ssyncadd.s32 $0xFFFFE000  }
0x2b3: {  	v3 =	vld [tilespmem:s10+$0x0];
	_ =	sdelay $0x4  }
0x2b4: {  	v4 =	vand.u32 $0xFFFF, v3;
	v3 =	vshrl.u32 v3, $0x10  }
0x2b5: {  	[tilespmem:$0xA300] =	vst v3  }
0x2b6: {  	[tilespmem:$0xA400] =	vst v4  }
0x2b7: {  	v3 =	vld [tilespmem:s10+$0x10];
	_ =	sdelay $0x4  }
0x2b8: {  	v4 =	vand.u32 $0xFFFF, v3;
	v3 =	vshrl.u32 v3, $0x10  }
0x2b9: {  	[tilespmem:$0xA310] =	vst v3  }
0x2ba: {  	[tilespmem:$0xA410] =	vst v4  }
0x2bb: {  	v3 =	vld [tilespmem:s10+$0x20];
	_ =	sdelay $0x4  }
0x2bc: {  	v4 =	vand.u32 $0xFFFF, v3;
	v3 =	vshrl.u32 v3, $0x10  }
0x2bd: {  	[tilespmem:$0xA320] =	vst v3  }
0x2be: {  	[tilespmem:$0xA420] =	vst v4  }
0x2bf: {  	v3 =	vld [tilespmem:s10+$0x30];
	_ =	sdelay $0x4  }
0x2c0: {  	v4 =	vand.u32 $0xFFFF, v3;
	v3 =	vshrl.u32 v3, $0x10  }
0x2c1: {  	[tilespmem:$0xA330] =	vst v3  }
0x2c2: {  	[tilespmem:$0xA430] =	vst v4  }
0x2c3: {  	v3 =	vld [tilespmem:s10+$0x40];
	_ =	sdelay $0x4  }
0x2c4: {  	v4 =	vand.u32 $0xFFFF, v3;
	v3 =	vshrl.u32 v3, $0x10  }
0x2c5: {  	[tilespmem:$0xA340] =	vst v3  }
0x2c6: {  	[tilespmem:$0xA440] =	vst v4  }
0x2c7: {  	v3 =	vld [tilespmem:s10+$0x50];
	_ =	sdelay $0x4  }
0x2c8: {  	v4 =	vand.u32 $0xFFFF, v3;
	v3 =	vshrl.u32 v3, $0x10  }
0x2c9: {  	[tilespmem:$0xA350] =	vst v3  }
0x2ca: {  	[tilespmem:$0xA450] =	vst v4  }
0x2cb: {  	v3 =	vld [tilespmem:s10+$0x60];
	_ =	sdelay $0x4  }
0x2cc: {  	v4 =	vand.u32 $0xFFFF, v3;
	v3 =	vshrl.u32 v3, $0x10  }
0x2cd: {  	[tilespmem:$0xA360] =	vst v3  }
0x2ce: {  	[tilespmem:$0xA460] =	vst v4  }
0x2cf: {  	v3 =	vld [tilespmem:s10+$0x70];
	_ =	sdelay $0x4  }
0x2d0: {  	v4 =	vand.u32 $0xFFFF, v3;
	v3 =	vshrl.u32 v3, $0x10  }
0x2d1: {  	[tilespmem:$0xA370] =	vst v3  }
0x2d2: {  	[tilespmem:$0xA470] =	vst v4  }
0x2d3: {  	[tilespmem:s19], [sflag:$0x1] =	stream.indirect.gather [spmem:s0], $0x40, s18, s17, $0xb8;
	[tilespmem:$0x1EB00] =	vst v63  }
0x2d4: {  	v3 =	vld [tilespmem:s10+$0x80];
	_ =	sdelay $0x4  }
0x2d5: {  	v4 =	vand.u32 $0xFFFF, v3;
	v3 =	vshrl.u32 v3, $0x10  }
0x2d6: {  	[tilespmem:$0xA380] =	vst v3  }
0x2d7: {  	[tilespmem:$0xA480] =	vst v4  }
0x2d8: {  	v3 =	vld [tilespmem:s10+$0x90];
	_ =	sdelay $0x4  }
0x2d9: {  	v4 =	vand.u32 $0xFFFF, v3;
	v3 =	vshrl.u32 v3, $0x10  }
0x2da: {  	[tilespmem:$0xA390] =	vst v3  }
0x2db: {  	[tilespmem:$0xA490] =	vst v4  }
0x2dc: {  	v3 =	vld [tilespmem:s10+$0xA0];
	_ =	sdelay $0x4  }
0x2dd: {  	v4 =	vand.u32 $0xFFFF, v3;
	v3 =	vshrl.u32 v3, $0x10  }
0x2de: {  	[tilespmem:$0xA3A0] =	vst v3  }
0x2df: {  	[tilespmem:$0xA4A0] =	vst v4  }
0x2e0: {  	v3 =	vld [tilespmem:s10+$0xB0];
	_ =	sdelay $0x4  }
0x2e1: {  	v4 =	vand.u32 $0xFFFF, v3;
	v3 =	vshrl.u32 v3, $0x10  }
0x2e2: {  	[tilespmem:$0xA3B0] =	vst v3  }
0x2e3: {  	[tilespmem:$0xA4B0] =	vst v4  }
0x2e4: {  	v3 =	vld [tilespmem:s10+$0xC0];
	_ =	sdelay $0x4  }
0x2e5: {  	v4 =	vand.u32 $0xFFFF, v3;
	v3 =	vshrl.u32 v3, $0x10  }
0x2e6: {  	[tilespmem:$0xA3C0] =	vst v3  }
0x2e7: {  	[tilespmem:$0xA4C0] =	vst v4  }
0x2e8: {  	v3 =	vld [tilespmem:s10+$0xD0];
	_ =	sdelay $0x4  }
0x2e9: {  	v4 =	vand.u32 $0xFFFF, v3;
	v3 =	vshrl.u32 v3, $0x10  }
0x2ea: {  	[tilespmem:$0xA3D0] =	vst v3  }
0x2eb: {  	[tilespmem:$0xA4D0] =	vst v4  }
0x2ec: {  	v3 =	vld [tilespmem:s10+$0xE0];
	_ =	sdelay $0x4  }
0x2ed: {  	v4 =	vand.u32 $0xFFFF, v3;
	v3 =	vshrl.u32 v3, $0x10  }
0x2ee: {  	[tilespmem:$0xA3E0] =	vst v3  }
0x2ef: {  	[tilespmem:$0xA4E0] =	vst v4  }
0x2f0: {  	v4 =	vld [tilespmem:s10+$0xF0]  }
.Ltmp5:
0x2f1: {  	(pc) =	sbr.rel @p0 .LBB2_12-.Ltmp5, $2  }
0x2f2: {  	_ =	sdelay $0x2  }
0x2f3: {  	v3 =	vand.u32 $0xFFFF, v4;
	v4 =	vshrl.u32 v4, $0x10  }
0x2f4: {  	[tilespmem:$0xA3F0] =	vst v4  }
0x2f5: {  	[tilespmem:$0xA4F0] =	vst v3  }
0x2f6: {  	[tilespmem:s24], [sflag:$0x2] =	stream.indirect.gather [spmem:s0], $0x40, s23, s17, $0xb8;
	[tilespmem:$0x1EB00] =	vst v63  }
0x2f7: {  	_ =	swait.ge [sflag:s28], $0x2000  }
0x2f8: {  	[sflag:s28] =	ssyncset.done $0x0  }
0x2f9: {  	[sflag:s28] =	ssyncadd.s32 $0xFFFFE000  }
0x2fa: {  	[spmem:s2] =	stream.indirect.scatter.add.f32 [tilespmem:s19], [sflag:$0x3], $0x40, s20, s17, $0xb8;
	[tilespmem:$0x1EB00] =	vst v63  }
0x2fb: {  	_ =	swait.ge [sflag:s29], $0x2000  }
0x2fc: {  	[sflag:s29] =	ssyncset.done $0x0  }
0x2fd: {  	[sflag:s29] =	ssyncadd.s32 $0xFFFFE000  }
0x2fe: {  	[spmem:s2] =	stream.indirect.scatter.add.f32 [tilespmem:s24], [sflag:$0x4], $0x40, s25, s17, $0xb8;
	[tilespmem:$0x1EB00] =	vst v63  }
0x2ff: {  	_ =	swait.ge [sflag:s30], $0x2000  }
0x300: {  	[sflag:s30] =	ssyncset.done $0x0  }
0x301: {  	[sflag:s30] =	ssyncadd.s32 $0xFFFFE000  }
0x302: {  	_ =	swait.ge [sflag:s7], $0x2000  }
0x303: {  	[sflag:s7] =	ssyncset.done $0x0  }
0x304: {  	[sflag:s7] =	ssyncadd.s32 $0xFFFFE000  }
0x305: {  	s6 =	stileid.u32;
	[bflag:$0x0] =	sbarrier.arrive $0xFFFF  }
0x306: {  	s6 =	sshll.u32 s6, $0x6;
	s13 =	rddreg [dreg:$0xa]  }
0x307: {  	s6 =	sor.u32 $0x1C09, s6;
	s11 =	rddreg [dreg:$0xd];
	s10 =	sshrl.u32 s13, $0x3  }
0x308: {  	[hbm:s11], [sflag:s6] =	dma.local [spmem:s10], $0x1400  }
0x309: {  	_ =	swait.ge [sflag:s14], $0x1400  }
0x30a: {  	[sflag:s14] =	ssyncset.done $0x0;
	s16 =	rddreg [dreg:$0xc]  }
0x30b: {  	s12 =	rddreg [dreg:$0xe];
	[sflag:s14] =	ssyncadd.s32 $0xFFFFEC00;
	s11 =	sshrl.u32 s16, $0x3  }
0x30c: {  	[hbm:s12], [sflag:s6] =	dma.local [spmem:s11], $0x50  }
0x30d: {  	_ =	swait.ge [sflag:s14], $0x50  }
0x30e: {  	s11 =	sld [smem:$0x7FB];
	_ =	sdelay $0x2  }
0x30f: {  	s12 =	rddreg [dreg:$0xf];
	s10 =	sadd.s32 $0x1, s11  }
0x310: {  	p0 =	sne.s32 s10, s12  }
.Ltmp6:
0x311: {  	_ = 	snop;
	(pc) =	sbr.rel @p0 .LBB2_1-.Ltmp6, $3  }
0x312: {  	_ =	sdelay $0x1  }
0x313: {  	[sflag:s14] =	ssyncset.done $0x0  }
0x314: {  	[sflag:s14] =	ssyncadd.s32 $0xFFFFFFB0  }
0x315: {  	_ =	sfence.sel $0x180000  }
0x316: {  	[bflag:$0x0] =	sbarrier.arrive $0xFFFF  }
0x317: {  	_ =	strace $0x90000047  }
0x318: {  	s0 =	stileid.u32;
	[bflag:$0x2] =	sbarrier.arrive $0xFFFF  }
0x319: {  	p0 =	sne.s32 s0, $0x0;
	s0 =	rddreg [dreg:$0x6]  }
0x31a: {  	s0 =	sadd.s32 @!p0 $0x100000, s0  }
0x31b: {  	[sflag:s0] =	ssyncadd.tile.s32 @!p0 $0x1;
	_ =	shalt  }
.Lfunc_end2:
_tile_overlayer_lowered:
.L_overlay_start_2:
0x31c: {  	(tag) =	ssettag $0x2  }
0x31d: {  	s0 =	rddreg [dreg:$0x0];
	s2 =	stileid.u32  }
0x31e: {  	s1 =	rddreg [dreg:$0x1];
	p0 =	sne.s32 s2, $0x0  }
0x31f: {  	s3 =	rddreg [dreg:$0x2];
	[bflag:$0x3] =	sbarrier.arrive $0xFFFF;
	s2 =	simm.s32 @!p0 $0x1C09  }
0x320: {  	[timem:s3], [sflag:s2] =	dma.local @!p0 [hbm:s0], s1  }
0x321: {  	s0 =	simm.s32 @!p0 $0x9  }
0x322: {  	_ =	swait.ge @!p0 [sflag:s0], s1  }
0x323: {  	s1 =	ssub.s32 @!p0 $0x0, s1;
	[sflag:s0] =	ssyncset.done @!p0 $0x0  }
0x324: {  	[sflag:s0] =	ssyncadd.s32 @!p0 s1  }
0x325: {  	[bflag:$0x3] =	sbarrier.arrive $0xFFFF  }
0x326: {  	_ =	shalt  }

</sc_bundles>
